<compile_context>
chip_gen: v7x
topology: tpu7x:2x2x1
jax: 0.10.2.dev20260603
libtpu: 0.0.44.dev20260713+nightly
codegen_flags: <defaults>
</compile_context>

<pallas_src>
import functools

import jax
import jax.numpy as jnp
from jax import lax
from jax.experimental import pallas as pl
from jax.experimental.pallas import tpu as pltpu
from jax.experimental.pallas import tpu_sc as plsc

DIM = 64
NC, NS, L = 2, 16, 16
NW = NC * NS
BLK = 128
NBUF = 4


@functools.lru_cache(maxsize=None)
def _build_gather(B, H, vocab):
    nbc = B // BLK
    n_blocks = nbc * H
    per_w = n_blocks // NW
    n_outer = per_w // NBUF
    mesh = plsc.VectorSubcoreMesh(core_axis_name="c", subcore_axis_name="s")

    @functools.partial(
        pl.kernel,
        mesh=mesh,
        out_type=jax.ShapeDtypeStruct((H, 8, nbc, 8, BLK), jnp.float32),
        compiler_params=pltpu.CompilerParams(
            use_tc_tiling_on_sc=False, needs_layout_passes=False),
        scratch_types=[
            pltpu.VMEM((per_w * BLK,), jnp.int32),
            pltpu.VMEM((NBUF, BLK, DIM), jnp.float32),
            pltpu.VMEM((NBUF, DIM, BLK + 1), jnp.float32),
            pltpu.SemaphoreType.DMA((NBUF,)),
            pltpu.SemaphoreType.DMA((NBUF,)),
        ],
    )
    def gather_kernel(xq_hbm, tp_hbm, out_hbm, idx_all, rows_v,
                      trans_v, gsem, osem):
        wid = lax.axis_index("s") * NC + lax.axis_index("c")
        iota = lax.iota(jnp.int32, L)
        zero = iota * 0
        pltpu.sync_copy(
            xq_hbm.at[pl.ds(pl.multiple_of(wid * per_w * BLK, BLK),
                            per_w * BLK)],
            idx_all)

        def gather_descr(t, b):
            off = pl.multiple_of(t * BLK, BLK)
            return pltpu.make_async_copy(
                tp_hbm.at[idx_all.at[pl.ds(off, BLK)]], rows_v.at[b],
                gsem.at[b])

        def out_descrs(t, b):
            bid = wid * per_w + t
            h = bid // nbc
            bc = lax.rem(bid, nbc)
            return [
                pltpu.make_async_copy(
                    trans_v.at[b, pl.ds(br * 8, 8), pl.ds(0, BLK)],
                    out_hbm.at[h, br, bc], osem.at[b])
                for br in range(8)
            ]

        def transpose_and_out(t, b):
            dvecs = [iota + dg * L for dg in range(DIM // L)]

            @plsc.parallel_loop(0, BLK)
            def _(c):
                cv = zero + c
                for dg in range(DIM // L):
                    vals = rows_v[b, c, pl.ds(dg * L, L)]
                    plsc.store_scatter(
                        trans_v.at[b], [dvecs[dg], cv], vals)

            for cp in out_descrs(t, b):
                cp.start()

        for t0 in range(NBUF - 1):
            gather_descr(t0, t0).start()

        def outer(o, carry):
            for b in range(NBUF):
                t = o * NBUF + b
                nb = (b + NBUF - 1) % NBUF
                if b == 0:
                    gather_descr(t + NBUF - 1, nb).start()
                else:
                    @pl.when(o < n_outer - 1)
                    def _():
                        gather_descr(t + NBUF - 1, nb).start()
                gather_descr(t, b).wait()

                @pl.when(o > 0)
                def _():
                    for cp in out_descrs(t, b):
                        cp.wait()
                transpose_and_out(t, b)
            return carry

        lax.fori_loop(0, n_outer, outer, 0)
        for b in range(NBUF):
            for cp in out_descrs(per_w - NBUF + b, b):
                cp.wait()

    return gather_kernel


def kernel(x, table):
    B, H = x.shape
    vocab = table.shape[0]
    xq = x.T.reshape(B * H).astype(jnp.int32)
    out5 = _build_gather(B, H, vocab)(xq, table)
    return out5.transpose(2, 4, 0, 1, 3).reshape(B, H, DIM)

# --- scband reference (transcript-rebuilt; emitter-appended) ---
"""Pipeline reference for scband-embedding-module-39058432590170 (READ-ONLY COPY).

The authoritative reference and input builder live on the scoring server;
editing this copy changes nothing except your own understanding.
"""

import jax, jax.numpy as jnp
import numpy as np

VOCAB = 1000000
DIM = 64
BATCH = 16384
HIST = 50

def setup_inputs(seed: int = 0) -> dict:
    key = jax.random.key(seed)
    k1, k2 = jax.random.split(key)
    x = jax.random.randint(k1, (BATCH, HIST), 0, VOCAB, dtype=jnp.int64 if jax.config.jax_enable_x64 else jnp.int32)
    table = jax.random.normal(k2, (VOCAB, DIM), dtype=jnp.float32)
    return {"x": x, "table": table}

def reference(x, table):
    # nn.Embedding forward: row gather from the embedding table
    return jnp.take(table, x, axis=0)

if __name__ == "__main__":
    import jax
    _d = setup_inputs()
    print(jax.jit(kernel)(*tuple(_d.values())))

</pallas_src>

<mosaic_0001>
#map = affine_map<(d0, d1) -> (0)>
#map1 = affine_map<(d0, d1) -> (0, 0)>
#map2 = affine_map<(d0, d1) -> (0, 0, 0, 0, 0)>
module attributes {stable_mosaic.version = 14 : i64} {
  func.func @gather_kernel(%arg0: i32, %arg1: i32, %arg2: memref<819200xi32, #tpu.memory_space<hbm>>, %arg3: memref<1000000x64xf32, #tpu.memory_space<hbm>>, %arg4: memref<50x8x128x8x128xf32, #tpu.memory_space<hbm>>, %arg5: memref<25600xi32, #tpu.memory_space<vmem>>, %arg6: memref<4x128x64xf32, #tpu.memory_space<vmem>>, %arg7: memref<4x64x129xf32, #tpu.memory_space<vmem>>, %arg8: memref<4x!tpu.dma_semaphore, #tpu.memory_space<semaphore_mem>>, %arg9: memref<4x!tpu.dma_semaphore, #tpu.memory_space<semaphore_mem>>) attributes {dimension_semantics = [#tpu.dimension_semantics<core_parallel>, #tpu.dimension_semantics<subcore_parallel>], iteration_bounds = array<i64: 2, 16>, scalar_prefetch = 0 : i64, scratch_operands = 5 : i64, tpu.core_type = #tpu.core_type<sc_vector_subcore>, window_params = [{transform_indices = #map}, {transform_indices = #map1}, {transform_indices = #map2}]} {
    %mul3A = arith.constant 2 : i32
    %mul3A_0 = arith.muli %arg1, %mul3A : i32
    %add3A = arith.addi %mul3A_0, %arg0 : i32
    %iota3A = tpu.iota {dimensions = array<i32: 0>} : vector<16xi32>
    %mul3A_1 = arith.constant 0 : i32
    %mul3A_2 = vector.broadcast %mul3A_1 : i32 to vector<16xi32>
    %mul3A_3 = arith.muli %iota3A, %mul3A_2 : vector<16xi32>
    %mul3A_4 = arith.constant 200 : i32
    %mul3A_5 = arith.muli %add3A, %mul3A_4 : i32
    %mul3A_6 = arith.constant 128 : i32
    %mul3A_7 = arith.muli %mul3A_5, %mul3A_6 : i32
    %multiple_of3A = tpu.assume_multiple %mul3A_7, 128 : i32
    "tpu.region"() ({
      %run_scoped3A = tpu.sem_alloc : memref<!tpu.dma_semaphore, #tpu.memory_space<semaphore_mem>>
      %dma_start3A_837 = tpu.memref_slice %arg2[%multiple_of3A] : memref<819200xi32, #tpu.memory_space<hbm>> -> memref<25600xi32, #tpu.memory_space<hbm>>
      %dma_start3A_838 = tpu.memref_slice %arg2[%multiple_of3A] : memref<819200xi32, #tpu.memory_space<hbm>> -> memref<25600xi32, #tpu.memory_space<hbm>>
      tpu.enqueue_dma source(%dma_start3A_838 : memref<25600xi32, #tpu.memory_space<hbm>>) target(%arg5 : memref<25600xi32, #tpu.memory_space<vmem>>) target_semaphore(%run_scoped3A : memref<!tpu.dma_semaphore, #tpu.memory_space<semaphore_mem>>)
      %dma_wait3A_839 = tpu.memref_slice %arg2[%multiple_of3A] : memref<819200xi32, #tpu.memory_space<hbm>> -> memref<25600xi32, #tpu.memory_space<hbm>>
      %dma_wait3A_840 = tpu.memref_slice %arg2[%multiple_of3A] : memref<819200xi32, #tpu.memory_space<hbm>> -> memref<25600xi32, #tpu.memory_space<hbm>>
      tpu.wait_dma2 semaphore(%run_scoped3A : memref<!tpu.dma_semaphore, #tpu.memory_space<semaphore_mem>>) src(%dma_wait3A_840 : memref<25600xi32, #tpu.memory_space<hbm>>) dst(%arg5 : memref<25600xi32, #tpu.memory_space<vmem>>)
      tpu.yield
    }) : () -> ()
    %multiple_of3A_8 = arith.constant 0 : i32
    %multiple_of3A_9 = tpu.assume_multiple %multiple_of3A_8, 128 : i32
    %dma_start3A = arith.constant 0 : i32
    %dma_start3A_10 = arith.constant 0 : i32
    %dma_start3A_11 = arith.constant 0 : i32
    %dma_start3A_12 = arith.constant 0 : i32
    %dma_start3A_13 = tpu.memref_slice %arg6[%dma_start3A, %dma_start3A_11, %dma_start3A_12] : memref<4x128x64xf32, #tpu.memory_space<vmem>> -> memref<1x128x64xf32, #tpu.memory_space<vmem>>
    %dma_start3A_14 = tpu.memref_squeeze %dma_start3A_13 : memref<1x128x64xf32, #tpu.memory_space<vmem>> -> memref<128x64xf32, #tpu.memory_space<vmem>>
    %dma_start3A_15 = tpu.memref_slice %arg5[%multiple_of3A_9] : memref<25600xi32, #tpu.memory_space<vmem>> -> memref<128xi32, #tpu.memory_space<vmem>>
    %dma_start3A_16 = arith.constant 0 : i32
    %dma_start3A_17 = arith.constant 0 : i32
    %dma_start3A_18 = tpu.memref_slice %arg3[%dma_start3A_16, %dma_start3A_17] : memref<1000000x64xf32, #tpu.memory_space<hbm>> -> memref<1000000x64xf32, #tpu.memory_space<hbm>>
    %dma_start3A_19 = tpu.memref_slice %arg8[%dma_start3A_10] : memref<4x!tpu.dma_semaphore, #tpu.memory_space<semaphore_mem>> -> memref<1x!tpu.dma_semaphore, #tpu.memory_space<semaphore_mem>>
    %dma_start3A_20 = tpu.memref_squeeze %dma_start3A_19 : memref<1x!tpu.dma_semaphore, #tpu.memory_space<semaphore_mem>> -> memref<!tpu.dma_semaphore, #tpu.memory_space<semaphore_mem>>
    tpu.enqueue_indirect_dma source(%dma_start3A_18 : memref<1000000x64xf32, #tpu.memory_space<hbm>>) target(%dma_start3A_14 : memref<128x64xf32, #tpu.memory_space<vmem>>) offsets(%dma_start3A_15 : memref<128xi32, #tpu.memory_space<vmem>>) semaphore(%dma_start3A_20 : memref<!tpu.dma_semaphore, #tpu.memory_space<semaphore_mem>>)
    %multiple_of3A_21 = arith.constant 128 : i32
    %multiple_of3A_22 = tpu.assume_multiple %multiple_of3A_21, 128 : i32
    %dma_start3A_23 = arith.constant 1 : i32
    %dma_start3A_24 = arith.constant 1 : i32
    %dma_start3A_25 = arith.constant 0 : i32
    %dma_start3A_26 = arith.constant 0 : i32
    %dma_start3A_27 = tpu.memref_slice %arg6[%dma_start3A_23, %dma_start3A_25, %dma_start3A_26] : memref<4x128x64xf32, #tpu.memory_space<vmem>> -> memref<1x128x64xf32, #tpu.memory_space<vmem>>
    %dma_start3A_28 = tpu.memref_squeeze %dma_start3A_27 : memref<1x128x64xf32, #tpu.memory_space<vmem>> -> memref<128x64xf32, #tpu.memory_space<vmem>>
    %dma_start3A_29 = tpu.memref_slice %arg5[%multiple_of3A_22] : memref<25600xi32, #tpu.memory_space<vmem>> -> memref<128xi32, #tpu.memory_space<vmem>>
    %dma_start3A_30 = arith.constant 0 : i32
    %dma_start3A_31 = arith.constant 0 : i32
    %dma_start3A_32 = tpu.memref_slice %arg3[%dma_start3A_30, %dma_start3A_31] : memref<1000000x64xf32, #tpu.memory_space<hbm>> -> memref<1000000x64xf32, #tpu.memory_space<hbm>>
    %dma_start3A_33 = tpu.memref_slice %arg8[%dma_start3A_24] : memref<4x!tpu.dma_semaphore, #tpu.memory_space<semaphore_mem>> -> memref<1x!tpu.dma_semaphore, #tpu.memory_space<semaphore_mem>>
    %dma_start3A_34 = tpu.memref_squeeze %dma_start3A_33 : memref<1x!tpu.dma_semaphore, #tpu.memory_space<semaphore_mem>> -> memref<!tpu.dma_semaphore, #tpu.memory_space<semaphore_mem>>
    tpu.enqueue_indirect_dma source(%dma_start3A_32 : memref<1000000x64xf32, #tpu.memory_space<hbm>>) target(%dma_start3A_28 : memref<128x64xf32, #tpu.memory_space<vmem>>) offsets(%dma_start3A_29 : memref<128xi32, #tpu.memory_space<vmem>>) semaphore(%dma_start3A_34 : memref<!tpu.dma_semaphore, #tpu.memory_space<semaphore_mem>>)
    %multiple_of3A_35 = arith.constant 256 : i32
    %multiple_of3A_36 = tpu.assume_multiple %multiple_of3A_35, 128 : i32
    %dma_start3A_37 = arith.constant 2 : i32
    %dma_start3A_38 = arith.constant 2 : i32
    %dma_start3A_39 = arith.constant 0 : i32
    %dma_start3A_40 = arith.constant 0 : i32
    %dma_start3A_41 = tpu.memref_slice %arg6[%dma_start3A_37, %dma_start3A_39, %dma_start3A_40] : memref<4x128x64xf32, #tpu.memory_space<vmem>> -> memref<1x128x64xf32, #tpu.memory_space<vmem>>
    %dma_start3A_42 = tpu.memref_squeeze %dma_start3A_41 : memref<1x128x64xf32, #tpu.memory_space<vmem>> -> memref<128x64xf32, #tpu.memory_space<vmem>>
    %dma_start3A_43 = tpu.memref_slice %arg5[%multiple_of3A_36] : memref<25600xi32, #tpu.memory_space<vmem>> -> memref<128xi32, #tpu.memory_space<vmem>>
    %dma_start3A_44 = arith.constant 0 : i32
    %dma_start3A_45 = arith.constant 0 : i32
    %dma_start3A_46 = tpu.memref_slice %arg3[%dma_start3A_44, %dma_start3A_45] : memref<1000000x64xf32, #tpu.memory_space<hbm>> -> memref<1000000x64xf32, #tpu.memory_space<hbm>>
    %dma_start3A_47 = tpu.memref_slice %arg8[%dma_start3A_38] : memref<4x!tpu.dma_semaphore, #tpu.memory_space<semaphore_mem>> -> memref<1x!tpu.dma_semaphore, #tpu.memory_space<semaphore_mem>>
    %dma_start3A_48 = tpu.memref_squeeze %dma_start3A_47 : memref<1x!tpu.dma_semaphore, #tpu.memory_space<semaphore_mem>> -> memref<!tpu.dma_semaphore, #tpu.memory_space<semaphore_mem>>
    tpu.enqueue_indirect_dma source(%dma_start3A_46 : memref<1000000x64xf32, #tpu.memory_space<hbm>>) target(%dma_start3A_42 : memref<128x64xf32, #tpu.memory_space<vmem>>) offsets(%dma_start3A_43 : memref<128xi32, #tpu.memory_space<vmem>>) semaphore(%dma_start3A_48 : memref<!tpu.dma_semaphore, #tpu.memory_space<semaphore_mem>>)
    %scan3A = arith.constant 0 : i32
    %scan3A_49 = arith.constant 0 : i32
    %scan3A_50 = arith.constant 50 : i32
    %scan3A_51 = arith.addi %scan3A_49, %scan3A_50 : i32
    %scan3A_52 = arith.constant 1 : i32
    scf.for %scan3A_837 = %scan3A_49 to %scan3A_51 step %scan3A_52  : i32 {
      %mul3A_838 = arith.constant 4 : i32
      %mul3A_839 = arith.muli %scan3A_837, %mul3A_838 : i32
      %add3A_840 = arith.constant 0 : i32
      %add3A_841 = arith.addi %mul3A_839, %add3A_840 : i32
      %add3A_842 = arith.constant 4 : i32
      %add3A_843 = arith.addi %add3A_841, %add3A_842 : i32
      %sub3A_844 = arith.constant 1 : i32
      %sub3A_845 = arith.subi %add3A_843, %sub3A_844 : i32
      %mul3A_846 = arith.constant 128 : i32
      %mul3A_847 = arith.muli %sub3A_845, %mul3A_846 : i32
      %multiple_of3A_848 = tpu.assume_multiple %mul3A_847, 128 : i32
      %dma_start3A_849 = arith.constant 3 : i32
      %dma_start3A_850 = arith.constant 3 : i32
      %dma_start3A_851 = arith.constant 0 : i32
      %dma_start3A_852 = arith.constant 0 : i32
      %dma_start3A_853 = tpu.memref_slice %arg6[%dma_start3A_849, %dma_start3A_851, %dma_start3A_852] : memref<4x128x64xf32, #tpu.memory_space<vmem>> -> memref<1x128x64xf32, #tpu.memory_space<vmem>>
      %dma_start3A_854 = tpu.memref_squeeze %dma_start3A_853 : memref<1x128x64xf32, #tpu.memory_space<vmem>> -> memref<128x64xf32, #tpu.memory_space<vmem>>
      %dma_start3A_855 = tpu.memref_slice %arg5[%multiple_of3A_848] : memref<25600xi32, #tpu.memory_space<vmem>> -> memref<128xi32, #tpu.memory_space<vmem>>
      %dma_start3A_856 = arith.constant 0 : i32
      %dma_start3A_857 = arith.constant 0 : i32
      %dma_start3A_858 = tpu.memref_slice %arg3[%dma_start3A_856, %dma_start3A_857] : memref<1000000x64xf32, #tpu.memory_space<hbm>> -> memref<1000000x64xf32, #tpu.memory_space<hbm>>
      %dma_start3A_859 = tpu.memref_slice %arg8[%dma_start3A_850] : memref<4x!tpu.dma_semaphore, #tpu.memory_space<semaphore_mem>> -> memref<1x!tpu.dma_semaphore, #tpu.memory_space<semaphore_mem>>
      %dma_start3A_860 = tpu.memref_squeeze %dma_start3A_859 : memref<1x!tpu.dma_semaphore, #tpu.memory_space<semaphore_mem>> -> memref<!tpu.dma_semaphore, #tpu.memory_space<semaphore_mem>>
      tpu.enqueue_indirect_dma source(%dma_start3A_858 : memref<1000000x64xf32, #tpu.memory_space<hbm>>) target(%dma_start3A_854 : memref<128x64xf32, #tpu.memory_space<vmem>>) offsets(%dma_start3A_855 : memref<128xi32, #tpu.memory_space<vmem>>) semaphore(%dma_start3A_860 : memref<!tpu.dma_semaphore, #tpu.memory_space<semaphore_mem>>)
      %mul3A_861 = arith.constant 128 : i32
      %mul3A_862 = arith.muli %add3A_841, %mul3A_861 : i32
      %multiple_of3A_863 = tpu.assume_multiple %mul3A_862, 128 : i32
      %dma_wait3A_864 = arith.constant 0 : i32
      %dma_wait3A_865 = arith.constant 0 : i32
      %dma_wait3A_866 = arith.constant 0 : i32
      %dma_wait3A_867 = arith.constant 0 : i32
      %dma_wait3A_868 = tpu.memref_slice %arg6[%dma_wait3A_864, %dma_wait3A_866, %dma_wait3A_867] : memref<4x128x64xf32, #tpu.memory_space<vmem>> -> memref<1x128x64xf32, #tpu.memory_space<vmem>>
      %dma_wait3A_869 = tpu.memref_squeeze %dma_wait3A_868 : memref<1x128x64xf32, #tpu.memory_space<vmem>> -> memref<128x64xf32, #tpu.memory_space<vmem>>
      %dma_wait3A_870 = tpu.memref_slice %arg5[%multiple_of3A_863] : memref<25600xi32, #tpu.memory_space<vmem>> -> memref<128xi32, #tpu.memory_space<vmem>>
      %dma_wait3A_871 = arith.constant 0 : i32
      %dma_wait3A_872 = arith.constant 0 : i32
      %dma_wait3A_873 = tpu.memref_slice %arg3[%dma_wait3A_871, %dma_wait3A_872] : memref<1000000x64xf32, #tpu.memory_space<hbm>> -> memref<1000000x64xf32, #tpu.memory_space<hbm>>
      %dma_wait3A_874 = tpu.memref_slice %arg8[%dma_wait3A_865] : memref<4x!tpu.dma_semaphore, #tpu.memory_space<semaphore_mem>> -> memref<1x!tpu.dma_semaphore, #tpu.memory_space<semaphore_mem>>
      %dma_wait3A_875 = tpu.memref_squeeze %dma_wait3A_874 : memref<1x!tpu.dma_semaphore, #tpu.memory_space<semaphore_mem>> -> memref<!tpu.dma_semaphore, #tpu.memory_space<semaphore_mem>>
      tpu.wait_indirect_dma semaphore(%dma_wait3A_875 : memref<!tpu.dma_semaphore, #tpu.memory_space<semaphore_mem>>) src(%dma_wait3A_873 : memref<1000000x64xf32, #tpu.memory_space<hbm>>) dst(%dma_wait3A_869 : memref<128x64xf32, #tpu.memory_space<vmem>>)
      %gt3A = arith.constant 0 : i32
      %gt3A_876 = arith.cmpi sgt, %scan3A_837, %gt3A : i32
      %convert_element_type3A = arith.extui %gt3A_876 : i1 to i32
      %cond3A = arith.constant 0 : i32
      %cond3A_877 = arith.cmpi ne, %convert_element_type3A, %cond3A : i32
      scf.if %cond3A_877 {
        %mul3A_1811 = arith.constant 200 : i32
        %mul3A_1812 = arith.muli %add3A, %mul3A_1811 : i32
        %add3A_1813 = arith.addi %mul3A_1812, %add3A_841 : i32
        %jit3A_1814 = arith.constant 128 : i32
        %div3A_1815 = arith.divsi %add3A_1813, %jit3A_1814 : i32
        %sign3A_1816 = arith.constant 0 : i32
        %sign3A_1817 = arith.cmpi sgt, %add3A_1813, %sign3A_1816 : i32
        %sign3A_1818 = arith.extui %sign3A_1817 : i1 to i32
        %sign3A_1819 = arith.constant 0 : i32
        %sign3A_1820 = arith.cmpi slt, %add3A_1813, %sign3A_1819 : i32
        %sign3A_1821 = arith.extui %sign3A_1820 : i1 to i32
        %sign3A_1822 = arith.subi %sign3A_1818, %sign3A_1821 : i32
        %sign3A_1823 = arith.constant 0 : i32
        %sign3A_1824 = arith.cmpi sgt, %jit3A_1814, %sign3A_1823 : i32
        %sign3A_1825 = arith.extui %sign3A_1824 : i1 to i32
        %sign3A_1826 = arith.constant 0 : i32
        %sign3A_1827 = arith.cmpi slt, %jit3A_1814, %sign3A_1826 : i32
        %sign3A_1828 = arith.extui %sign3A_1827 : i1 to i32
        %sign3A_1829 = arith.subi %sign3A_1825, %sign3A_1828 : i32
        %ne3A_1830 = arith.cmpi ne, %sign3A_1822, %sign3A_1829 : i32
        %rem3A_1831 = arith.remsi %add3A_1813, %jit3A_1814 : i32
        %ne3A_1832 = arith.constant 0 : i32
        %ne3A_1833 = arith.cmpi ne, %rem3A_1831, %ne3A_1832 : i32
        %and3A_1834 = arith.andi %ne3A_1830, %ne3A_1833 : i1
        %sub3A_1835 = arith.constant 1 : i32
        %sub3A_1836 = arith.subi %div3A_1815, %sub3A_1835 : i32
        %select_n3A_1837 = arith.select %and3A_1834, %sub3A_1836, %div3A_1815 : i32
        %rem3A_1838 = arith.constant 128 : i32
        %rem3A_1839 = arith.remsi %add3A_1813, %rem3A_1838 : i32
        %dma_wait3A_1840 = arith.constant 0 : i32
        %dma_wait3A_1841 = arith.constant 0 : i32
        %dma_wait3A_1842 = arith.constant 0 : i32
        %dma_wait3A_1843 = arith.constant 0 : i32
        %dma_wait3A_1844 = arith.constant 0 : i32
        %dma_wait3A_1845 = tpu.memref_slice %arg7[%dma_wait3A_1840, %dma_wait3A_1843, %dma_wait3A_1844] : memref<4x64x129xf32, #tpu.memory_space<vmem>> -> memref<1x8x128xf32, #tpu.memory_space<vmem>>
        %dma_wait3A_1846 = tpu.memref_squeeze %dma_wait3A_1845 : memref<1x8x128xf32, #tpu.memory_space<vmem>> -> memref<8x128xf32, #tpu.memory_space<vmem>>
        %dma_wait3A_1847 = arith.constant 0 : i32
        %dma_wait3A_1848 = arith.constant 0 : i32
        %dma_wait3A_1849 = tpu.memref_slice %arg4[%select_n3A_1837, %dma_wait3A_1841, %rem3A_1839, %dma_wait3A_1847, %dma_wait3A_1848] : memref<50x8x128x8x128xf32, #tpu.memory_space<hbm>> -> memref<1x1x1x8x128xf32, #tpu.memory_space<hbm>>
        %dma_wait3A_1850 = tpu.memref_squeeze %dma_wait3A_1849 : memref<1x1x1x8x128xf32, #tpu.memory_space<hbm>> -> memref<8x128xf32, #tpu.memory_space<hbm>>
        %dma_wait3A_1851 = tpu.memref_slice %arg9[%dma_wait3A_1842] : memref<4x!tpu.dma_semaphore, #tpu.memory_space<semaphore_mem>> -> memref<1x!tpu.dma_semaphore, #tpu.memory_space<semaphore_mem>>
        %dma_wait3A_1852 = tpu.memref_squeeze %dma_wait3A_1851 : memref<1x!tpu.dma_semaphore, #tpu.memory_space<semaphore_mem>> -> memref<!tpu.dma_semaphore, #tpu.memory_space<semaphore_mem>>
        %dma_wait3A_1853 = arith.constant 0 : i32
        %dma_wait3A_1854 = arith.constant 0 : i32
        %dma_wait3A_1855 = tpu.memref_slice %arg4[%select_n3A_1837, %dma_wait3A_1841, %rem3A_1839, %dma_wait3A_1853, %dma_wait3A_1854] : memref<50x8x128x8x128xf32, #tpu.memory_space<hbm>> -> memref<1x1x1x8x128xf32, #tpu.memory_space<hbm>>
        %dma_wait3A_1856 = tpu.memref_squeeze %dma_wait3A_1855 : memref<1x1x1x8x128xf32, #tpu.memory_space<hbm>> -> memref<8x128xf32, #tpu.memory_space<hbm>>
        %dma_wait3A_1857 = arith.constant 0 : i32
        %dma_wait3A_1858 = arith.constant 0 : i32
        %dma_wait3A_1859 = tpu.memref_slice %arg7[%dma_wait3A_1840, %dma_wait3A_1857, %dma_wait3A_1858] : memref<4x64x129xf32, #tpu.memory_space<vmem>> -> memref<1x8x128xf32, #tpu.memory_space<vmem>>
        %dma_wait3A_1860 = tpu.memref_squeeze %dma_wait3A_1859 : memref<1x8x128xf32, #tpu.memory_space<vmem>> -> memref<8x128xf32, #tpu.memory_space<vmem>>
        tpu.wait_dma2 semaphore(%dma_wait3A_1852 : memref<!tpu.dma_semaphore, #tpu.memory_space<semaphore_mem>>) src(%dma_wait3A_1860 : memref<8x128xf32, #tpu.memory_space<vmem>>) dst(%dma_wait3A_1856 : memref<8x128xf32, #tpu.memory_space<hbm>>)
        %dma_wait3A_1861 = arith.constant 0 : i32
        %dma_wait3A_1862 = arith.constant 1 : i32
        %dma_wait3A_1863 = arith.constant 0 : i32
        %dma_wait3A_1864 = arith.constant 8 : i32
        %dma_wait3A_1865 = arith.constant 0 : i32
        %dma_wait3A_1866 = tpu.memref_slice %arg7[%dma_wait3A_1861, %dma_wait3A_1864, %dma_wait3A_1865] : memref<4x64x129xf32, #tpu.memory_space<vmem>> -> memref<1x8x128xf32, #tpu.memory_space<vmem>>
        %dma_wait3A_1867 = tpu.memref_squeeze %dma_wait3A_1866 : memref<1x8x128xf32, #tpu.memory_space<vmem>> -> memref<8x128xf32, #tpu.memory_space<vmem>>
        %dma_wait3A_1868 = arith.constant 0 : i32
        %dma_wait3A_1869 = arith.constant 0 : i32
        %dma_wait3A_1870 = tpu.memref_slice %arg4[%select_n3A_1837, %dma_wait3A_1862, %rem3A_1839, %dma_wait3A_1868, %dma_wait3A_1869] : memref<50x8x128x8x128xf32, #tpu.memory_space<hbm>> -> memref<1x1x1x8x128xf32, #tpu.memory_space<hbm>>
        %dma_wait3A_1871 = tpu.memref_squeeze %dma_wait3A_1870 : memref<1x1x1x8x128xf32, #tpu.memory_space<hbm>> -> memref<8x128xf32, #tpu.memory_space<hbm>>
        %dma_wait3A_1872 = tpu.memref_slice %arg9[%dma_wait3A_1863] : memref<4x!tpu.dma_semaphore, #tpu.memory_space<semaphore_mem>> -> memref<1x!tpu.dma_semaphore, #tpu.memory_space<semaphore_mem>>
        %dma_wait3A_1873 = tpu.memref_squeeze %dma_wait3A_1872 : memref<1x!tpu.dma_semaphore, #tpu.memory_space<semaphore_mem>> -> memref<!tpu.dma_semaphore, #tpu.memory_space<semaphore_mem>>
        %dma_wait3A_1874 = arith.constant 0 : i32
        %dma_wait3A_1875 = arith.constant 0 : i32
        %dma_wait3A_1876 = tpu.memref_slice %arg4[%select_n3A_1837, %dma_wait3A_1862, %rem3A_1839, %dma_wait3A_1874, %dma_wait3A_1875] : memref<50x8x128x8x128xf32, #tpu.memory_space<hbm>> -> memref<1x1x1x8x128xf32, #tpu.memory_space<hbm>>
        %dma_wait3A_1877 = tpu.memref_squeeze %dma_wait3A_1876 : memref<1x1x1x8x128xf32, #tpu.memory_space<hbm>> -> memref<8x128xf32, #tpu.memory_space<hbm>>
        %dma_wait3A_1878 = arith.constant 8 : i32
        %dma_wait3A_1879 = arith.constant 0 : i32
        %dma_wait3A_1880 = tpu.memref_slice %arg7[%dma_wait3A_1861, %dma_wait3A_1878, %dma_wait3A_1879] : memref<4x64x129xf32, #tpu.memory_space<vmem>> -> memref<1x8x128xf32, #tpu.memory_space<vmem>>
        %dma_wait3A_1881 = tpu.memref_squeeze %dma_wait3A_1880 : memref<1x8x128xf32, #tpu.memory_space<vmem>> -> memref<8x128xf32, #tpu.memory_space<vmem>>
        tpu.wait_dma2 semaphore(%dma_wait3A_1873 : memref<!tpu.dma_semaphore, #tpu.memory_space<semaphore_mem>>) src(%dma_wait3A_1881 : memref<8x128xf32, #tpu.memory_space<vmem>>) dst(%dma_wait3A_1877 : memref<8x128xf32, #tpu.memory_space<hbm>>)
        %dma_wait3A_1882 = arith.constant 0 : i32
        %dma_wait3A_1883 = arith.constant 2 : i32
        %dma_wait3A_1884 = arith.constant 0 : i32
        %dma_wait3A_1885 = arith.constant 16 : i32
        %dma_wait3A_1886 = arith.constant 0 : i32
        %dma_wait3A_1887 = tpu.memref_slice %arg7[%dma_wait3A_1882, %dma_wait3A_1885, %dma_wait3A_1886] : memref<4x64x129xf32, #tpu.memory_space<vmem>> -> memref<1x8x128xf32, #tpu.memory_space<vmem>>
        %dma_wait3A_1888 = tpu.memref_squeeze %dma_wait3A_1887 : memref<1x8x128xf32, #tpu.memory_space<vmem>> -> memref<8x128xf32, #tpu.memory_space<vmem>>
        %dma_wait3A_1889 = arith.constant 0 : i32
        %dma_wait3A_1890 = arith.constant 0 : i32
        %dma_wait3A_1891 = tpu.memref_slice %arg4[%select_n3A_1837, %dma_wait3A_1883, %rem3A_1839, %dma_wait3A_1889, %dma_wait3A_1890] : memref<50x8x128x8x128xf32, #tpu.memory_space<hbm>> -> memref<1x1x1x8x128xf32, #tpu.memory_space<hbm>>
        %dma_wait3A_1892 = tpu.memref_squeeze %dma_wait3A_1891 : memref<1x1x1x8x128xf32, #tpu.memory_space<hbm>> -> memref<8x128xf32, #tpu.memory_space<hbm>>
        %dma_wait3A_1893 = tpu.memref_slice %arg9[%dma_wait3A_1884] : memref<4x!tpu.dma_semaphore, #tpu.memory_space<semaphore_mem>> -> memref<1x!tpu.dma_semaphore, #tpu.memory_space<semaphore_mem>>
        %dma_wait3A_1894 = tpu.memref_squeeze %dma_wait3A_1893 : memref<1x!tpu.dma_semaphore, #tpu.memory_space<semaphore_mem>> -> memref<!tpu.dma_semaphore, #tpu.memory_space<semaphore_mem>>
        %dma_wait3A_1895 = arith.constant 0 : i32
        %dma_wait3A_1896 = arith.constant 0 : i32
        %dma_wait3A_1897 = tpu.memref_slice %arg4[%select_n3A_1837, %dma_wait3A_1883, %rem3A_1839, %dma_wait3A_1895, %dma_wait3A_1896] : memref<50x8x128x8x128xf32, #tpu.memory_space<hbm>> -> memref<1x1x1x8x128xf32, #tpu.memory_space<hbm>>
        %dma_wait3A_1898 = tpu.memref_squeeze %dma_wait3A_1897 : memref<1x1x1x8x128xf32, #tpu.memory_space<hbm>> -> memref<8x128xf32, #tpu.memory_space<hbm>>
        %dma_wait3A_1899 = arith.constant 16 : i32
        %dma_wait3A_1900 = arith.constant 0 : i32
        %dma_wait3A_1901 = tpu.memref_slice %arg7[%dma_wait3A_1882, %dma_wait3A_1899, %dma_wait3A_1900] : memref<4x64x129xf32, #tpu.memory_space<vmem>> -> memref<1x8x128xf32, #tpu.memory_space<vmem>>
        %dma_wait3A_1902 = tpu.memref_squeeze %dma_wait3A_1901 : memref<1x8x128xf32, #tpu.memory_space<vmem>> -> memref<8x128xf32, #tpu.memory_space<vmem>>
        tpu.wait_dma2 semaphore(%dma_wait3A_1894 : memref<!tpu.dma_semaphore, #tpu.memory_space<semaphore_mem>>) src(%dma_wait3A_1902 : memref<8x128xf32, #tpu.memory_space<vmem>>) dst(%dma_wait3A_1898 : memref<8x128xf32, #tpu.memory_space<hbm>>)
        %dma_wait3A_1903 = arith.constant 0 : i32
        %dma_wait3A_1904 = arith.constant 3 : i32
        %dma_wait3A_1905 = arith.constant 0 : i32
        %dma_wait3A_1906 = arith.constant 24 : i32
        %dma_wait3A_1907 = arith.constant 0 : i32
        %dma_wait3A_1908 = tpu.memref_slice %arg7[%dma_wait3A_1903, %dma_wait3A_1906, %dma_wait3A_1907] : memref<4x64x129xf32, #tpu.memory_space<vmem>> -> memref<1x8x128xf32, #tpu.memory_space<vmem>>
        %dma_wait3A_1909 = tpu.memref_squeeze %dma_wait3A_1908 : memref<1x8x128xf32, #tpu.memory_space<vmem>> -> memref<8x128xf32, #tpu.memory_space<vmem>>
        %dma_wait3A_1910 = arith.constant 0 : i32
        %dma_wait3A_1911 = arith.constant 0 : i32
        %dma_wait3A_1912 = tpu.memref_slice %arg4[%select_n3A_1837, %dma_wait3A_1904, %rem3A_1839, %dma_wait3A_1910, %dma_wait3A_1911] : memref<50x8x128x8x128xf32, #tpu.memory_space<hbm>> -> memref<1x1x1x8x128xf32, #tpu.memory_space<hbm>>
        %dma_wait3A_1913 = tpu.memref_squeeze %dma_wait3A_1912 : memref<1x1x1x8x128xf32, #tpu.memory_space<hbm>> -> memref<8x128xf32, #tpu.memory_space<hbm>>
        %dma_wait3A_1914 = tpu.memref_slice %arg9[%dma_wait3A_1905] : memref<4x!tpu.dma_semaphore, #tpu.memory_space<semaphore_mem>> -> memref<1x!tpu.dma_semaphore, #tpu.memory_space<semaphore_mem>>
        %dma_wait3A_1915 = tpu.memref_squeeze %dma_wait3A_1914 : memref<1x!tpu.dma_semaphore, #tpu.memory_space<semaphore_mem>> -> memref<!tpu.dma_semaphore, #tpu.memory_space<semaphore_mem>>
        %dma_wait3A_1916 = arith.constant 0 : i32
        %dma_wait3A_1917 = arith.constant 0 : i32
        %dma_wait3A_1918 = tpu.memref_slice %arg4[%select_n3A_1837, %dma_wait3A_1904, %rem3A_1839, %dma_wait3A_1916, %dma_wait3A_1917] : memref<50x8x128x8x128xf32, #tpu.memory_space<hbm>> -> memref<1x1x1x8x128xf32, #tpu.memory_space<hbm>>
        %dma_wait3A_1919 = tpu.memref_squeeze %dma_wait3A_1918 : memref<1x1x1x8x128xf32, #tpu.memory_space<hbm>> -> memref<8x128xf32, #tpu.memory_space<hbm>>
        %dma_wait3A_1920 = arith.constant 24 : i32
        %dma_wait3A_1921 = arith.constant 0 : i32
        %dma_wait3A_1922 = tpu.memref_slice %arg7[%dma_wait3A_1903, %dma_wait3A_1920, %dma_wait3A_1921] : memref<4x64x129xf32, #tpu.memory_space<vmem>> -> memref<1x8x128xf32, #tpu.memory_space<vmem>>
        %dma_wait3A_1923 = tpu.memref_squeeze %dma_wait3A_1922 : memref<1x8x128xf32, #tpu.memory_space<vmem>> -> memref<8x128xf32, #tpu.memory_space<vmem>>
        tpu.wait_dma2 semaphore(%dma_wait3A_1915 : memref<!tpu.dma_semaphore, #tpu.memory_space<semaphore_mem>>) src(%dma_wait3A_1923 : memref<8x128xf32, #tpu.memory_space<vmem>>) dst(%dma_wait3A_1919 : memref<8x128xf32, #tpu.memory_space<hbm>>)
        %dma_wait3A_1924 = arith.constant 0 : i32
        %dma_wait3A_1925 = arith.constant 4 : i32
        %dma_wait3A_1926 = arith.constant 0 : i32
        %dma_wait3A_1927 = arith.constant 32 : i32
        %dma_wait3A_1928 = arith.constant 0 : i32
        %dma_wait3A_1929 = tpu.memref_slice %arg7[%dma_wait3A_1924, %dma_wait3A_1927, %dma_wait3A_1928] : memref<4x64x129xf32, #tpu.memory_space<vmem>> -> memref<1x8x128xf32, #tpu.memory_space<vmem>>
        %dma_wait3A_1930 = tpu.memref_squeeze %dma_wait3A_1929 : memref<1x8x128xf32, #tpu.memory_space<vmem>> -> memref<8x128xf32, #tpu.memory_space<vmem>>
        %dma_wait3A_1931 = arith.constant 0 : i32
        %dma_wait3A_1932 = arith.constant 0 : i32
        %dma_wait3A_1933 = tpu.memref_slice %arg4[%select_n3A_1837, %dma_wait3A_1925, %rem3A_1839, %dma_wait3A_1931, %dma_wait3A_1932] : memref<50x8x128x8x128xf32, #tpu.memory_space<hbm>> -> memref<1x1x1x8x128xf32, #tpu.memory_space<hbm>>
        %dma_wait3A_1934 = tpu.memref_squeeze %dma_wait3A_1933 : memref<1x1x1x8x128xf32, #tpu.memory_space<hbm>> -> memref<8x128xf32, #tpu.memory_space<hbm>>
        %dma_wait3A_1935 = tpu.memref_slice %arg9[%dma_wait3A_1926] : memref<4x!tpu.dma_semaphore, #tpu.memory_space<semaphore_mem>> -> memref<1x!tpu.dma_semaphore, #tpu.memory_space<semaphore_mem>>
        %dma_wait3A_1936 = tpu.memref_squeeze %dma_wait3A_1935 : memref<1x!tpu.dma_semaphore, #tpu.memory_space<semaphore_mem>> -> memref<!tpu.dma_semaphore, #tpu.memory_space<semaphore_mem>>
        %dma_wait3A_1937 = arith.constant 0 : i32
        %dma_wait3A_1938 = arith.constant 0 : i32
        %dma_wait3A_1939 = tpu.memref_slice %arg4[%select_n3A_1837, %dma_wait3A_1925, %rem3A_1839, %dma_wait3A_1937, %dma_wait3A_1938] : memref<50x8x128x8x128xf32, #tpu.memory_space<hbm>> -> memref<1x1x1x8x128xf32, #tpu.memory_space<hbm>>
        %dma_wait3A_1940 = tpu.memref_squeeze %dma_wait3A_1939 : memref<1x1x1x8x128xf32, #tpu.memory_space<hbm>> -> memref<8x128xf32, #tpu.memory_space<hbm>>
        %dma_wait3A_1941 = arith.constant 32 : i32
        %dma_wait3A_1942 = arith.constant 0 : i32
        %dma_wait3A_1943 = tpu.memref_slice %arg7[%dma_wait3A_1924, %dma_wait3A_1941, %dma_wait3A_1942] : memref<4x64x129xf32, #tpu.memory_space<vmem>> -> memref<1x8x128xf32, #tpu.memory_space<vmem>>
        %dma_wait3A_1944 = tpu.memref_squeeze %dma_wait3A_1943 : memref<1x8x128xf32, #tpu.memory_space<vmem>> -> memref<8x128xf32, #tpu.memory_space<vmem>>
        tpu.wait_dma2 semaphore(%dma_wait3A_1936 : memref<!tpu.dma_semaphore, #tpu.memory_space<semaphore_mem>>) src(%dma_wait3A_1944 : memref<8x128xf32, #tpu.memory_space<vmem>>) dst(%dma_wait3A_1940 : memref<8x128xf32, #tpu.memory_space<hbm>>)
        %dma_wait3A_1945 = arith.constant 0 : i32
        %dma_wait3A_1946 = arith.constant 5 : i32
        %dma_wait3A_1947 = arith.constant 0 : i32
        %dma_wait3A_1948 = arith.constant 40 : i32
        %dma_wait3A_1949 = arith.constant 0 : i32
        %dma_wait3A_1950 = tpu.memref_slice %arg7[%dma_wait3A_1945, %dma_wait3A_1948, %dma_wait3A_1949] : memref<4x64x129xf32, #tpu.memory_space<vmem>> -> memref<1x8x128xf32, #tpu.memory_space<vmem>>
        %dma_wait3A_1951 = tpu.memref_squeeze %dma_wait3A_1950 : memref<1x8x128xf32, #tpu.memory_space<vmem>> -> memref<8x128xf32, #tpu.memory_space<vmem>>
        %dma_wait3A_1952 = arith.constant 0 : i32
        %dma_wait3A_1953 = arith.constant 0 : i32
        %dma_wait3A_1954 = tpu.memref_slice %arg4[%select_n3A_1837, %dma_wait3A_1946, %rem3A_1839, %dma_wait3A_1952, %dma_wait3A_1953] : memref<50x8x128x8x128xf32, #tpu.memory_space<hbm>> -> memref<1x1x1x8x128xf32, #tpu.memory_space<hbm>>
        %dma_wait3A_1955 = tpu.memref_squeeze %dma_wait3A_1954 : memref<1x1x1x8x128xf32, #tpu.memory_space<hbm>> -> memref<8x128xf32, #tpu.memory_space<hbm>>
        %dma_wait3A_1956 = tpu.memref_slice %arg9[%dma_wait3A_1947] : memref<4x!tpu.dma_semaphore, #tpu.memory_space<semaphore_mem>> -> memref<1x!tpu.dma_semaphore, #tpu.memory_space<semaphore_mem>>
        %dma_wait3A_1957 = tpu.memref_squeeze %dma_wait3A_1956 : memref<1x!tpu.dma_semaphore, #tpu.memory_space<semaphore_mem>> -> memref<!tpu.dma_semaphore, #tpu.memory_space<semaphore_mem>>
        %dma_wait3A_1958 = arith.constant 0 : i32
        %dma_wait3A_1959 = arith.constant 0 : i32
        %dma_wait3A_1960 = tpu.memref_slice %arg4[%select_n3A_1837, %dma_wait3A_1946, %rem3A_1839, %dma_wait3A_1958, %dma_wait3A_1959] : memref<50x8x128x8x128xf32, #tpu.memory_space<hbm>> -> memref<1x1x1x8x128xf32, #tpu.memory_space<hbm>>
        %dma_wait3A_1961 = tpu.memref_squeeze %dma_wait3A_1960 : memref<1x1x1x8x128xf32, #tpu.memory_space<hbm>> -> memref<8x128xf32, #tpu.memory_space<hbm>>
        %dma_wait3A_1962 = arith.constant 40 : i32
        %dma_wait3A_1963 = arith.constant 0 : i32
        %dma_wait3A_1964 = tpu.memref_slice %arg7[%dma_wait3A_1945, %dma_wait3A_1962, %dma_wait3A_1963] : memref<4x64x129xf32, #tpu.memory_space<vmem>> -> memref<1x8x128xf32, #tpu.memory_space<vmem>>
        %dma_wait3A_1965 = tpu.memref_squeeze %dma_wait3A_1964 : memref<1x8x128xf32, #tpu.memory_space<vmem>> -> memref<8x128xf32, #tpu.memory_space<vmem>>
        tpu.wait_dma2 semaphore(%dma_wait3A_1957 : memref<!tpu.dma_semaphore, #tpu.memory_space<semaphore_mem>>) src(%dma_wait3A_1965 : memref<8x128xf32, #tpu.memory_space<vmem>>) dst(%dma_wait3A_1961 : memref<8x128xf32, #tpu.memory_space<hbm>>)
        %dma_wait3A_1966 = arith.constant 0 : i32
        %dma_wait3A_1967 = arith.constant 6 : i32
        %dma_wait3A_1968 = arith.constant 0 : i32
        %dma_wait3A_1969 = arith.constant 48 : i32
        %dma_wait3A_1970 = arith.constant 0 : i32
        %dma_wait3A_1971 = tpu.memref_slice %arg7[%dma_wait3A_1966, %dma_wait3A_1969, %dma_wait3A_1970] : memref<4x64x129xf32, #tpu.memory_space<vmem>> -> memref<1x8x128xf32, #tpu.memory_space<vmem>>
        %dma_wait3A_1972 = tpu.memref_squeeze %dma_wait3A_1971 : memref<1x8x128xf32, #tpu.memory_space<vmem>> -> memref<8x128xf32, #tpu.memory_space<vmem>>
        %dma_wait3A_1973 = arith.constant 0 : i32
        %dma_wait3A_1974 = arith.constant 0 : i32
        %dma_wait3A_1975 = tpu.memref_slice %arg4[%select_n3A_1837, %dma_wait3A_1967, %rem3A_1839, %dma_wait3A_1973, %dma_wait3A_1974] : memref<50x8x128x8x128xf32, #tpu.memory_space<hbm>> -> memref<1x1x1x8x128xf32, #tpu.memory_space<hbm>>
        %dma_wait3A_1976 = tpu.memref_squeeze %dma_wait3A_1975 : memref<1x1x1x8x128xf32, #tpu.memory_space<hbm>> -> memref<8x128xf32, #tpu.memory_space<hbm>>
        %dma_wait3A_1977 = tpu.memref_slice %arg9[%dma_wait3A_1968] : memref<4x!tpu.dma_semaphore, #tpu.memory_space<semaphore_mem>> -> memref<1x!tpu.dma_semaphore, #tpu.memory_space<semaphore_mem>>
        %dma_wait3A_1978 = tpu.memref_squeeze %dma_wait3A_1977 : memref<1x!tpu.dma_semaphore, #tpu.memory_space<semaphore_mem>> -> memref<!tpu.dma_semaphore, #tpu.memory_space<semaphore_mem>>
        %dma_wait3A_1979 = arith.constant 0 : i32
        %dma_wait3A_1980 = arith.constant 0 : i32
        %dma_wait3A_1981 = tpu.memref_slice %arg4[%select_n3A_1837, %dma_wait3A_1967, %rem3A_1839, %dma_wait3A_1979, %dma_wait3A_1980] : memref<50x8x128x8x128xf32, #tpu.memory_space<hbm>> -> memref<1x1x1x8x128xf32, #tpu.memory_space<hbm>>
        %dma_wait3A_1982 = tpu.memref_squeeze %dma_wait3A_1981 : memref<1x1x1x8x128xf32, #tpu.memory_space<hbm>> -> memref<8x128xf32, #tpu.memory_space<hbm>>
        %dma_wait3A_1983 = arith.constant 48 : i32
        %dma_wait3A_1984 = arith.constant 0 : i32
        %dma_wait3A_1985 = tpu.memref_slice %arg7[%dma_wait3A_1966, %dma_wait3A_1983, %dma_wait3A_1984] : memref<4x64x129xf32, #tpu.memory_space<vmem>> -> memref<1x8x128xf32, #tpu.memory_space<vmem>>
        %dma_wait3A_1986 = tpu.memref_squeeze %dma_wait3A_1985 : memref<1x8x128xf32, #tpu.memory_space<vmem>> -> memref<8x128xf32, #tpu.memory_space<vmem>>
        tpu.wait_dma2 semaphore(%dma_wait3A_1978 : memref<!tpu.dma_semaphore, #tpu.memory_space<semaphore_mem>>) src(%dma_wait3A_1986 : memref<8x128xf32, #tpu.memory_space<vmem>>) dst(%dma_wait3A_1982 : memref<8x128xf32, #tpu.memory_space<hbm>>)
        %dma_wait3A_1987 = arith.constant 0 : i32
        %dma_wait3A_1988 = arith.constant 7 : i32
        %dma_wait3A_1989 = arith.constant 0 : i32
        %dma_wait3A_1990 = arith.constant 56 : i32
        %dma_wait3A_1991 = arith.constant 0 : i32
        %dma_wait3A_1992 = tpu.memref_slice %arg7[%dma_wait3A_1987, %dma_wait3A_1990, %dma_wait3A_1991] : memref<4x64x129xf32, #tpu.memory_space<vmem>> -> memref<1x8x128xf32, #tpu.memory_space<vmem>>
        %dma_wait3A_1993 = tpu.memref_squeeze %dma_wait3A_1992 : memref<1x8x128xf32, #tpu.memory_space<vmem>> -> memref<8x128xf32, #tpu.memory_space<vmem>>
        %dma_wait3A_1994 = arith.constant 0 : i32
        %dma_wait3A_1995 = arith.constant 0 : i32
        %dma_wait3A_1996 = tpu.memref_slice %arg4[%select_n3A_1837, %dma_wait3A_1988, %rem3A_1839, %dma_wait3A_1994, %dma_wait3A_1995] : memref<50x8x128x8x128xf32, #tpu.memory_space<hbm>> -> memref<1x1x1x8x128xf32, #tpu.memory_space<hbm>>
        %dma_wait3A_1997 = tpu.memref_squeeze %dma_wait3A_1996 : memref<1x1x1x8x128xf32, #tpu.memory_space<hbm>> -> memref<8x128xf32, #tpu.memory_space<hbm>>
        %dma_wait3A_1998 = tpu.memref_slice %arg9[%dma_wait3A_1989] : memref<4x!tpu.dma_semaphore, #tpu.memory_space<semaphore_mem>> -> memref<1x!tpu.dma_semaphore, #tpu.memory_space<semaphore_mem>>
        %dma_wait3A_1999 = tpu.memref_squeeze %dma_wait3A_1998 : memref<1x!tpu.dma_semaphore, #tpu.memory_space<semaphore_mem>> -> memref<!tpu.dma_semaphore, #tpu.memory_space<semaphore_mem>>
        %dma_wait3A_2000 = arith.constant 0 : i32
        %dma_wait3A_2001 = arith.constant 0 : i32
        %dma_wait3A_2002 = tpu.memref_slice %arg4[%select_n3A_1837, %dma_wait3A_1988, %rem3A_1839, %dma_wait3A_2000, %dma_wait3A_2001] : memref<50x8x128x8x128xf32, #tpu.memory_space<hbm>> -> memref<1x1x1x8x128xf32, #tpu.memory_space<hbm>>
        %dma_wait3A_2003 = tpu.memref_squeeze %dma_wait3A_2002 : memref<1x1x1x8x128xf32, #tpu.memory_space<hbm>> -> memref<8x128xf32, #tpu.memory_space<hbm>>
        %dma_wait3A_2004 = arith.constant 56 : i32
        %dma_wait3A_2005 = arith.constant 0 : i32
        %dma_wait3A_2006 = tpu.memref_slice %arg7[%dma_wait3A_1987, %dma_wait3A_2004, %dma_wait3A_2005] : memref<4x64x129xf32, #tpu.memory_space<vmem>> -> memref<1x8x128xf32, #tpu.memory_space<vmem>>
        %dma_wait3A_2007 = tpu.memref_squeeze %dma_wait3A_2006 : memref<1x8x128xf32, #tpu.memory_space<vmem>> -> memref<8x128xf32, #tpu.memory_space<vmem>>
        tpu.wait_dma2 semaphore(%dma_wait3A_1999 : memref<!tpu.dma_semaphore, #tpu.memory_space<semaphore_mem>>) src(%dma_wait3A_2007 : memref<8x128xf32, #tpu.memory_space<vmem>>) dst(%dma_wait3A_2003 : memref<8x128xf32, #tpu.memory_space<hbm>>)
      } else {
      }
      %add3A_878 = arith.constant 0 : i32
      %add3A_879 = vector.broadcast %add3A_878 : i32 to vector<16xi32>
      %add3A_880 = arith.addi %iota3A, %add3A_879 : vector<16xi32>
      %add3A_881 = arith.constant 16 : i32
      %add3A_882 = vector.broadcast %add3A_881 : i32 to vector<16xi32>
      %add3A_883 = arith.addi %iota3A, %add3A_882 : vector<16xi32>
      %add3A_884 = arith.constant 32 : i32
      %add3A_885 = vector.broadcast %add3A_884 : i32 to vector<16xi32>
      %add3A_886 = arith.addi %iota3A, %add3A_885 : vector<16xi32>
      %add3A_887 = arith.constant 48 : i32
      %add3A_888 = vector.broadcast %add3A_887 : i32 to vector<16xi32>
      %add3A_889 = arith.addi %iota3A, %add3A_888 : vector<16xi32>
      %parallel_loop3A = arith.constant 0 : i32
      %parallel_loop3A_890 = arith.constant 128 : i32
      %parallel_loop3A_891 = arith.constant 1 : i32
      scf.for %parallel_loop3A_1811 = %parallel_loop3A to %parallel_loop3A_890 step %parallel_loop3A_891  : i32 {
        %parallel_loop3A_1812 = vector.broadcast %parallel_loop3A_1811 : i32 to vector<16xi32>
        %parallel_loop3A_1813 = arith.addi %mul3A_3, %parallel_loop3A_1812 : vector<16xi32>
        %parallel_loop3A_1814 = arith.constant 0 : i32
        %parallel_loop3A_1815 = arith.index_cast %parallel_loop3A_1814 : i32 to index
        %parallel_loop3A_1816 = arith.index_cast %parallel_loop3A_1811 : i32 to index
        %parallel_loop3A_1817 = arith.constant 0 : index
        %parallel_loop3A_1818 = tpu.vector_load %arg6[%parallel_loop3A_1815, %parallel_loop3A_1816, %parallel_loop3A_1817] {strides = array<i32>} : memref<4x128x64xf32, #tpu.memory_space<vmem>>, vector<16xf32>,
        %parallel_loop3A_1819 = arith.constant 0 : i32
        %parallel_loop3A_1820 = arith.constant 0 : i32
        %parallel_loop3A_1821 = arith.constant 0 : i32
        %parallel_loop3A_1822 = tpu.memref_slice %arg7[%parallel_loop3A_1819, %parallel_loop3A_1820, %parallel_loop3A_1821] : memref<4x64x129xf32, #tpu.memory_space<vmem>> -> memref<1x64x129xf32, #tpu.memory_space<vmem>>
        %parallel_loop3A_1823 = tpu.memref_squeeze %parallel_loop3A_1822 : memref<1x64x129xf32, #tpu.memory_space<vmem>> -> memref<64x129xf32, #tpu.memory_space<vmem>>
        tpu.vector_store_idx %parallel_loop3A_1823[%add3A_880, %parallel_loop3A_1813], %parallel_loop3A_1818 : memref<64x129xf32, #tpu.memory_space<vmem>>[vector<16xi32>, vector<16xi32>], vector<16xf32>,
        %parallel_loop3A_1824 = arith.constant 0 : i32
        %parallel_loop3A_1825 = arith.index_cast %parallel_loop3A_1824 : i32 to index
        %parallel_loop3A_1826 = arith.index_cast %parallel_loop3A_1811 : i32 to index
        %parallel_loop3A_1827 = arith.constant 16 : index
        %parallel_loop3A_1828 = tpu.vector_load %arg6[%parallel_loop3A_1825, %parallel_loop3A_1826, %parallel_loop3A_1827] {strides = array<i32>} : memref<4x128x64xf32, #tpu.memory_space<vmem>>, vector<16xf32>,
        %parallel_loop3A_1829 = arith.constant 0 : i32
        %parallel_loop3A_1830 = arith.constant 0 : i32
        %parallel_loop3A_1831 = arith.constant 0 : i32
        %parallel_loop3A_1832 = tpu.memref_slice %arg7[%parallel_loop3A_1829, %parallel_loop3A_1830, %parallel_loop3A_1831] : memref<4x64x129xf32, #tpu.memory_space<vmem>> -> memref<1x64x129xf32, #tpu.memory_space<vmem>>
        %parallel_loop3A_1833 = tpu.memref_squeeze %parallel_loop3A_1832 : memref<1x64x129xf32, #tpu.memory_space<vmem>> -> memref<64x129xf32, #tpu.memory_space<vmem>>
        tpu.vector_store_idx %parallel_loop3A_1833[%add3A_883, %parallel_loop3A_1813], %parallel_loop3A_1828 : memref<64x129xf32, #tpu.memory_space<vmem>>[vector<16xi32>, vector<16xi32>], vector<16xf32>,
        %parallel_loop3A_1834 = arith.constant 0 : i32
        %parallel_loop3A_1835 = arith.index_cast %parallel_loop3A_1834 : i32 to index
        %parallel_loop3A_1836 = arith.index_cast %parallel_loop3A_1811 : i32 to index
        %parallel_loop3A_1837 = arith.constant 32 : index
        %parallel_loop3A_1838 = tpu.vector_load %arg6[%parallel_loop3A_1835, %parallel_loop3A_1836, %parallel_loop3A_1837] {strides = array<i32>} : memref<4x128x64xf32, #tpu.memory_space<vmem>>, vector<16xf32>,
        %parallel_loop3A_1839 = arith.constant 0 : i32
        %parallel_loop3A_1840 = arith.constant 0 : i32
        %parallel_loop3A_1841 = arith.constant 0 : i32
        %parallel_loop3A_1842 = tpu.memref_slice %arg7[%parallel_loop3A_1839, %parallel_loop3A_1840, %parallel_loop3A_1841] : memref<4x64x129xf32, #tpu.memory_space<vmem>> -> memref<1x64x129xf32, #tpu.memory_space<vmem>>
        %parallel_loop3A_1843 = tpu.memref_squeeze %parallel_loop3A_1842 : memref<1x64x129xf32, #tpu.memory_space<vmem>> -> memref<64x129xf32, #tpu.memory_space<vmem>>
        tpu.vector_store_idx %parallel_loop3A_1843[%add3A_886, %parallel_loop3A_1813], %parallel_loop3A_1838 : memref<64x129xf32, #tpu.memory_space<vmem>>[vector<16xi32>, vector<16xi32>], vector<16xf32>,
        %parallel_loop3A_1844 = arith.constant 0 : i32
        %parallel_loop3A_1845 = arith.index_cast %parallel_loop3A_1844 : i32 to index
        %parallel_loop3A_1846 = arith.index_cast %parallel_loop3A_1811 : i32 to index
        %parallel_loop3A_1847 = arith.constant 48 : index
        %parallel_loop3A_1848 = tpu.vector_load %arg6[%parallel_loop3A_1845, %parallel_loop3A_1846, %parallel_loop3A_1847] {strides = array<i32>} : memref<4x128x64xf32, #tpu.memory_space<vmem>>, vector<16xf32>,
        %parallel_loop3A_1849 = arith.constant 0 : i32
        %parallel_loop3A_1850 = arith.constant 0 : i32
        %parallel_loop3A_1851 = arith.constant 0 : i32
        %parallel_loop3A_1852 = tpu.memref_slice %arg7[%parallel_loop3A_1849, %parallel_loop3A_1850, %parallel_loop3A_1851] : memref<4x64x129xf32, #tpu.memory_space<vmem>> -> memref<1x64x129xf32, #tpu.memory_space<vmem>>
        %parallel_loop3A_1853 = tpu.memref_squeeze %parallel_loop3A_1852 : memref<1x64x129xf32, #tpu.memory_space<vmem>> -> memref<64x129xf32, #tpu.memory_space<vmem>>
        tpu.vector_store_idx %parallel_loop3A_1853[%add3A_889, %parallel_loop3A_1813], %parallel_loop3A_1848 : memref<64x129xf32, #tpu.memory_space<vmem>>[vector<16xi32>, vector<16xi32>], vector<16xf32>,
      } {sc.loop_unroll_factor = 1 : i64, sc.parallel_access}
      %mul3A_892 = arith.constant 200 : i32
      %mul3A_893 = arith.muli %add3A, %mul3A_892 : i32
      %add3A_894 = arith.addi %mul3A_893, %add3A_841 : i32
      %jit3A_895 = arith.constant 128 : i32
      %div3A_896 = arith.divsi %add3A_894, %jit3A_895 : i32
      %sign3A_897 = arith.constant 0 : i32
      %sign3A_898 = arith.cmpi sgt, %add3A_894, %sign3A_897 : i32
      %sign3A_899 = arith.extui %sign3A_898 : i1 to i32
      %sign3A_900 = arith.constant 0 : i32
      %sign3A_901 = arith.cmpi slt, %add3A_894, %sign3A_900 : i32
      %sign3A_902 = arith.extui %sign3A_901 : i1 to i32
      %sign3A_903 = arith.subi %sign3A_899, %sign3A_902 : i32
      %sign3A_904 = arith.constant 0 : i32
      %sign3A_905 = arith.cmpi sgt, %jit3A_895, %sign3A_904 : i32
      %sign3A_906 = arith.extui %sign3A_905 : i1 to i32
      %sign3A_907 = arith.constant 0 : i32
      %sign3A_908 = arith.cmpi slt, %jit3A_895, %sign3A_907 : i32
      %sign3A_909 = arith.extui %sign3A_908 : i1 to i32
      %sign3A_910 = arith.subi %sign3A_906, %sign3A_909 : i32
      %ne3A_911 = arith.cmpi ne, %sign3A_903, %sign3A_910 : i32
      %rem3A_912 = arith.remsi %add3A_894, %jit3A_895 : i32
      %ne3A_913 = arith.constant 0 : i32
      %ne3A_914 = arith.cmpi ne, %rem3A_912, %ne3A_913 : i32
      %and3A_915 = arith.andi %ne3A_911, %ne3A_914 : i1
      %sub3A_916 = arith.constant 1 : i32
      %sub3A_917 = arith.subi %div3A_896, %sub3A_916 : i32
      %select_n3A_918 = arith.select %and3A_915, %sub3A_917, %div3A_896 : i32
      %rem3A_919 = arith.constant 128 : i32
      %rem3A_920 = arith.remsi %add3A_894, %rem3A_919 : i32
      %dma_start3A_921 = arith.constant 0 : i32
      %dma_start3A_922 = arith.constant 0 : i32
      %dma_start3A_923 = arith.constant 0 : i32
      %dma_start3A_924 = arith.constant 0 : i32
      %dma_start3A_925 = arith.constant 0 : i32
      %dma_start3A_926 = tpu.memref_slice %arg7[%dma_start3A_921, %dma_start3A_924, %dma_start3A_925] : memref<4x64x129xf32, #tpu.memory_space<vmem>> -> memref<1x8x128xf32, #tpu.memory_space<vmem>>
      %dma_start3A_927 = tpu.memref_squeeze %dma_start3A_926 : memref<1x8x128xf32, #tpu.memory_space<vmem>> -> memref<8x128xf32, #tpu.memory_space<vmem>>
      %dma_start3A_928 = arith.constant 0 : i32
      %dma_start3A_929 = arith.constant 0 : i32
      %dma_start3A_930 = tpu.memref_slice %arg4[%select_n3A_918, %dma_start3A_922, %rem3A_920, %dma_start3A_928, %dma_start3A_929] : memref<50x8x128x8x128xf32, #tpu.memory_space<hbm>> -> memref<1x1x1x8x128xf32, #tpu.memory_space<hbm>>
      %dma_start3A_931 = tpu.memref_squeeze %dma_start3A_930 : memref<1x1x1x8x128xf32, #tpu.memory_space<hbm>> -> memref<8x128xf32, #tpu.memory_space<hbm>>
      %dma_start3A_932 = tpu.memref_slice %arg9[%dma_start3A_923] : memref<4x!tpu.dma_semaphore, #tpu.memory_space<semaphore_mem>> -> memref<1x!tpu.dma_semaphore, #tpu.memory_space<semaphore_mem>>
      %dma_start3A_933 = tpu.memref_squeeze %dma_start3A_932 : memref<1x!tpu.dma_semaphore, #tpu.memory_space<semaphore_mem>> -> memref<!tpu.dma_semaphore, #tpu.memory_space<semaphore_mem>>
      %dma_start3A_934 = arith.constant 0 : i32
      %dma_start3A_935 = arith.constant 0 : i32
      %dma_start3A_936 = tpu.memref_slice %arg4[%select_n3A_918, %dma_start3A_922, %rem3A_920, %dma_start3A_934, %dma_start3A_935] : memref<50x8x128x8x128xf32, #tpu.memory_space<hbm>> -> memref<1x1x1x8x128xf32, #tpu.memory_space<hbm>>
      %dma_start3A_937 = tpu.memref_squeeze %dma_start3A_936 : memref<1x1x1x8x128xf32, #tpu.memory_space<hbm>> -> memref<8x128xf32, #tpu.memory_space<hbm>>
      %dma_start3A_938 = arith.constant 0 : i32
      %dma_start3A_939 = arith.constant 0 : i32
      %dma_start3A_940 = tpu.memref_slice %arg7[%dma_start3A_921, %dma_start3A_938, %dma_start3A_939] : memref<4x64x129xf32, #tpu.memory_space<vmem>> -> memref<1x8x128xf32, #tpu.memory_space<vmem>>
      %dma_start3A_941 = tpu.memref_squeeze %dma_start3A_940 : memref<1x8x128xf32, #tpu.memory_space<vmem>> -> memref<8x128xf32, #tpu.memory_space<vmem>>
      tpu.enqueue_dma source(%dma_start3A_941 : memref<8x128xf32, #tpu.memory_space<vmem>>) target(%dma_start3A_937 : memref<8x128xf32, #tpu.memory_space<hbm>>) target_semaphore(%dma_start3A_933 : memref<!tpu.dma_semaphore, #tpu.memory_space<semaphore_mem>>)
      %dma_start3A_942 = arith.constant 0 : i32
      %dma_start3A_943 = arith.constant 1 : i32
      %dma_start3A_944 = arith.constant 0 : i32
      %dma_start3A_945 = arith.constant 8 : i32
      %dma_start3A_946 = arith.constant 0 : i32
      %dma_start3A_947 = tpu.memref_slice %arg7[%dma_start3A_942, %dma_start3A_945, %dma_start3A_946] : memref<4x64x129xf32, #tpu.memory_space<vmem>> -> memref<1x8x128xf32, #tpu.memory_space<vmem>>
      %dma_start3A_948 = tpu.memref_squeeze %dma_start3A_947 : memref<1x8x128xf32, #tpu.memory_space<vmem>> -> memref<8x128xf32, #tpu.memory_space<vmem>>
      %dma_start3A_949 = arith.constant 0 : i32
      %dma_start3A_950 = arith.constant 0 : i32
      %dma_start3A_951 = tpu.memref_slice %arg4[%select_n3A_918, %dma_start3A_943, %rem3A_920, %dma_start3A_949, %dma_start3A_950] : memref<50x8x128x8x128xf32, #tpu.memory_space<hbm>> -> memref<1x1x1x8x128xf32, #tpu.memory_space<hbm>>
      %dma_start3A_952 = tpu.memref_squeeze %dma_start3A_951 : memref<1x1x1x8x128xf32, #tpu.memory_space<hbm>> -> memref<8x128xf32, #tpu.memory_space<hbm>>
      %dma_start3A_953 = tpu.memref_slice %arg9[%dma_start3A_944] : memref<4x!tpu.dma_semaphore, #tpu.memory_space<semaphore_mem>> -> memref<1x!tpu.dma_semaphore, #tpu.memory_space<semaphore_mem>>
      %dma_start3A_954 = tpu.memref_squeeze %dma_start3A_953 : memref<1x!tpu.dma_semaphore, #tpu.memory_space<semaphore_mem>> -> memref<!tpu.dma_semaphore, #tpu.memory_space<semaphore_mem>>
      %dma_start3A_955 = arith.constant 0 : i32
      %dma_start3A_956 = arith.constant 0 : i32
      %dma_start3A_957 = tpu.memref_slice %arg4[%select_n3A_918, %dma_start3A_943, %rem3A_920, %dma_start3A_955, %dma_start3A_956] : memref<50x8x128x8x128xf32, #tpu.memory_space<hbm>> -> memref<1x1x1x8x128xf32, #tpu.memory_space<hbm>>
      %dma_start3A_958 = tpu.memref_squeeze %dma_start3A_957 : memref<1x1x1x8x128xf32, #tpu.memory_space<hbm>> -> memref<8x128xf32, #tpu.memory_space<hbm>>
      %dma_start3A_959 = arith.constant 8 : i32
      %dma_start3A_960 = arith.constant 0 : i32
      %dma_start3A_961 = tpu.memref_slice %arg7[%dma_start3A_942, %dma_start3A_959, %dma_start3A_960] : memref<4x64x129xf32, #tpu.memory_space<vmem>> -> memref<1x8x128xf32, #tpu.memory_space<vmem>>
      %dma_start3A_962 = tpu.memref_squeeze %dma_start3A_961 : memref<1x8x128xf32, #tpu.memory_space<vmem>> -> memref<8x128xf32, #tpu.memory_space<vmem>>
      tpu.enqueue_dma source(%dma_start3A_962 : memref<8x128xf32, #tpu.memory_space<vmem>>) target(%dma_start3A_958 : memref<8x128xf32, #tpu.memory_space<hbm>>) target_semaphore(%dma_start3A_954 : memref<!tpu.dma_semaphore, #tpu.memory_space<semaphore_mem>>)
      %dma_start3A_963 = arith.constant 0 : i32
      %dma_start3A_964 = arith.constant 2 : i32
      %dma_start3A_965 = arith.constant 0 : i32
      %dma_start3A_966 = arith.constant 16 : i32
      %dma_start3A_967 = arith.constant 0 : i32
      %dma_start3A_968 = tpu.memref_slice %arg7[%dma_start3A_963, %dma_start3A_966, %dma_start3A_967] : memref<4x64x129xf32, #tpu.memory_space<vmem>> -> memref<1x8x128xf32, #tpu.memory_space<vmem>>
      %dma_start3A_969 = tpu.memref_squeeze %dma_start3A_968 : memref<1x8x128xf32, #tpu.memory_space<vmem>> -> memref<8x128xf32, #tpu.memory_space<vmem>>
      %dma_start3A_970 = arith.constant 0 : i32
      %dma_start3A_971 = arith.constant 0 : i32
      %dma_start3A_972 = tpu.memref_slice %arg4[%select_n3A_918, %dma_start3A_964, %rem3A_920, %dma_start3A_970, %dma_start3A_971] : memref<50x8x128x8x128xf32, #tpu.memory_space<hbm>> -> memref<1x1x1x8x128xf32, #tpu.memory_space<hbm>>
      %dma_start3A_973 = tpu.memref_squeeze %dma_start3A_972 : memref<1x1x1x8x128xf32, #tpu.memory_space<hbm>> -> memref<8x128xf32, #tpu.memory_space<hbm>>
      %dma_start3A_974 = tpu.memref_slice %arg9[%dma_start3A_965] : memref<4x!tpu.dma_semaphore, #tpu.memory_space<semaphore_mem>> -> memref<1x!tpu.dma_semaphore, #tpu.memory_space<semaphore_mem>>
      %dma_start3A_975 = tpu.memref_squeeze %dma_start3A_974 : memref<1x!tpu.dma_semaphore, #tpu.memory_space<semaphore_mem>> -> memref<!tpu.dma_semaphore, #tpu.memory_space<semaphore_mem>>
      %dma_start3A_976 = arith.constant 0 : i32
      %dma_start3A_977 = arith.constant 0 : i32
      %dma_start3A_978 = tpu.memref_slice %arg4[%select_n3A_918, %dma_start3A_964, %rem3A_920, %dma_start3A_976, %dma_start3A_977] : memref<50x8x128x8x128xf32, #tpu.memory_space<hbm>> -> memref<1x1x1x8x128xf32, #tpu.memory_space<hbm>>
      %dma_start3A_979 = tpu.memref_squeeze %dma_start3A_978 : memref<1x1x1x8x128xf32, #tpu.memory_space<hbm>> -> memref<8x128xf32, #tpu.memory_space<hbm>>
      %dma_start3A_980 = arith.constant 16 : i32
      %dma_start3A_981 = arith.constant 0 : i32
      %dma_start3A_982 = tpu.memref_slice %arg7[%dma_start3A_963, %dma_start3A_980, %dma_start3A_981] : memref<4x64x129xf32, #tpu.memory_space<vmem>> -> memref<1x8x128xf32, #tpu.memory_space<vmem>>
      %dma_start3A_983 = tpu.memref_squeeze %dma_start3A_982 : memref<1x8x128xf32, #tpu.memory_space<vmem>> -> memref<8x128xf32, #tpu.memory_space<vmem>>
      tpu.enqueue_dma source(%dma_start3A_983 : memref<8x128xf32, #tpu.memory_space<vmem>>) target(%dma_start3A_979 : memref<8x128xf32, #tpu.memory_space<hbm>>) target_semaphore(%dma_start3A_975 : memref<!tpu.dma_semaphore, #tpu.memory_space<semaphore_mem>>)
      %dma_start3A_984 = arith.constant 0 : i32
      %dma_start3A_985 = arith.constant 3 : i32
      %dma_start3A_986 = arith.constant 0 : i32
      %dma_start3A_987 = arith.constant 24 : i32
      %dma_start3A_988 = arith.constant 0 : i32
      %dma_start3A_989 = tpu.memref_slice %arg7[%dma_start3A_984, %dma_start3A_987, %dma_start3A_988] : memref<4x64x129xf32, #tpu.memory_space<vmem>> -> memref<1x8x128xf32, #tpu.memory_space<vmem>>
      %dma_start3A_990 = tpu.memref_squeeze %dma_start3A_989 : memref<1x8x128xf32, #tpu.memory_space<vmem>> -> memref<8x128xf32, #tpu.memory_space<vmem>>
      %dma_start3A_991 = arith.constant 0 : i32
      %dma_start3A_992 = arith.constant 0 : i32
      %dma_start3A_993 = tpu.memref_slice %arg4[%select_n3A_918, %dma_start3A_985, %rem3A_920, %dma_start3A_991, %dma_start3A_992] : memref<50x8x128x8x128xf32, #tpu.memory_space<hbm>> -> memref<1x1x1x8x128xf32, #tpu.memory_space<hbm>>
      %dma_start3A_994 = tpu.memref_squeeze %dma_start3A_993 : memref<1x1x1x8x128xf32, #tpu.memory_space<hbm>> -> memref<8x128xf32, #tpu.memory_space<hbm>>
      %dma_start3A_995 = tpu.memref_slice %arg9[%dma_start3A_986] : memref<4x!tpu.dma_semaphore, #tpu.memory_space<semaphore_mem>> -> memref<1x!tpu.dma_semaphore, #tpu.memory_space<semaphore_mem>>
      %dma_start3A_996 = tpu.memref_squeeze %dma_start3A_995 : memref<1x!tpu.dma_semaphore, #tpu.memory_space<semaphore_mem>> -> memref<!tpu.dma_semaphore, #tpu.memory_space<semaphore_mem>>
      %dma_start3A_997 = arith.constant 0 : i32
      %dma_start3A_998 = arith.constant 0 : i32
      %dma_start3A_999 = tpu.memref_slice %arg4[%select_n3A_918, %dma_start3A_985, %rem3A_920, %dma_start3A_997, %dma_start3A_998] : memref<50x8x128x8x128xf32, #tpu.memory_space<hbm>> -> memref<1x1x1x8x128xf32, #tpu.memory_space<hbm>>
      %dma_start3A_1000 = tpu.memref_squeeze %dma_start3A_999 : memref<1x1x1x8x128xf32, #tpu.memory_space<hbm>> -> memref<8x128xf32, #tpu.memory_space<hbm>>
      %dma_start3A_1001 = arith.constant 24 : i32
      %dma_start3A_1002 = arith.constant 0 : i32
      %dma_start3A_1003 = tpu.memref_slice %arg7[%dma_start3A_984, %dma_start3A_1001, %dma_start3A_1002] : memref<4x64x129xf32, #tpu.memory_space<vmem>> -> memref<1x8x128xf32, #tpu.memory_space<vmem>>
      %dma_start3A_1004 = tpu.memref_squeeze %dma_start3A_1003 : memref<1x8x128xf32, #tpu.memory_space<vmem>> -> memref<8x128xf32, #tpu.memory_space<vmem>>
      tpu.enqueue_dma source(%dma_start3A_1004 : memref<8x128xf32, #tpu.memory_space<vmem>>) target(%dma_start3A_1000 : memref<8x128xf32, #tpu.memory_space<hbm>>) target_semaphore(%dma_start3A_996 : memref<!tpu.dma_semaphore, #tpu.memory_space<semaphore_mem>>)
      %dma_start3A_1005 = arith.constant 0 : i32
      %dma_start3A_1006 = arith.constant 4 : i32
      %dma_start3A_1007 = arith.constant 0 : i32
      %dma_start3A_1008 = arith.constant 32 : i32
      %dma_start3A_1009 = arith.constant 0 : i32
      %dma_start3A_1010 = tpu.memref_slice %arg7[%dma_start3A_1005, %dma_start3A_1008, %dma_start3A_1009] : memref<4x64x129xf32, #tpu.memory_space<vmem>> -> memref<1x8x128xf32, #tpu.memory_space<vmem>>
      %dma_start3A_1011 = tpu.memref_squeeze %dma_start3A_1010 : memref<1x8x128xf32, #tpu.memory_space<vmem>> -> memref<8x128xf32, #tpu.memory_space<vmem>>
      %dma_start3A_1012 = arith.constant 0 : i32
      %dma_start3A_1013 = arith.constant 0 : i32
      %dma_start3A_1014 = tpu.memref_slice %arg4[%select_n3A_918, %dma_start3A_1006, %rem3A_920, %dma_start3A_1012, %dma_start3A_1013] : memref<50x8x128x8x128xf32, #tpu.memory_space<hbm>> -> memref<1x1x1x8x128xf32, #tpu.memory_space<hbm>>
      %dma_start3A_1015 = tpu.memref_squeeze %dma_start3A_1014 : memref<1x1x1x8x128xf32, #tpu.memory_space<hbm>> -> memref<8x128xf32, #tpu.memory_space<hbm>>
      %dma_start3A_1016 = tpu.memref_slice %arg9[%dma_start3A_1007] : memref<4x!tpu.dma_semaphore, #tpu.memory_space<semaphore_mem>> -> memref<1x!tpu.dma_semaphore, #tpu.memory_space<semaphore_mem>>
      %dma_start3A_1017 = tpu.memref_squeeze %dma_start3A_1016 : memref<1x!tpu.dma_semaphore, #tpu.memory_space<semaphore_mem>> -> memref<!tpu.dma_semaphore, #tpu.memory_space<semaphore_mem>>
      %dma_start3A_1018 = arith.constant 0 : i32
      %dma_start3A_1019 = arith.constant 0 : i32
      %dma_start3A_1020 = tpu.memref_slice %arg4[%select_n3A_918, %dma_start3A_1006, %rem3A_920, %dma_start3A_1018, %dma_start3A_1019] : memref<50x8x128x8x128xf32, #tpu.memory_space<hbm>> -> memref<1x1x1x8x128xf32, #tpu.memory_space<hbm>>
      %dma_start3A_1021 = tpu.memref_squeeze %dma_start3A_1020 : memref<1x1x1x8x128xf32, #tpu.memory_space<hbm>> -> memref<8x128xf32, #tpu.memory_space<hbm>>
      %dma_start3A_1022 = arith.constant 32 : i32
      %dma_start3A_1023 = arith.constant 0 : i32
      %dma_start3A_1024 = tpu.memref_slice %arg7[%dma_start3A_1005, %dma_start3A_1022, %dma_start3A_1023] : memref<4x64x129xf32, #tpu.memory_space<vmem>> -> memref<1x8x128xf32, #tpu.memory_space<vmem>>
      %dma_start3A_1025 = tpu.memref_squeeze %dma_start3A_1024 : memref<1x8x128xf32, #tpu.memory_space<vmem>> -> memref<8x128xf32, #tpu.memory_space<vmem>>
      tpu.enqueue_dma source(%dma_start3A_1025 : memref<8x128xf32, #tpu.memory_space<vmem>>) target(%dma_start3A_1021 : memref<8x128xf32, #tpu.memory_space<hbm>>) target_semaphore(%dma_start3A_1017 : memref<!tpu.dma_semaphore, #tpu.memory_space<semaphore_mem>>)
      %dma_start3A_1026 = arith.constant 0 : i32
      %dma_start3A_1027 = arith.constant 5 : i32
      %dma_start3A_1028 = arith.constant 0 : i32
      %dma_start3A_1029 = arith.constant 40 : i32
      %dma_start3A_1030 = arith.constant 0 : i32
      %dma_start3A_1031 = tpu.memref_slice %arg7[%dma_start3A_1026, %dma_start3A_1029, %dma_start3A_1030] : memref<4x64x129xf32, #tpu.memory_space<vmem>> -> memref<1x8x128xf32, #tpu.memory_space<vmem>>
      %dma_start3A_1032 = tpu.memref_squeeze %dma_start3A_1031 : memref<1x8x128xf32, #tpu.memory_space<vmem>> -> memref<8x128xf32, #tpu.memory_space<vmem>>
      %dma_start3A_1033 = arith.constant 0 : i32
      %dma_start3A_1034 = arith.constant 0 : i32
      %dma_start3A_1035 = tpu.memref_slice %arg4[%select_n3A_918, %dma_start3A_1027, %rem3A_920, %dma_start3A_1033, %dma_start3A_1034] : memref<50x8x128x8x128xf32, #tpu.memory_space<hbm>> -> memref<1x1x1x8x128xf32, #tpu.memory_space<hbm>>
      %dma_start3A_1036 = tpu.memref_squeeze %dma_start3A_1035 : memref<1x1x1x8x128xf32, #tpu.memory_space<hbm>> -> memref<8x128xf32, #tpu.memory_space<hbm>>
      %dma_start3A_1037 = tpu.memref_slice %arg9[%dma_start3A_1028] : memref<4x!tpu.dma_semaphore, #tpu.memory_space<semaphore_mem>> -> memref<1x!tpu.dma_semaphore, #tpu.memory_space<semaphore_mem>>
      %dma_start3A_1038 = tpu.memref_squeeze %dma_start3A_1037 : memref<1x!tpu.dma_semaphore, #tpu.memory_space<semaphore_mem>> -> memref<!tpu.dma_semaphore, #tpu.memory_space<semaphore_mem>>
      %dma_start3A_1039 = arith.constant 0 : i32
      %dma_start3A_1040 = arith.constant 0 : i32
      %dma_start3A_1041 = tpu.memref_slice %arg4[%select_n3A_918, %dma_start3A_1027, %rem3A_920, %dma_start3A_1039, %dma_start3A_1040] : memref<50x8x128x8x128xf32, #tpu.memory_space<hbm>> -> memref<1x1x1x8x128xf32, #tpu.memory_space<hbm>>
      %dma_start3A_1042 = tpu.memref_squeeze %dma_start3A_1041 : memref<1x1x1x8x128xf32, #tpu.memory_space<hbm>> -> memref<8x128xf32, #tpu.memory_space<hbm>>
      %dma_start3A_1043 = arith.constant 40 : i32
      %dma_start3A_1044 = arith.constant 0 : i32
      %dma_start3A_1045 = tpu.memref_slice %arg7[%dma_start3A_1026, %dma_start3A_1043, %dma_start3A_1044] : memref<4x64x129xf32, #tpu.memory_space<vmem>> -> memref<1x8x128xf32, #tpu.memory_space<vmem>>
      %dma_start3A_1046 = tpu.memref_squeeze %dma_start3A_1045 : memref<1x8x128xf32, #tpu.memory_space<vmem>> -> memref<8x128xf32, #tpu.memory_space<vmem>>
      tpu.enqueue_dma source(%dma_start3A_1046 : memref<8x128xf32, #tpu.memory_space<vmem>>) target(%dma_start3A_1042 : memref<8x128xf32, #tpu.memory_space<hbm>>) target_semaphore(%dma_start3A_1038 : memref<!tpu.dma_semaphore, #tpu.memory_space<semaphore_mem>>)
      %dma_start3A_1047 = arith.constant 0 : i32
      %dma_start3A_1048 = arith.constant 6 : i32
      %dma_start3A_1049 = arith.constant 0 : i32
      %dma_start3A_1050 = arith.constant 48 : i32
      %dma_start3A_1051 = arith.constant 0 : i32
      %dma_start3A_1052 = tpu.memref_slice %arg7[%dma_start3A_1047, %dma_start3A_1050, %dma_start3A_1051] : memref<4x64x129xf32, #tpu.memory_space<vmem>> -> memref<1x8x128xf32, #tpu.memory_space<vmem>>
      %dma_start3A_1053 = tpu.memref_squeeze %dma_start3A_1052 : memref<1x8x128xf32, #tpu.memory_space<vmem>> -> memref<8x128xf32, #tpu.memory_space<vmem>>
      %dma_start3A_1054 = arith.constant 0 : i32
      %dma_start3A_1055 = arith.constant 0 : i32
      %dma_start3A_1056 = tpu.memref_slice %arg4[%select_n3A_918, %dma_start3A_1048, %rem3A_920, %dma_start3A_1054, %dma_start3A_1055] : memref<50x8x128x8x128xf32, #tpu.memory_space<hbm>> -> memref<1x1x1x8x128xf32, #tpu.memory_space<hbm>>
      %dma_start3A_1057 = tpu.memref_squeeze %dma_start3A_1056 : memref<1x1x1x8x128xf32, #tpu.memory_space<hbm>> -> memref<8x128xf32, #tpu.memory_space<hbm>>
      %dma_start3A_1058 = tpu.memref_slice %arg9[%dma_start3A_1049] : memref<4x!tpu.dma_semaphore, #tpu.memory_space<semaphore_mem>> -> memref<1x!tpu.dma_semaphore, #tpu.memory_space<semaphore_mem>>
      %dma_start3A_1059 = tpu.memref_squeeze %dma_start3A_1058 : memref<1x!tpu.dma_semaphore, #tpu.memory_space<semaphore_mem>> -> memref<!tpu.dma_semaphore, #tpu.memory_space<semaphore_mem>>
      %dma_start3A_1060 = arith.constant 0 : i32
      %dma_start3A_1061 = arith.constant 0 : i32
      %dma_start3A_1062 = tpu.memref_slice %arg4[%select_n3A_918, %dma_start3A_1048, %rem3A_920, %dma_start3A_1060, %dma_start3A_1061] : memref<50x8x128x8x128xf32, #tpu.memory_space<hbm>> -> memref<1x1x1x8x128xf32, #tpu.memory_space<hbm>>
      %dma_start3A_1063 = tpu.memref_squeeze %dma_start3A_1062 : memref<1x1x1x8x128xf32, #tpu.memory_space<hbm>> -> memref<8x128xf32, #tpu.memory_space<hbm>>
      %dma_start3A_1064 = arith.constant 48 : i32
      %dma_start3A_1065 = arith.constant 0 : i32
      %dma_start3A_1066 = tpu.memref_slice %arg7[%dma_start3A_1047, %dma_start3A_1064, %dma_start3A_1065] : memref<4x64x129xf32, #tpu.memory_space<vmem>> -> memref<1x8x128xf32, #tpu.memory_space<vmem>>
      %dma_start3A_1067 = tpu.memref_squeeze %dma_start3A_1066 : memref<1x8x128xf32, #tpu.memory_space<vmem>> -> memref<8x128xf32, #tpu.memory_space<vmem>>
      tpu.enqueue_dma source(%dma_start3A_1067 : memref<8x128xf32, #tpu.memory_space<vmem>>) target(%dma_start3A_1063 : memref<8x128xf32, #tpu.memory_space<hbm>>) target_semaphore(%dma_start3A_1059 : memref<!tpu.dma_semaphore, #tpu.memory_space<semaphore_mem>>)
      %dma_start3A_1068 = arith.constant 0 : i32
      %dma_start3A_1069 = arith.constant 7 : i32
      %dma_start3A_1070 = arith.constant 0 : i32
      %dma_start3A_1071 = arith.constant 56 : i32
      %dma_start3A_1072 = arith.constant 0 : i32
      %dma_start3A_1073 = tpu.memref_slice %arg7[%dma_start3A_1068, %dma_start3A_1071, %dma_start3A_1072] : memref<4x64x129xf32, #tpu.memory_space<vmem>> -> memref<1x8x128xf32, #tpu.memory_space<vmem>>
      %dma_start3A_1074 = tpu.memref_squeeze %dma_start3A_1073 : memref<1x8x128xf32, #tpu.memory_space<vmem>> -> memref<8x128xf32, #tpu.memory_space<vmem>>
      %dma_start3A_1075 = arith.constant 0 : i32
      %dma_start3A_1076 = arith.constant 0 : i32
      %dma_start3A_1077 = tpu.memref_slice %arg4[%select_n3A_918, %dma_start3A_1069, %rem3A_920, %dma_start3A_1075, %dma_start3A_1076] : memref<50x8x128x8x128xf32, #tpu.memory_space<hbm>> -> memref<1x1x1x8x128xf32, #tpu.memory_space<hbm>>
      %dma_start3A_1078 = tpu.memref_squeeze %dma_start3A_1077 : memref<1x1x1x8x128xf32, #tpu.memory_space<hbm>> -> memref<8x128xf32, #tpu.memory_space<hbm>>
      %dma_start3A_1079 = tpu.memref_slice %arg9[%dma_start3A_1070] : memref<4x!tpu.dma_semaphore, #tpu.memory_space<semaphore_mem>> -> memref<1x!tpu.dma_semaphore, #tpu.memory_space<semaphore_mem>>
      %dma_start3A_1080 = tpu.memref_squeeze %dma_start3A_1079 : memref<1x!tpu.dma_semaphore, #tpu.memory_space<semaphore_mem>> -> memref<!tpu.dma_semaphore, #tpu.memory_space<semaphore_mem>>
      %dma_start3A_1081 = arith.constant 0 : i32
      %dma_start3A_1082 = arith.constant 0 : i32
      %dma_start3A_1083 = tpu.memref_slice %arg4[%select_n3A_918, %dma_start3A_1069, %rem3A_920, %dma_start3A_1081, %dma_start3A_1082] : memref<50x8x128x8x128xf32, #tpu.memory_space<hbm>> -> memref<1x1x1x8x128xf32, #tpu.memory_space<hbm>>
      %dma_start3A_1084 = tpu.memref_squeeze %dma_start3A_1083 : memref<1x1x1x8x128xf32, #tpu.memory_space<hbm>> -> memref<8x128xf32, #tpu.memory_space<hbm>>
      %dma_start3A_1085 = arith.constant 56 : i32
      %dma_start3A_1086 = arith.constant 0 : i32
      %dma_start3A_1087 = tpu.memref_slice %arg7[%dma_start3A_1068, %dma_start3A_1085, %dma_start3A_1086] : memref<4x64x129xf32, #tpu.memory_space<vmem>> -> memref<1x8x128xf32, #tpu.memory_space<vmem>>
      %dma_start3A_1088 = tpu.memref_squeeze %dma_start3A_1087 : memref<1x8x128xf32, #tpu.memory_space<vmem>> -> memref<8x128xf32, #tpu.memory_space<vmem>>
      tpu.enqueue_dma source(%dma_start3A_1088 : memref<8x128xf32, #tpu.memory_space<vmem>>) target(%dma_start3A_1084 : memref<8x128xf32, #tpu.memory_space<hbm>>) target_semaphore(%dma_start3A_1080 : memref<!tpu.dma_semaphore, #tpu.memory_space<semaphore_mem>>)
      %mul3A_1089 = arith.constant 4 : i32
      %mul3A_1090 = arith.muli %scan3A_837, %mul3A_1089 : i32
      %add3A_1091 = arith.constant 1 : i32
      %add3A_1092 = arith.addi %mul3A_1090, %add3A_1091 : i32
      %lt3A = arith.constant 49 : i32
      %lt3A_1093 = arith.cmpi slt, %scan3A_837, %lt3A : i32
      %convert_element_type3A_1094 = arith.extui %lt3A_1093 : i1 to i32
      %cond3A_1095 = arith.constant 0 : i32
      %cond3A_1096 = arith.cmpi ne, %convert_element_type3A_1094, %cond3A_1095 : i32
      scf.if %cond3A_1096 {
        %add3A_1811 = arith.constant 4 : i32
        %add3A_1812 = arith.addi %add3A_1092, %add3A_1811 : i32
        %sub3A_1813 = arith.constant 1 : i32
        %sub3A_1814 = arith.subi %add3A_1812, %sub3A_1813 : i32
        %mul3A_1815 = arith.constant 128 : i32
        %mul3A_1816 = arith.muli %sub3A_1814, %mul3A_1815 : i32
        %multiple_of3A_1817 = tpu.assume_multiple %mul3A_1816, 128 : i32
        %dma_start3A_1818 = arith.constant 0 : i32
        %dma_start3A_1819 = arith.constant 0 : i32
        %dma_start3A_1820 = arith.constant 0 : i32
        %dma_start3A_1821 = arith.constant 0 : i32
        %dma_start3A_1822 = tpu.memref_slice %arg6[%dma_start3A_1818, %dma_start3A_1820, %dma_start3A_1821] : memref<4x128x64xf32, #tpu.memory_space<vmem>> -> memref<1x128x64xf32, #tpu.memory_space<vmem>>
        %dma_start3A_1823 = tpu.memref_squeeze %dma_start3A_1822 : memref<1x128x64xf32, #tpu.memory_space<vmem>> -> memref<128x64xf32, #tpu.memory_space<vmem>>
        %dma_start3A_1824 = tpu.memref_slice %arg5[%multiple_of3A_1817] : memref<25600xi32, #tpu.memory_space<vmem>> -> memref<128xi32, #tpu.memory_space<vmem>>
        %dma_start3A_1825 = arith.constant 0 : i32
        %dma_start3A_1826 = arith.constant 0 : i32
        %dma_start3A_1827 = tpu.memref_slice %arg3[%dma_start3A_1825, %dma_start3A_1826] : memref<1000000x64xf32, #tpu.memory_space<hbm>> -> memref<1000000x64xf32, #tpu.memory_space<hbm>>
        %dma_start3A_1828 = tpu.memref_slice %arg8[%dma_start3A_1819] : memref<4x!tpu.dma_semaphore, #tpu.memory_space<semaphore_mem>> -> memref<1x!tpu.dma_semaphore, #tpu.memory_space<semaphore_mem>>
        %dma_start3A_1829 = tpu.memref_squeeze %dma_start3A_1828 : memref<1x!tpu.dma_semaphore, #tpu.memory_space<semaphore_mem>> -> memref<!tpu.dma_semaphore, #tpu.memory_space<semaphore_mem>>
        tpu.enqueue_indirect_dma source(%dma_start3A_1827 : memref<1000000x64xf32, #tpu.memory_space<hbm>>) target(%dma_start3A_1823 : memref<128x64xf32, #tpu.memory_space<vmem>>) offsets(%dma_start3A_1824 : memref<128xi32, #tpu.memory_space<vmem>>) semaphore(%dma_start3A_1829 : memref<!tpu.dma_semaphore, #tpu.memory_space<semaphore_mem>>)
      } else {
      }
      %mul3A_1097 = arith.constant 128 : i32
      %mul3A_1098 = arith.muli %add3A_1092, %mul3A_1097 : i32
      %multiple_of3A_1099 = tpu.assume_multiple %mul3A_1098, 128 : i32
      %dma_wait3A_1100 = arith.constant 1 : i32
      %dma_wait3A_1101 = arith.constant 1 : i32
      %dma_wait3A_1102 = arith.constant 0 : i32
      %dma_wait3A_1103 = arith.constant 0 : i32
      %dma_wait3A_1104 = tpu.memref_slice %arg6[%dma_wait3A_1100, %dma_wait3A_1102, %dma_wait3A_1103] : memref<4x128x64xf32, #tpu.memory_space<vmem>> -> memref<1x128x64xf32, #tpu.memory_space<vmem>>
      %dma_wait3A_1105 = tpu.memref_squeeze %dma_wait3A_1104 : memref<1x128x64xf32, #tpu.memory_space<vmem>> -> memref<128x64xf32, #tpu.memory_space<vmem>>
      %dma_wait3A_1106 = tpu.memref_slice %arg5[%multiple_of3A_1099] : memref<25600xi32, #tpu.memory_space<vmem>> -> memref<128xi32, #tpu.memory_space<vmem>>
      %dma_wait3A_1107 = arith.constant 0 : i32
      %dma_wait3A_1108 = arith.constant 0 : i32
      %dma_wait3A_1109 = tpu.memref_slice %arg3[%dma_wait3A_1107, %dma_wait3A_1108] : memref<1000000x64xf32, #tpu.memory_space<hbm>> -> memref<1000000x64xf32, #tpu.memory_space<hbm>>
      %dma_wait3A_1110 = tpu.memref_slice %arg8[%dma_wait3A_1101] : memref<4x!tpu.dma_semaphore, #tpu.memory_space<semaphore_mem>> -> memref<1x!tpu.dma_semaphore, #tpu.memory_space<semaphore_mem>>
      %dma_wait3A_1111 = tpu.memref_squeeze %dma_wait3A_1110 : memref<1x!tpu.dma_semaphore, #tpu.memory_space<semaphore_mem>> -> memref<!tpu.dma_semaphore, #tpu.memory_space<semaphore_mem>>
      tpu.wait_indirect_dma semaphore(%dma_wait3A_1111 : memref<!tpu.dma_semaphore, #tpu.memory_space<semaphore_mem>>) src(%dma_wait3A_1109 : memref<1000000x64xf32, #tpu.memory_space<hbm>>) dst(%dma_wait3A_1105 : memref<128x64xf32, #tpu.memory_space<vmem>>)
      %gt3A_1112 = arith.constant 0 : i32
      %gt3A_1113 = arith.cmpi sgt, %scan3A_837, %gt3A_1112 : i32
      %convert_element_type3A_1114 = arith.extui %gt3A_1113 : i1 to i32
      %cond3A_1115 = arith.constant 0 : i32
      %cond3A_1116 = arith.cmpi ne, %convert_element_type3A_1114, %cond3A_1115 : i32
      scf.if %cond3A_1116 {
        %mul3A_1811 = arith.constant 200 : i32
        %mul3A_1812 = arith.muli %add3A, %mul3A_1811 : i32
        %add3A_1813 = arith.addi %mul3A_1812, %add3A_1092 : i32
        %jit3A_1814 = arith.constant 128 : i32
        %div3A_1815 = arith.divsi %add3A_1813, %jit3A_1814 : i32
        %sign3A_1816 = arith.constant 0 : i32
        %sign3A_1817 = arith.cmpi sgt, %add3A_1813, %sign3A_1816 : i32
        %sign3A_1818 = arith.extui %sign3A_1817 : i1 to i32
        %sign3A_1819 = arith.constant 0 : i32
        %sign3A_1820 = arith.cmpi slt, %add3A_1813, %sign3A_1819 : i32
        %sign3A_1821 = arith.extui %sign3A_1820 : i1 to i32
        %sign3A_1822 = arith.subi %sign3A_1818, %sign3A_1821 : i32
        %sign3A_1823 = arith.constant 0 : i32
        %sign3A_1824 = arith.cmpi sgt, %jit3A_1814, %sign3A_1823 : i32
        %sign3A_1825 = arith.extui %sign3A_1824 : i1 to i32
        %sign3A_1826 = arith.constant 0 : i32
        %sign3A_1827 = arith.cmpi slt, %jit3A_1814, %sign3A_1826 : i32
        %sign3A_1828 = arith.extui %sign3A_1827 : i1 to i32
        %sign3A_1829 = arith.subi %sign3A_1825, %sign3A_1828 : i32
        %ne3A_1830 = arith.cmpi ne, %sign3A_1822, %sign3A_1829 : i32
        %rem3A_1831 = arith.remsi %add3A_1813, %jit3A_1814 : i32
        %ne3A_1832 = arith.constant 0 : i32
        %ne3A_1833 = arith.cmpi ne, %rem3A_1831, %ne3A_1832 : i32
        %and3A_1834 = arith.andi %ne3A_1830, %ne3A_1833 : i1
        %sub3A_1835 = arith.constant 1 : i32
        %sub3A_1836 = arith.subi %div3A_1815, %sub3A_1835 : i32
        %select_n3A_1837 = arith.select %and3A_1834, %sub3A_1836, %div3A_1815 : i32
        %rem3A_1838 = arith.constant 128 : i32
        %rem3A_1839 = arith.remsi %add3A_1813, %rem3A_1838 : i32
        %dma_wait3A_1840 = arith.constant 1 : i32
        %dma_wait3A_1841 = arith.constant 0 : i32
        %dma_wait3A_1842 = arith.constant 1 : i32
        %dma_wait3A_1843 = arith.constant 0 : i32
        %dma_wait3A_1844 = arith.constant 0 : i32
        %dma_wait3A_1845 = tpu.memref_slice %arg7[%dma_wait3A_1840, %dma_wait3A_1843, %dma_wait3A_1844] : memref<4x64x129xf32, #tpu.memory_space<vmem>> -> memref<1x8x128xf32, #tpu.memory_space<vmem>>
        %dma_wait3A_1846 = tpu.memref_squeeze %dma_wait3A_1845 : memref<1x8x128xf32, #tpu.memory_space<vmem>> -> memref<8x128xf32, #tpu.memory_space<vmem>>
        %dma_wait3A_1847 = arith.constant 0 : i32
        %dma_wait3A_1848 = arith.constant 0 : i32
        %dma_wait3A_1849 = tpu.memref_slice %arg4[%select_n3A_1837, %dma_wait3A_1841, %rem3A_1839, %dma_wait3A_1847, %dma_wait3A_1848] : memref<50x8x128x8x128xf32, #tpu.memory_space<hbm>> -> memref<1x1x1x8x128xf32, #tpu.memory_space<hbm>>
        %dma_wait3A_1850 = tpu.memref_squeeze %dma_wait3A_1849 : memref<1x1x1x8x128xf32, #tpu.memory_space<hbm>> -> memref<8x128xf32, #tpu.memory_space<hbm>>
        %dma_wait3A_1851 = tpu.memref_slice %arg9[%dma_wait3A_1842] : memref<4x!tpu.dma_semaphore, #tpu.memory_space<semaphore_mem>> -> memref<1x!tpu.dma_semaphore, #tpu.memory_space<semaphore_mem>>
        %dma_wait3A_1852 = tpu.memref_squeeze %dma_wait3A_1851 : memref<1x!tpu.dma_semaphore, #tpu.memory_space<semaphore_mem>> -> memref<!tpu.dma_semaphore, #tpu.memory_space<semaphore_mem>>
        %dma_wait3A_1853 = arith.constant 0 : i32
        %dma_wait3A_1854 = arith.constant 0 : i32
        %dma_wait3A_1855 = tpu.memref_slice %arg4[%select_n3A_1837, %dma_wait3A_1841, %rem3A_1839, %dma_wait3A_1853, %dma_wait3A_1854] : memref<50x8x128x8x128xf32, #tpu.memory_space<hbm>> -> memref<1x1x1x8x128xf32, #tpu.memory_space<hbm>>
        %dma_wait3A_1856 = tpu.memref_squeeze %dma_wait3A_1855 : memref<1x1x1x8x128xf32, #tpu.memory_space<hbm>> -> memref<8x128xf32, #tpu.memory_space<hbm>>
        %dma_wait3A_1857 = arith.constant 0 : i32
        %dma_wait3A_1858 = arith.constant 0 : i32
        %dma_wait3A_1859 = tpu.memref_slice %arg7[%dma_wait3A_1840, %dma_wait3A_1857, %dma_wait3A_1858] : memref<4x64x129xf32, #tpu.memory_space<vmem>> -> memref<1x8x128xf32, #tpu.memory_space<vmem>>
        %dma_wait3A_1860 = tpu.memref_squeeze %dma_wait3A_1859 : memref<1x8x128xf32, #tpu.memory_space<vmem>> -> memref<8x128xf32, #tpu.memory_space<vmem>>
        tpu.wait_dma2 semaphore(%dma_wait3A_1852 : memref<!tpu.dma_semaphore, #tpu.memory_space<semaphore_mem>>) src(%dma_wait3A_1860 : memref<8x128xf32, #tpu.memory_space<vmem>>) dst(%dma_wait3A_1856 : memref<8x128xf32, #tpu.memory_space<hbm>>)
        %dma_wait3A_1861 = arith.constant 1 : i32
        %dma_wait3A_1862 = arith.constant 1 : i32
        %dma_wait3A_1863 = arith.constant 1 : i32
        %dma_wait3A_1864 = arith.constant 8 : i32
        %dma_wait3A_1865 = arith.constant 0 : i32
        %dma_wait3A_1866 = tpu.memref_slice %arg7[%dma_wait3A_1861, %dma_wait3A_1864, %dma_wait3A_1865] : memref<4x64x129xf32, #tpu.memory_space<vmem>> -> memref<1x8x128xf32, #tpu.memory_space<vmem>>
        %dma_wait3A_1867 = tpu.memref_squeeze %dma_wait3A_1866 : memref<1x8x128xf32, #tpu.memory_space<vmem>> -> memref<8x128xf32, #tpu.memory_space<vmem>>
        %dma_wait3A_1868 = arith.constant 0 : i32
        %dma_wait3A_1869 = arith.constant 0 : i32
        %dma_wait3A_1870 = tpu.memref_slice %arg4[%select_n3A_1837, %dma_wait3A_1862, %rem3A_1839, %dma_wait3A_1868, %dma_wait3A_1869] : memref<50x8x128x8x128xf32, #tpu.memory_space<hbm>> -> memref<1x1x1x8x128xf32, #tpu.memory_space<hbm>>
        %dma_wait3A_1871 = tpu.memref_squeeze %dma_wait3A_1870 : memref<1x1x1x8x128xf32, #tpu.memory_space<hbm>> -> memref<8x128xf32, #tpu.memory_space<hbm>>
        %dma_wait3A_1872 = tpu.memref_slice %arg9[%dma_wait3A_1863] : memref<4x!tpu.dma_semaphore, #tpu.memory_space<semaphore_mem>> -> memref<1x!tpu.dma_semaphore, #tpu.memory_space<semaphore_mem>>
        %dma_wait3A_1873 = tpu.memref_squeeze %dma_wait3A_1872 : memref<1x!tpu.dma_semaphore, #tpu.memory_space<semaphore_mem>> -> memref<!tpu.dma_semaphore, #tpu.memory_space<semaphore_mem>>
        %dma_wait3A_1874 = arith.constant 0 : i32
        %dma_wait3A_1875 = arith.constant 0 : i32
        %dma_wait3A_1876 = tpu.memref_slice %arg4[%select_n3A_1837, %dma_wait3A_1862, %rem3A_1839, %dma_wait3A_1874, %dma_wait3A_1875] : memref<50x8x128x8x128xf32, #tpu.memory_space<hbm>> -> memref<1x1x1x8x128xf32, #tpu.memory_space<hbm>>
        %dma_wait3A_1877 = tpu.memref_squeeze %dma_wait3A_1876 : memref<1x1x1x8x128xf32, #tpu.memory_space<hbm>> -> memref<8x128xf32, #tpu.memory_space<hbm>>
        %dma_wait3A_1878 = arith.constant 8 : i32
        %dma_wait3A_1879 = arith.constant 0 : i32
        %dma_wait3A_1880 = tpu.memref_slice %arg7[%dma_wait3A_1861, %dma_wait3A_1878, %dma_wait3A_1879] : memref<4x64x129xf32, #tpu.memory_space<vmem>> -> memref<1x8x128xf32, #tpu.memory_space<vmem>>
        %dma_wait3A_1881 = tpu.memref_squeeze %dma_wait3A_1880 : memref<1x8x128xf32, #tpu.memory_space<vmem>> -> memref<8x128xf32, #tpu.memory_space<vmem>>
        tpu.wait_dma2 semaphore(%dma_wait3A_1873 : memref<!tpu.dma_semaphore, #tpu.memory_space<semaphore_mem>>) src(%dma_wait3A_1881 : memref<8x128xf32, #tpu.memory_space<vmem>>) dst(%dma_wait3A_1877 : memref<8x128xf32, #tpu.memory_space<hbm>>)
        %dma_wait3A_1882 = arith.constant 1 : i32
        %dma_wait3A_1883 = arith.constant 2 : i32
        %dma_wait3A_1884 = arith.constant 1 : i32
        %dma_wait3A_1885 = arith.constant 16 : i32
        %dma_wait3A_1886 = arith.constant 0 : i32
        %dma_wait3A_1887 = tpu.memref_slice %arg7[%dma_wait3A_1882, %dma_wait3A_1885, %dma_wait3A_1886] : memref<4x64x129xf32, #tpu.memory_space<vmem>> -> memref<1x8x128xf32, #tpu.memory_space<vmem>>
        %dma_wait3A_1888 = tpu.memref_squeeze %dma_wait3A_1887 : memref<1x8x128xf32, #tpu.memory_space<vmem>> -> memref<8x128xf32, #tpu.memory_space<vmem>>
        %dma_wait3A_1889 = arith.constant 0 : i32
        %dma_wait3A_1890 = arith.constant 0 : i32
        %dma_wait3A_1891 = tpu.memref_slice %arg4[%select_n3A_1837, %dma_wait3A_1883, %rem3A_1839, %dma_wait3A_1889, %dma_wait3A_1890] : memref<50x8x128x8x128xf32, #tpu.memory_space<hbm>> -> memref<1x1x1x8x128xf32, #tpu.memory_space<hbm>>
        %dma_wait3A_1892 = tpu.memref_squeeze %dma_wait3A_1891 : memref<1x1x1x8x128xf32, #tpu.memory_space<hbm>> -> memref<8x128xf32, #tpu.memory_space<hbm>>
        %dma_wait3A_1893 = tpu.memref_slice %arg9[%dma_wait3A_1884] : memref<4x!tpu.dma_semaphore, #tpu.memory_space<semaphore_mem>> -> memref<1x!tpu.dma_semaphore, #tpu.memory_space<semaphore_mem>>
        %dma_wait3A_1894 = tpu.memref_squeeze %dma_wait3A_1893 : memref<1x!tpu.dma_semaphore, #tpu.memory_space<semaphore_mem>> -> memref<!tpu.dma_semaphore, #tpu.memory_space<semaphore_mem>>
        %dma_wait3A_1895 = arith.constant 0 : i32
        %dma_wait3A_1896 = arith.constant 0 : i32
        %dma_wait3A_1897 = tpu.memref_slice %arg4[%select_n3A_1837, %dma_wait3A_1883, %rem3A_1839, %dma_wait3A_1895, %dma_wait3A_1896] : memref<50x8x128x8x128xf32, #tpu.memory_space<hbm>> -> memref<1x1x1x8x128xf32, #tpu.memory_space<hbm>>
        %dma_wait3A_1898 = tpu.memref_squeeze %dma_wait3A_1897 : memref<1x1x1x8x128xf32, #tpu.memory_space<hbm>> -> memref<8x128xf32, #tpu.memory_space<hbm>>
        %dma_wait3A_1899 = arith.constant 16 : i32
        %dma_wait3A_1900 = arith.constant 0 : i32
        %dma_wait3A_1901 = tpu.memref_slice %arg7[%dma_wait3A_1882, %dma_wait3A_1899, %dma_wait3A_1900] : memref<4x64x129xf32, #tpu.memory_space<vmem>> -> memref<1x8x128xf32, #tpu.memory_space<vmem>>
        %dma_wait3A_1902 = tpu.memref_squeeze %dma_wait3A_1901 : memref<1x8x128xf32, #tpu.memory_space<vmem>> -> memref<8x128xf32, #tpu.memory_space<vmem>>
        tpu.wait_dma2 semaphore(%dma_wait3A_1894 : memref<!tpu.dma_semaphore, #tpu.memory_space<semaphore_mem>>) src(%dma_wait3A_1902 : memref<8x128xf32, #tpu.memory_space<vmem>>) dst(%dma_wait3A_1898 : memref<8x128xf32, #tpu.memory_space<hbm>>)
        %dma_wait3A_1903 = arith.constant 1 : i32
        %dma_wait3A_1904 = arith.constant 3 : i32
        %dma_wait3A_1905 = arith.constant 1 : i32
        %dma_wait3A_1906 = arith.constant 24 : i32
        %dma_wait3A_1907 = arith.constant 0 : i32
        %dma_wait3A_1908 = tpu.memref_slice %arg7[%dma_wait3A_1903, %dma_wait3A_1906, %dma_wait3A_1907] : memref<4x64x129xf32, #tpu.memory_space<vmem>> -> memref<1x8x128xf32, #tpu.memory_space<vmem>>
        %dma_wait3A_1909 = tpu.memref_squeeze %dma_wait3A_1908 : memref<1x8x128xf32, #tpu.memory_space<vmem>> -> memref<8x128xf32, #tpu.memory_space<vmem>>
        %dma_wait3A_1910 = arith.constant 0 : i32
        %dma_wait3A_1911 = arith.constant 0 : i32
        %dma_wait3A_1912 = tpu.memref_slice %arg4[%select_n3A_1837, %dma_wait3A_1904, %rem3A_1839, %dma_wait3A_1910, %dma_wait3A_1911] : memref<50x8x128x8x128xf32, #tpu.memory_space<hbm>> -> memref<1x1x1x8x128xf32, #tpu.memory_space<hbm>>
        %dma_wait3A_1913 = tpu.memref_squeeze %dma_wait3A_1912 : memref<1x1x1x8x128xf32, #tpu.memory_space<hbm>> -> memref<8x128xf32, #tpu.memory_space<hbm>>
        %dma_wait3A_1914 = tpu.memref_slice %arg9[%dma_wait3A_1905] : memref<4x!tpu.dma_semaphore, #tpu.memory_space<semaphore_mem>> -> memref<1x!tpu.dma_semaphore, #tpu.memory_space<semaphore_mem>>
        %dma_wait3A_1915 = tpu.memref_squeeze %dma_wait3A_1914 : memref<1x!tpu.dma_semaphore, #tpu.memory_space<semaphore_mem>> -> memref<!tpu.dma_semaphore, #tpu.memory_space<semaphore_mem>>
        %dma_wait3A_1916 = arith.constant 0 : i32
        %dma_wait3A_1917 = arith.constant 0 : i32
        %dma_wait3A_1918 = tpu.memref_slice %arg4[%select_n3A_1837, %dma_wait3A_1904, %rem3A_1839, %dma_wait3A_1916, %dma_wait3A_1917] : memref<50x8x128x8x128xf32, #tpu.memory_space<hbm>> -> memref<1x1x1x8x128xf32, #tpu.memory_space<hbm>>
        %dma_wait3A_1919 = tpu.memref_squeeze %dma_wait3A_1918 : memref<1x1x1x8x128xf32, #tpu.memory_space<hbm>> -> memref<8x128xf32, #tpu.memory_space<hbm>>
        %dma_wait3A_1920 = arith.constant 24 : i32
        %dma_wait3A_1921 = arith.constant 0 : i32
        %dma_wait3A_1922 = tpu.memref_slice %arg7[%dma_wait3A_1903, %dma_wait3A_1920, %dma_wait3A_1921] : memref<4x64x129xf32, #tpu.memory_space<vmem>> -> memref<1x8x128xf32, #tpu.memory_space<vmem>>
        %dma_wait3A_1923 = tpu.memref_squeeze %dma_wait3A_1922 : memref<1x8x128xf32, #tpu.memory_space<vmem>> -> memref<8x128xf32, #tpu.memory_space<vmem>>
        tpu.wait_dma2 semaphore(%dma_wait3A_1915 : memref<!tpu.dma_semaphore, #tpu.memory_space<semaphore_mem>>) src(%dma_wait3A_1923 : memref<8x128xf32, #tpu.memory_space<vmem>>) dst(%dma_wait3A_1919 : memref<8x128xf32, #tpu.memory_space<hbm>>)
        %dma_wait3A_1924 = arith.constant 1 : i32
        %dma_wait3A_1925 = arith.constant 4 : i32
        %dma_wait3A_1926 = arith.constant 1 : i32
        %dma_wait3A_1927 = arith.constant 32 : i32
        %dma_wait3A_1928 = arith.constant 0 : i32
        %dma_wait3A_1929 = tpu.memref_slice %arg7[%dma_wait3A_1924, %dma_wait3A_1927, %dma_wait3A_1928] : memref<4x64x129xf32, #tpu.memory_space<vmem>> -> memref<1x8x128xf32, #tpu.memory_space<vmem>>
        %dma_wait3A_1930 = tpu.memref_squeeze %dma_wait3A_1929 : memref<1x8x128xf32, #tpu.memory_space<vmem>> -> memref<8x128xf32, #tpu.memory_space<vmem>>
        %dma_wait3A_1931 = arith.constant 0 : i32
        %dma_wait3A_1932 = arith.constant 0 : i32
        %dma_wait3A_1933 = tpu.memref_slice %arg4[%select_n3A_1837, %dma_wait3A_1925, %rem3A_1839, %dma_wait3A_1931, %dma_wait3A_1932] : memref<50x8x128x8x128xf32, #tpu.memory_space<hbm>> -> memref<1x1x1x8x128xf32, #tpu.memory_space<hbm>>
        %dma_wait3A_1934 = tpu.memref_squeeze %dma_wait3A_1933 : memref<1x1x1x8x128xf32, #tpu.memory_space<hbm>> -> memref<8x128xf32, #tpu.memory_space<hbm>>
        %dma_wait3A_1935 = tpu.memref_slice %arg9[%dma_wait3A_1926] : memref<4x!tpu.dma_semaphore, #tpu.memory_space<semaphore_mem>> -> memref<1x!tpu.dma_semaphore, #tpu.memory_space<semaphore_mem>>
        %dma_wait3A_1936 = tpu.memref_squeeze %dma_wait3A_1935 : memref<1x!tpu.dma_semaphore, #tpu.memory_space<semaphore_mem>> -> memref<!tpu.dma_semaphore, #tpu.memory_space<semaphore_mem>>
        %dma_wait3A_1937 = arith.constant 0 : i32
        %dma_wait3A_1938 = arith.constant 0 : i32
        %dma_wait3A_1939 = tpu.memref_slice %arg4[%select_n3A_1837, %dma_wait3A_1925, %rem3A_1839, %dma_wait3A_1937, %dma_wait3A_1938] : memref<50x8x128x8x128xf32, #tpu.memory_space<hbm>> -> memref<1x1x1x8x128xf32, #tpu.memory_space<hbm>>
        %dma_wait3A_1940 = tpu.memref_squeeze %dma_wait3A_1939 : memref<1x1x1x8x128xf32, #tpu.memory_space<hbm>> -> memref<8x128xf32, #tpu.memory_space<hbm>>
        %dma_wait3A_1941 = arith.constant 32 : i32
        %dma_wait3A_1942 = arith.constant 0 : i32
        %dma_wait3A_1943 = tpu.memref_slice %arg7[%dma_wait3A_1924, %dma_wait3A_1941, %dma_wait3A_1942] : memref<4x64x129xf32, #tpu.memory_space<vmem>> -> memref<1x8x128xf32, #tpu.memory_space<vmem>>
        %dma_wait3A_1944 = tpu.memref_squeeze %dma_wait3A_1943 : memref<1x8x128xf32, #tpu.memory_space<vmem>> -> memref<8x128xf32, #tpu.memory_space<vmem>>
        tpu.wait_dma2 semaphore(%dma_wait3A_1936 : memref<!tpu.dma_semaphore, #tpu.memory_space<semaphore_mem>>) src(%dma_wait3A_1944 : memref<8x128xf32, #tpu.memory_space<vmem>>) dst(%dma_wait3A_1940 : memref<8x128xf32, #tpu.memory_space<hbm>>)
        %dma_wait3A_1945 = arith.constant 1 : i32
        %dma_wait3A_1946 = arith.constant 5 : i32
        %dma_wait3A_1947 = arith.constant 1 : i32
        %dma_wait3A_1948 = arith.constant 40 : i32
        %dma_wait3A_1949 = arith.constant 0 : i32
        %dma_wait3A_1950 = tpu.memref_slice %arg7[%dma_wait3A_1945, %dma_wait3A_1948, %dma_wait3A_1949] : memref<4x64x129xf32, #tpu.memory_space<vmem>> -> memref<1x8x128xf32, #tpu.memory_space<vmem>>
        %dma_wait3A_1951 = tpu.memref_squeeze %dma_wait3A_1950 : memref<1x8x128xf32, #tpu.memory_space<vmem>> -> memref<8x128xf32, #tpu.memory_space<vmem>>
        %dma_wait3A_1952 = arith.constant 0 : i32
        %dma_wait3A_1953 = arith.constant 0 : i32
        %dma_wait3A_1954 = tpu.memref_slice %arg4[%select_n3A_1837, %dma_wait3A_1946, %rem3A_1839, %dma_wait3A_1952, %dma_wait3A_1953] : memref<50x8x128x8x128xf32, #tpu.memory_space<hbm>> -> memref<1x1x1x8x128xf32, #tpu.memory_space<hbm>>
        %dma_wait3A_1955 = tpu.memref_squeeze %dma_wait3A_1954 : memref<1x1x1x8x128xf32, #tpu.memory_space<hbm>> -> memref<8x128xf32, #tpu.memory_space<hbm>>
        %dma_wait3A_1956 = tpu.memref_slice %arg9[%dma_wait3A_1947] : memref<4x!tpu.dma_semaphore, #tpu.memory_space<semaphore_mem>> -> memref<1x!tpu.dma_semaphore, #tpu.memory_space<semaphore_mem>>
        %dma_wait3A_1957 = tpu.memref_squeeze %dma_wait3A_1956 : memref<1x!tpu.dma_semaphore, #tpu.memory_space<semaphore_mem>> -> memref<!tpu.dma_semaphore, #tpu.memory_space<semaphore_mem>>
        %dma_wait3A_1958 = arith.constant 0 : i32
        %dma_wait3A_1959 = arith.constant 0 : i32
        %dma_wait3A_1960 = tpu.memref_slice %arg4[%select_n3A_1837, %dma_wait3A_1946, %rem3A_1839, %dma_wait3A_1958, %dma_wait3A_1959] : memref<50x8x128x8x128xf32, #tpu.memory_space<hbm>> -> memref<1x1x1x8x128xf32, #tpu.memory_space<hbm>>
        %dma_wait3A_1961 = tpu.memref_squeeze %dma_wait3A_1960 : memref<1x1x1x8x128xf32, #tpu.memory_space<hbm>> -> memref<8x128xf32, #tpu.memory_space<hbm>>
        %dma_wait3A_1962 = arith.constant 40 : i32
        %dma_wait3A_1963 = arith.constant 0 : i32
        %dma_wait3A_1964 = tpu.memref_slice %arg7[%dma_wait3A_1945, %dma_wait3A_1962, %dma_wait3A_1963] : memref<4x64x129xf32, #tpu.memory_space<vmem>> -> memref<1x8x128xf32, #tpu.memory_space<vmem>>
        %dma_wait3A_1965 = tpu.memref_squeeze %dma_wait3A_1964 : memref<1x8x128xf32, #tpu.memory_space<vmem>> -> memref<8x128xf32, #tpu.memory_space<vmem>>
        tpu.wait_dma2 semaphore(%dma_wait3A_1957 : memref<!tpu.dma_semaphore, #tpu.memory_space<semaphore_mem>>) src(%dma_wait3A_1965 : memref<8x128xf32, #tpu.memory_space<vmem>>) dst(%dma_wait3A_1961 : memref<8x128xf32, #tpu.memory_space<hbm>>)
        %dma_wait3A_1966 = arith.constant 1 : i32
        %dma_wait3A_1967 = arith.constant 6 : i32
        %dma_wait3A_1968 = arith.constant 1 : i32
        %dma_wait3A_1969 = arith.constant 48 : i32
        %dma_wait3A_1970 = arith.constant 0 : i32
        %dma_wait3A_1971 = tpu.memref_slice %arg7[%dma_wait3A_1966, %dma_wait3A_1969, %dma_wait3A_1970] : memref<4x64x129xf32, #tpu.memory_space<vmem>> -> memref<1x8x128xf32, #tpu.memory_space<vmem>>
        %dma_wait3A_1972 = tpu.memref_squeeze %dma_wait3A_1971 : memref<1x8x128xf32, #tpu.memory_space<vmem>> -> memref<8x128xf32, #tpu.memory_space<vmem>>
        %dma_wait3A_1973 = arith.constant 0 : i32
        %dma_wait3A_1974 = arith.constant 0 : i32
        %dma_wait3A_1975 = tpu.memref_slice %arg4[%select_n3A_1837, %dma_wait3A_1967, %rem3A_1839, %dma_wait3A_1973, %dma_wait3A_1974] : memref<50x8x128x8x128xf32, #tpu.memory_space<hbm>> -> memref<1x1x1x8x128xf32, #tpu.memory_space<hbm>>
        %dma_wait3A_1976 = tpu.memref_squeeze %dma_wait3A_1975 : memref<1x1x1x8x128xf32, #tpu.memory_space<hbm>> -> memref<8x128xf32, #tpu.memory_space<hbm>>
        %dma_wait3A_1977 = tpu.memref_slice %arg9[%dma_wait3A_1968] : memref<4x!tpu.dma_semaphore, #tpu.memory_space<semaphore_mem>> -> memref<1x!tpu.dma_semaphore, #tpu.memory_space<semaphore_mem>>
        %dma_wait3A_1978 = tpu.memref_squeeze %dma_wait3A_1977 : memref<1x!tpu.dma_semaphore, #tpu.memory_space<semaphore_mem>> -> memref<!tpu.dma_semaphore, #tpu.memory_space<semaphore_mem>>
        %dma_wait3A_1979 = arith.constant 0 : i32
        %dma_wait3A_1980 = arith.constant 0 : i32
        %dma_wait3A_1981 = tpu.memref_slice %arg4[%select_n3A_1837, %dma_wait3A_1967, %rem3A_1839, %dma_wait3A_1979, %dma_wait3A_1980] : memref<50x8x128x8x128xf32, #tpu.memory_space<hbm>> -> memref<1x1x1x8x128xf32, #tpu.memory_space<hbm>>
        %dma_wait3A_1982 = tpu.memref_squeeze %dma_wait3A_1981 : memref<1x1x1x8x128xf32, #tpu.memory_space<hbm>> -> memref<8x128xf32, #tpu.memory_space<hbm>>
        %dma_wait3A_1983 = arith.constant 48 : i32
        %dma_wait3A_1984 = arith.constant 0 : i32
        %dma_wait3A_1985 = tpu.memref_slice %arg7[%dma_wait3A_1966, %dma_wait3A_1983, %dma_wait3A_1984] : memref<4x64x129xf32, #tpu.memory_space<vmem>> -> memref<1x8x128xf32, #tpu.memory_space<vmem>>
        %dma_wait3A_1986 = tpu.memref_squeeze %dma_wait3A_1985 : memref<1x8x128xf32, #tpu.memory_space<vmem>> -> memref<8x128xf32, #tpu.memory_space<vmem>>
        tpu.wait_dma2 semaphore(%dma_wait3A_1978 : memref<!tpu.dma_semaphore, #tpu.memory_space<semaphore_mem>>) src(%dma_wait3A_1986 : memref<8x128xf32, #tpu.memory_space<vmem>>) dst(%dma_wait3A_1982 : memref<8x128xf32, #tpu.memory_space<hbm>>)
        %dma_wait3A_1987 = arith.constant 1 : i32
        %dma_wait3A_1988 = arith.constant 7 : i32
        %dma_wait3A_1989 = arith.constant 1 : i32
        %dma_wait3A_1990 = arith.constant 56 : i32
        %dma_wait3A_1991 = arith.constant 0 : i32
        %dma_wait3A_1992 = tpu.memref_slice %arg7[%dma_wait3A_1987, %dma_wait3A_1990, %dma_wait3A_1991] : memref<4x64x129xf32, #tpu.memory_space<vmem>> -> memref<1x8x128xf32, #tpu.memory_space<vmem>>
        %dma_wait3A_1993 = tpu.memref_squeeze %dma_wait3A_1992 : memref<1x8x128xf32, #tpu.memory_space<vmem>> -> memref<8x128xf32, #tpu.memory_space<vmem>>
        %dma_wait3A_1994 = arith.constant 0 : i32
        %dma_wait3A_1995 = arith.constant 0 : i32
        %dma_wait3A_1996 = tpu.memref_slice %arg4[%select_n3A_1837, %dma_wait3A_1988, %rem3A_1839, %dma_wait3A_1994, %dma_wait3A_1995] : memref<50x8x128x8x128xf32, #tpu.memory_space<hbm>> -> memref<1x1x1x8x128xf32, #tpu.memory_space<hbm>>
        %dma_wait3A_1997 = tpu.memref_squeeze %dma_wait3A_1996 : memref<1x1x1x8x128xf32, #tpu.memory_space<hbm>> -> memref<8x128xf32, #tpu.memory_space<hbm>>
        %dma_wait3A_1998 = tpu.memref_slice %arg9[%dma_wait3A_1989] : memref<4x!tpu.dma_semaphore, #tpu.memory_space<semaphore_mem>> -> memref<1x!tpu.dma_semaphore, #tpu.memory_space<semaphore_mem>>
        %dma_wait3A_1999 = tpu.memref_squeeze %dma_wait3A_1998 : memref<1x!tpu.dma_semaphore, #tpu.memory_space<semaphore_mem>> -> memref<!tpu.dma_semaphore, #tpu.memory_space<semaphore_mem>>
        %dma_wait3A_2000 = arith.constant 0 : i32
        %dma_wait3A_2001 = arith.constant 0 : i32
        %dma_wait3A_2002 = tpu.memref_slice %arg4[%select_n3A_1837, %dma_wait3A_1988, %rem3A_1839, %dma_wait3A_2000, %dma_wait3A_2001] : memref<50x8x128x8x128xf32, #tpu.memory_space<hbm>> -> memref<1x1x1x8x128xf32, #tpu.memory_space<hbm>>
        %dma_wait3A_2003 = tpu.memref_squeeze %dma_wait3A_2002 : memref<1x1x1x8x128xf32, #tpu.memory_space<hbm>> -> memref<8x128xf32, #tpu.memory_space<hbm>>
        %dma_wait3A_2004 = arith.constant 56 : i32
        %dma_wait3A_2005 = arith.constant 0 : i32
        %dma_wait3A_2006 = tpu.memref_slice %arg7[%dma_wait3A_1987, %dma_wait3A_2004, %dma_wait3A_2005] : memref<4x64x129xf32, #tpu.memory_space<vmem>> -> memref<1x8x128xf32, #tpu.memory_space<vmem>>
        %dma_wait3A_2007 = tpu.memref_squeeze %dma_wait3A_2006 : memref<1x8x128xf32, #tpu.memory_space<vmem>> -> memref<8x128xf32, #tpu.memory_space<vmem>>
        tpu.wait_dma2 semaphore(%dma_wait3A_1999 : memref<!tpu.dma_semaphore, #tpu.memory_space<semaphore_mem>>) src(%dma_wait3A_2007 : memref<8x128xf32, #tpu.memory_space<vmem>>) dst(%dma_wait3A_2003 : memref<8x128xf32, #tpu.memory_space<hbm>>)
      } else {
      }
      %add3A_1117 = arith.constant 0 : i32
      %add3A_1118 = vector.broadcast %add3A_1117 : i32 to vector<16xi32>
      %add3A_1119 = arith.addi %iota3A, %add3A_1118 : vector<16xi32>
      %add3A_1120 = arith.constant 16 : i32
      %add3A_1121 = vector.broadcast %add3A_1120 : i32 to vector<16xi32>
      %add3A_1122 = arith.addi %iota3A, %add3A_1121 : vector<16xi32>
      %add3A_1123 = arith.constant 32 : i32
      %add3A_1124 = vector.broadcast %add3A_1123 : i32 to vector<16xi32>
      %add3A_1125 = arith.addi %iota3A, %add3A_1124 : vector<16xi32>
      %add3A_1126 = arith.constant 48 : i32
      %add3A_1127 = vector.broadcast %add3A_1126 : i32 to vector<16xi32>
      %add3A_1128 = arith.addi %iota3A, %add3A_1127 : vector<16xi32>
      %parallel_loop3A_1129 = arith.constant 0 : i32
      %parallel_loop3A_1130 = arith.constant 128 : i32
      %parallel_loop3A_1131 = arith.constant 1 : i32
      scf.for %parallel_loop3A_1811 = %parallel_loop3A_1129 to %parallel_loop3A_1130 step %parallel_loop3A_1131  : i32 {
        %parallel_loop3A_1812 = vector.broadcast %parallel_loop3A_1811 : i32 to vector<16xi32>
        %parallel_loop3A_1813 = arith.addi %mul3A_3, %parallel_loop3A_1812 : vector<16xi32>
        %parallel_loop3A_1814 = arith.constant 1 : i32
        %parallel_loop3A_1815 = arith.index_cast %parallel_loop3A_1814 : i32 to index
        %parallel_loop3A_1816 = arith.index_cast %parallel_loop3A_1811 : i32 to index
        %parallel_loop3A_1817 = arith.constant 0 : index
        %parallel_loop3A_1818 = tpu.vector_load %arg6[%parallel_loop3A_1815, %parallel_loop3A_1816, %parallel_loop3A_1817] {strides = array<i32>} : memref<4x128x64xf32, #tpu.memory_space<vmem>>, vector<16xf32>,
        %parallel_loop3A_1819 = arith.constant 1 : i32
        %parallel_loop3A_1820 = arith.constant 0 : i32
        %parallel_loop3A_1821 = arith.constant 0 : i32
        %parallel_loop3A_1822 = tpu.memref_slice %arg7[%parallel_loop3A_1819, %parallel_loop3A_1820, %parallel_loop3A_1821] : memref<4x64x129xf32, #tpu.memory_space<vmem>> -> memref<1x64x129xf32, #tpu.memory_space<vmem>>
        %parallel_loop3A_1823 = tpu.memref_squeeze %parallel_loop3A_1822 : memref<1x64x129xf32, #tpu.memory_space<vmem>> -> memref<64x129xf32, #tpu.memory_space<vmem>>
        tpu.vector_store_idx %parallel_loop3A_1823[%add3A_1119, %parallel_loop3A_1813], %parallel_loop3A_1818 : memref<64x129xf32, #tpu.memory_space<vmem>>[vector<16xi32>, vector<16xi32>], vector<16xf32>,
        %parallel_loop3A_1824 = arith.constant 1 : i32
        %parallel_loop3A_1825 = arith.index_cast %parallel_loop3A_1824 : i32 to index
        %parallel_loop3A_1826 = arith.index_cast %parallel_loop3A_1811 : i32 to index
        %parallel_loop3A_1827 = arith.constant 16 : index
        %parallel_loop3A_1828 = tpu.vector_load %arg6[%parallel_loop3A_1825, %parallel_loop3A_1826, %parallel_loop3A_1827] {strides = array<i32>} : memref<4x128x64xf32, #tpu.memory_space<vmem>>, vector<16xf32>,
        %parallel_loop3A_1829 = arith.constant 1 : i32
        %parallel_loop3A_1830 = arith.constant 0 : i32
        %parallel_loop3A_1831 = arith.constant 0 : i32
        %parallel_loop3A_1832 = tpu.memref_slice %arg7[%parallel_loop3A_1829, %parallel_loop3A_1830, %parallel_loop3A_1831] : memref<4x64x129xf32, #tpu.memory_space<vmem>> -> memref<1x64x129xf32, #tpu.memory_space<vmem>>
        %parallel_loop3A_1833 = tpu.memref_squeeze %parallel_loop3A_1832 : memref<1x64x129xf32, #tpu.memory_space<vmem>> -> memref<64x129xf32, #tpu.memory_space<vmem>>
        tpu.vector_store_idx %parallel_loop3A_1833[%add3A_1122, %parallel_loop3A_1813], %parallel_loop3A_1828 : memref<64x129xf32, #tpu.memory_space<vmem>>[vector<16xi32>, vector<16xi32>], vector<16xf32>,
        %parallel_loop3A_1834 = arith.constant 1 : i32
        %parallel_loop3A_1835 = arith.index_cast %parallel_loop3A_1834 : i32 to index
        %parallel_loop3A_1836 = arith.index_cast %parallel_loop3A_1811 : i32 to index
        %parallel_loop3A_1837 = arith.constant 32 : index
        %parallel_loop3A_1838 = tpu.vector_load %arg6[%parallel_loop3A_1835, %parallel_loop3A_1836, %parallel_loop3A_1837] {strides = array<i32>} : memref<4x128x64xf32, #tpu.memory_space<vmem>>, vector<16xf32>,
        %parallel_loop3A_1839 = arith.constant 1 : i32
        %parallel_loop3A_1840 = arith.constant 0 : i32
        %parallel_loop3A_1841 = arith.constant 0 : i32
        %parallel_loop3A_1842 = tpu.memref_slice %arg7[%parallel_loop3A_1839, %parallel_loop3A_1840, %parallel_loop3A_1841] : memref<4x64x129xf32, #tpu.memory_space<vmem>> -> memref<1x64x129xf32, #tpu.memory_space<vmem>>
        %parallel_loop3A_1843 = tpu.memref_squeeze %parallel_loop3A_1842 : memref<1x64x129xf32, #tpu.memory_space<vmem>> -> memref<64x129xf32, #tpu.memory_space<vmem>>
        tpu.vector_store_idx %parallel_loop3A_1843[%add3A_1125, %parallel_loop3A_1813], %parallel_loop3A_1838 : memref<64x129xf32, #tpu.memory_space<vmem>>[vector<16xi32>, vector<16xi32>], vector<16xf32>,
        %parallel_loop3A_1844 = arith.constant 1 : i32
        %parallel_loop3A_1845 = arith.index_cast %parallel_loop3A_1844 : i32 to index
        %parallel_loop3A_1846 = arith.index_cast %parallel_loop3A_1811 : i32 to index
        %parallel_loop3A_1847 = arith.constant 48 : index
        %parallel_loop3A_1848 = tpu.vector_load %arg6[%parallel_loop3A_1845, %parallel_loop3A_1846, %parallel_loop3A_1847] {strides = array<i32>} : memref<4x128x64xf32, #tpu.memory_space<vmem>>, vector<16xf32>,
        %parallel_loop3A_1849 = arith.constant 1 : i32
        %parallel_loop3A_1850 = arith.constant 0 : i32
        %parallel_loop3A_1851 = arith.constant 0 : i32
        %parallel_loop3A_1852 = tpu.memref_slice %arg7[%parallel_loop3A_1849, %parallel_loop3A_1850, %parallel_loop3A_1851] : memref<4x64x129xf32, #tpu.memory_space<vmem>> -> memref<1x64x129xf32, #tpu.memory_space<vmem>>
        %parallel_loop3A_1853 = tpu.memref_squeeze %parallel_loop3A_1852 : memref<1x64x129xf32, #tpu.memory_space<vmem>> -> memref<64x129xf32, #tpu.memory_space<vmem>>
        tpu.vector_store_idx %parallel_loop3A_1853[%add3A_1128, %parallel_loop3A_1813], %parallel_loop3A_1848 : memref<64x129xf32, #tpu.memory_space<vmem>>[vector<16xi32>, vector<16xi32>], vector<16xf32>,
      } {sc.loop_unroll_factor = 1 : i64, sc.parallel_access}
      %mul3A_1132 = arith.constant 200 : i32
      %mul3A_1133 = arith.muli %add3A, %mul3A_1132 : i32
      %add3A_1134 = arith.addi %mul3A_1133, %add3A_1092 : i32
      %jit3A_1135 = arith.constant 128 : i32
      %div3A_1136 = arith.divsi %add3A_1134, %jit3A_1135 : i32
      %sign3A_1137 = arith.constant 0 : i32
      %sign3A_1138 = arith.cmpi sgt, %add3A_1134, %sign3A_1137 : i32
      %sign3A_1139 = arith.extui %sign3A_1138 : i1 to i32
      %sign3A_1140 = arith.constant 0 : i32
      %sign3A_1141 = arith.cmpi slt, %add3A_1134, %sign3A_1140 : i32
      %sign3A_1142 = arith.extui %sign3A_1141 : i1 to i32
      %sign3A_1143 = arith.subi %sign3A_1139, %sign3A_1142 : i32
      %sign3A_1144 = arith.constant 0 : i32
      %sign3A_1145 = arith.cmpi sgt, %jit3A_1135, %sign3A_1144 : i32
      %sign3A_1146 = arith.extui %sign3A_1145 : i1 to i32
      %sign3A_1147 = arith.constant 0 : i32
      %sign3A_1148 = arith.cmpi slt, %jit3A_1135, %sign3A_1147 : i32
      %sign3A_1149 = arith.extui %sign3A_1148 : i1 to i32
      %sign3A_1150 = arith.subi %sign3A_1146, %sign3A_1149 : i32
      %ne3A_1151 = arith.cmpi ne, %sign3A_1143, %sign3A_1150 : i32
      %rem3A_1152 = arith.remsi %add3A_1134, %jit3A_1135 : i32
      %ne3A_1153 = arith.constant 0 : i32
      %ne3A_1154 = arith.cmpi ne, %rem3A_1152, %ne3A_1153 : i32
      %and3A_1155 = arith.andi %ne3A_1151, %ne3A_1154 : i1
      %sub3A_1156 = arith.constant 1 : i32
      %sub3A_1157 = arith.subi %div3A_1136, %sub3A_1156 : i32
      %select_n3A_1158 = arith.select %and3A_1155, %sub3A_1157, %div3A_1136 : i32
      %rem3A_1159 = arith.constant 128 : i32
      %rem3A_1160 = arith.remsi %add3A_1134, %rem3A_1159 : i32
      %dma_start3A_1161 = arith.constant 1 : i32
      %dma_start3A_1162 = arith.constant 0 : i32
      %dma_start3A_1163 = arith.constant 1 : i32
      %dma_start3A_1164 = arith.constant 0 : i32
      %dma_start3A_1165 = arith.constant 0 : i32
      %dma_start3A_1166 = tpu.memref_slice %arg7[%dma_start3A_1161, %dma_start3A_1164, %dma_start3A_1165] : memref<4x64x129xf32, #tpu.memory_space<vmem>> -> memref<1x8x128xf32, #tpu.memory_space<vmem>>
      %dma_start3A_1167 = tpu.memref_squeeze %dma_start3A_1166 : memref<1x8x128xf32, #tpu.memory_space<vmem>> -> memref<8x128xf32, #tpu.memory_space<vmem>>
      %dma_start3A_1168 = arith.constant 0 : i32
      %dma_start3A_1169 = arith.constant 0 : i32
      %dma_start3A_1170 = tpu.memref_slice %arg4[%select_n3A_1158, %dma_start3A_1162, %rem3A_1160, %dma_start3A_1168, %dma_start3A_1169] : memref<50x8x128x8x128xf32, #tpu.memory_space<hbm>> -> memref<1x1x1x8x128xf32, #tpu.memory_space<hbm>>
      %dma_start3A_1171 = tpu.memref_squeeze %dma_start3A_1170 : memref<1x1x1x8x128xf32, #tpu.memory_space<hbm>> -> memref<8x128xf32, #tpu.memory_space<hbm>>
      %dma_start3A_1172 = tpu.memref_slice %arg9[%dma_start3A_1163] : memref<4x!tpu.dma_semaphore, #tpu.memory_space<semaphore_mem>> -> memref<1x!tpu.dma_semaphore, #tpu.memory_space<semaphore_mem>>
      %dma_start3A_1173 = tpu.memref_squeeze %dma_start3A_1172 : memref<1x!tpu.dma_semaphore, #tpu.memory_space<semaphore_mem>> -> memref<!tpu.dma_semaphore, #tpu.memory_space<semaphore_mem>>
      %dma_start3A_1174 = arith.constant 0 : i32
      %dma_start3A_1175 = arith.constant 0 : i32
      %dma_start3A_1176 = tpu.memref_slice %arg4[%select_n3A_1158, %dma_start3A_1162, %rem3A_1160, %dma_start3A_1174, %dma_start3A_1175] : memref<50x8x128x8x128xf32, #tpu.memory_space<hbm>> -> memref<1x1x1x8x128xf32, #tpu.memory_space<hbm>>
      %dma_start3A_1177 = tpu.memref_squeeze %dma_start3A_1176 : memref<1x1x1x8x128xf32, #tpu.memory_space<hbm>> -> memref<8x128xf32, #tpu.memory_space<hbm>>
      %dma_start3A_1178 = arith.constant 0 : i32
      %dma_start3A_1179 = arith.constant 0 : i32
      %dma_start3A_1180 = tpu.memref_slice %arg7[%dma_start3A_1161, %dma_start3A_1178, %dma_start3A_1179] : memref<4x64x129xf32, #tpu.memory_space<vmem>> -> memref<1x8x128xf32, #tpu.memory_space<vmem>>
      %dma_start3A_1181 = tpu.memref_squeeze %dma_start3A_1180 : memref<1x8x128xf32, #tpu.memory_space<vmem>> -> memref<8x128xf32, #tpu.memory_space<vmem>>
      tpu.enqueue_dma source(%dma_start3A_1181 : memref<8x128xf32, #tpu.memory_space<vmem>>) target(%dma_start3A_1177 : memref<8x128xf32, #tpu.memory_space<hbm>>) target_semaphore(%dma_start3A_1173 : memref<!tpu.dma_semaphore, #tpu.memory_space<semaphore_mem>>)
      %dma_start3A_1182 = arith.constant 1 : i32
      %dma_start3A_1183 = arith.constant 1 : i32
      %dma_start3A_1184 = arith.constant 1 : i32
      %dma_start3A_1185 = arith.constant 8 : i32
      %dma_start3A_1186 = arith.constant 0 : i32
      %dma_start3A_1187 = tpu.memref_slice %arg7[%dma_start3A_1182, %dma_start3A_1185, %dma_start3A_1186] : memref<4x64x129xf32, #tpu.memory_space<vmem>> -> memref<1x8x128xf32, #tpu.memory_space<vmem>>
      %dma_start3A_1188 = tpu.memref_squeeze %dma_start3A_1187 : memref<1x8x128xf32, #tpu.memory_space<vmem>> -> memref<8x128xf32, #tpu.memory_space<vmem>>
      %dma_start3A_1189 = arith.constant 0 : i32
      %dma_start3A_1190 = arith.constant 0 : i32
      %dma_start3A_1191 = tpu.memref_slice %arg4[%select_n3A_1158, %dma_start3A_1183, %rem3A_1160, %dma_start3A_1189, %dma_start3A_1190] : memref<50x8x128x8x128xf32, #tpu.memory_space<hbm>> -> memref<1x1x1x8x128xf32, #tpu.memory_space<hbm>>
      %dma_start3A_1192 = tpu.memref_squeeze %dma_start3A_1191 : memref<1x1x1x8x128xf32, #tpu.memory_space<hbm>> -> memref<8x128xf32, #tpu.memory_space<hbm>>
      %dma_start3A_1193 = tpu.memref_slice %arg9[%dma_start3A_1184] : memref<4x!tpu.dma_semaphore, #tpu.memory_space<semaphore_mem>> -> memref<1x!tpu.dma_semaphore, #tpu.memory_space<semaphore_mem>>
      %dma_start3A_1194 = tpu.memref_squeeze %dma_start3A_1193 : memref<1x!tpu.dma_semaphore, #tpu.memory_space<semaphore_mem>> -> memref<!tpu.dma_semaphore, #tpu.memory_space<semaphore_mem>>
      %dma_start3A_1195 = arith.constant 0 : i32
      %dma_start3A_1196 = arith.constant 0 : i32
      %dma_start3A_1197 = tpu.memref_slice %arg4[%select_n3A_1158, %dma_start3A_1183, %rem3A_1160, %dma_start3A_1195, %dma_start3A_1196] : memref<50x8x128x8x128xf32, #tpu.memory_space<hbm>> -> memref<1x1x1x8x128xf32, #tpu.memory_space<hbm>>
      %dma_start3A_1198 = tpu.memref_squeeze %dma_start3A_1197 : memref<1x1x1x8x128xf32, #tpu.memory_space<hbm>> -> memref<8x128xf32, #tpu.memory_space<hbm>>
      %dma_start3A_1199 = arith.constant 8 : i32
      %dma_start3A_1200 = arith.constant 0 : i32
      %dma_start3A_1201 = tpu.memref_slice %arg7[%dma_start3A_1182, %dma_start3A_1199, %dma_start3A_1200] : memref<4x64x129xf32, #tpu.memory_space<vmem>> -> memref<1x8x128xf32, #tpu.memory_space<vmem>>
      %dma_start3A_1202 = tpu.memref_squeeze %dma_start3A_1201 : memref<1x8x128xf32, #tpu.memory_space<vmem>> -> memref<8x128xf32, #tpu.memory_space<vmem>>
      tpu.enqueue_dma source(%dma_start3A_1202 : memref<8x128xf32, #tpu.memory_space<vmem>>) target(%dma_start3A_1198 : memref<8x128xf32, #tpu.memory_space<hbm>>) target_semaphore(%dma_start3A_1194 : memref<!tpu.dma_semaphore, #tpu.memory_space<semaphore_mem>>)
      %dma_start3A_1203 = arith.constant 1 : i32
      %dma_start3A_1204 = arith.constant 2 : i32
      %dma_start3A_1205 = arith.constant 1 : i32
      %dma_start3A_1206 = arith.constant 16 : i32
      %dma_start3A_1207 = arith.constant 0 : i32
      %dma_start3A_1208 = tpu.memref_slice %arg7[%dma_start3A_1203, %dma_start3A_1206, %dma_start3A_1207] : memref<4x64x129xf32, #tpu.memory_space<vmem>> -> memref<1x8x128xf32, #tpu.memory_space<vmem>>
      %dma_start3A_1209 = tpu.memref_squeeze %dma_start3A_1208 : memref<1x8x128xf32, #tpu.memory_space<vmem>> -> memref<8x128xf32, #tpu.memory_space<vmem>>
      %dma_start3A_1210 = arith.constant 0 : i32
      %dma_start3A_1211 = arith.constant 0 : i32
      %dma_start3A_1212 = tpu.memref_slice %arg4[%select_n3A_1158, %dma_start3A_1204, %rem3A_1160, %dma_start3A_1210, %dma_start3A_1211] : memref<50x8x128x8x128xf32, #tpu.memory_space<hbm>> -> memref<1x1x1x8x128xf32, #tpu.memory_space<hbm>>
      %dma_start3A_1213 = tpu.memref_squeeze %dma_start3A_1212 : memref<1x1x1x8x128xf32, #tpu.memory_space<hbm>> -> memref<8x128xf32, #tpu.memory_space<hbm>>
      %dma_start3A_1214 = tpu.memref_slice %arg9[%dma_start3A_1205] : memref<4x!tpu.dma_semaphore, #tpu.memory_space<semaphore_mem>> -> memref<1x!tpu.dma_semaphore, #tpu.memory_space<semaphore_mem>>
      %dma_start3A_1215 = tpu.memref_squeeze %dma_start3A_1214 : memref<1x!tpu.dma_semaphore, #tpu.memory_space<semaphore_mem>> -> memref<!tpu.dma_semaphore, #tpu.memory_space<semaphore_mem>>
      %dma_start3A_1216 = arith.constant 0 : i32
      %dma_start3A_1217 = arith.constant 0 : i32
      %dma_start3A_1218 = tpu.memref_slice %arg4[%select_n3A_1158, %dma_start3A_1204, %rem3A_1160, %dma_start3A_1216, %dma_start3A_1217] : memref<50x8x128x8x128xf32, #tpu.memory_space<hbm>> -> memref<1x1x1x8x128xf32, #tpu.memory_space<hbm>>
      %dma_start3A_1219 = tpu.memref_squeeze %dma_start3A_1218 : memref<1x1x1x8x128xf32, #tpu.memory_space<hbm>> -> memref<8x128xf32, #tpu.memory_space<hbm>>
      %dma_start3A_1220 = arith.constant 16 : i32
      %dma_start3A_1221 = arith.constant 0 : i32
      %dma_start3A_1222 = tpu.memref_slice %arg7[%dma_start3A_1203, %dma_start3A_1220, %dma_start3A_1221] : memref<4x64x129xf32, #tpu.memory_space<vmem>> -> memref<1x8x128xf32, #tpu.memory_space<vmem>>
      %dma_start3A_1223 = tpu.memref_squeeze %dma_start3A_1222 : memref<1x8x128xf32, #tpu.memory_space<vmem>> -> memref<8x128xf32, #tpu.memory_space<vmem>>
      tpu.enqueue_dma source(%dma_start3A_1223 : memref<8x128xf32, #tpu.memory_space<vmem>>) target(%dma_start3A_1219 : memref<8x128xf32, #tpu.memory_space<hbm>>) target_semaphore(%dma_start3A_1215 : memref<!tpu.dma_semaphore, #tpu.memory_space<semaphore_mem>>)
      %dma_start3A_1224 = arith.constant 1 : i32
      %dma_start3A_1225 = arith.constant 3 : i32
      %dma_start3A_1226 = arith.constant 1 : i32
      %dma_start3A_1227 = arith.constant 24 : i32
      %dma_start3A_1228 = arith.constant 0 : i32
      %dma_start3A_1229 = tpu.memref_slice %arg7[%dma_start3A_1224, %dma_start3A_1227, %dma_start3A_1228] : memref<4x64x129xf32, #tpu.memory_space<vmem>> -> memref<1x8x128xf32, #tpu.memory_space<vmem>>
      %dma_start3A_1230 = tpu.memref_squeeze %dma_start3A_1229 : memref<1x8x128xf32, #tpu.memory_space<vmem>> -> memref<8x128xf32, #tpu.memory_space<vmem>>
      %dma_start3A_1231 = arith.constant 0 : i32
      %dma_start3A_1232 = arith.constant 0 : i32
      %dma_start3A_1233 = tpu.memref_slice %arg4[%select_n3A_1158, %dma_start3A_1225, %rem3A_1160, %dma_start3A_1231, %dma_start3A_1232] : memref<50x8x128x8x128xf32, #tpu.memory_space<hbm>> -> memref<1x1x1x8x128xf32, #tpu.memory_space<hbm>>
      %dma_start3A_1234 = tpu.memref_squeeze %dma_start3A_1233 : memref<1x1x1x8x128xf32, #tpu.memory_space<hbm>> -> memref<8x128xf32, #tpu.memory_space<hbm>>
      %dma_start3A_1235 = tpu.memref_slice %arg9[%dma_start3A_1226] : memref<4x!tpu.dma_semaphore, #tpu.memory_space<semaphore_mem>> -> memref<1x!tpu.dma_semaphore, #tpu.memory_space<semaphore_mem>>
      %dma_start3A_1236 = tpu.memref_squeeze %dma_start3A_1235 : memref<1x!tpu.dma_semaphore, #tpu.memory_space<semaphore_mem>> -> memref<!tpu.dma_semaphore, #tpu.memory_space<semaphore_mem>>
      %dma_start3A_1237 = arith.constant 0 : i32
      %dma_start3A_1238 = arith.constant 0 : i32
      %dma_start3A_1239 = tpu.memref_slice %arg4[%select_n3A_1158, %dma_start3A_1225, %rem3A_1160, %dma_start3A_1237, %dma_start3A_1238] : memref<50x8x128x8x128xf32, #tpu.memory_space<hbm>> -> memref<1x1x1x8x128xf32, #tpu.memory_space<hbm>>
      %dma_start3A_1240 = tpu.memref_squeeze %dma_start3A_1239 : memref<1x1x1x8x128xf32, #tpu.memory_space<hbm>> -> memref<8x128xf32, #tpu.memory_space<hbm>>
      %dma_start3A_1241 = arith.constant 24 : i32
      %dma_start3A_1242 = arith.constant 0 : i32
      %dma_start3A_1243 = tpu.memref_slice %arg7[%dma_start3A_1224, %dma_start3A_1241, %dma_start3A_1242] : memref<4x64x129xf32, #tpu.memory_space<vmem>> -> memref<1x8x128xf32, #tpu.memory_space<vmem>>
      %dma_start3A_1244 = tpu.memref_squeeze %dma_start3A_1243 : memref<1x8x128xf32, #tpu.memory_space<vmem>> -> memref<8x128xf32, #tpu.memory_space<vmem>>
      tpu.enqueue_dma source(%dma_start3A_1244 : memref<8x128xf32, #tpu.memory_space<vmem>>) target(%dma_start3A_1240 : memref<8x128xf32, #tpu.memory_space<hbm>>) target_semaphore(%dma_start3A_1236 : memref<!tpu.dma_semaphore, #tpu.memory_space<semaphore_mem>>)
      %dma_start3A_1245 = arith.constant 1 : i32
      %dma_start3A_1246 = arith.constant 4 : i32
      %dma_start3A_1247 = arith.constant 1 : i32
      %dma_start3A_1248 = arith.constant 32 : i32
      %dma_start3A_1249 = arith.constant 0 : i32
      %dma_start3A_1250 = tpu.memref_slice %arg7[%dma_start3A_1245, %dma_start3A_1248, %dma_start3A_1249] : memref<4x64x129xf32, #tpu.memory_space<vmem>> -> memref<1x8x128xf32, #tpu.memory_space<vmem>>
      %dma_start3A_1251 = tpu.memref_squeeze %dma_start3A_1250 : memref<1x8x128xf32, #tpu.memory_space<vmem>> -> memref<8x128xf32, #tpu.memory_space<vmem>>
      %dma_start3A_1252 = arith.constant 0 : i32
      %dma_start3A_1253 = arith.constant 0 : i32
      %dma_start3A_1254 = tpu.memref_slice %arg4[%select_n3A_1158, %dma_start3A_1246, %rem3A_1160, %dma_start3A_1252, %dma_start3A_1253] : memref<50x8x128x8x128xf32, #tpu.memory_space<hbm>> -> memref<1x1x1x8x128xf32, #tpu.memory_space<hbm>>
      %dma_start3A_1255 = tpu.memref_squeeze %dma_start3A_1254 : memref<1x1x1x8x128xf32, #tpu.memory_space<hbm>> -> memref<8x128xf32, #tpu.memory_space<hbm>>
      %dma_start3A_1256 = tpu.memref_slice %arg9[%dma_start3A_1247] : memref<4x!tpu.dma_semaphore, #tpu.memory_space<semaphore_mem>> -> memref<1x!tpu.dma_semaphore, #tpu.memory_space<semaphore_mem>>
      %dma_start3A_1257 = tpu.memref_squeeze %dma_start3A_1256 : memref<1x!tpu.dma_semaphore, #tpu.memory_space<semaphore_mem>> -> memref<!tpu.dma_semaphore, #tpu.memory_space<semaphore_mem>>
      %dma_start3A_1258 = arith.constant 0 : i32
      %dma_start3A_1259 = arith.constant 0 : i32
      %dma_start3A_1260 = tpu.memref_slice %arg4[%select_n3A_1158, %dma_start3A_1246, %rem3A_1160, %dma_start3A_1258, %dma_start3A_1259] : memref<50x8x128x8x128xf32, #tpu.memory_space<hbm>> -> memref<1x1x1x8x128xf32, #tpu.memory_space<hbm>>
      %dma_start3A_1261 = tpu.memref_squeeze %dma_start3A_1260 : memref<1x1x1x8x128xf32, #tpu.memory_space<hbm>> -> memref<8x128xf32, #tpu.memory_space<hbm>>
      %dma_start3A_1262 = arith.constant 32 : i32
      %dma_start3A_1263 = arith.constant 0 : i32
      %dma_start3A_1264 = tpu.memref_slice %arg7[%dma_start3A_1245, %dma_start3A_1262, %dma_start3A_1263] : memref<4x64x129xf32, #tpu.memory_space<vmem>> -> memref<1x8x128xf32, #tpu.memory_space<vmem>>
      %dma_start3A_1265 = tpu.memref_squeeze %dma_start3A_1264 : memref<1x8x128xf32, #tpu.memory_space<vmem>> -> memref<8x128xf32, #tpu.memory_space<vmem>>
      tpu.enqueue_dma source(%dma_start3A_1265 : memref<8x128xf32, #tpu.memory_space<vmem>>) target(%dma_start3A_1261 : memref<8x128xf32, #tpu.memory_space<hbm>>) target_semaphore(%dma_start3A_1257 : memref<!tpu.dma_semaphore, #tpu.memory_space<semaphore_mem>>)
      %dma_start3A_1266 = arith.constant 1 : i32
      %dma_start3A_1267 = arith.constant 5 : i32
      %dma_start3A_1268 = arith.constant 1 : i32
      %dma_start3A_1269 = arith.constant 40 : i32
      %dma_start3A_1270 = arith.constant 0 : i32
      %dma_start3A_1271 = tpu.memref_slice %arg7[%dma_start3A_1266, %dma_start3A_1269, %dma_start3A_1270] : memref<4x64x129xf32, #tpu.memory_space<vmem>> -> memref<1x8x128xf32, #tpu.memory_space<vmem>>
      %dma_start3A_1272 = tpu.memref_squeeze %dma_start3A_1271 : memref<1x8x128xf32, #tpu.memory_space<vmem>> -> memref<8x128xf32, #tpu.memory_space<vmem>>
      %dma_start3A_1273 = arith.constant 0 : i32
      %dma_start3A_1274 = arith.constant 0 : i32
      %dma_start3A_1275 = tpu.memref_slice %arg4[%select_n3A_1158, %dma_start3A_1267, %rem3A_1160, %dma_start3A_1273, %dma_start3A_1274] : memref<50x8x128x8x128xf32, #tpu.memory_space<hbm>> -> memref<1x1x1x8x128xf32, #tpu.memory_space<hbm>>
      %dma_start3A_1276 = tpu.memref_squeeze %dma_start3A_1275 : memref<1x1x1x8x128xf32, #tpu.memory_space<hbm>> -> memref<8x128xf32, #tpu.memory_space<hbm>>
      %dma_start3A_1277 = tpu.memref_slice %arg9[%dma_start3A_1268] : memref<4x!tpu.dma_semaphore, #tpu.memory_space<semaphore_mem>> -> memref<1x!tpu.dma_semaphore, #tpu.memory_space<semaphore_mem>>
      %dma_start3A_1278 = tpu.memref_squeeze %dma_start3A_1277 : memref<1x!tpu.dma_semaphore, #tpu.memory_space<semaphore_mem>> -> memref<!tpu.dma_semaphore, #tpu.memory_space<semaphore_mem>>
      %dma_start3A_1279 = arith.constant 0 : i32
      %dma_start3A_1280 = arith.constant 0 : i32
      %dma_start3A_1281 = tpu.memref_slice %arg4[%select_n3A_1158, %dma_start3A_1267, %rem3A_1160, %dma_start3A_1279, %dma_start3A_1280] : memref<50x8x128x8x128xf32, #tpu.memory_space<hbm>> -> memref<1x1x1x8x128xf32, #tpu.memory_space<hbm>>
      %dma_start3A_1282 = tpu.memref_squeeze %dma_start3A_1281 : memref<1x1x1x8x128xf32, #tpu.memory_space<hbm>> -> memref<8x128xf32, #tpu.memory_space<hbm>>
      %dma_start3A_1283 = arith.constant 40 : i32
      %dma_start3A_1284 = arith.constant 0 : i32
      %dma_start3A_1285 = tpu.memref_slice %arg7[%dma_start3A_1266, %dma_start3A_1283, %dma_start3A_1284] : memref<4x64x129xf32, #tpu.memory_space<vmem>> -> memref<1x8x128xf32, #tpu.memory_space<vmem>>
      %dma_start3A_1286 = tpu.memref_squeeze %dma_start3A_1285 : memref<1x8x128xf32, #tpu.memory_space<vmem>> -> memref<8x128xf32, #tpu.memory_space<vmem>>
      tpu.enqueue_dma source(%dma_start3A_1286 : memref<8x128xf32, #tpu.memory_space<vmem>>) target(%dma_start3A_1282 : memref<8x128xf32, #tpu.memory_space<hbm>>) target_semaphore(%dma_start3A_1278 : memref<!tpu.dma_semaphore, #tpu.memory_space<semaphore_mem>>)
      %dma_start3A_1287 = arith.constant 1 : i32
      %dma_start3A_1288 = arith.constant 6 : i32
      %dma_start3A_1289 = arith.constant 1 : i32
      %dma_start3A_1290 = arith.constant 48 : i32
      %dma_start3A_1291 = arith.constant 0 : i32
      %dma_start3A_1292 = tpu.memref_slice %arg7[%dma_start3A_1287, %dma_start3A_1290, %dma_start3A_1291] : memref<4x64x129xf32, #tpu.memory_space<vmem>> -> memref<1x8x128xf32, #tpu.memory_space<vmem>>
      %dma_start3A_1293 = tpu.memref_squeeze %dma_start3A_1292 : memref<1x8x128xf32, #tpu.memory_space<vmem>> -> memref<8x128xf32, #tpu.memory_space<vmem>>
      %dma_start3A_1294 = arith.constant 0 : i32
      %dma_start3A_1295 = arith.constant 0 : i32
      %dma_start3A_1296 = tpu.memref_slice %arg4[%select_n3A_1158, %dma_start3A_1288, %rem3A_1160, %dma_start3A_1294, %dma_start3A_1295] : memref<50x8x128x8x128xf32, #tpu.memory_space<hbm>> -> memref<1x1x1x8x128xf32, #tpu.memory_space<hbm>>
      %dma_start3A_1297 = tpu.memref_squeeze %dma_start3A_1296 : memref<1x1x1x8x128xf32, #tpu.memory_space<hbm>> -> memref<8x128xf32, #tpu.memory_space<hbm>>
      %dma_start3A_1298 = tpu.memref_slice %arg9[%dma_start3A_1289] : memref<4x!tpu.dma_semaphore, #tpu.memory_space<semaphore_mem>> -> memref<1x!tpu.dma_semaphore, #tpu.memory_space<semaphore_mem>>
      %dma_start3A_1299 = tpu.memref_squeeze %dma_start3A_1298 : memref<1x!tpu.dma_semaphore, #tpu.memory_space<semaphore_mem>> -> memref<!tpu.dma_semaphore, #tpu.memory_space<semaphore_mem>>
      %dma_start3A_1300 = arith.constant 0 : i32
      %dma_start3A_1301 = arith.constant 0 : i32
      %dma_start3A_1302 = tpu.memref_slice %arg4[%select_n3A_1158, %dma_start3A_1288, %rem3A_1160, %dma_start3A_1300, %dma_start3A_1301] : memref<50x8x128x8x128xf32, #tpu.memory_space<hbm>> -> memref<1x1x1x8x128xf32, #tpu.memory_space<hbm>>
      %dma_start3A_1303 = tpu.memref_squeeze %dma_start3A_1302 : memref<1x1x1x8x128xf32, #tpu.memory_space<hbm>> -> memref<8x128xf32, #tpu.memory_space<hbm>>
      %dma_start3A_1304 = arith.constant 48 : i32
      %dma_start3A_1305 = arith.constant 0 : i32
      %dma_start3A_1306 = tpu.memref_slice %arg7[%dma_start3A_1287, %dma_start3A_1304, %dma_start3A_1305] : memref<4x64x129xf32, #tpu.memory_space<vmem>> -> memref<1x8x128xf32, #tpu.memory_space<vmem>>
      %dma_start3A_1307 = tpu.memref_squeeze %dma_start3A_1306 : memref<1x8x128xf32, #tpu.memory_space<vmem>> -> memref<8x128xf32, #tpu.memory_space<vmem>>
      tpu.enqueue_dma source(%dma_start3A_1307 : memref<8x128xf32, #tpu.memory_space<vmem>>) target(%dma_start3A_1303 : memref<8x128xf32, #tpu.memory_space<hbm>>) target_semaphore(%dma_start3A_1299 : memref<!tpu.dma_semaphore, #tpu.memory_space<semaphore_mem>>)
      %dma_start3A_1308 = arith.constant 1 : i32
      %dma_start3A_1309 = arith.constant 7 : i32
      %dma_start3A_1310 = arith.constant 1 : i32
      %dma_start3A_1311 = arith.constant 56 : i32
      %dma_start3A_1312 = arith.constant 0 : i32
      %dma_start3A_1313 = tpu.memref_slice %arg7[%dma_start3A_1308, %dma_start3A_1311, %dma_start3A_1312] : memref<4x64x129xf32, #tpu.memory_space<vmem>> -> memref<1x8x128xf32, #tpu.memory_space<vmem>>
      %dma_start3A_1314 = tpu.memref_squeeze %dma_start3A_1313 : memref<1x8x128xf32, #tpu.memory_space<vmem>> -> memref<8x128xf32, #tpu.memory_space<vmem>>
      %dma_start3A_1315 = arith.constant 0 : i32
      %dma_start3A_1316 = arith.constant 0 : i32
      %dma_start3A_1317 = tpu.memref_slice %arg4[%select_n3A_1158, %dma_start3A_1309, %rem3A_1160, %dma_start3A_1315, %dma_start3A_1316] : memref<50x8x128x8x128xf32, #tpu.memory_space<hbm>> -> memref<1x1x1x8x128xf32, #tpu.memory_space<hbm>>
      %dma_start3A_1318 = tpu.memref_squeeze %dma_start3A_1317 : memref<1x1x1x8x128xf32, #tpu.memory_space<hbm>> -> memref<8x128xf32, #tpu.memory_space<hbm>>
      %dma_start3A_1319 = tpu.memref_slice %arg9[%dma_start3A_1310] : memref<4x!tpu.dma_semaphore, #tpu.memory_space<semaphore_mem>> -> memref<1x!tpu.dma_semaphore, #tpu.memory_space<semaphore_mem>>
      %dma_start3A_1320 = tpu.memref_squeeze %dma_start3A_1319 : memref<1x!tpu.dma_semaphore, #tpu.memory_space<semaphore_mem>> -> memref<!tpu.dma_semaphore, #tpu.memory_space<semaphore_mem>>
      %dma_start3A_1321 = arith.constant 0 : i32
      %dma_start3A_1322 = arith.constant 0 : i32
      %dma_start3A_1323 = tpu.memref_slice %arg4[%select_n3A_1158, %dma_start3A_1309, %rem3A_1160, %dma_start3A_1321, %dma_start3A_1322] : memref<50x8x128x8x128xf32, #tpu.memory_space<hbm>> -> memref<1x1x1x8x128xf32, #tpu.memory_space<hbm>>
      %dma_start3A_1324 = tpu.memref_squeeze %dma_start3A_1323 : memref<1x1x1x8x128xf32, #tpu.memory_space<hbm>> -> memref<8x128xf32, #tpu.memory_space<hbm>>
      %dma_start3A_1325 = arith.constant 56 : i32
      %dma_start3A_1326 = arith.constant 0 : i32
      %dma_start3A_1327 = tpu.memref_slice %arg7[%dma_start3A_1308, %dma_start3A_1325, %dma_start3A_1326] : memref<4x64x129xf32, #tpu.memory_space<vmem>> -> memref<1x8x128xf32, #tpu.memory_space<vmem>>
      %dma_start3A_1328 = tpu.memref_squeeze %dma_start3A_1327 : memref<1x8x128xf32, #tpu.memory_space<vmem>> -> memref<8x128xf32, #tpu.memory_space<vmem>>
      tpu.enqueue_dma source(%dma_start3A_1328 : memref<8x128xf32, #tpu.memory_space<vmem>>) target(%dma_start3A_1324 : memref<8x128xf32, #tpu.memory_space<hbm>>) target_semaphore(%dma_start3A_1320 : memref<!tpu.dma_semaphore, #tpu.memory_space<semaphore_mem>>)
      %mul3A_1329 = arith.constant 4 : i32
      %mul3A_1330 = arith.muli %scan3A_837, %mul3A_1329 : i32
      %add3A_1331 = arith.constant 2 : i32
      %add3A_1332 = arith.addi %mul3A_1330, %add3A_1331 : i32
      %lt3A_1333 = arith.constant 49 : i32
      %lt3A_1334 = arith.cmpi slt, %scan3A_837, %lt3A_1333 : i32
      %convert_element_type3A_1335 = arith.extui %lt3A_1334 : i1 to i32
      %cond3A_1336 = arith.constant 0 : i32
      %cond3A_1337 = arith.cmpi ne, %convert_element_type3A_1335, %cond3A_1336 : i32
      scf.if %cond3A_1337 {
        %add3A_1811 = arith.constant 4 : i32
        %add3A_1812 = arith.addi %add3A_1332, %add3A_1811 : i32
        %sub3A_1813 = arith.constant 1 : i32
        %sub3A_1814 = arith.subi %add3A_1812, %sub3A_1813 : i32
        %mul3A_1815 = arith.constant 128 : i32
        %mul3A_1816 = arith.muli %sub3A_1814, %mul3A_1815 : i32
        %multiple_of3A_1817 = tpu.assume_multiple %mul3A_1816, 128 : i32
        %dma_start3A_1818 = arith.constant 1 : i32
        %dma_start3A_1819 = arith.constant 1 : i32
        %dma_start3A_1820 = arith.constant 0 : i32
        %dma_start3A_1821 = arith.constant 0 : i32
        %dma_start3A_1822 = tpu.memref_slice %arg6[%dma_start3A_1818, %dma_start3A_1820, %dma_start3A_1821] : memref<4x128x64xf32, #tpu.memory_space<vmem>> -> memref<1x128x64xf32, #tpu.memory_space<vmem>>
        %dma_start3A_1823 = tpu.memref_squeeze %dma_start3A_1822 : memref<1x128x64xf32, #tpu.memory_space<vmem>> -> memref<128x64xf32, #tpu.memory_space<vmem>>
        %dma_start3A_1824 = tpu.memref_slice %arg5[%multiple_of3A_1817] : memref<25600xi32, #tpu.memory_space<vmem>> -> memref<128xi32, #tpu.memory_space<vmem>>
        %dma_start3A_1825 = arith.constant 0 : i32
        %dma_start3A_1826 = arith.constant 0 : i32
        %dma_start3A_1827 = tpu.memref_slice %arg3[%dma_start3A_1825, %dma_start3A_1826] : memref<1000000x64xf32, #tpu.memory_space<hbm>> -> memref<1000000x64xf32, #tpu.memory_space<hbm>>
        %dma_start3A_1828 = tpu.memref_slice %arg8[%dma_start3A_1819] : memref<4x!tpu.dma_semaphore, #tpu.memory_space<semaphore_mem>> -> memref<1x!tpu.dma_semaphore, #tpu.memory_space<semaphore_mem>>
        %dma_start3A_1829 = tpu.memref_squeeze %dma_start3A_1828 : memref<1x!tpu.dma_semaphore, #tpu.memory_space<semaphore_mem>> -> memref<!tpu.dma_semaphore, #tpu.memory_space<semaphore_mem>>
        tpu.enqueue_indirect_dma source(%dma_start3A_1827 : memref<1000000x64xf32, #tpu.memory_space<hbm>>) target(%dma_start3A_1823 : memref<128x64xf32, #tpu.memory_space<vmem>>) offsets(%dma_start3A_1824 : memref<128xi32, #tpu.memory_space<vmem>>) semaphore(%dma_start3A_1829 : memref<!tpu.dma_semaphore, #tpu.memory_space<semaphore_mem>>)
      } else {
      }
      %mul3A_1338 = arith.constant 128 : i32
      %mul3A_1339 = arith.muli %add3A_1332, %mul3A_1338 : i32
      %multiple_of3A_1340 = tpu.assume_multiple %mul3A_1339, 128 : i32
      %dma_wait3A_1341 = arith.constant 2 : i32
      %dma_wait3A_1342 = arith.constant 2 : i32
      %dma_wait3A_1343 = arith.constant 0 : i32
      %dma_wait3A_1344 = arith.constant 0 : i32
      %dma_wait3A_1345 = tpu.memref_slice %arg6[%dma_wait3A_1341, %dma_wait3A_1343, %dma_wait3A_1344] : memref<4x128x64xf32, #tpu.memory_space<vmem>> -> memref<1x128x64xf32, #tpu.memory_space<vmem>>
      %dma_wait3A_1346 = tpu.memref_squeeze %dma_wait3A_1345 : memref<1x128x64xf32, #tpu.memory_space<vmem>> -> memref<128x64xf32, #tpu.memory_space<vmem>>
      %dma_wait3A_1347 = tpu.memref_slice %arg5[%multiple_of3A_1340] : memref<25600xi32, #tpu.memory_space<vmem>> -> memref<128xi32, #tpu.memory_space<vmem>>
      %dma_wait3A_1348 = arith.constant 0 : i32
      %dma_wait3A_1349 = arith.constant 0 : i32
      %dma_wait3A_1350 = tpu.memref_slice %arg3[%dma_wait3A_1348, %dma_wait3A_1349] : memref<1000000x64xf32, #tpu.memory_space<hbm>> -> memref<1000000x64xf32, #tpu.memory_space<hbm>>
      %dma_wait3A_1351 = tpu.memref_slice %arg8[%dma_wait3A_1342] : memref<4x!tpu.dma_semaphore, #tpu.memory_space<semaphore_mem>> -> memref<1x!tpu.dma_semaphore, #tpu.memory_space<semaphore_mem>>
      %dma_wait3A_1352 = tpu.memref_squeeze %dma_wait3A_1351 : memref<1x!tpu.dma_semaphore, #tpu.memory_space<semaphore_mem>> -> memref<!tpu.dma_semaphore, #tpu.memory_space<semaphore_mem>>
      tpu.wait_indirect_dma semaphore(%dma_wait3A_1352 : memref<!tpu.dma_semaphore, #tpu.memory_space<semaphore_mem>>) src(%dma_wait3A_1350 : memref<1000000x64xf32, #tpu.memory_space<hbm>>) dst(%dma_wait3A_1346 : memref<128x64xf32, #tpu.memory_space<vmem>>)
      %gt3A_1353 = arith.constant 0 : i32
      %gt3A_1354 = arith.cmpi sgt, %scan3A_837, %gt3A_1353 : i32
      %convert_element_type3A_1355 = arith.extui %gt3A_1354 : i1 to i32
      %cond3A_1356 = arith.constant 0 : i32
      %cond3A_1357 = arith.cmpi ne, %convert_element_type3A_1355, %cond3A_1356 : i32
      scf.if %cond3A_1357 {
        %mul3A_1811 = arith.constant 200 : i32
        %mul3A_1812 = arith.muli %add3A, %mul3A_1811 : i32
        %add3A_1813 = arith.addi %mul3A_1812, %add3A_1332 : i32
        %jit3A_1814 = arith.constant 128 : i32
        %div3A_1815 = arith.divsi %add3A_1813, %jit3A_1814 : i32
        %sign3A_1816 = arith.constant 0 : i32
        %sign3A_1817 = arith.cmpi sgt, %add3A_1813, %sign3A_1816 : i32
        %sign3A_1818 = arith.extui %sign3A_1817 : i1 to i32
        %sign3A_1819 = arith.constant 0 : i32
        %sign3A_1820 = arith.cmpi slt, %add3A_1813, %sign3A_1819 : i32
        %sign3A_1821 = arith.extui %sign3A_1820 : i1 to i32
        %sign3A_1822 = arith.subi %sign3A_1818, %sign3A_1821 : i32
        %sign3A_1823 = arith.constant 0 : i32
        %sign3A_1824 = arith.cmpi sgt, %jit3A_1814, %sign3A_1823 : i32
        %sign3A_1825 = arith.extui %sign3A_1824 : i1 to i32
        %sign3A_1826 = arith.constant 0 : i32
        %sign3A_1827 = arith.cmpi slt, %jit3A_1814, %sign3A_1826 : i32
        %sign3A_1828 = arith.extui %sign3A_1827 : i1 to i32
        %sign3A_1829 = arith.subi %sign3A_1825, %sign3A_1828 : i32
        %ne3A_1830 = arith.cmpi ne, %sign3A_1822, %sign3A_1829 : i32
        %rem3A_1831 = arith.remsi %add3A_1813, %jit3A_1814 : i32
        %ne3A_1832 = arith.constant 0 : i32
        %ne3A_1833 = arith.cmpi ne, %rem3A_1831, %ne3A_1832 : i32
        %and3A_1834 = arith.andi %ne3A_1830, %ne3A_1833 : i1
        %sub3A_1835 = arith.constant 1 : i32
        %sub3A_1836 = arith.subi %div3A_1815, %sub3A_1835 : i32
        %select_n3A_1837 = arith.select %and3A_1834, %sub3A_1836, %div3A_1815 : i32
        %rem3A_1838 = arith.constant 128 : i32
        %rem3A_1839 = arith.remsi %add3A_1813, %rem3A_1838 : i32
        %dma_wait3A_1840 = arith.constant 2 : i32
        %dma_wait3A_1841 = arith.constant 0 : i32
        %dma_wait3A_1842 = arith.constant 2 : i32
        %dma_wait3A_1843 = arith.constant 0 : i32
        %dma_wait3A_1844 = arith.constant 0 : i32
        %dma_wait3A_1845 = tpu.memref_slice %arg7[%dma_wait3A_1840, %dma_wait3A_1843, %dma_wait3A_1844] : memref<4x64x129xf32, #tpu.memory_space<vmem>> -> memref<1x8x128xf32, #tpu.memory_space<vmem>>
        %dma_wait3A_1846 = tpu.memref_squeeze %dma_wait3A_1845 : memref<1x8x128xf32, #tpu.memory_space<vmem>> -> memref<8x128xf32, #tpu.memory_space<vmem>>
        %dma_wait3A_1847 = arith.constant 0 : i32
        %dma_wait3A_1848 = arith.constant 0 : i32
        %dma_wait3A_1849 = tpu.memref_slice %arg4[%select_n3A_1837, %dma_wait3A_1841, %rem3A_1839, %dma_wait3A_1847, %dma_wait3A_1848] : memref<50x8x128x8x128xf32, #tpu.memory_space<hbm>> -> memref<1x1x1x8x128xf32, #tpu.memory_space<hbm>>
        %dma_wait3A_1850 = tpu.memref_squeeze %dma_wait3A_1849 : memref<1x1x1x8x128xf32, #tpu.memory_space<hbm>> -> memref<8x128xf32, #tpu.memory_space<hbm>>
        %dma_wait3A_1851 = tpu.memref_slice %arg9[%dma_wait3A_1842] : memref<4x!tpu.dma_semaphore, #tpu.memory_space<semaphore_mem>> -> memref<1x!tpu.dma_semaphore, #tpu.memory_space<semaphore_mem>>
        %dma_wait3A_1852 = tpu.memref_squeeze %dma_wait3A_1851 : memref<1x!tpu.dma_semaphore, #tpu.memory_space<semaphore_mem>> -> memref<!tpu.dma_semaphore, #tpu.memory_space<semaphore_mem>>
        %dma_wait3A_1853 = arith.constant 0 : i32
        %dma_wait3A_1854 = arith.constant 0 : i32
        %dma_wait3A_1855 = tpu.memref_slice %arg4[%select_n3A_1837, %dma_wait3A_1841, %rem3A_1839, %dma_wait3A_1853, %dma_wait3A_1854] : memref<50x8x128x8x128xf32, #tpu.memory_space<hbm>> -> memref<1x1x1x8x128xf32, #tpu.memory_space<hbm>>
        %dma_wait3A_1856 = tpu.memref_squeeze %dma_wait3A_1855 : memref<1x1x1x8x128xf32, #tpu.memory_space<hbm>> -> memref<8x128xf32, #tpu.memory_space<hbm>>
        %dma_wait3A_1857 = arith.constant 0 : i32
        %dma_wait3A_1858 = arith.constant 0 : i32
        %dma_wait3A_1859 = tpu.memref_slice %arg7[%dma_wait3A_1840, %dma_wait3A_1857, %dma_wait3A_1858] : memref<4x64x129xf32, #tpu.memory_space<vmem>> -> memref<1x8x128xf32, #tpu.memory_space<vmem>>
        %dma_wait3A_1860 = tpu.memref_squeeze %dma_wait3A_1859 : memref<1x8x128xf32, #tpu.memory_space<vmem>> -> memref<8x128xf32, #tpu.memory_space<vmem>>
        tpu.wait_dma2 semaphore(%dma_wait3A_1852 : memref<!tpu.dma_semaphore, #tpu.memory_space<semaphore_mem>>) src(%dma_wait3A_1860 : memref<8x128xf32, #tpu.memory_space<vmem>>) dst(%dma_wait3A_1856 : memref<8x128xf32, #tpu.memory_space<hbm>>)
        %dma_wait3A_1861 = arith.constant 2 : i32
        %dma_wait3A_1862 = arith.constant 1 : i32
        %dma_wait3A_1863 = arith.constant 2 : i32
        %dma_wait3A_1864 = arith.constant 8 : i32
        %dma_wait3A_1865 = arith.constant 0 : i32
        %dma_wait3A_1866 = tpu.memref_slice %arg7[%dma_wait3A_1861, %dma_wait3A_1864, %dma_wait3A_1865] : memref<4x64x129xf32, #tpu.memory_space<vmem>> -> memref<1x8x128xf32, #tpu.memory_space<vmem>>
        %dma_wait3A_1867 = tpu.memref_squeeze %dma_wait3A_1866 : memref<1x8x128xf32, #tpu.memory_space<vmem>> -> memref<8x128xf32, #tpu.memory_space<vmem>>
        %dma_wait3A_1868 = arith.constant 0 : i32
        %dma_wait3A_1869 = arith.constant 0 : i32
        %dma_wait3A_1870 = tpu.memref_slice %arg4[%select_n3A_1837, %dma_wait3A_1862, %rem3A_1839, %dma_wait3A_1868, %dma_wait3A_1869] : memref<50x8x128x8x128xf32, #tpu.memory_space<hbm>> -> memref<1x1x1x8x128xf32, #tpu.memory_space<hbm>>
        %dma_wait3A_1871 = tpu.memref_squeeze %dma_wait3A_1870 : memref<1x1x1x8x128xf32, #tpu.memory_space<hbm>> -> memref<8x128xf32, #tpu.memory_space<hbm>>
        %dma_wait3A_1872 = tpu.memref_slice %arg9[%dma_wait3A_1863] : memref<4x!tpu.dma_semaphore, #tpu.memory_space<semaphore_mem>> -> memref<1x!tpu.dma_semaphore, #tpu.memory_space<semaphore_mem>>
        %dma_wait3A_1873 = tpu.memref_squeeze %dma_wait3A_1872 : memref<1x!tpu.dma_semaphore, #tpu.memory_space<semaphore_mem>> -> memref<!tpu.dma_semaphore, #tpu.memory_space<semaphore_mem>>
        %dma_wait3A_1874 = arith.constant 0 : i32
        %dma_wait3A_1875 = arith.constant 0 : i32
        %dma_wait3A_1876 = tpu.memref_slice %arg4[%select_n3A_1837, %dma_wait3A_1862, %rem3A_1839, %dma_wait3A_1874, %dma_wait3A_1875] : memref<50x8x128x8x128xf32, #tpu.memory_space<hbm>> -> memref<1x1x1x8x128xf32, #tpu.memory_space<hbm>>
        %dma_wait3A_1877 = tpu.memref_squeeze %dma_wait3A_1876 : memref<1x1x1x8x128xf32, #tpu.memory_space<hbm>> -> memref<8x128xf32, #tpu.memory_space<hbm>>
        %dma_wait3A_1878 = arith.constant 8 : i32
        %dma_wait3A_1879 = arith.constant 0 : i32
        %dma_wait3A_1880 = tpu.memref_slice %arg7[%dma_wait3A_1861, %dma_wait3A_1878, %dma_wait3A_1879] : memref<4x64x129xf32, #tpu.memory_space<vmem>> -> memref<1x8x128xf32, #tpu.memory_space<vmem>>
        %dma_wait3A_1881 = tpu.memref_squeeze %dma_wait3A_1880 : memref<1x8x128xf32, #tpu.memory_space<vmem>> -> memref<8x128xf32, #tpu.memory_space<vmem>>
        tpu.wait_dma2 semaphore(%dma_wait3A_1873 : memref<!tpu.dma_semaphore, #tpu.memory_space<semaphore_mem>>) src(%dma_wait3A_1881 : memref<8x128xf32, #tpu.memory_space<vmem>>) dst(%dma_wait3A_1877 : memref<8x128xf32, #tpu.memory_space<hbm>>)
        %dma_wait3A_1882 = arith.constant 2 : i32
        %dma_wait3A_1883 = arith.constant 2 : i32
        %dma_wait3A_1884 = arith.constant 2 : i32
        %dma_wait3A_1885 = arith.constant 16 : i32
        %dma_wait3A_1886 = arith.constant 0 : i32
        %dma_wait3A_1887 = tpu.memref_slice %arg7[%dma_wait3A_1882, %dma_wait3A_1885, %dma_wait3A_1886] : memref<4x64x129xf32, #tpu.memory_space<vmem>> -> memref<1x8x128xf32, #tpu.memory_space<vmem>>
        %dma_wait3A_1888 = tpu.memref_squeeze %dma_wait3A_1887 : memref<1x8x128xf32, #tpu.memory_space<vmem>> -> memref<8x128xf32, #tpu.memory_space<vmem>>
        %dma_wait3A_1889 = arith.constant 0 : i32
        %dma_wait3A_1890 = arith.constant 0 : i32
        %dma_wait3A_1891 = tpu.memref_slice %arg4[%select_n3A_1837, %dma_wait3A_1883, %rem3A_1839, %dma_wait3A_1889, %dma_wait3A_1890] : memref<50x8x128x8x128xf32, #tpu.memory_space<hbm>> -> memref<1x1x1x8x128xf32, #tpu.memory_space<hbm>>
        %dma_wait3A_1892 = tpu.memref_squeeze %dma_wait3A_1891 : memref<1x1x1x8x128xf32, #tpu.memory_space<hbm>> -> memref<8x128xf32, #tpu.memory_space<hbm>>
        %dma_wait3A_1893 = tpu.memref_slice %arg9[%dma_wait3A_1884] : memref<4x!tpu.dma_semaphore, #tpu.memory_space<semaphore_mem>> -> memref<1x!tpu.dma_semaphore, #tpu.memory_space<semaphore_mem>>
        %dma_wait3A_1894 = tpu.memref_squeeze %dma_wait3A_1893 : memref<1x!tpu.dma_semaphore, #tpu.memory_space<semaphore_mem>> -> memref<!tpu.dma_semaphore, #tpu.memory_space<semaphore_mem>>
        %dma_wait3A_1895 = arith.constant 0 : i32
        %dma_wait3A_1896 = arith.constant 0 : i32
        %dma_wait3A_1897 = tpu.memref_slice %arg4[%select_n3A_1837, %dma_wait3A_1883, %rem3A_1839, %dma_wait3A_1895, %dma_wait3A_1896] : memref<50x8x128x8x128xf32, #tpu.memory_space<hbm>> -> memref<1x1x1x8x128xf32, #tpu.memory_space<hbm>>
        %dma_wait3A_1898 = tpu.memref_squeeze %dma_wait3A_1897 : memref<1x1x1x8x128xf32, #tpu.memory_space<hbm>> -> memref<8x128xf32, #tpu.memory_space<hbm>>
        %dma_wait3A_1899 = arith.constant 16 : i32
        %dma_wait3A_1900 = arith.constant 0 : i32
        %dma_wait3A_1901 = tpu.memref_slice %arg7[%dma_wait3A_1882, %dma_wait3A_1899, %dma_wait3A_1900] : memref<4x64x129xf32, #tpu.memory_space<vmem>> -> memref<1x8x128xf32, #tpu.memory_space<vmem>>
        %dma_wait3A_1902 = tpu.memref_squeeze %dma_wait3A_1901 : memref<1x8x128xf32, #tpu.memory_space<vmem>> -> memref<8x128xf32, #tpu.memory_space<vmem>>
        tpu.wait_dma2 semaphore(%dma_wait3A_1894 : memref<!tpu.dma_semaphore, #tpu.memory_space<semaphore_mem>>) src(%dma_wait3A_1902 : memref<8x128xf32, #tpu.memory_space<vmem>>) dst(%dma_wait3A_1898 : memref<8x128xf32, #tpu.memory_space<hbm>>)
        %dma_wait3A_1903 = arith.constant 2 : i32
        %dma_wait3A_1904 = arith.constant 3 : i32
        %dma_wait3A_1905 = arith.constant 2 : i32
        %dma_wait3A_1906 = arith.constant 24 : i32
        %dma_wait3A_1907 = arith.constant 0 : i32
        %dma_wait3A_1908 = tpu.memref_slice %arg7[%dma_wait3A_1903, %dma_wait3A_1906, %dma_wait3A_1907] : memref<4x64x129xf32, #tpu.memory_space<vmem>> -> memref<1x8x128xf32, #tpu.memory_space<vmem>>
        %dma_wait3A_1909 = tpu.memref_squeeze %dma_wait3A_1908 : memref<1x8x128xf32, #tpu.memory_space<vmem>> -> memref<8x128xf32, #tpu.memory_space<vmem>>
        %dma_wait3A_1910 = arith.constant 0 : i32
        %dma_wait3A_1911 = arith.constant 0 : i32
        %dma_wait3A_1912 = tpu.memref_slice %arg4[%select_n3A_1837, %dma_wait3A_1904, %rem3A_1839, %dma_wait3A_1910, %dma_wait3A_1911] : memref<50x8x128x8x128xf32, #tpu.memory_space<hbm>> -> memref<1x1x1x8x128xf32, #tpu.memory_space<hbm>>
        %dma_wait3A_1913 = tpu.memref_squeeze %dma_wait3A_1912 : memref<1x1x1x8x128xf32, #tpu.memory_space<hbm>> -> memref<8x128xf32, #tpu.memory_space<hbm>>
        %dma_wait3A_1914 = tpu.memref_slice %arg9[%dma_wait3A_1905] : memref<4x!tpu.dma_semaphore, #tpu.memory_space<semaphore_mem>> -> memref<1x!tpu.dma_semaphore, #tpu.memory_space<semaphore_mem>>
        %dma_wait3A_1915 = tpu.memref_squeeze %dma_wait3A_1914 : memref<1x!tpu.dma_semaphore, #tpu.memory_space<semaphore_mem>> -> memref<!tpu.dma_semaphore, #tpu.memory_space<semaphore_mem>>
        %dma_wait3A_1916 = arith.constant 0 : i32
        %dma_wait3A_1917 = arith.constant 0 : i32
        %dma_wait3A_1918 = tpu.memref_slice %arg4[%select_n3A_1837, %dma_wait3A_1904, %rem3A_1839, %dma_wait3A_1916, %dma_wait3A_1917] : memref<50x8x128x8x128xf32, #tpu.memory_space<hbm>> -> memref<1x1x1x8x128xf32, #tpu.memory_space<hbm>>
        %dma_wait3A_1919 = tpu.memref_squeeze %dma_wait3A_1918 : memref<1x1x1x8x128xf32, #tpu.memory_space<hbm>> -> memref<8x128xf32, #tpu.memory_space<hbm>>
        %dma_wait3A_1920 = arith.constant 24 : i32
        %dma_wait3A_1921 = arith.constant 0 : i32
        %dma_wait3A_1922 = tpu.memref_slice %arg7[%dma_wait3A_1903, %dma_wait3A_1920, %dma_wait3A_1921] : memref<4x64x129xf32, #tpu.memory_space<vmem>> -> memref<1x8x128xf32, #tpu.memory_space<vmem>>
        %dma_wait3A_1923 = tpu.memref_squeeze %dma_wait3A_1922 : memref<1x8x128xf32, #tpu.memory_space<vmem>> -> memref<8x128xf32, #tpu.memory_space<vmem>>
        tpu.wait_dma2 semaphore(%dma_wait3A_1915 : memref<!tpu.dma_semaphore, #tpu.memory_space<semaphore_mem>>) src(%dma_wait3A_1923 : memref<8x128xf32, #tpu.memory_space<vmem>>) dst(%dma_wait3A_1919 : memref<8x128xf32, #tpu.memory_space<hbm>>)
        %dma_wait3A_1924 = arith.constant 2 : i32
        %dma_wait3A_1925 = arith.constant 4 : i32
        %dma_wait3A_1926 = arith.constant 2 : i32
        %dma_wait3A_1927 = arith.constant 32 : i32
        %dma_wait3A_1928 = arith.constant 0 : i32
        %dma_wait3A_1929 = tpu.memref_slice %arg7[%dma_wait3A_1924, %dma_wait3A_1927, %dma_wait3A_1928] : memref<4x64x129xf32, #tpu.memory_space<vmem>> -> memref<1x8x128xf32, #tpu.memory_space<vmem>>
        %dma_wait3A_1930 = tpu.memref_squeeze %dma_wait3A_1929 : memref<1x8x128xf32, #tpu.memory_space<vmem>> -> memref<8x128xf32, #tpu.memory_space<vmem>>
        %dma_wait3A_1931 = arith.constant 0 : i32
        %dma_wait3A_1932 = arith.constant 0 : i32
        %dma_wait3A_1933 = tpu.memref_slice %arg4[%select_n3A_1837, %dma_wait3A_1925, %rem3A_1839, %dma_wait3A_1931, %dma_wait3A_1932] : memref<50x8x128x8x128xf32, #tpu.memory_space<hbm>> -> memref<1x1x1x8x128xf32, #tpu.memory_space<hbm>>
        %dma_wait3A_1934 = tpu.memref_squeeze %dma_wait3A_1933 : memref<1x1x1x8x128xf32, #tpu.memory_space<hbm>> -> memref<8x128xf32, #tpu.memory_space<hbm>>
        %dma_wait3A_1935 = tpu.memref_slice %arg9[%dma_wait3A_1926] : memref<4x!tpu.dma_semaphore, #tpu.memory_space<semaphore_mem>> -> memref<1x!tpu.dma_semaphore, #tpu.memory_space<semaphore_mem>>
        %dma_wait3A_1936 = tpu.memref_squeeze %dma_wait3A_1935 : memref<1x!tpu.dma_semaphore, #tpu.memory_space<semaphore_mem>> -> memref<!tpu.dma_semaphore, #tpu.memory_space<semaphore_mem>>
        %dma_wait3A_1937 = arith.constant 0 : i32
        %dma_wait3A_1938 = arith.constant 0 : i32
        %dma_wait3A_1939 = tpu.memref_slice %arg4[%select_n3A_1837, %dma_wait3A_1925, %rem3A_1839, %dma_wait3A_1937, %dma_wait3A_1938] : memref<50x8x128x8x128xf32, #tpu.memory_space<hbm>> -> memref<1x1x1x8x128xf32, #tpu.memory_space<hbm>>
        %dma_wait3A_1940 = tpu.memref_squeeze %dma_wait3A_1939 : memref<1x1x1x8x128xf32, #tpu.memory_space<hbm>> -> memref<8x128xf32, #tpu.memory_space<hbm>>
        %dma_wait3A_1941 = arith.constant 32 : i32
        %dma_wait3A_1942 = arith.constant 0 : i32
        %dma_wait3A_1943 = tpu.memref_slice %arg7[%dma_wait3A_1924, %dma_wait3A_1941, %dma_wait3A_1942] : memref<4x64x129xf32, #tpu.memory_space<vmem>> -> memref<1x8x128xf32, #tpu.memory_space<vmem>>
        %dma_wait3A_1944 = tpu.memref_squeeze %dma_wait3A_1943 : memref<1x8x128xf32, #tpu.memory_space<vmem>> -> memref<8x128xf32, #tpu.memory_space<vmem>>
        tpu.wait_dma2 semaphore(%dma_wait3A_1936 : memref<!tpu.dma_semaphore, #tpu.memory_space<semaphore_mem>>) src(%dma_wait3A_1944 : memref<8x128xf32, #tpu.memory_space<vmem>>) dst(%dma_wait3A_1940 : memref<8x128xf32, #tpu.memory_space<hbm>>)
        %dma_wait3A_1945 = arith.constant 2 : i32
        %dma_wait3A_1946 = arith.constant 5 : i32
        %dma_wait3A_1947 = arith.constant 2 : i32
        %dma_wait3A_1948 = arith.constant 40 : i32
        %dma_wait3A_1949 = arith.constant 0 : i32
        %dma_wait3A_1950 = tpu.memref_slice %arg7[%dma_wait3A_1945, %dma_wait3A_1948, %dma_wait3A_1949] : memref<4x64x129xf32, #tpu.memory_space<vmem>> -> memref<1x8x128xf32, #tpu.memory_space<vmem>>
        %dma_wait3A_1951 = tpu.memref_squeeze %dma_wait3A_1950 : memref<1x8x128xf32, #tpu.memory_space<vmem>> -> memref<8x128xf32, #tpu.memory_space<vmem>>
        %dma_wait3A_1952 = arith.constant 0 : i32
        %dma_wait3A_1953 = arith.constant 0 : i32
        %dma_wait3A_1954 = tpu.memref_slice %arg4[%select_n3A_1837, %dma_wait3A_1946, %rem3A_1839, %dma_wait3A_1952, %dma_wait3A_1953] : memref<50x8x128x8x128xf32, #tpu.memory_space<hbm>> -> memref<1x1x1x8x128xf32, #tpu.memory_space<hbm>>
        %dma_wait3A_1955 = tpu.memref_squeeze %dma_wait3A_1954 : memref<1x1x1x8x128xf32, #tpu.memory_space<hbm>> -> memref<8x128xf32, #tpu.memory_space<hbm>>
        %dma_wait3A_1956 = tpu.memref_slice %arg9[%dma_wait3A_1947] : memref<4x!tpu.dma_semaphore, #tpu.memory_space<semaphore_mem>> -> memref<1x!tpu.dma_semaphore, #tpu.memory_space<semaphore_mem>>
        %dma_wait3A_1957 = tpu.memref_squeeze %dma_wait3A_1956 : memref<1x!tpu.dma_semaphore, #tpu.memory_space<semaphore_mem>> -> memref<!tpu.dma_semaphore, #tpu.memory_space<semaphore_mem>>
        %dma_wait3A_1958 = arith.constant 0 : i32
        %dma_wait3A_1959 = arith.constant 0 : i32
        %dma_wait3A_1960 = tpu.memref_slice %arg4[%select_n3A_1837, %dma_wait3A_1946, %rem3A_1839, %dma_wait3A_1958, %dma_wait3A_1959] : memref<50x8x128x8x128xf32, #tpu.memory_space<hbm>> -> memref<1x1x1x8x128xf32, #tpu.memory_space<hbm>>
        %dma_wait3A_1961 = tpu.memref_squeeze %dma_wait3A_1960 : memref<1x1x1x8x128xf32, #tpu.memory_space<hbm>> -> memref<8x128xf32, #tpu.memory_space<hbm>>
        %dma_wait3A_1962 = arith.constant 40 : i32
        %dma_wait3A_1963 = arith.constant 0 : i32
        %dma_wait3A_1964 = tpu.memref_slice %arg7[%dma_wait3A_1945, %dma_wait3A_1962, %dma_wait3A_1963] : memref<4x64x129xf32, #tpu.memory_space<vmem>> -> memref<1x8x128xf32, #tpu.memory_space<vmem>>
        %dma_wait3A_1965 = tpu.memref_squeeze %dma_wait3A_1964 : memref<1x8x128xf32, #tpu.memory_space<vmem>> -> memref<8x128xf32, #tpu.memory_space<vmem>>
        tpu.wait_dma2 semaphore(%dma_wait3A_1957 : memref<!tpu.dma_semaphore, #tpu.memory_space<semaphore_mem>>) src(%dma_wait3A_1965 : memref<8x128xf32, #tpu.memory_space<vmem>>) dst(%dma_wait3A_1961 : memref<8x128xf32, #tpu.memory_space<hbm>>)
        %dma_wait3A_1966 = arith.constant 2 : i32
        %dma_wait3A_1967 = arith.constant 6 : i32
        %dma_wait3A_1968 = arith.constant 2 : i32
        %dma_wait3A_1969 = arith.constant 48 : i32
        %dma_wait3A_1970 = arith.constant 0 : i32
        %dma_wait3A_1971 = tpu.memref_slice %arg7[%dma_wait3A_1966, %dma_wait3A_1969, %dma_wait3A_1970] : memref<4x64x129xf32, #tpu.memory_space<vmem>> -> memref<1x8x128xf32, #tpu.memory_space<vmem>>
        %dma_wait3A_1972 = tpu.memref_squeeze %dma_wait3A_1971 : memref<1x8x128xf32, #tpu.memory_space<vmem>> -> memref<8x128xf32, #tpu.memory_space<vmem>>
        %dma_wait3A_1973 = arith.constant 0 : i32
        %dma_wait3A_1974 = arith.constant 0 : i32
        %dma_wait3A_1975 = tpu.memref_slice %arg4[%select_n3A_1837, %dma_wait3A_1967, %rem3A_1839, %dma_wait3A_1973, %dma_wait3A_1974] : memref<50x8x128x8x128xf32, #tpu.memory_space<hbm>> -> memref<1x1x1x8x128xf32, #tpu.memory_space<hbm>>
        %dma_wait3A_1976 = tpu.memref_squeeze %dma_wait3A_1975 : memref<1x1x1x8x128xf32, #tpu.memory_space<hbm>> -> memref<8x128xf32, #tpu.memory_space<hbm>>
        %dma_wait3A_1977 = tpu.memref_slice %arg9[%dma_wait3A_1968] : memref<4x!tpu.dma_semaphore, #tpu.memory_space<semaphore_mem>> -> memref<1x!tpu.dma_semaphore, #tpu.memory_space<semaphore_mem>>
        %dma_wait3A_1978 = tpu.memref_squeeze %dma_wait3A_1977 : memref<1x!tpu.dma_semaphore, #tpu.memory_space<semaphore_mem>> -> memref<!tpu.dma_semaphore, #tpu.memory_space<semaphore_mem>>
        %dma_wait3A_1979 = arith.constant 0 : i32
        %dma_wait3A_1980 = arith.constant 0 : i32
        %dma_wait3A_1981 = tpu.memref_slice %arg4[%select_n3A_1837, %dma_wait3A_1967, %rem3A_1839, %dma_wait3A_1979, %dma_wait3A_1980] : memref<50x8x128x8x128xf32, #tpu.memory_space<hbm>> -> memref<1x1x1x8x128xf32, #tpu.memory_space<hbm>>
        %dma_wait3A_1982 = tpu.memref_squeeze %dma_wait3A_1981 : memref<1x1x1x8x128xf32, #tpu.memory_space<hbm>> -> memref<8x128xf32, #tpu.memory_space<hbm>>
        %dma_wait3A_1983 = arith.constant 48 : i32
        %dma_wait3A_1984 = arith.constant 0 : i32
        %dma_wait3A_1985 = tpu.memref_slice %arg7[%dma_wait3A_1966, %dma_wait3A_1983, %dma_wait3A_1984] : memref<4x64x129xf32, #tpu.memory_space<vmem>> -> memref<1x8x128xf32, #tpu.memory_space<vmem>>
        %dma_wait3A_1986 = tpu.memref_squeeze %dma_wait3A_1985 : memref<1x8x128xf32, #tpu.memory_space<vmem>> -> memref<8x128xf32, #tpu.memory_space<vmem>>
        tpu.wait_dma2 semaphore(%dma_wait3A_1978 : memref<!tpu.dma_semaphore, #tpu.memory_space<semaphore_mem>>) src(%dma_wait3A_1986 : memref<8x128xf32, #tpu.memory_space<vmem>>) dst(%dma_wait3A_1982 : memref<8x128xf32, #tpu.memory_space<hbm>>)
        %dma_wait3A_1987 = arith.constant 2 : i32
        %dma_wait3A_1988 = arith.constant 7 : i32
        %dma_wait3A_1989 = arith.constant 2 : i32
        %dma_wait3A_1990 = arith.constant 56 : i32
        %dma_wait3A_1991 = arith.constant 0 : i32
        %dma_wait3A_1992 = tpu.memref_slice %arg7[%dma_wait3A_1987, %dma_wait3A_1990, %dma_wait3A_1991] : memref<4x64x129xf32, #tpu.memory_space<vmem>> -> memref<1x8x128xf32, #tpu.memory_space<vmem>>
        %dma_wait3A_1993 = tpu.memref_squeeze %dma_wait3A_1992 : memref<1x8x128xf32, #tpu.memory_space<vmem>> -> memref<8x128xf32, #tpu.memory_space<vmem>>
        %dma_wait3A_1994 = arith.constant 0 : i32
        %dma_wait3A_1995 = arith.constant 0 : i32
        %dma_wait3A_1996 = tpu.memref_slice %arg4[%select_n3A_1837, %dma_wait3A_1988, %rem3A_1839, %dma_wait3A_1994, %dma_wait3A_1995] : memref<50x8x128x8x128xf32, #tpu.memory_space<hbm>> -> memref<1x1x1x8x128xf32, #tpu.memory_space<hbm>>
        %dma_wait3A_1997 = tpu.memref_squeeze %dma_wait3A_1996 : memref<1x1x1x8x128xf32, #tpu.memory_space<hbm>> -> memref<8x128xf32, #tpu.memory_space<hbm>>
        %dma_wait3A_1998 = tpu.memref_slice %arg9[%dma_wait3A_1989] : memref<4x!tpu.dma_semaphore, #tpu.memory_space<semaphore_mem>> -> memref<1x!tpu.dma_semaphore, #tpu.memory_space<semaphore_mem>>
        %dma_wait3A_1999 = tpu.memref_squeeze %dma_wait3A_1998 : memref<1x!tpu.dma_semaphore, #tpu.memory_space<semaphore_mem>> -> memref<!tpu.dma_semaphore, #tpu.memory_space<semaphore_mem>>
        %dma_wait3A_2000 = arith.constant 0 : i32
        %dma_wait3A_2001 = arith.constant 0 : i32
        %dma_wait3A_2002 = tpu.memref_slice %arg4[%select_n3A_1837, %dma_wait3A_1988, %rem3A_1839, %dma_wait3A_2000, %dma_wait3A_2001] : memref<50x8x128x8x128xf32, #tpu.memory_space<hbm>> -> memref<1x1x1x8x128xf32, #tpu.memory_space<hbm>>
        %dma_wait3A_2003 = tpu.memref_squeeze %dma_wait3A_2002 : memref<1x1x1x8x128xf32, #tpu.memory_space<hbm>> -> memref<8x128xf32, #tpu.memory_space<hbm>>
        %dma_wait3A_2004 = arith.constant 56 : i32
        %dma_wait3A_2005 = arith.constant 0 : i32
        %dma_wait3A_2006 = tpu.memref_slice %arg7[%dma_wait3A_1987, %dma_wait3A_2004, %dma_wait3A_2005] : memref<4x64x129xf32, #tpu.memory_space<vmem>> -> memref<1x8x128xf32, #tpu.memory_space<vmem>>
        %dma_wait3A_2007 = tpu.memref_squeeze %dma_wait3A_2006 : memref<1x8x128xf32, #tpu.memory_space<vmem>> -> memref<8x128xf32, #tpu.memory_space<vmem>>
        tpu.wait_dma2 semaphore(%dma_wait3A_1999 : memref<!tpu.dma_semaphore, #tpu.memory_space<semaphore_mem>>) src(%dma_wait3A_2007 : memref<8x128xf32, #tpu.memory_space<vmem>>) dst(%dma_wait3A_2003 : memref<8x128xf32, #tpu.memory_space<hbm>>)
      } else {
      }
      %add3A_1358 = arith.constant 0 : i32
      %add3A_1359 = vector.broadcast %add3A_1358 : i32 to vector<16xi32>
      %add3A_1360 = arith.addi %iota3A, %add3A_1359 : vector<16xi32>
      %add3A_1361 = arith.constant 16 : i32
      %add3A_1362 = vector.broadcast %add3A_1361 : i32 to vector<16xi32>
      %add3A_1363 = arith.addi %iota3A, %add3A_1362 : vector<16xi32>
      %add3A_1364 = arith.constant 32 : i32
      %add3A_1365 = vector.broadcast %add3A_1364 : i32 to vector<16xi32>
      %add3A_1366 = arith.addi %iota3A, %add3A_1365 : vector<16xi32>
      %add3A_1367 = arith.constant 48 : i32
      %add3A_1368 = vector.broadcast %add3A_1367 : i32 to vector<16xi32>
      %add3A_1369 = arith.addi %iota3A, %add3A_1368 : vector<16xi32>
      %parallel_loop3A_1370 = arith.constant 0 : i32
      %parallel_loop3A_1371 = arith.constant 128 : i32
      %parallel_loop3A_1372 = arith.constant 1 : i32
      scf.for %parallel_loop3A_1811 = %parallel_loop3A_1370 to %parallel_loop3A_1371 step %parallel_loop3A_1372  : i32 {
        %parallel_loop3A_1812 = vector.broadcast %parallel_loop3A_1811 : i32 to vector<16xi32>
        %parallel_loop3A_1813 = arith.addi %mul3A_3, %parallel_loop3A_1812 : vector<16xi32>
        %parallel_loop3A_1814 = arith.constant 2 : i32
        %parallel_loop3A_1815 = arith.index_cast %parallel_loop3A_1814 : i32 to index
        %parallel_loop3A_1816 = arith.index_cast %parallel_loop3A_1811 : i32 to index
        %parallel_loop3A_1817 = arith.constant 0 : index
        %parallel_loop3A_1818 = tpu.vector_load %arg6[%parallel_loop3A_1815, %parallel_loop3A_1816, %parallel_loop3A_1817] {strides = array<i32>} : memref<4x128x64xf32, #tpu.memory_space<vmem>>, vector<16xf32>,
        %parallel_loop3A_1819 = arith.constant 2 : i32
        %parallel_loop3A_1820 = arith.constant 0 : i32
        %parallel_loop3A_1821 = arith.constant 0 : i32
        %parallel_loop3A_1822 = tpu.memref_slice %arg7[%parallel_loop3A_1819, %parallel_loop3A_1820, %parallel_loop3A_1821] : memref<4x64x129xf32, #tpu.memory_space<vmem>> -> memref<1x64x129xf32, #tpu.memory_space<vmem>>
        %parallel_loop3A_1823 = tpu.memref_squeeze %parallel_loop3A_1822 : memref<1x64x129xf32, #tpu.memory_space<vmem>> -> memref<64x129xf32, #tpu.memory_space<vmem>>
        tpu.vector_store_idx %parallel_loop3A_1823[%add3A_1360, %parallel_loop3A_1813], %parallel_loop3A_1818 : memref<64x129xf32, #tpu.memory_space<vmem>>[vector<16xi32>, vector<16xi32>], vector<16xf32>,
        %parallel_loop3A_1824 = arith.constant 2 : i32
        %parallel_loop3A_1825 = arith.index_cast %parallel_loop3A_1824 : i32 to index
        %parallel_loop3A_1826 = arith.index_cast %parallel_loop3A_1811 : i32 to index
        %parallel_loop3A_1827 = arith.constant 16 : index
        %parallel_loop3A_1828 = tpu.vector_load %arg6[%parallel_loop3A_1825, %parallel_loop3A_1826, %parallel_loop3A_1827] {strides = array<i32>} : memref<4x128x64xf32, #tpu.memory_space<vmem>>, vector<16xf32>,
        %parallel_loop3A_1829 = arith.constant 2 : i32
        %parallel_loop3A_1830 = arith.constant 0 : i32
        %parallel_loop3A_1831 = arith.constant 0 : i32
        %parallel_loop3A_1832 = tpu.memref_slice %arg7[%parallel_loop3A_1829, %parallel_loop3A_1830, %parallel_loop3A_1831] : memref<4x64x129xf32, #tpu.memory_space<vmem>> -> memref<1x64x129xf32, #tpu.memory_space<vmem>>
        %parallel_loop3A_1833 = tpu.memref_squeeze %parallel_loop3A_1832 : memref<1x64x129xf32, #tpu.memory_space<vmem>> -> memref<64x129xf32, #tpu.memory_space<vmem>>
        tpu.vector_store_idx %parallel_loop3A_1833[%add3A_1363, %parallel_loop3A_1813], %parallel_loop3A_1828 : memref<64x129xf32, #tpu.memory_space<vmem>>[vector<16xi32>, vector<16xi32>], vector<16xf32>,
        %parallel_loop3A_1834 = arith.constant 2 : i32
        %parallel_loop3A_1835 = arith.index_cast %parallel_loop3A_1834 : i32 to index
        %parallel_loop3A_1836 = arith.index_cast %parallel_loop3A_1811 : i32 to index
        %parallel_loop3A_1837 = arith.constant 32 : index
        %parallel_loop3A_1838 = tpu.vector_load %arg6[%parallel_loop3A_1835, %parallel_loop3A_1836, %parallel_loop3A_1837] {strides = array<i32>} : memref<4x128x64xf32, #tpu.memory_space<vmem>>, vector<16xf32>,
        %parallel_loop3A_1839 = arith.constant 2 : i32
        %parallel_loop3A_1840 = arith.constant 0 : i32
        %parallel_loop3A_1841 = arith.constant 0 : i32
        %parallel_loop3A_1842 = tpu.memref_slice %arg7[%parallel_loop3A_1839, %parallel_loop3A_1840, %parallel_loop3A_1841] : memref<4x64x129xf32, #tpu.memory_space<vmem>> -> memref<1x64x129xf32, #tpu.memory_space<vmem>>
        %parallel_loop3A_1843 = tpu.memref_squeeze %parallel_loop3A_1842 : memref<1x64x129xf32, #tpu.memory_space<vmem>> -> memref<64x129xf32, #tpu.memory_space<vmem>>
        tpu.vector_store_idx %parallel_loop3A_1843[%add3A_1366, %parallel_loop3A_1813], %parallel_loop3A_1838 : memref<64x129xf32, #tpu.memory_space<vmem>>[vector<16xi32>, vector<16xi32>], vector<16xf32>,
        %parallel_loop3A_1844 = arith.constant 2 : i32
        %parallel_loop3A_1845 = arith.index_cast %parallel_loop3A_1844 : i32 to index
        %parallel_loop3A_1846 = arith.index_cast %parallel_loop3A_1811 : i32 to index
        %parallel_loop3A_1847 = arith.constant 48 : index
        %parallel_loop3A_1848 = tpu.vector_load %arg6[%parallel_loop3A_1845, %parallel_loop3A_1846, %parallel_loop3A_1847] {strides = array<i32>} : memref<4x128x64xf32, #tpu.memory_space<vmem>>, vector<16xf32>,
        %parallel_loop3A_1849 = arith.constant 2 : i32
        %parallel_loop3A_1850 = arith.constant 0 : i32
        %parallel_loop3A_1851 = arith.constant 0 : i32
        %parallel_loop3A_1852 = tpu.memref_slice %arg7[%parallel_loop3A_1849, %parallel_loop3A_1850, %parallel_loop3A_1851] : memref<4x64x129xf32, #tpu.memory_space<vmem>> -> memref<1x64x129xf32, #tpu.memory_space<vmem>>
        %parallel_loop3A_1853 = tpu.memref_squeeze %parallel_loop3A_1852 : memref<1x64x129xf32, #tpu.memory_space<vmem>> -> memref<64x129xf32, #tpu.memory_space<vmem>>
        tpu.vector_store_idx %parallel_loop3A_1853[%add3A_1369, %parallel_loop3A_1813], %parallel_loop3A_1848 : memref<64x129xf32, #tpu.memory_space<vmem>>[vector<16xi32>, vector<16xi32>], vector<16xf32>,
      } {sc.loop_unroll_factor = 1 : i64, sc.parallel_access}
      %mul3A_1373 = arith.constant 200 : i32
      %mul3A_1374 = arith.muli %add3A, %mul3A_1373 : i32
      %add3A_1375 = arith.addi %mul3A_1374, %add3A_1332 : i32
      %jit3A_1376 = arith.constant 128 : i32
      %div3A_1377 = arith.divsi %add3A_1375, %jit3A_1376 : i32
      %sign3A_1378 = arith.constant 0 : i32
      %sign3A_1379 = arith.cmpi sgt, %add3A_1375, %sign3A_1378 : i32
      %sign3A_1380 = arith.extui %sign3A_1379 : i1 to i32
      %sign3A_1381 = arith.constant 0 : i32
      %sign3A_1382 = arith.cmpi slt, %add3A_1375, %sign3A_1381 : i32
      %sign3A_1383 = arith.extui %sign3A_1382 : i1 to i32
      %sign3A_1384 = arith.subi %sign3A_1380, %sign3A_1383 : i32
      %sign3A_1385 = arith.constant 0 : i32
      %sign3A_1386 = arith.cmpi sgt, %jit3A_1376, %sign3A_1385 : i32
      %sign3A_1387 = arith.extui %sign3A_1386 : i1 to i32
      %sign3A_1388 = arith.constant 0 : i32
      %sign3A_1389 = arith.cmpi slt, %jit3A_1376, %sign3A_1388 : i32
      %sign3A_1390 = arith.extui %sign3A_1389 : i1 to i32
      %sign3A_1391 = arith.subi %sign3A_1387, %sign3A_1390 : i32
      %ne3A_1392 = arith.cmpi ne, %sign3A_1384, %sign3A_1391 : i32
      %rem3A_1393 = arith.remsi %add3A_1375, %jit3A_1376 : i32
      %ne3A_1394 = arith.constant 0 : i32
      %ne3A_1395 = arith.cmpi ne, %rem3A_1393, %ne3A_1394 : i32
      %and3A_1396 = arith.andi %ne3A_1392, %ne3A_1395 : i1
      %sub3A_1397 = arith.constant 1 : i32
      %sub3A_1398 = arith.subi %div3A_1377, %sub3A_1397 : i32
      %select_n3A_1399 = arith.select %and3A_1396, %sub3A_1398, %div3A_1377 : i32
      %rem3A_1400 = arith.constant 128 : i32
      %rem3A_1401 = arith.remsi %add3A_1375, %rem3A_1400 : i32
      %dma_start3A_1402 = arith.constant 2 : i32
      %dma_start3A_1403 = arith.constant 0 : i32
      %dma_start3A_1404 = arith.constant 2 : i32
      %dma_start3A_1405 = arith.constant 0 : i32
      %dma_start3A_1406 = arith.constant 0 : i32
      %dma_start3A_1407 = tpu.memref_slice %arg7[%dma_start3A_1402, %dma_start3A_1405, %dma_start3A_1406] : memref<4x64x129xf32, #tpu.memory_space<vmem>> -> memref<1x8x128xf32, #tpu.memory_space<vmem>>
      %dma_start3A_1408 = tpu.memref_squeeze %dma_start3A_1407 : memref<1x8x128xf32, #tpu.memory_space<vmem>> -> memref<8x128xf32, #tpu.memory_space<vmem>>
      %dma_start3A_1409 = arith.constant 0 : i32
      %dma_start3A_1410 = arith.constant 0 : i32
      %dma_start3A_1411 = tpu.memref_slice %arg4[%select_n3A_1399, %dma_start3A_1403, %rem3A_1401, %dma_start3A_1409, %dma_start3A_1410] : memref<50x8x128x8x128xf32, #tpu.memory_space<hbm>> -> memref<1x1x1x8x128xf32, #tpu.memory_space<hbm>>
      %dma_start3A_1412 = tpu.memref_squeeze %dma_start3A_1411 : memref<1x1x1x8x128xf32, #tpu.memory_space<hbm>> -> memref<8x128xf32, #tpu.memory_space<hbm>>
      %dma_start3A_1413 = tpu.memref_slice %arg9[%dma_start3A_1404] : memref<4x!tpu.dma_semaphore, #tpu.memory_space<semaphore_mem>> -> memref<1x!tpu.dma_semaphore, #tpu.memory_space<semaphore_mem>>
      %dma_start3A_1414 = tpu.memref_squeeze %dma_start3A_1413 : memref<1x!tpu.dma_semaphore, #tpu.memory_space<semaphore_mem>> -> memref<!tpu.dma_semaphore, #tpu.memory_space<semaphore_mem>>
      %dma_start3A_1415 = arith.constant 0 : i32
      %dma_start3A_1416 = arith.constant 0 : i32
      %dma_start3A_1417 = tpu.memref_slice %arg4[%select_n3A_1399, %dma_start3A_1403, %rem3A_1401, %dma_start3A_1415, %dma_start3A_1416] : memref<50x8x128x8x128xf32, #tpu.memory_space<hbm>> -> memref<1x1x1x8x128xf32, #tpu.memory_space<hbm>>
      %dma_start3A_1418 = tpu.memref_squeeze %dma_start3A_1417 : memref<1x1x1x8x128xf32, #tpu.memory_space<hbm>> -> memref<8x128xf32, #tpu.memory_space<hbm>>
      %dma_start3A_1419 = arith.constant 0 : i32
      %dma_start3A_1420 = arith.constant 0 : i32
      %dma_start3A_1421 = tpu.memref_slice %arg7[%dma_start3A_1402, %dma_start3A_1419, %dma_start3A_1420] : memref<4x64x129xf32, #tpu.memory_space<vmem>> -> memref<1x8x128xf32, #tpu.memory_space<vmem>>
      %dma_start3A_1422 = tpu.memref_squeeze %dma_start3A_1421 : memref<1x8x128xf32, #tpu.memory_space<vmem>> -> memref<8x128xf32, #tpu.memory_space<vmem>>
      tpu.enqueue_dma source(%dma_start3A_1422 : memref<8x128xf32, #tpu.memory_space<vmem>>) target(%dma_start3A_1418 : memref<8x128xf32, #tpu.memory_space<hbm>>) target_semaphore(%dma_start3A_1414 : memref<!tpu.dma_semaphore, #tpu.memory_space<semaphore_mem>>)
      %dma_start3A_1423 = arith.constant 2 : i32
      %dma_start3A_1424 = arith.constant 1 : i32
      %dma_start3A_1425 = arith.constant 2 : i32
      %dma_start3A_1426 = arith.constant 8 : i32
      %dma_start3A_1427 = arith.constant 0 : i32
      %dma_start3A_1428 = tpu.memref_slice %arg7[%dma_start3A_1423, %dma_start3A_1426, %dma_start3A_1427] : memref<4x64x129xf32, #tpu.memory_space<vmem>> -> memref<1x8x128xf32, #tpu.memory_space<vmem>>
      %dma_start3A_1429 = tpu.memref_squeeze %dma_start3A_1428 : memref<1x8x128xf32, #tpu.memory_space<vmem>> -> memref<8x128xf32, #tpu.memory_space<vmem>>
      %dma_start3A_1430 = arith.constant 0 : i32
      %dma_start3A_1431 = arith.constant 0 : i32
      %dma_start3A_1432 = tpu.memref_slice %arg4[%select_n3A_1399, %dma_start3A_1424, %rem3A_1401, %dma_start3A_1430, %dma_start3A_1431] : memref<50x8x128x8x128xf32, #tpu.memory_space<hbm>> -> memref<1x1x1x8x128xf32, #tpu.memory_space<hbm>>
      %dma_start3A_1433 = tpu.memref_squeeze %dma_start3A_1432 : memref<1x1x1x8x128xf32, #tpu.memory_space<hbm>> -> memref<8x128xf32, #tpu.memory_space<hbm>>
      %dma_start3A_1434 = tpu.memref_slice %arg9[%dma_start3A_1425] : memref<4x!tpu.dma_semaphore, #tpu.memory_space<semaphore_mem>> -> memref<1x!tpu.dma_semaphore, #tpu.memory_space<semaphore_mem>>
      %dma_start3A_1435 = tpu.memref_squeeze %dma_start3A_1434 : memref<1x!tpu.dma_semaphore, #tpu.memory_space<semaphore_mem>> -> memref<!tpu.dma_semaphore, #tpu.memory_space<semaphore_mem>>
      %dma_start3A_1436 = arith.constant 0 : i32
      %dma_start3A_1437 = arith.constant 0 : i32
      %dma_start3A_1438 = tpu.memref_slice %arg4[%select_n3A_1399, %dma_start3A_1424, %rem3A_1401, %dma_start3A_1436, %dma_start3A_1437] : memref<50x8x128x8x128xf32, #tpu.memory_space<hbm>> -> memref<1x1x1x8x128xf32, #tpu.memory_space<hbm>>
      %dma_start3A_1439 = tpu.memref_squeeze %dma_start3A_1438 : memref<1x1x1x8x128xf32, #tpu.memory_space<hbm>> -> memref<8x128xf32, #tpu.memory_space<hbm>>
      %dma_start3A_1440 = arith.constant 8 : i32
      %dma_start3A_1441 = arith.constant 0 : i32
      %dma_start3A_1442 = tpu.memref_slice %arg7[%dma_start3A_1423, %dma_start3A_1440, %dma_start3A_1441] : memref<4x64x129xf32, #tpu.memory_space<vmem>> -> memref<1x8x128xf32, #tpu.memory_space<vmem>>
      %dma_start3A_1443 = tpu.memref_squeeze %dma_start3A_1442 : memref<1x8x128xf32, #tpu.memory_space<vmem>> -> memref<8x128xf32, #tpu.memory_space<vmem>>
      tpu.enqueue_dma source(%dma_start3A_1443 : memref<8x128xf32, #tpu.memory_space<vmem>>) target(%dma_start3A_1439 : memref<8x128xf32, #tpu.memory_space<hbm>>) target_semaphore(%dma_start3A_1435 : memref<!tpu.dma_semaphore, #tpu.memory_space<semaphore_mem>>)
      %dma_start3A_1444 = arith.constant 2 : i32
      %dma_start3A_1445 = arith.constant 2 : i32
      %dma_start3A_1446 = arith.constant 2 : i32
      %dma_start3A_1447 = arith.constant 16 : i32
      %dma_start3A_1448 = arith.constant 0 : i32
      %dma_start3A_1449 = tpu.memref_slice %arg7[%dma_start3A_1444, %dma_start3A_1447, %dma_start3A_1448] : memref<4x64x129xf32, #tpu.memory_space<vmem>> -> memref<1x8x128xf32, #tpu.memory_space<vmem>>
      %dma_start3A_1450 = tpu.memref_squeeze %dma_start3A_1449 : memref<1x8x128xf32, #tpu.memory_space<vmem>> -> memref<8x128xf32, #tpu.memory_space<vmem>>
      %dma_start3A_1451 = arith.constant 0 : i32
      %dma_start3A_1452 = arith.constant 0 : i32
      %dma_start3A_1453 = tpu.memref_slice %arg4[%select_n3A_1399, %dma_start3A_1445, %rem3A_1401, %dma_start3A_1451, %dma_start3A_1452] : memref<50x8x128x8x128xf32, #tpu.memory_space<hbm>> -> memref<1x1x1x8x128xf32, #tpu.memory_space<hbm>>
      %dma_start3A_1454 = tpu.memref_squeeze %dma_start3A_1453 : memref<1x1x1x8x128xf32, #tpu.memory_space<hbm>> -> memref<8x128xf32, #tpu.memory_space<hbm>>
      %dma_start3A_1455 = tpu.memref_slice %arg9[%dma_start3A_1446] : memref<4x!tpu.dma_semaphore, #tpu.memory_space<semaphore_mem>> -> memref<1x!tpu.dma_semaphore, #tpu.memory_space<semaphore_mem>>
      %dma_start3A_1456 = tpu.memref_squeeze %dma_start3A_1455 : memref<1x!tpu.dma_semaphore, #tpu.memory_space<semaphore_mem>> -> memref<!tpu.dma_semaphore, #tpu.memory_space<semaphore_mem>>
      %dma_start3A_1457 = arith.constant 0 : i32
      %dma_start3A_1458 = arith.constant 0 : i32
      %dma_start3A_1459 = tpu.memref_slice %arg4[%select_n3A_1399, %dma_start3A_1445, %rem3A_1401, %dma_start3A_1457, %dma_start3A_1458] : memref<50x8x128x8x128xf32, #tpu.memory_space<hbm>> -> memref<1x1x1x8x128xf32, #tpu.memory_space<hbm>>
      %dma_start3A_1460 = tpu.memref_squeeze %dma_start3A_1459 : memref<1x1x1x8x128xf32, #tpu.memory_space<hbm>> -> memref<8x128xf32, #tpu.memory_space<hbm>>
      %dma_start3A_1461 = arith.constant 16 : i32
      %dma_start3A_1462 = arith.constant 0 : i32
      %dma_start3A_1463 = tpu.memref_slice %arg7[%dma_start3A_1444, %dma_start3A_1461, %dma_start3A_1462] : memref<4x64x129xf32, #tpu.memory_space<vmem>> -> memref<1x8x128xf32, #tpu.memory_space<vmem>>
      %dma_start3A_1464 = tpu.memref_squeeze %dma_start3A_1463 : memref<1x8x128xf32, #tpu.memory_space<vmem>> -> memref<8x128xf32, #tpu.memory_space<vmem>>
      tpu.enqueue_dma source(%dma_start3A_1464 : memref<8x128xf32, #tpu.memory_space<vmem>>) target(%dma_start3A_1460 : memref<8x128xf32, #tpu.memory_space<hbm>>) target_semaphore(%dma_start3A_1456 : memref<!tpu.dma_semaphore, #tpu.memory_space<semaphore_mem>>)
      %dma_start3A_1465 = arith.constant 2 : i32
      %dma_start3A_1466 = arith.constant 3 : i32
      %dma_start3A_1467 = arith.constant 2 : i32
      %dma_start3A_1468 = arith.constant 24 : i32
      %dma_start3A_1469 = arith.constant 0 : i32
      %dma_start3A_1470 = tpu.memref_slice %arg7[%dma_start3A_1465, %dma_start3A_1468, %dma_start3A_1469] : memref<4x64x129xf32, #tpu.memory_space<vmem>> -> memref<1x8x128xf32, #tpu.memory_space<vmem>>
      %dma_start3A_1471 = tpu.memref_squeeze %dma_start3A_1470 : memref<1x8x128xf32, #tpu.memory_space<vmem>> -> memref<8x128xf32, #tpu.memory_space<vmem>>
      %dma_start3A_1472 = arith.constant 0 : i32
      %dma_start3A_1473 = arith.constant 0 : i32
      %dma_start3A_1474 = tpu.memref_slice %arg4[%select_n3A_1399, %dma_start3A_1466, %rem3A_1401, %dma_start3A_1472, %dma_start3A_1473] : memref<50x8x128x8x128xf32, #tpu.memory_space<hbm>> -> memref<1x1x1x8x128xf32, #tpu.memory_space<hbm>>
      %dma_start3A_1475 = tpu.memref_squeeze %dma_start3A_1474 : memref<1x1x1x8x128xf32, #tpu.memory_space<hbm>> -> memref<8x128xf32, #tpu.memory_space<hbm>>
      %dma_start3A_1476 = tpu.memref_slice %arg9[%dma_start3A_1467] : memref<4x!tpu.dma_semaphore, #tpu.memory_space<semaphore_mem>> -> memref<1x!tpu.dma_semaphore, #tpu.memory_space<semaphore_mem>>
      %dma_start3A_1477 = tpu.memref_squeeze %dma_start3A_1476 : memref<1x!tpu.dma_semaphore, #tpu.memory_space<semaphore_mem>> -> memref<!tpu.dma_semaphore, #tpu.memory_space<semaphore_mem>>
      %dma_start3A_1478 = arith.constant 0 : i32
      %dma_start3A_1479 = arith.constant 0 : i32
      %dma_start3A_1480 = tpu.memref_slice %arg4[%select_n3A_1399, %dma_start3A_1466, %rem3A_1401, %dma_start3A_1478, %dma_start3A_1479] : memref<50x8x128x8x128xf32, #tpu.memory_space<hbm>> -> memref<1x1x1x8x128xf32, #tpu.memory_space<hbm>>
      %dma_start3A_1481 = tpu.memref_squeeze %dma_start3A_1480 : memref<1x1x1x8x128xf32, #tpu.memory_space<hbm>> -> memref<8x128xf32, #tpu.memory_space<hbm>>
      %dma_start3A_1482 = arith.constant 24 : i32
      %dma_start3A_1483 = arith.constant 0 : i32
      %dma_start3A_1484 = tpu.memref_slice %arg7[%dma_start3A_1465, %dma_start3A_1482, %dma_start3A_1483] : memref<4x64x129xf32, #tpu.memory_space<vmem>> -> memref<1x8x128xf32, #tpu.memory_space<vmem>>
      %dma_start3A_1485 = tpu.memref_squeeze %dma_start3A_1484 : memref<1x8x128xf32, #tpu.memory_space<vmem>> -> memref<8x128xf32, #tpu.memory_space<vmem>>
      tpu.enqueue_dma source(%dma_start3A_1485 : memref<8x128xf32, #tpu.memory_space<vmem>>) target(%dma_start3A_1481 : memref<8x128xf32, #tpu.memory_space<hbm>>) target_semaphore(%dma_start3A_1477 : memref<!tpu.dma_semaphore, #tpu.memory_space<semaphore_mem>>)
      %dma_start3A_1486 = arith.constant 2 : i32
      %dma_start3A_1487 = arith.constant 4 : i32
      %dma_start3A_1488 = arith.constant 2 : i32
      %dma_start3A_1489 = arith.constant 32 : i32
      %dma_start3A_1490 = arith.constant 0 : i32
      %dma_start3A_1491 = tpu.memref_slice %arg7[%dma_start3A_1486, %dma_start3A_1489, %dma_start3A_1490] : memref<4x64x129xf32, #tpu.memory_space<vmem>> -> memref<1x8x128xf32, #tpu.memory_space<vmem>>
      %dma_start3A_1492 = tpu.memref_squeeze %dma_start3A_1491 : memref<1x8x128xf32, #tpu.memory_space<vmem>> -> memref<8x128xf32, #tpu.memory_space<vmem>>
      %dma_start3A_1493 = arith.constant 0 : i32
      %dma_start3A_1494 = arith.constant 0 : i32
      %dma_start3A_1495 = tpu.memref_slice %arg4[%select_n3A_1399, %dma_start3A_1487, %rem3A_1401, %dma_start3A_1493, %dma_start3A_1494] : memref<50x8x128x8x128xf32, #tpu.memory_space<hbm>> -> memref<1x1x1x8x128xf32, #tpu.memory_space<hbm>>
      %dma_start3A_1496 = tpu.memref_squeeze %dma_start3A_1495 : memref<1x1x1x8x128xf32, #tpu.memory_space<hbm>> -> memref<8x128xf32, #tpu.memory_space<hbm>>
      %dma_start3A_1497 = tpu.memref_slice %arg9[%dma_start3A_1488] : memref<4x!tpu.dma_semaphore, #tpu.memory_space<semaphore_mem>> -> memref<1x!tpu.dma_semaphore, #tpu.memory_space<semaphore_mem>>
      %dma_start3A_1498 = tpu.memref_squeeze %dma_start3A_1497 : memref<1x!tpu.dma_semaphore, #tpu.memory_space<semaphore_mem>> -> memref<!tpu.dma_semaphore, #tpu.memory_space<semaphore_mem>>
      %dma_start3A_1499 = arith.constant 0 : i32
      %dma_start3A_1500 = arith.constant 0 : i32
      %dma_start3A_1501 = tpu.memref_slice %arg4[%select_n3A_1399, %dma_start3A_1487, %rem3A_1401, %dma_start3A_1499, %dma_start3A_1500] : memref<50x8x128x8x128xf32, #tpu.memory_space<hbm>> -> memref<1x1x1x8x128xf32, #tpu.memory_space<hbm>>
      %dma_start3A_1502 = tpu.memref_squeeze %dma_start3A_1501 : memref<1x1x1x8x128xf32, #tpu.memory_space<hbm>> -> memref<8x128xf32, #tpu.memory_space<hbm>>
      %dma_start3A_1503 = arith.constant 32 : i32
      %dma_start3A_1504 = arith.constant 0 : i32
      %dma_start3A_1505 = tpu.memref_slice %arg7[%dma_start3A_1486, %dma_start3A_1503, %dma_start3A_1504] : memref<4x64x129xf32, #tpu.memory_space<vmem>> -> memref<1x8x128xf32, #tpu.memory_space<vmem>>
      %dma_start3A_1506 = tpu.memref_squeeze %dma_start3A_1505 : memref<1x8x128xf32, #tpu.memory_space<vmem>> -> memref<8x128xf32, #tpu.memory_space<vmem>>
      tpu.enqueue_dma source(%dma_start3A_1506 : memref<8x128xf32, #tpu.memory_space<vmem>>) target(%dma_start3A_1502 : memref<8x128xf32, #tpu.memory_space<hbm>>) target_semaphore(%dma_start3A_1498 : memref<!tpu.dma_semaphore, #tpu.memory_space<semaphore_mem>>)
      %dma_start3A_1507 = arith.constant 2 : i32
      %dma_start3A_1508 = arith.constant 5 : i32
      %dma_start3A_1509 = arith.constant 2 : i32
      %dma_start3A_1510 = arith.constant 40 : i32
      %dma_start3A_1511 = arith.constant 0 : i32
      %dma_start3A_1512 = tpu.memref_slice %arg7[%dma_start3A_1507, %dma_start3A_1510, %dma_start3A_1511] : memref<4x64x129xf32, #tpu.memory_space<vmem>> -> memref<1x8x128xf32, #tpu.memory_space<vmem>>
      %dma_start3A_1513 = tpu.memref_squeeze %dma_start3A_1512 : memref<1x8x128xf32, #tpu.memory_space<vmem>> -> memref<8x128xf32, #tpu.memory_space<vmem>>
      %dma_start3A_1514 = arith.constant 0 : i32
      %dma_start3A_1515 = arith.constant 0 : i32
      %dma_start3A_1516 = tpu.memref_slice %arg4[%select_n3A_1399, %dma_start3A_1508, %rem3A_1401, %dma_start3A_1514, %dma_start3A_1515] : memref<50x8x128x8x128xf32, #tpu.memory_space<hbm>> -> memref<1x1x1x8x128xf32, #tpu.memory_space<hbm>>
      %dma_start3A_1517 = tpu.memref_squeeze %dma_start3A_1516 : memref<1x1x1x8x128xf32, #tpu.memory_space<hbm>> -> memref<8x128xf32, #tpu.memory_space<hbm>>
      %dma_start3A_1518 = tpu.memref_slice %arg9[%dma_start3A_1509] : memref<4x!tpu.dma_semaphore, #tpu.memory_space<semaphore_mem>> -> memref<1x!tpu.dma_semaphore, #tpu.memory_space<semaphore_mem>>
      %dma_start3A_1519 = tpu.memref_squeeze %dma_start3A_1518 : memref<1x!tpu.dma_semaphore, #tpu.memory_space<semaphore_mem>> -> memref<!tpu.dma_semaphore, #tpu.memory_space<semaphore_mem>>
      %dma_start3A_1520 = arith.constant 0 : i32
      %dma_start3A_1521 = arith.constant 0 : i32
      %dma_start3A_1522 = tpu.memref_slice %arg4[%select_n3A_1399, %dma_start3A_1508, %rem3A_1401, %dma_start3A_1520, %dma_start3A_1521] : memref<50x8x128x8x128xf32, #tpu.memory_space<hbm>> -> memref<1x1x1x8x128xf32, #tpu.memory_space<hbm>>
      %dma_start3A_1523 = tpu.memref_squeeze %dma_start3A_1522 : memref<1x1x1x8x128xf32, #tpu.memory_space<hbm>> -> memref<8x128xf32, #tpu.memory_space<hbm>>
      %dma_start3A_1524 = arith.constant 40 : i32
      %dma_start3A_1525 = arith.constant 0 : i32
      %dma_start3A_1526 = tpu.memref_slice %arg7[%dma_start3A_1507, %dma_start3A_1524, %dma_start3A_1525] : memref<4x64x129xf32, #tpu.memory_space<vmem>> -> memref<1x8x128xf32, #tpu.memory_space<vmem>>
      %dma_start3A_1527 = tpu.memref_squeeze %dma_start3A_1526 : memref<1x8x128xf32, #tpu.memory_space<vmem>> -> memref<8x128xf32, #tpu.memory_space<vmem>>
      tpu.enqueue_dma source(%dma_start3A_1527 : memref<8x128xf32, #tpu.memory_space<vmem>>) target(%dma_start3A_1523 : memref<8x128xf32, #tpu.memory_space<hbm>>) target_semaphore(%dma_start3A_1519 : memref<!tpu.dma_semaphore, #tpu.memory_space<semaphore_mem>>)
      %dma_start3A_1528 = arith.constant 2 : i32
      %dma_start3A_1529 = arith.constant 6 : i32
      %dma_start3A_1530 = arith.constant 2 : i32
      %dma_start3A_1531 = arith.constant 48 : i32
      %dma_start3A_1532 = arith.constant 0 : i32
      %dma_start3A_1533 = tpu.memref_slice %arg7[%dma_start3A_1528, %dma_start3A_1531, %dma_start3A_1532] : memref<4x64x129xf32, #tpu.memory_space<vmem>> -> memref<1x8x128xf32, #tpu.memory_space<vmem>>
      %dma_start3A_1534 = tpu.memref_squeeze %dma_start3A_1533 : memref<1x8x128xf32, #tpu.memory_space<vmem>> -> memref<8x128xf32, #tpu.memory_space<vmem>>
      %dma_start3A_1535 = arith.constant 0 : i32
      %dma_start3A_1536 = arith.constant 0 : i32
      %dma_start3A_1537 = tpu.memref_slice %arg4[%select_n3A_1399, %dma_start3A_1529, %rem3A_1401, %dma_start3A_1535, %dma_start3A_1536] : memref<50x8x128x8x128xf32, #tpu.memory_space<hbm>> -> memref<1x1x1x8x128xf32, #tpu.memory_space<hbm>>
      %dma_start3A_1538 = tpu.memref_squeeze %dma_start3A_1537 : memref<1x1x1x8x128xf32, #tpu.memory_space<hbm>> -> memref<8x128xf32, #tpu.memory_space<hbm>>
      %dma_start3A_1539 = tpu.memref_slice %arg9[%dma_start3A_1530] : memref<4x!tpu.dma_semaphore, #tpu.memory_space<semaphore_mem>> -> memref<1x!tpu.dma_semaphore, #tpu.memory_space<semaphore_mem>>
      %dma_start3A_1540 = tpu.memref_squeeze %dma_start3A_1539 : memref<1x!tpu.dma_semaphore, #tpu.memory_space<semaphore_mem>> -> memref<!tpu.dma_semaphore, #tpu.memory_space<semaphore_mem>>
      %dma_start3A_1541 = arith.constant 0 : i32
      %dma_start3A_1542 = arith.constant 0 : i32
      %dma_start3A_1543 = tpu.memref_slice %arg4[%select_n3A_1399, %dma_start3A_1529, %rem3A_1401, %dma_start3A_1541, %dma_start3A_1542] : memref<50x8x128x8x128xf32, #tpu.memory_space<hbm>> -> memref<1x1x1x8x128xf32, #tpu.memory_space<hbm>>
      %dma_start3A_1544 = tpu.memref_squeeze %dma_start3A_1543 : memref<1x1x1x8x128xf32, #tpu.memory_space<hbm>> -> memref<8x128xf32, #tpu.memory_space<hbm>>
      %dma_start3A_1545 = arith.constant 48 : i32
      %dma_start3A_1546 = arith.constant 0 : i32
      %dma_start3A_1547 = tpu.memref_slice %arg7[%dma_start3A_1528, %dma_start3A_1545, %dma_start3A_1546] : memref<4x64x129xf32, #tpu.memory_space<vmem>> -> memref<1x8x128xf32, #tpu.memory_space<vmem>>
      %dma_start3A_1548 = tpu.memref_squeeze %dma_start3A_1547 : memref<1x8x128xf32, #tpu.memory_space<vmem>> -> memref<8x128xf32, #tpu.memory_space<vmem>>
      tpu.enqueue_dma source(%dma_start3A_1548 : memref<8x128xf32, #tpu.memory_space<vmem>>) target(%dma_start3A_1544 : memref<8x128xf32, #tpu.memory_space<hbm>>) target_semaphore(%dma_start3A_1540 : memref<!tpu.dma_semaphore, #tpu.memory_space<semaphore_mem>>)
      %dma_start3A_1549 = arith.constant 2 : i32
      %dma_start3A_1550 = arith.constant 7 : i32
      %dma_start3A_1551 = arith.constant 2 : i32
      %dma_start3A_1552 = arith.constant 56 : i32
      %dma_start3A_1553 = arith.constant 0 : i32
      %dma_start3A_1554 = tpu.memref_slice %arg7[%dma_start3A_1549, %dma_start3A_1552, %dma_start3A_1553] : memref<4x64x129xf32, #tpu.memory_space<vmem>> -> memref<1x8x128xf32, #tpu.memory_space<vmem>>
      %dma_start3A_1555 = tpu.memref_squeeze %dma_start3A_1554 : memref<1x8x128xf32, #tpu.memory_space<vmem>> -> memref<8x128xf32, #tpu.memory_space<vmem>>
      %dma_start3A_1556 = arith.constant 0 : i32
      %dma_start3A_1557 = arith.constant 0 : i32
      %dma_start3A_1558 = tpu.memref_slice %arg4[%select_n3A_1399, %dma_start3A_1550, %rem3A_1401, %dma_start3A_1556, %dma_start3A_1557] : memref<50x8x128x8x128xf32, #tpu.memory_space<hbm>> -> memref<1x1x1x8x128xf32, #tpu.memory_space<hbm>>
      %dma_start3A_1559 = tpu.memref_squeeze %dma_start3A_1558 : memref<1x1x1x8x128xf32, #tpu.memory_space<hbm>> -> memref<8x128xf32, #tpu.memory_space<hbm>>
      %dma_start3A_1560 = tpu.memref_slice %arg9[%dma_start3A_1551] : memref<4x!tpu.dma_semaphore, #tpu.memory_space<semaphore_mem>> -> memref<1x!tpu.dma_semaphore, #tpu.memory_space<semaphore_mem>>
      %dma_start3A_1561 = tpu.memref_squeeze %dma_start3A_1560 : memref<1x!tpu.dma_semaphore, #tpu.memory_space<semaphore_mem>> -> memref<!tpu.dma_semaphore, #tpu.memory_space<semaphore_mem>>
      %dma_start3A_1562 = arith.constant 0 : i32
      %dma_start3A_1563 = arith.constant 0 : i32
      %dma_start3A_1564 = tpu.memref_slice %arg4[%select_n3A_1399, %dma_start3A_1550, %rem3A_1401, %dma_start3A_1562, %dma_start3A_1563] : memref<50x8x128x8x128xf32, #tpu.memory_space<hbm>> -> memref<1x1x1x8x128xf32, #tpu.memory_space<hbm>>
      %dma_start3A_1565 = tpu.memref_squeeze %dma_start3A_1564 : memref<1x1x1x8x128xf32, #tpu.memory_space<hbm>> -> memref<8x128xf32, #tpu.memory_space<hbm>>
      %dma_start3A_1566 = arith.constant 56 : i32
      %dma_start3A_1567 = arith.constant 0 : i32
      %dma_start3A_1568 = tpu.memref_slice %arg7[%dma_start3A_1549, %dma_start3A_1566, %dma_start3A_1567] : memref<4x64x129xf32, #tpu.memory_space<vmem>> -> memref<1x8x128xf32, #tpu.memory_space<vmem>>
      %dma_start3A_1569 = tpu.memref_squeeze %dma_start3A_1568 : memref<1x8x128xf32, #tpu.memory_space<vmem>> -> memref<8x128xf32, #tpu.memory_space<vmem>>
      tpu.enqueue_dma source(%dma_start3A_1569 : memref<8x128xf32, #tpu.memory_space<vmem>>) target(%dma_start3A_1565 : memref<8x128xf32, #tpu.memory_space<hbm>>) target_semaphore(%dma_start3A_1561 : memref<!tpu.dma_semaphore, #tpu.memory_space<semaphore_mem>>)
      %mul3A_1570 = arith.constant 4 : i32
      %mul3A_1571 = arith.muli %scan3A_837, %mul3A_1570 : i32
      %add3A_1572 = arith.constant 3 : i32
      %add3A_1573 = arith.addi %mul3A_1571, %add3A_1572 : i32
      %lt3A_1574 = arith.constant 49 : i32
      %lt3A_1575 = arith.cmpi slt, %scan3A_837, %lt3A_1574 : i32
      %convert_element_type3A_1576 = arith.extui %lt3A_1575 : i1 to i32
      %cond3A_1577 = arith.constant 0 : i32
      %cond3A_1578 = arith.cmpi ne, %convert_element_type3A_1576, %cond3A_1577 : i32
      scf.if %cond3A_1578 {
        %add3A_1811 = arith.constant 4 : i32
        %add3A_1812 = arith.addi %add3A_1573, %add3A_1811 : i32
        %sub3A_1813 = arith.constant 1 : i32
        %sub3A_1814 = arith.subi %add3A_1812, %sub3A_1813 : i32
        %mul3A_1815 = arith.constant 128 : i32
        %mul3A_1816 = arith.muli %sub3A_1814, %mul3A_1815 : i32
        %multiple_of3A_1817 = tpu.assume_multiple %mul3A_1816, 128 : i32
        %dma_start3A_1818 = arith.constant 2 : i32
        %dma_start3A_1819 = arith.constant 2 : i32
        %dma_start3A_1820 = arith.constant 0 : i32
        %dma_start3A_1821 = arith.constant 0 : i32
        %dma_start3A_1822 = tpu.memref_slice %arg6[%dma_start3A_1818, %dma_start3A_1820, %dma_start3A_1821] : memref<4x128x64xf32, #tpu.memory_space<vmem>> -> memref<1x128x64xf32, #tpu.memory_space<vmem>>
        %dma_start3A_1823 = tpu.memref_squeeze %dma_start3A_1822 : memref<1x128x64xf32, #tpu.memory_space<vmem>> -> memref<128x64xf32, #tpu.memory_space<vmem>>
        %dma_start3A_1824 = tpu.memref_slice %arg5[%multiple_of3A_1817] : memref<25600xi32, #tpu.memory_space<vmem>> -> memref<128xi32, #tpu.memory_space<vmem>>
        %dma_start3A_1825 = arith.constant 0 : i32
        %dma_start3A_1826 = arith.constant 0 : i32
        %dma_start3A_1827 = tpu.memref_slice %arg3[%dma_start3A_1825, %dma_start3A_1826] : memref<1000000x64xf32, #tpu.memory_space<hbm>> -> memref<1000000x64xf32, #tpu.memory_space<hbm>>
        %dma_start3A_1828 = tpu.memref_slice %arg8[%dma_start3A_1819] : memref<4x!tpu.dma_semaphore, #tpu.memory_space<semaphore_mem>> -> memref<1x!tpu.dma_semaphore, #tpu.memory_space<semaphore_mem>>
        %dma_start3A_1829 = tpu.memref_squeeze %dma_start3A_1828 : memref<1x!tpu.dma_semaphore, #tpu.memory_space<semaphore_mem>> -> memref<!tpu.dma_semaphore, #tpu.memory_space<semaphore_mem>>
        tpu.enqueue_indirect_dma source(%dma_start3A_1827 : memref<1000000x64xf32, #tpu.memory_space<hbm>>) target(%dma_start3A_1823 : memref<128x64xf32, #tpu.memory_space<vmem>>) offsets(%dma_start3A_1824 : memref<128xi32, #tpu.memory_space<vmem>>) semaphore(%dma_start3A_1829 : memref<!tpu.dma_semaphore, #tpu.memory_space<semaphore_mem>>)
      } else {
      }
      %mul3A_1579 = arith.constant 128 : i32
      %mul3A_1580 = arith.muli %add3A_1573, %mul3A_1579 : i32
      %multiple_of3A_1581 = tpu.assume_multiple %mul3A_1580, 128 : i32
      %dma_wait3A_1582 = arith.constant 3 : i32
      %dma_wait3A_1583 = arith.constant 3 : i32
      %dma_wait3A_1584 = arith.constant 0 : i32
      %dma_wait3A_1585 = arith.constant 0 : i32
      %dma_wait3A_1586 = tpu.memref_slice %arg6[%dma_wait3A_1582, %dma_wait3A_1584, %dma_wait3A_1585] : memref<4x128x64xf32, #tpu.memory_space<vmem>> -> memref<1x128x64xf32, #tpu.memory_space<vmem>>
      %dma_wait3A_1587 = tpu.memref_squeeze %dma_wait3A_1586 : memref<1x128x64xf32, #tpu.memory_space<vmem>> -> memref<128x64xf32, #tpu.memory_space<vmem>>
      %dma_wait3A_1588 = tpu.memref_slice %arg5[%multiple_of3A_1581] : memref<25600xi32, #tpu.memory_space<vmem>> -> memref<128xi32, #tpu.memory_space<vmem>>
      %dma_wait3A_1589 = arith.constant 0 : i32
      %dma_wait3A_1590 = arith.constant 0 : i32
      %dma_wait3A_1591 = tpu.memref_slice %arg3[%dma_wait3A_1589, %dma_wait3A_1590] : memref<1000000x64xf32, #tpu.memory_space<hbm>> -> memref<1000000x64xf32, #tpu.memory_space<hbm>>
      %dma_wait3A_1592 = tpu.memref_slice %arg8[%dma_wait3A_1583] : memref<4x!tpu.dma_semaphore, #tpu.memory_space<semaphore_mem>> -> memref<1x!tpu.dma_semaphore, #tpu.memory_space<semaphore_mem>>
      %dma_wait3A_1593 = tpu.memref_squeeze %dma_wait3A_1592 : memref<1x!tpu.dma_semaphore, #tpu.memory_space<semaphore_mem>> -> memref<!tpu.dma_semaphore, #tpu.memory_space<semaphore_mem>>
      tpu.wait_indirect_dma semaphore(%dma_wait3A_1593 : memref<!tpu.dma_semaphore, #tpu.memory_space<semaphore_mem>>) src(%dma_wait3A_1591 : memref<1000000x64xf32, #tpu.memory_space<hbm>>) dst(%dma_wait3A_1587 : memref<128x64xf32, #tpu.memory_space<vmem>>)
      %gt3A_1594 = arith.constant 0 : i32
      %gt3A_1595 = arith.cmpi sgt, %scan3A_837, %gt3A_1594 : i32
      %convert_element_type3A_1596 = arith.extui %gt3A_1595 : i1 to i32
      %cond3A_1597 = arith.constant 0 : i32
      %cond3A_1598 = arith.cmpi ne, %convert_element_type3A_1596, %cond3A_1597 : i32
      scf.if %cond3A_1598 {
        %mul3A_1811 = arith.constant 200 : i32
        %mul3A_1812 = arith.muli %add3A, %mul3A_1811 : i32
        %add3A_1813 = arith.addi %mul3A_1812, %add3A_1573 : i32
        %jit3A_1814 = arith.constant 128 : i32
        %div3A_1815 = arith.divsi %add3A_1813, %jit3A_1814 : i32
        %sign3A_1816 = arith.constant 0 : i32
        %sign3A_1817 = arith.cmpi sgt, %add3A_1813, %sign3A_1816 : i32
        %sign3A_1818 = arith.extui %sign3A_1817 : i1 to i32
        %sign3A_1819 = arith.constant 0 : i32
        %sign3A_1820 = arith.cmpi slt, %add3A_1813, %sign3A_1819 : i32
        %sign3A_1821 = arith.extui %sign3A_1820 : i1 to i32
        %sign3A_1822 = arith.subi %sign3A_1818, %sign3A_1821 : i32
        %sign3A_1823 = arith.constant 0 : i32
        %sign3A_1824 = arith.cmpi sgt, %jit3A_1814, %sign3A_1823 : i32
        %sign3A_1825 = arith.extui %sign3A_1824 : i1 to i32
        %sign3A_1826 = arith.constant 0 : i32
        %sign3A_1827 = arith.cmpi slt, %jit3A_1814, %sign3A_1826 : i32
        %sign3A_1828 = arith.extui %sign3A_1827 : i1 to i32
        %sign3A_1829 = arith.subi %sign3A_1825, %sign3A_1828 : i32
        %ne3A_1830 = arith.cmpi ne, %sign3A_1822, %sign3A_1829 : i32
        %rem3A_1831 = arith.remsi %add3A_1813, %jit3A_1814 : i32
        %ne3A_1832 = arith.constant 0 : i32
        %ne3A_1833 = arith.cmpi ne, %rem3A_1831, %ne3A_1832 : i32
        %and3A_1834 = arith.andi %ne3A_1830, %ne3A_1833 : i1
        %sub3A_1835 = arith.constant 1 : i32
        %sub3A_1836 = arith.subi %div3A_1815, %sub3A_1835 : i32
        %select_n3A_1837 = arith.select %and3A_1834, %sub3A_1836, %div3A_1815 : i32
        %rem3A_1838 = arith.constant 128 : i32
        %rem3A_1839 = arith.remsi %add3A_1813, %rem3A_1838 : i32
        %dma_wait3A_1840 = arith.constant 3 : i32
        %dma_wait3A_1841 = arith.constant 0 : i32
        %dma_wait3A_1842 = arith.constant 3 : i32
        %dma_wait3A_1843 = arith.constant 0 : i32
        %dma_wait3A_1844 = arith.constant 0 : i32
        %dma_wait3A_1845 = tpu.memref_slice %arg7[%dma_wait3A_1840, %dma_wait3A_1843, %dma_wait3A_1844] : memref<4x64x129xf32, #tpu.memory_space<vmem>> -> memref<1x8x128xf32, #tpu.memory_space<vmem>>
        %dma_wait3A_1846 = tpu.memref_squeeze %dma_wait3A_1845 : memref<1x8x128xf32, #tpu.memory_space<vmem>> -> memref<8x128xf32, #tpu.memory_space<vmem>>
        %dma_wait3A_1847 = arith.constant 0 : i32
        %dma_wait3A_1848 = arith.constant 0 : i32
        %dma_wait3A_1849 = tpu.memref_slice %arg4[%select_n3A_1837, %dma_wait3A_1841, %rem3A_1839, %dma_wait3A_1847, %dma_wait3A_1848] : memref<50x8x128x8x128xf32, #tpu.memory_space<hbm>> -> memref<1x1x1x8x128xf32, #tpu.memory_space<hbm>>
        %dma_wait3A_1850 = tpu.memref_squeeze %dma_wait3A_1849 : memref<1x1x1x8x128xf32, #tpu.memory_space<hbm>> -> memref<8x128xf32, #tpu.memory_space<hbm>>
        %dma_wait3A_1851 = tpu.memref_slice %arg9[%dma_wait3A_1842] : memref<4x!tpu.dma_semaphore, #tpu.memory_space<semaphore_mem>> -> memref<1x!tpu.dma_semaphore, #tpu.memory_space<semaphore_mem>>
        %dma_wait3A_1852 = tpu.memref_squeeze %dma_wait3A_1851 : memref<1x!tpu.dma_semaphore, #tpu.memory_space<semaphore_mem>> -> memref<!tpu.dma_semaphore, #tpu.memory_space<semaphore_mem>>
        %dma_wait3A_1853 = arith.constant 0 : i32
        %dma_wait3A_1854 = arith.constant 0 : i32
        %dma_wait3A_1855 = tpu.memref_slice %arg4[%select_n3A_1837, %dma_wait3A_1841, %rem3A_1839, %dma_wait3A_1853, %dma_wait3A_1854] : memref<50x8x128x8x128xf32, #tpu.memory_space<hbm>> -> memref<1x1x1x8x128xf32, #tpu.memory_space<hbm>>
        %dma_wait3A_1856 = tpu.memref_squeeze %dma_wait3A_1855 : memref<1x1x1x8x128xf32, #tpu.memory_space<hbm>> -> memref<8x128xf32, #tpu.memory_space<hbm>>
        %dma_wait3A_1857 = arith.constant 0 : i32
        %dma_wait3A_1858 = arith.constant 0 : i32
        %dma_wait3A_1859 = tpu.memref_slice %arg7[%dma_wait3A_1840, %dma_wait3A_1857, %dma_wait3A_1858] : memref<4x64x129xf32, #tpu.memory_space<vmem>> -> memref<1x8x128xf32, #tpu.memory_space<vmem>>
        %dma_wait3A_1860 = tpu.memref_squeeze %dma_wait3A_1859 : memref<1x8x128xf32, #tpu.memory_space<vmem>> -> memref<8x128xf32, #tpu.memory_space<vmem>>
        tpu.wait_dma2 semaphore(%dma_wait3A_1852 : memref<!tpu.dma_semaphore, #tpu.memory_space<semaphore_mem>>) src(%dma_wait3A_1860 : memref<8x128xf32, #tpu.memory_space<vmem>>) dst(%dma_wait3A_1856 : memref<8x128xf32, #tpu.memory_space<hbm>>)
        %dma_wait3A_1861 = arith.constant 3 : i32
        %dma_wait3A_1862 = arith.constant 1 : i32
        %dma_wait3A_1863 = arith.constant 3 : i32
        %dma_wait3A_1864 = arith.constant 8 : i32
        %dma_wait3A_1865 = arith.constant 0 : i32
        %dma_wait3A_1866 = tpu.memref_slice %arg7[%dma_wait3A_1861, %dma_wait3A_1864, %dma_wait3A_1865] : memref<4x64x129xf32, #tpu.memory_space<vmem>> -> memref<1x8x128xf32, #tpu.memory_space<vmem>>
        %dma_wait3A_1867 = tpu.memref_squeeze %dma_wait3A_1866 : memref<1x8x128xf32, #tpu.memory_space<vmem>> -> memref<8x128xf32, #tpu.memory_space<vmem>>
        %dma_wait3A_1868 = arith.constant 0 : i32
        %dma_wait3A_1869 = arith.constant 0 : i32
        %dma_wait3A_1870 = tpu.memref_slice %arg4[%select_n3A_1837, %dma_wait3A_1862, %rem3A_1839, %dma_wait3A_1868, %dma_wait3A_1869] : memref<50x8x128x8x128xf32, #tpu.memory_space<hbm>> -> memref<1x1x1x8x128xf32, #tpu.memory_space<hbm>>
        %dma_wait3A_1871 = tpu.memref_squeeze %dma_wait3A_1870 : memref<1x1x1x8x128xf32, #tpu.memory_space<hbm>> -> memref<8x128xf32, #tpu.memory_space<hbm>>
        %dma_wait3A_1872 = tpu.memref_slice %arg9[%dma_wait3A_1863] : memref<4x!tpu.dma_semaphore, #tpu.memory_space<semaphore_mem>> -> memref<1x!tpu.dma_semaphore, #tpu.memory_space<semaphore_mem>>
        %dma_wait3A_1873 = tpu.memref_squeeze %dma_wait3A_1872 : memref<1x!tpu.dma_semaphore, #tpu.memory_space<semaphore_mem>> -> memref<!tpu.dma_semaphore, #tpu.memory_space<semaphore_mem>>
        %dma_wait3A_1874 = arith.constant 0 : i32
        %dma_wait3A_1875 = arith.constant 0 : i32
        %dma_wait3A_1876 = tpu.memref_slice %arg4[%select_n3A_1837, %dma_wait3A_1862, %rem3A_1839, %dma_wait3A_1874, %dma_wait3A_1875] : memref<50x8x128x8x128xf32, #tpu.memory_space<hbm>> -> memref<1x1x1x8x128xf32, #tpu.memory_space<hbm>>
        %dma_wait3A_1877 = tpu.memref_squeeze %dma_wait3A_1876 : memref<1x1x1x8x128xf32, #tpu.memory_space<hbm>> -> memref<8x128xf32, #tpu.memory_space<hbm>>
        %dma_wait3A_1878 = arith.constant 8 : i32
        %dma_wait3A_1879 = arith.constant 0 : i32
        %dma_wait3A_1880 = tpu.memref_slice %arg7[%dma_wait3A_1861, %dma_wait3A_1878, %dma_wait3A_1879] : memref<4x64x129xf32, #tpu.memory_space<vmem>> -> memref<1x8x128xf32, #tpu.memory_space<vmem>>
        %dma_wait3A_1881 = tpu.memref_squeeze %dma_wait3A_1880 : memref<1x8x128xf32, #tpu.memory_space<vmem>> -> memref<8x128xf32, #tpu.memory_space<vmem>>
        tpu.wait_dma2 semaphore(%dma_wait3A_1873 : memref<!tpu.dma_semaphore, #tpu.memory_space<semaphore_mem>>) src(%dma_wait3A_1881 : memref<8x128xf32, #tpu.memory_space<vmem>>) dst(%dma_wait3A_1877 : memref<8x128xf32, #tpu.memory_space<hbm>>)
        %dma_wait3A_1882 = arith.constant 3 : i32
        %dma_wait3A_1883 = arith.constant 2 : i32
        %dma_wait3A_1884 = arith.constant 3 : i32
        %dma_wait3A_1885 = arith.constant 16 : i32
        %dma_wait3A_1886 = arith.constant 0 : i32
        %dma_wait3A_1887 = tpu.memref_slice %arg7[%dma_wait3A_1882, %dma_wait3A_1885, %dma_wait3A_1886] : memref<4x64x129xf32, #tpu.memory_space<vmem>> -> memref<1x8x128xf32, #tpu.memory_space<vmem>>
        %dma_wait3A_1888 = tpu.memref_squeeze %dma_wait3A_1887 : memref<1x8x128xf32, #tpu.memory_space<vmem>> -> memref<8x128xf32, #tpu.memory_space<vmem>>
        %dma_wait3A_1889 = arith.constant 0 : i32
        %dma_wait3A_1890 = arith.constant 0 : i32
        %dma_wait3A_1891 = tpu.memref_slice %arg4[%select_n3A_1837, %dma_wait3A_1883, %rem3A_1839, %dma_wait3A_1889, %dma_wait3A_1890] : memref<50x8x128x8x128xf32, #tpu.memory_space<hbm>> -> memref<1x1x1x8x128xf32, #tpu.memory_space<hbm>>
        %dma_wait3A_1892 = tpu.memref_squeeze %dma_wait3A_1891 : memref<1x1x1x8x128xf32, #tpu.memory_space<hbm>> -> memref<8x128xf32, #tpu.memory_space<hbm>>
        %dma_wait3A_1893 = tpu.memref_slice %arg9[%dma_wait3A_1884] : memref<4x!tpu.dma_semaphore, #tpu.memory_space<semaphore_mem>> -> memref<1x!tpu.dma_semaphore, #tpu.memory_space<semaphore_mem>>
        %dma_wait3A_1894 = tpu.memref_squeeze %dma_wait3A_1893 : memref<1x!tpu.dma_semaphore, #tpu.memory_space<semaphore_mem>> -> memref<!tpu.dma_semaphore, #tpu.memory_space<semaphore_mem>>
        %dma_wait3A_1895 = arith.constant 0 : i32
        %dma_wait3A_1896 = arith.constant 0 : i32
        %dma_wait3A_1897 = tpu.memref_slice %arg4[%select_n3A_1837, %dma_wait3A_1883, %rem3A_1839, %dma_wait3A_1895, %dma_wait3A_1896] : memref<50x8x128x8x128xf32, #tpu.memory_space<hbm>> -> memref<1x1x1x8x128xf32, #tpu.memory_space<hbm>>
        %dma_wait3A_1898 = tpu.memref_squeeze %dma_wait3A_1897 : memref<1x1x1x8x128xf32, #tpu.memory_space<hbm>> -> memref<8x128xf32, #tpu.memory_space<hbm>>
        %dma_wait3A_1899 = arith.constant 16 : i32
        %dma_wait3A_1900 = arith.constant 0 : i32
        %dma_wait3A_1901 = tpu.memref_slice %arg7[%dma_wait3A_1882, %dma_wait3A_1899, %dma_wait3A_1900] : memref<4x64x129xf32, #tpu.memory_space<vmem>> -> memref<1x8x128xf32, #tpu.memory_space<vmem>>
        %dma_wait3A_1902 = tpu.memref_squeeze %dma_wait3A_1901 : memref<1x8x128xf32, #tpu.memory_space<vmem>> -> memref<8x128xf32, #tpu.memory_space<vmem>>
        tpu.wait_dma2 semaphore(%dma_wait3A_1894 : memref<!tpu.dma_semaphore, #tpu.memory_space<semaphore_mem>>) src(%dma_wait3A_1902 : memref<8x128xf32, #tpu.memory_space<vmem>>) dst(%dma_wait3A_1898 : memref<8x128xf32, #tpu.memory_space<hbm>>)
        %dma_wait3A_1903 = arith.constant 3 : i32
        %dma_wait3A_1904 = arith.constant 3 : i32
        %dma_wait3A_1905 = arith.constant 3 : i32
        %dma_wait3A_1906 = arith.constant 24 : i32
        %dma_wait3A_1907 = arith.constant 0 : i32
        %dma_wait3A_1908 = tpu.memref_slice %arg7[%dma_wait3A_1903, %dma_wait3A_1906, %dma_wait3A_1907] : memref<4x64x129xf32, #tpu.memory_space<vmem>> -> memref<1x8x128xf32, #tpu.memory_space<vmem>>
        %dma_wait3A_1909 = tpu.memref_squeeze %dma_wait3A_1908 : memref<1x8x128xf32, #tpu.memory_space<vmem>> -> memref<8x128xf32, #tpu.memory_space<vmem>>
        %dma_wait3A_1910 = arith.constant 0 : i32
        %dma_wait3A_1911 = arith.constant 0 : i32
        %dma_wait3A_1912 = tpu.memref_slice %arg4[%select_n3A_1837, %dma_wait3A_1904, %rem3A_1839, %dma_wait3A_1910, %dma_wait3A_1911] : memref<50x8x128x8x128xf32, #tpu.memory_space<hbm>> -> memref<1x1x1x8x128xf32, #tpu.memory_space<hbm>>
        %dma_wait3A_1913 = tpu.memref_squeeze %dma_wait3A_1912 : memref<1x1x1x8x128xf32, #tpu.memory_space<hbm>> -> memref<8x128xf32, #tpu.memory_space<hbm>>
        %dma_wait3A_1914 = tpu.memref_slice %arg9[%dma_wait3A_1905] : memref<4x!tpu.dma_semaphore, #tpu.memory_space<semaphore_mem>> -> memref<1x!tpu.dma_semaphore, #tpu.memory_space<semaphore_mem>>
        %dma_wait3A_1915 = tpu.memref_squeeze %dma_wait3A_1914 : memref<1x!tpu.dma_semaphore, #tpu.memory_space<semaphore_mem>> -> memref<!tpu.dma_semaphore, #tpu.memory_space<semaphore_mem>>
        %dma_wait3A_1916 = arith.constant 0 : i32
        %dma_wait3A_1917 = arith.constant 0 : i32
        %dma_wait3A_1918 = tpu.memref_slice %arg4[%select_n3A_1837, %dma_wait3A_1904, %rem3A_1839, %dma_wait3A_1916, %dma_wait3A_1917] : memref<50x8x128x8x128xf32, #tpu.memory_space<hbm>> -> memref<1x1x1x8x128xf32, #tpu.memory_space<hbm>>
        %dma_wait3A_1919 = tpu.memref_squeeze %dma_wait3A_1918 : memref<1x1x1x8x128xf32, #tpu.memory_space<hbm>> -> memref<8x128xf32, #tpu.memory_space<hbm>>
        %dma_wait3A_1920 = arith.constant 24 : i32
        %dma_wait3A_1921 = arith.constant 0 : i32
        %dma_wait3A_1922 = tpu.memref_slice %arg7[%dma_wait3A_1903, %dma_wait3A_1920, %dma_wait3A_1921] : memref<4x64x129xf32, #tpu.memory_space<vmem>> -> memref<1x8x128xf32, #tpu.memory_space<vmem>>
        %dma_wait3A_1923 = tpu.memref_squeeze %dma_wait3A_1922 : memref<1x8x128xf32, #tpu.memory_space<vmem>> -> memref<8x128xf32, #tpu.memory_space<vmem>>
        tpu.wait_dma2 semaphore(%dma_wait3A_1915 : memref<!tpu.dma_semaphore, #tpu.memory_space<semaphore_mem>>) src(%dma_wait3A_1923 : memref<8x128xf32, #tpu.memory_space<vmem>>) dst(%dma_wait3A_1919 : memref<8x128xf32, #tpu.memory_space<hbm>>)
        %dma_wait3A_1924 = arith.constant 3 : i32
        %dma_wait3A_1925 = arith.constant 4 : i32
        %dma_wait3A_1926 = arith.constant 3 : i32
        %dma_wait3A_1927 = arith.constant 32 : i32
        %dma_wait3A_1928 = arith.constant 0 : i32
        %dma_wait3A_1929 = tpu.memref_slice %arg7[%dma_wait3A_1924, %dma_wait3A_1927, %dma_wait3A_1928] : memref<4x64x129xf32, #tpu.memory_space<vmem>> -> memref<1x8x128xf32, #tpu.memory_space<vmem>>
        %dma_wait3A_1930 = tpu.memref_squeeze %dma_wait3A_1929 : memref<1x8x128xf32, #tpu.memory_space<vmem>> -> memref<8x128xf32, #tpu.memory_space<vmem>>
        %dma_wait3A_1931 = arith.constant 0 : i32
        %dma_wait3A_1932 = arith.constant 0 : i32
        %dma_wait3A_1933 = tpu.memref_slice %arg4[%select_n3A_1837, %dma_wait3A_1925, %rem3A_1839, %dma_wait3A_1931, %dma_wait3A_1932] : memref<50x8x128x8x128xf32, #tpu.memory_space<hbm>> -> memref<1x1x1x8x128xf32, #tpu.memory_space<hbm>>
        %dma_wait3A_1934 = tpu.memref_squeeze %dma_wait3A_1933 : memref<1x1x1x8x128xf32, #tpu.memory_space<hbm>> -> memref<8x128xf32, #tpu.memory_space<hbm>>
        %dma_wait3A_1935 = tpu.memref_slice %arg9[%dma_wait3A_1926] : memref<4x!tpu.dma_semaphore, #tpu.memory_space<semaphore_mem>> -> memref<1x!tpu.dma_semaphore, #tpu.memory_space<semaphore_mem>>
        %dma_wait3A_1936 = tpu.memref_squeeze %dma_wait3A_1935 : memref<1x!tpu.dma_semaphore, #tpu.memory_space<semaphore_mem>> -> memref<!tpu.dma_semaphore, #tpu.memory_space<semaphore_mem>>
        %dma_wait3A_1937 = arith.constant 0 : i32
        %dma_wait3A_1938 = arith.constant 0 : i32
        %dma_wait3A_1939 = tpu.memref_slice %arg4[%select_n3A_1837, %dma_wait3A_1925, %rem3A_1839, %dma_wait3A_1937, %dma_wait3A_1938] : memref<50x8x128x8x128xf32, #tpu.memory_space<hbm>> -> memref<1x1x1x8x128xf32, #tpu.memory_space<hbm>>
        %dma_wait3A_1940 = tpu.memref_squeeze %dma_wait3A_1939 : memref<1x1x1x8x128xf32, #tpu.memory_space<hbm>> -> memref<8x128xf32, #tpu.memory_space<hbm>>
        %dma_wait3A_1941 = arith.constant 32 : i32
        %dma_wait3A_1942 = arith.constant 0 : i32
        %dma_wait3A_1943 = tpu.memref_slice %arg7[%dma_wait3A_1924, %dma_wait3A_1941, %dma_wait3A_1942] : memref<4x64x129xf32, #tpu.memory_space<vmem>> -> memref<1x8x128xf32, #tpu.memory_space<vmem>>
        %dma_wait3A_1944 = tpu.memref_squeeze %dma_wait3A_1943 : memref<1x8x128xf32, #tpu.memory_space<vmem>> -> memref<8x128xf32, #tpu.memory_space<vmem>>
        tpu.wait_dma2 semaphore(%dma_wait3A_1936 : memref<!tpu.dma_semaphore, #tpu.memory_space<semaphore_mem>>) src(%dma_wait3A_1944 : memref<8x128xf32, #tpu.memory_space<vmem>>) dst(%dma_wait3A_1940 : memref<8x128xf32, #tpu.memory_space<hbm>>)
        %dma_wait3A_1945 = arith.constant 3 : i32
        %dma_wait3A_1946 = arith.constant 5 : i32
        %dma_wait3A_1947 = arith.constant 3 : i32
        %dma_wait3A_1948 = arith.constant 40 : i32
        %dma_wait3A_1949 = arith.constant 0 : i32
        %dma_wait3A_1950 = tpu.memref_slice %arg7[%dma_wait3A_1945, %dma_wait3A_1948, %dma_wait3A_1949] : memref<4x64x129xf32, #tpu.memory_space<vmem>> -> memref<1x8x128xf32, #tpu.memory_space<vmem>>
        %dma_wait3A_1951 = tpu.memref_squeeze %dma_wait3A_1950 : memref<1x8x128xf32, #tpu.memory_space<vmem>> -> memref<8x128xf32, #tpu.memory_space<vmem>>
        %dma_wait3A_1952 = arith.constant 0 : i32
        %dma_wait3A_1953 = arith.constant 0 : i32
        %dma_wait3A_1954 = tpu.memref_slice %arg4[%select_n3A_1837, %dma_wait3A_1946, %rem3A_1839, %dma_wait3A_1952, %dma_wait3A_1953] : memref<50x8x128x8x128xf32, #tpu.memory_space<hbm>> -> memref<1x1x1x8x128xf32, #tpu.memory_space<hbm>>
        %dma_wait3A_1955 = tpu.memref_squeeze %dma_wait3A_1954 : memref<1x1x1x8x128xf32, #tpu.memory_space<hbm>> -> memref<8x128xf32, #tpu.memory_space<hbm>>
        %dma_wait3A_1956 = tpu.memref_slice %arg9[%dma_wait3A_1947] : memref<4x!tpu.dma_semaphore, #tpu.memory_space<semaphore_mem>> -> memref<1x!tpu.dma_semaphore, #tpu.memory_space<semaphore_mem>>
        %dma_wait3A_1957 = tpu.memref_squeeze %dma_wait3A_1956 : memref<1x!tpu.dma_semaphore, #tpu.memory_space<semaphore_mem>> -> memref<!tpu.dma_semaphore, #tpu.memory_space<semaphore_mem>>
        %dma_wait3A_1958 = arith.constant 0 : i32
        %dma_wait3A_1959 = arith.constant 0 : i32
        %dma_wait3A_1960 = tpu.memref_slice %arg4[%select_n3A_1837, %dma_wait3A_1946, %rem3A_1839, %dma_wait3A_1958, %dma_wait3A_1959] : memref<50x8x128x8x128xf32, #tpu.memory_space<hbm>> -> memref<1x1x1x8x128xf32, #tpu.memory_space<hbm>>
        %dma_wait3A_1961 = tpu.memref_squeeze %dma_wait3A_1960 : memref<1x1x1x8x128xf32, #tpu.memory_space<hbm>> -> memref<8x128xf32, #tpu.memory_space<hbm>>
        %dma_wait3A_1962 = arith.constant 40 : i32
        %dma_wait3A_1963 = arith.constant 0 : i32
        %dma_wait3A_1964 = tpu.memref_slice %arg7[%dma_wait3A_1945, %dma_wait3A_1962, %dma_wait3A_1963] : memref<4x64x129xf32, #tpu.memory_space<vmem>> -> memref<1x8x128xf32, #tpu.memory_space<vmem>>
        %dma_wait3A_1965 = tpu.memref_squeeze %dma_wait3A_1964 : memref<1x8x128xf32, #tpu.memory_space<vmem>> -> memref<8x128xf32, #tpu.memory_space<vmem>>
        tpu.wait_dma2 semaphore(%dma_wait3A_1957 : memref<!tpu.dma_semaphore, #tpu.memory_space<semaphore_mem>>) src(%dma_wait3A_1965 : memref<8x128xf32, #tpu.memory_space<vmem>>) dst(%dma_wait3A_1961 : memref<8x128xf32, #tpu.memory_space<hbm>>)
        %dma_wait3A_1966 = arith.constant 3 : i32
        %dma_wait3A_1967 = arith.constant 6 : i32
        %dma_wait3A_1968 = arith.constant 3 : i32
        %dma_wait3A_1969 = arith.constant 48 : i32
        %dma_wait3A_1970 = arith.constant 0 : i32
        %dma_wait3A_1971 = tpu.memref_slice %arg7[%dma_wait3A_1966, %dma_wait3A_1969, %dma_wait3A_1970] : memref<4x64x129xf32, #tpu.memory_space<vmem>> -> memref<1x8x128xf32, #tpu.memory_space<vmem>>
        %dma_wait3A_1972 = tpu.memref_squeeze %dma_wait3A_1971 : memref<1x8x128xf32, #tpu.memory_space<vmem>> -> memref<8x128xf32, #tpu.memory_space<vmem>>
        %dma_wait3A_1973 = arith.constant 0 : i32
        %dma_wait3A_1974 = arith.constant 0 : i32
        %dma_wait3A_1975 = tpu.memref_slice %arg4[%select_n3A_1837, %dma_wait3A_1967, %rem3A_1839, %dma_wait3A_1973, %dma_wait3A_1974] : memref<50x8x128x8x128xf32, #tpu.memory_space<hbm>> -> memref<1x1x1x8x128xf32, #tpu.memory_space<hbm>>
        %dma_wait3A_1976 = tpu.memref_squeeze %dma_wait3A_1975 : memref<1x1x1x8x128xf32, #tpu.memory_space<hbm>> -> memref<8x128xf32, #tpu.memory_space<hbm>>
        %dma_wait3A_1977 = tpu.memref_slice %arg9[%dma_wait3A_1968] : memref<4x!tpu.dma_semaphore, #tpu.memory_space<semaphore_mem>> -> memref<1x!tpu.dma_semaphore, #tpu.memory_space<semaphore_mem>>
        %dma_wait3A_1978 = tpu.memref_squeeze %dma_wait3A_1977 : memref<1x!tpu.dma_semaphore, #tpu.memory_space<semaphore_mem>> -> memref<!tpu.dma_semaphore, #tpu.memory_space<semaphore_mem>>
        %dma_wait3A_1979 = arith.constant 0 : i32
        %dma_wait3A_1980 = arith.constant 0 : i32
        %dma_wait3A_1981 = tpu.memref_slice %arg4[%select_n3A_1837, %dma_wait3A_1967, %rem3A_1839, %dma_wait3A_1979, %dma_wait3A_1980] : memref<50x8x128x8x128xf32, #tpu.memory_space<hbm>> -> memref<1x1x1x8x128xf32, #tpu.memory_space<hbm>>
        %dma_wait3A_1982 = tpu.memref_squeeze %dma_wait3A_1981 : memref<1x1x1x8x128xf32, #tpu.memory_space<hbm>> -> memref<8x128xf32, #tpu.memory_space<hbm>>
        %dma_wait3A_1983 = arith.constant 48 : i32
        %dma_wait3A_1984 = arith.constant 0 : i32
        %dma_wait3A_1985 = tpu.memref_slice %arg7[%dma_wait3A_1966, %dma_wait3A_1983, %dma_wait3A_1984] : memref<4x64x129xf32, #tpu.memory_space<vmem>> -> memref<1x8x128xf32, #tpu.memory_space<vmem>>
        %dma_wait3A_1986 = tpu.memref_squeeze %dma_wait3A_1985 : memref<1x8x128xf32, #tpu.memory_space<vmem>> -> memref<8x128xf32, #tpu.memory_space<vmem>>
        tpu.wait_dma2 semaphore(%dma_wait3A_1978 : memref<!tpu.dma_semaphore, #tpu.memory_space<semaphore_mem>>) src(%dma_wait3A_1986 : memref<8x128xf32, #tpu.memory_space<vmem>>) dst(%dma_wait3A_1982 : memref<8x128xf32, #tpu.memory_space<hbm>>)
        %dma_wait3A_1987 = arith.constant 3 : i32
        %dma_wait3A_1988 = arith.constant 7 : i32
        %dma_wait3A_1989 = arith.constant 3 : i32
        %dma_wait3A_1990 = arith.constant 56 : i32
        %dma_wait3A_1991 = arith.constant 0 : i32
        %dma_wait3A_1992 = tpu.memref_slice %arg7[%dma_wait3A_1987, %dma_wait3A_1990, %dma_wait3A_1991] : memref<4x64x129xf32, #tpu.memory_space<vmem>> -> memref<1x8x128xf32, #tpu.memory_space<vmem>>
        %dma_wait3A_1993 = tpu.memref_squeeze %dma_wait3A_1992 : memref<1x8x128xf32, #tpu.memory_space<vmem>> -> memref<8x128xf32, #tpu.memory_space<vmem>>
        %dma_wait3A_1994 = arith.constant 0 : i32
        %dma_wait3A_1995 = arith.constant 0 : i32
        %dma_wait3A_1996 = tpu.memref_slice %arg4[%select_n3A_1837, %dma_wait3A_1988, %rem3A_1839, %dma_wait3A_1994, %dma_wait3A_1995] : memref<50x8x128x8x128xf32, #tpu.memory_space<hbm>> -> memref<1x1x1x8x128xf32, #tpu.memory_space<hbm>>
        %dma_wait3A_1997 = tpu.memref_squeeze %dma_wait3A_1996 : memref<1x1x1x8x128xf32, #tpu.memory_space<hbm>> -> memref<8x128xf32, #tpu.memory_space<hbm>>
        %dma_wait3A_1998 = tpu.memref_slice %arg9[%dma_wait3A_1989] : memref<4x!tpu.dma_semaphore, #tpu.memory_space<semaphore_mem>> -> memref<1x!tpu.dma_semaphore, #tpu.memory_space<semaphore_mem>>
        %dma_wait3A_1999 = tpu.memref_squeeze %dma_wait3A_1998 : memref<1x!tpu.dma_semaphore, #tpu.memory_space<semaphore_mem>> -> memref<!tpu.dma_semaphore, #tpu.memory_space<semaphore_mem>>
        %dma_wait3A_2000 = arith.constant 0 : i32
        %dma_wait3A_2001 = arith.constant 0 : i32
        %dma_wait3A_2002 = tpu.memref_slice %arg4[%select_n3A_1837, %dma_wait3A_1988, %rem3A_1839, %dma_wait3A_2000, %dma_wait3A_2001] : memref<50x8x128x8x128xf32, #tpu.memory_space<hbm>> -> memref<1x1x1x8x128xf32, #tpu.memory_space<hbm>>
        %dma_wait3A_2003 = tpu.memref_squeeze %dma_wait3A_2002 : memref<1x1x1x8x128xf32, #tpu.memory_space<hbm>> -> memref<8x128xf32, #tpu.memory_space<hbm>>
        %dma_wait3A_2004 = arith.constant 56 : i32
        %dma_wait3A_2005 = arith.constant 0 : i32
        %dma_wait3A_2006 = tpu.memref_slice %arg7[%dma_wait3A_1987, %dma_wait3A_2004, %dma_wait3A_2005] : memref<4x64x129xf32, #tpu.memory_space<vmem>> -> memref<1x8x128xf32, #tpu.memory_space<vmem>>
        %dma_wait3A_2007 = tpu.memref_squeeze %dma_wait3A_2006 : memref<1x8x128xf32, #tpu.memory_space<vmem>> -> memref<8x128xf32, #tpu.memory_space<vmem>>
        tpu.wait_dma2 semaphore(%dma_wait3A_1999 : memref<!tpu.dma_semaphore, #tpu.memory_space<semaphore_mem>>) src(%dma_wait3A_2007 : memref<8x128xf32, #tpu.memory_space<vmem>>) dst(%dma_wait3A_2003 : memref<8x128xf32, #tpu.memory_space<hbm>>)
      } else {
      }
      %add3A_1599 = arith.constant 0 : i32
      %add3A_1600 = vector.broadcast %add3A_1599 : i32 to vector<16xi32>
      %add3A_1601 = arith.addi %iota3A, %add3A_1600 : vector<16xi32>
      %add3A_1602 = arith.constant 16 : i32
      %add3A_1603 = vector.broadcast %add3A_1602 : i32 to vector<16xi32>
      %add3A_1604 = arith.addi %iota3A, %add3A_1603 : vector<16xi32>
      %add3A_1605 = arith.constant 32 : i32
      %add3A_1606 = vector.broadcast %add3A_1605 : i32 to vector<16xi32>
      %add3A_1607 = arith.addi %iota3A, %add3A_1606 : vector<16xi32>
      %add3A_1608 = arith.constant 48 : i32
      %add3A_1609 = vector.broadcast %add3A_1608 : i32 to vector<16xi32>
      %add3A_1610 = arith.addi %iota3A, %add3A_1609 : vector<16xi32>
      %parallel_loop3A_1611 = arith.constant 0 : i32
      %parallel_loop3A_1612 = arith.constant 128 : i32
      %parallel_loop3A_1613 = arith.constant 1 : i32
      scf.for %parallel_loop3A_1811 = %parallel_loop3A_1611 to %parallel_loop3A_1612 step %parallel_loop3A_1613  : i32 {
        %parallel_loop3A_1812 = vector.broadcast %parallel_loop3A_1811 : i32 to vector<16xi32>
        %parallel_loop3A_1813 = arith.addi %mul3A_3, %parallel_loop3A_1812 : vector<16xi32>
        %parallel_loop3A_1814 = arith.constant 3 : i32
        %parallel_loop3A_1815 = arith.index_cast %parallel_loop3A_1814 : i32 to index
        %parallel_loop3A_1816 = arith.index_cast %parallel_loop3A_1811 : i32 to index
        %parallel_loop3A_1817 = arith.constant 0 : index
        %parallel_loop3A_1818 = tpu.vector_load %arg6[%parallel_loop3A_1815, %parallel_loop3A_1816, %parallel_loop3A_1817] {strides = array<i32>} : memref<4x128x64xf32, #tpu.memory_space<vmem>>, vector<16xf32>,
        %parallel_loop3A_1819 = arith.constant 3 : i32
        %parallel_loop3A_1820 = arith.constant 0 : i32
        %parallel_loop3A_1821 = arith.constant 0 : i32
        %parallel_loop3A_1822 = tpu.memref_slice %arg7[%parallel_loop3A_1819, %parallel_loop3A_1820, %parallel_loop3A_1821] : memref<4x64x129xf32, #tpu.memory_space<vmem>> -> memref<1x64x129xf32, #tpu.memory_space<vmem>>
        %parallel_loop3A_1823 = tpu.memref_squeeze %parallel_loop3A_1822 : memref<1x64x129xf32, #tpu.memory_space<vmem>> -> memref<64x129xf32, #tpu.memory_space<vmem>>
        tpu.vector_store_idx %parallel_loop3A_1823[%add3A_1601, %parallel_loop3A_1813], %parallel_loop3A_1818 : memref<64x129xf32, #tpu.memory_space<vmem>>[vector<16xi32>, vector<16xi32>], vector<16xf32>,
        %parallel_loop3A_1824 = arith.constant 3 : i32
        %parallel_loop3A_1825 = arith.index_cast %parallel_loop3A_1824 : i32 to index
        %parallel_loop3A_1826 = arith.index_cast %parallel_loop3A_1811 : i32 to index
        %parallel_loop3A_1827 = arith.constant 16 : index
        %parallel_loop3A_1828 = tpu.vector_load %arg6[%parallel_loop3A_1825, %parallel_loop3A_1826, %parallel_loop3A_1827] {strides = array<i32>} : memref<4x128x64xf32, #tpu.memory_space<vmem>>, vector<16xf32>,
        %parallel_loop3A_1829 = arith.constant 3 : i32
        %parallel_loop3A_1830 = arith.constant 0 : i32
        %parallel_loop3A_1831 = arith.constant 0 : i32
        %parallel_loop3A_1832 = tpu.memref_slice %arg7[%parallel_loop3A_1829, %parallel_loop3A_1830, %parallel_loop3A_1831] : memref<4x64x129xf32, #tpu.memory_space<vmem>> -> memref<1x64x129xf32, #tpu.memory_space<vmem>>
        %parallel_loop3A_1833 = tpu.memref_squeeze %parallel_loop3A_1832 : memref<1x64x129xf32, #tpu.memory_space<vmem>> -> memref<64x129xf32, #tpu.memory_space<vmem>>
        tpu.vector_store_idx %parallel_loop3A_1833[%add3A_1604, %parallel_loop3A_1813], %parallel_loop3A_1828 : memref<64x129xf32, #tpu.memory_space<vmem>>[vector<16xi32>, vector<16xi32>], vector<16xf32>,
        %parallel_loop3A_1834 = arith.constant 3 : i32
        %parallel_loop3A_1835 = arith.index_cast %parallel_loop3A_1834 : i32 to index
        %parallel_loop3A_1836 = arith.index_cast %parallel_loop3A_1811 : i32 to index
        %parallel_loop3A_1837 = arith.constant 32 : index
        %parallel_loop3A_1838 = tpu.vector_load %arg6[%parallel_loop3A_1835, %parallel_loop3A_1836, %parallel_loop3A_1837] {strides = array<i32>} : memref<4x128x64xf32, #tpu.memory_space<vmem>>, vector<16xf32>,
        %parallel_loop3A_1839 = arith.constant 3 : i32
        %parallel_loop3A_1840 = arith.constant 0 : i32
        %parallel_loop3A_1841 = arith.constant 0 : i32
        %parallel_loop3A_1842 = tpu.memref_slice %arg7[%parallel_loop3A_1839, %parallel_loop3A_1840, %parallel_loop3A_1841] : memref<4x64x129xf32, #tpu.memory_space<vmem>> -> memref<1x64x129xf32, #tpu.memory_space<vmem>>
        %parallel_loop3A_1843 = tpu.memref_squeeze %parallel_loop3A_1842 : memref<1x64x129xf32, #tpu.memory_space<vmem>> -> memref<64x129xf32, #tpu.memory_space<vmem>>
        tpu.vector_store_idx %parallel_loop3A_1843[%add3A_1607, %parallel_loop3A_1813], %parallel_loop3A_1838 : memref<64x129xf32, #tpu.memory_space<vmem>>[vector<16xi32>, vector<16xi32>], vector<16xf32>,
        %parallel_loop3A_1844 = arith.constant 3 : i32
        %parallel_loop3A_1845 = arith.index_cast %parallel_loop3A_1844 : i32 to index
        %parallel_loop3A_1846 = arith.index_cast %parallel_loop3A_1811 : i32 to index
        %parallel_loop3A_1847 = arith.constant 48 : index
        %parallel_loop3A_1848 = tpu.vector_load %arg6[%parallel_loop3A_1845, %parallel_loop3A_1846, %parallel_loop3A_1847] {strides = array<i32>} : memref<4x128x64xf32, #tpu.memory_space<vmem>>, vector<16xf32>,
        %parallel_loop3A_1849 = arith.constant 3 : i32
        %parallel_loop3A_1850 = arith.constant 0 : i32
        %parallel_loop3A_1851 = arith.constant 0 : i32
        %parallel_loop3A_1852 = tpu.memref_slice %arg7[%parallel_loop3A_1849, %parallel_loop3A_1850, %parallel_loop3A_1851] : memref<4x64x129xf32, #tpu.memory_space<vmem>> -> memref<1x64x129xf32, #tpu.memory_space<vmem>>
        %parallel_loop3A_1853 = tpu.memref_squeeze %parallel_loop3A_1852 : memref<1x64x129xf32, #tpu.memory_space<vmem>> -> memref<64x129xf32, #tpu.memory_space<vmem>>
        tpu.vector_store_idx %parallel_loop3A_1853[%add3A_1610, %parallel_loop3A_1813], %parallel_loop3A_1848 : memref<64x129xf32, #tpu.memory_space<vmem>>[vector<16xi32>, vector<16xi32>], vector<16xf32>,
      } {sc.loop_unroll_factor = 1 : i64, sc.parallel_access}
      %mul3A_1614 = arith.constant 200 : i32
      %mul3A_1615 = arith.muli %add3A, %mul3A_1614 : i32
      %add3A_1616 = arith.addi %mul3A_1615, %add3A_1573 : i32
      %jit3A_1617 = arith.constant 128 : i32
      %div3A_1618 = arith.divsi %add3A_1616, %jit3A_1617 : i32
      %sign3A_1619 = arith.constant 0 : i32
      %sign3A_1620 = arith.cmpi sgt, %add3A_1616, %sign3A_1619 : i32
      %sign3A_1621 = arith.extui %sign3A_1620 : i1 to i32
      %sign3A_1622 = arith.constant 0 : i32
      %sign3A_1623 = arith.cmpi slt, %add3A_1616, %sign3A_1622 : i32
      %sign3A_1624 = arith.extui %sign3A_1623 : i1 to i32
      %sign3A_1625 = arith.subi %sign3A_1621, %sign3A_1624 : i32
      %sign3A_1626 = arith.constant 0 : i32
      %sign3A_1627 = arith.cmpi sgt, %jit3A_1617, %sign3A_1626 : i32
      %sign3A_1628 = arith.extui %sign3A_1627 : i1 to i32
      %sign3A_1629 = arith.constant 0 : i32
      %sign3A_1630 = arith.cmpi slt, %jit3A_1617, %sign3A_1629 : i32
      %sign3A_1631 = arith.extui %sign3A_1630 : i1 to i32
      %sign3A_1632 = arith.subi %sign3A_1628, %sign3A_1631 : i32
      %ne3A_1633 = arith.cmpi ne, %sign3A_1625, %sign3A_1632 : i32
      %rem3A_1634 = arith.remsi %add3A_1616, %jit3A_1617 : i32
      %ne3A_1635 = arith.constant 0 : i32
      %ne3A_1636 = arith.cmpi ne, %rem3A_1634, %ne3A_1635 : i32
      %and3A_1637 = arith.andi %ne3A_1633, %ne3A_1636 : i1
      %sub3A_1638 = arith.constant 1 : i32
      %sub3A_1639 = arith.subi %div3A_1618, %sub3A_1638 : i32
      %select_n3A_1640 = arith.select %and3A_1637, %sub3A_1639, %div3A_1618 : i32
      %rem3A_1641 = arith.constant 128 : i32
      %rem3A_1642 = arith.remsi %add3A_1616, %rem3A_1641 : i32
      %dma_start3A_1643 = arith.constant 3 : i32
      %dma_start3A_1644 = arith.constant 0 : i32
      %dma_start3A_1645 = arith.constant 3 : i32
      %dma_start3A_1646 = arith.constant 0 : i32
      %dma_start3A_1647 = arith.constant 0 : i32
      %dma_start3A_1648 = tpu.memref_slice %arg7[%dma_start3A_1643, %dma_start3A_1646, %dma_start3A_1647] : memref<4x64x129xf32, #tpu.memory_space<vmem>> -> memref<1x8x128xf32, #tpu.memory_space<vmem>>
      %dma_start3A_1649 = tpu.memref_squeeze %dma_start3A_1648 : memref<1x8x128xf32, #tpu.memory_space<vmem>> -> memref<8x128xf32, #tpu.memory_space<vmem>>
      %dma_start3A_1650 = arith.constant 0 : i32
      %dma_start3A_1651 = arith.constant 0 : i32
      %dma_start3A_1652 = tpu.memref_slice %arg4[%select_n3A_1640, %dma_start3A_1644, %rem3A_1642, %dma_start3A_1650, %dma_start3A_1651] : memref<50x8x128x8x128xf32, #tpu.memory_space<hbm>> -> memref<1x1x1x8x128xf32, #tpu.memory_space<hbm>>
      %dma_start3A_1653 = tpu.memref_squeeze %dma_start3A_1652 : memref<1x1x1x8x128xf32, #tpu.memory_space<hbm>> -> memref<8x128xf32, #tpu.memory_space<hbm>>
      %dma_start3A_1654 = tpu.memref_slice %arg9[%dma_start3A_1645] : memref<4x!tpu.dma_semaphore, #tpu.memory_space<semaphore_mem>> -> memref<1x!tpu.dma_semaphore, #tpu.memory_space<semaphore_mem>>
      %dma_start3A_1655 = tpu.memref_squeeze %dma_start3A_1654 : memref<1x!tpu.dma_semaphore, #tpu.memory_space<semaphore_mem>> -> memref<!tpu.dma_semaphore, #tpu.memory_space<semaphore_mem>>
      %dma_start3A_1656 = arith.constant 0 : i32
      %dma_start3A_1657 = arith.constant 0 : i32
      %dma_start3A_1658 = tpu.memref_slice %arg4[%select_n3A_1640, %dma_start3A_1644, %rem3A_1642, %dma_start3A_1656, %dma_start3A_1657] : memref<50x8x128x8x128xf32, #tpu.memory_space<hbm>> -> memref<1x1x1x8x128xf32, #tpu.memory_space<hbm>>
      %dma_start3A_1659 = tpu.memref_squeeze %dma_start3A_1658 : memref<1x1x1x8x128xf32, #tpu.memory_space<hbm>> -> memref<8x128xf32, #tpu.memory_space<hbm>>
      %dma_start3A_1660 = arith.constant 0 : i32
      %dma_start3A_1661 = arith.constant 0 : i32
      %dma_start3A_1662 = tpu.memref_slice %arg7[%dma_start3A_1643, %dma_start3A_1660, %dma_start3A_1661] : memref<4x64x129xf32, #tpu.memory_space<vmem>> -> memref<1x8x128xf32, #tpu.memory_space<vmem>>
      %dma_start3A_1663 = tpu.memref_squeeze %dma_start3A_1662 : memref<1x8x128xf32, #tpu.memory_space<vmem>> -> memref<8x128xf32, #tpu.memory_space<vmem>>
      tpu.enqueue_dma source(%dma_start3A_1663 : memref<8x128xf32, #tpu.memory_space<vmem>>) target(%dma_start3A_1659 : memref<8x128xf32, #tpu.memory_space<hbm>>) target_semaphore(%dma_start3A_1655 : memref<!tpu.dma_semaphore, #tpu.memory_space<semaphore_mem>>)
      %dma_start3A_1664 = arith.constant 3 : i32
      %dma_start3A_1665 = arith.constant 1 : i32
      %dma_start3A_1666 = arith.constant 3 : i32
      %dma_start3A_1667 = arith.constant 8 : i32
      %dma_start3A_1668 = arith.constant 0 : i32
      %dma_start3A_1669 = tpu.memref_slice %arg7[%dma_start3A_1664, %dma_start3A_1667, %dma_start3A_1668] : memref<4x64x129xf32, #tpu.memory_space<vmem>> -> memref<1x8x128xf32, #tpu.memory_space<vmem>>
      %dma_start3A_1670 = tpu.memref_squeeze %dma_start3A_1669 : memref<1x8x128xf32, #tpu.memory_space<vmem>> -> memref<8x128xf32, #tpu.memory_space<vmem>>
      %dma_start3A_1671 = arith.constant 0 : i32
      %dma_start3A_1672 = arith.constant 0 : i32
      %dma_start3A_1673 = tpu.memref_slice %arg4[%select_n3A_1640, %dma_start3A_1665, %rem3A_1642, %dma_start3A_1671, %dma_start3A_1672] : memref<50x8x128x8x128xf32, #tpu.memory_space<hbm>> -> memref<1x1x1x8x128xf32, #tpu.memory_space<hbm>>
      %dma_start3A_1674 = tpu.memref_squeeze %dma_start3A_1673 : memref<1x1x1x8x128xf32, #tpu.memory_space<hbm>> -> memref<8x128xf32, #tpu.memory_space<hbm>>
      %dma_start3A_1675 = tpu.memref_slice %arg9[%dma_start3A_1666] : memref<4x!tpu.dma_semaphore, #tpu.memory_space<semaphore_mem>> -> memref<1x!tpu.dma_semaphore, #tpu.memory_space<semaphore_mem>>
      %dma_start3A_1676 = tpu.memref_squeeze %dma_start3A_1675 : memref<1x!tpu.dma_semaphore, #tpu.memory_space<semaphore_mem>> -> memref<!tpu.dma_semaphore, #tpu.memory_space<semaphore_mem>>
      %dma_start3A_1677 = arith.constant 0 : i32
      %dma_start3A_1678 = arith.constant 0 : i32
      %dma_start3A_1679 = tpu.memref_slice %arg4[%select_n3A_1640, %dma_start3A_1665, %rem3A_1642, %dma_start3A_1677, %dma_start3A_1678] : memref<50x8x128x8x128xf32, #tpu.memory_space<hbm>> -> memref<1x1x1x8x128xf32, #tpu.memory_space<hbm>>
      %dma_start3A_1680 = tpu.memref_squeeze %dma_start3A_1679 : memref<1x1x1x8x128xf32, #tpu.memory_space<hbm>> -> memref<8x128xf32, #tpu.memory_space<hbm>>
      %dma_start3A_1681 = arith.constant 8 : i32
      %dma_start3A_1682 = arith.constant 0 : i32
      %dma_start3A_1683 = tpu.memref_slice %arg7[%dma_start3A_1664, %dma_start3A_1681, %dma_start3A_1682] : memref<4x64x129xf32, #tpu.memory_space<vmem>> -> memref<1x8x128xf32, #tpu.memory_space<vmem>>
      %dma_start3A_1684 = tpu.memref_squeeze %dma_start3A_1683 : memref<1x8x128xf32, #tpu.memory_space<vmem>> -> memref<8x128xf32, #tpu.memory_space<vmem>>
      tpu.enqueue_dma source(%dma_start3A_1684 : memref<8x128xf32, #tpu.memory_space<vmem>>) target(%dma_start3A_1680 : memref<8x128xf32, #tpu.memory_space<hbm>>) target_semaphore(%dma_start3A_1676 : memref<!tpu.dma_semaphore, #tpu.memory_space<semaphore_mem>>)
      %dma_start3A_1685 = arith.constant 3 : i32
      %dma_start3A_1686 = arith.constant 2 : i32
      %dma_start3A_1687 = arith.constant 3 : i32
      %dma_start3A_1688 = arith.constant 16 : i32
      %dma_start3A_1689 = arith.constant 0 : i32
      %dma_start3A_1690 = tpu.memref_slice %arg7[%dma_start3A_1685, %dma_start3A_1688, %dma_start3A_1689] : memref<4x64x129xf32, #tpu.memory_space<vmem>> -> memref<1x8x128xf32, #tpu.memory_space<vmem>>
      %dma_start3A_1691 = tpu.memref_squeeze %dma_start3A_1690 : memref<1x8x128xf32, #tpu.memory_space<vmem>> -> memref<8x128xf32, #tpu.memory_space<vmem>>
      %dma_start3A_1692 = arith.constant 0 : i32
      %dma_start3A_1693 = arith.constant 0 : i32
      %dma_start3A_1694 = tpu.memref_slice %arg4[%select_n3A_1640, %dma_start3A_1686, %rem3A_1642, %dma_start3A_1692, %dma_start3A_1693] : memref<50x8x128x8x128xf32, #tpu.memory_space<hbm>> -> memref<1x1x1x8x128xf32, #tpu.memory_space<hbm>>
      %dma_start3A_1695 = tpu.memref_squeeze %dma_start3A_1694 : memref<1x1x1x8x128xf32, #tpu.memory_space<hbm>> -> memref<8x128xf32, #tpu.memory_space<hbm>>
      %dma_start3A_1696 = tpu.memref_slice %arg9[%dma_start3A_1687] : memref<4x!tpu.dma_semaphore, #tpu.memory_space<semaphore_mem>> -> memref<1x!tpu.dma_semaphore, #tpu.memory_space<semaphore_mem>>
      %dma_start3A_1697 = tpu.memref_squeeze %dma_start3A_1696 : memref<1x!tpu.dma_semaphore, #tpu.memory_space<semaphore_mem>> -> memref<!tpu.dma_semaphore, #tpu.memory_space<semaphore_mem>>
      %dma_start3A_1698 = arith.constant 0 : i32
      %dma_start3A_1699 = arith.constant 0 : i32
      %dma_start3A_1700 = tpu.memref_slice %arg4[%select_n3A_1640, %dma_start3A_1686, %rem3A_1642, %dma_start3A_1698, %dma_start3A_1699] : memref<50x8x128x8x128xf32, #tpu.memory_space<hbm>> -> memref<1x1x1x8x128xf32, #tpu.memory_space<hbm>>
      %dma_start3A_1701 = tpu.memref_squeeze %dma_start3A_1700 : memref<1x1x1x8x128xf32, #tpu.memory_space<hbm>> -> memref<8x128xf32, #tpu.memory_space<hbm>>
      %dma_start3A_1702 = arith.constant 16 : i32
      %dma_start3A_1703 = arith.constant 0 : i32
      %dma_start3A_1704 = tpu.memref_slice %arg7[%dma_start3A_1685, %dma_start3A_1702, %dma_start3A_1703] : memref<4x64x129xf32, #tpu.memory_space<vmem>> -> memref<1x8x128xf32, #tpu.memory_space<vmem>>
      %dma_start3A_1705 = tpu.memref_squeeze %dma_start3A_1704 : memref<1x8x128xf32, #tpu.memory_space<vmem>> -> memref<8x128xf32, #tpu.memory_space<vmem>>
      tpu.enqueue_dma source(%dma_start3A_1705 : memref<8x128xf32, #tpu.memory_space<vmem>>) target(%dma_start3A_1701 : memref<8x128xf32, #tpu.memory_space<hbm>>) target_semaphore(%dma_start3A_1697 : memref<!tpu.dma_semaphore, #tpu.memory_space<semaphore_mem>>)
      %dma_start3A_1706 = arith.constant 3 : i32
      %dma_start3A_1707 = arith.constant 3 : i32
      %dma_start3A_1708 = arith.constant 3 : i32
      %dma_start3A_1709 = arith.constant 24 : i32
      %dma_start3A_1710 = arith.constant 0 : i32
      %dma_start3A_1711 = tpu.memref_slice %arg7[%dma_start3A_1706, %dma_start3A_1709, %dma_start3A_1710] : memref<4x64x129xf32, #tpu.memory_space<vmem>> -> memref<1x8x128xf32, #tpu.memory_space<vmem>>
      %dma_start3A_1712 = tpu.memref_squeeze %dma_start3A_1711 : memref<1x8x128xf32, #tpu.memory_space<vmem>> -> memref<8x128xf32, #tpu.memory_space<vmem>>
      %dma_start3A_1713 = arith.constant 0 : i32
      %dma_start3A_1714 = arith.constant 0 : i32
      %dma_start3A_1715 = tpu.memref_slice %arg4[%select_n3A_1640, %dma_start3A_1707, %rem3A_1642, %dma_start3A_1713, %dma_start3A_1714] : memref<50x8x128x8x128xf32, #tpu.memory_space<hbm>> -> memref<1x1x1x8x128xf32, #tpu.memory_space<hbm>>
      %dma_start3A_1716 = tpu.memref_squeeze %dma_start3A_1715 : memref<1x1x1x8x128xf32, #tpu.memory_space<hbm>> -> memref<8x128xf32, #tpu.memory_space<hbm>>
      %dma_start3A_1717 = tpu.memref_slice %arg9[%dma_start3A_1708] : memref<4x!tpu.dma_semaphore, #tpu.memory_space<semaphore_mem>> -> memref<1x!tpu.dma_semaphore, #tpu.memory_space<semaphore_mem>>
      %dma_start3A_1718 = tpu.memref_squeeze %dma_start3A_1717 : memref<1x!tpu.dma_semaphore, #tpu.memory_space<semaphore_mem>> -> memref<!tpu.dma_semaphore, #tpu.memory_space<semaphore_mem>>
      %dma_start3A_1719 = arith.constant 0 : i32
      %dma_start3A_1720 = arith.constant 0 : i32
      %dma_start3A_1721 = tpu.memref_slice %arg4[%select_n3A_1640, %dma_start3A_1707, %rem3A_1642, %dma_start3A_1719, %dma_start3A_1720] : memref<50x8x128x8x128xf32, #tpu.memory_space<hbm>> -> memref<1x1x1x8x128xf32, #tpu.memory_space<hbm>>
      %dma_start3A_1722 = tpu.memref_squeeze %dma_start3A_1721 : memref<1x1x1x8x128xf32, #tpu.memory_space<hbm>> -> memref<8x128xf32, #tpu.memory_space<hbm>>
      %dma_start3A_1723 = arith.constant 24 : i32
      %dma_start3A_1724 = arith.constant 0 : i32
      %dma_start3A_1725 = tpu.memref_slice %arg7[%dma_start3A_1706, %dma_start3A_1723, %dma_start3A_1724] : memref<4x64x129xf32, #tpu.memory_space<vmem>> -> memref<1x8x128xf32, #tpu.memory_space<vmem>>
      %dma_start3A_1726 = tpu.memref_squeeze %dma_start3A_1725 : memref<1x8x128xf32, #tpu.memory_space<vmem>> -> memref<8x128xf32, #tpu.memory_space<vmem>>
      tpu.enqueue_dma source(%dma_start3A_1726 : memref<8x128xf32, #tpu.memory_space<vmem>>) target(%dma_start3A_1722 : memref<8x128xf32, #tpu.memory_space<hbm>>) target_semaphore(%dma_start3A_1718 : memref<!tpu.dma_semaphore, #tpu.memory_space<semaphore_mem>>)
      %dma_start3A_1727 = arith.constant 3 : i32
      %dma_start3A_1728 = arith.constant 4 : i32
      %dma_start3A_1729 = arith.constant 3 : i32
      %dma_start3A_1730 = arith.constant 32 : i32
      %dma_start3A_1731 = arith.constant 0 : i32
      %dma_start3A_1732 = tpu.memref_slice %arg7[%dma_start3A_1727, %dma_start3A_1730, %dma_start3A_1731] : memref<4x64x129xf32, #tpu.memory_space<vmem>> -> memref<1x8x128xf32, #tpu.memory_space<vmem>>
      %dma_start3A_1733 = tpu.memref_squeeze %dma_start3A_1732 : memref<1x8x128xf32, #tpu.memory_space<vmem>> -> memref<8x128xf32, #tpu.memory_space<vmem>>
      %dma_start3A_1734 = arith.constant 0 : i32
      %dma_start3A_1735 = arith.constant 0 : i32
      %dma_start3A_1736 = tpu.memref_slice %arg4[%select_n3A_1640, %dma_start3A_1728, %rem3A_1642, %dma_start3A_1734, %dma_start3A_1735] : memref<50x8x128x8x128xf32, #tpu.memory_space<hbm>> -> memref<1x1x1x8x128xf32, #tpu.memory_space<hbm>>
      %dma_start3A_1737 = tpu.memref_squeeze %dma_start3A_1736 : memref<1x1x1x8x128xf32, #tpu.memory_space<hbm>> -> memref<8x128xf32, #tpu.memory_space<hbm>>
      %dma_start3A_1738 = tpu.memref_slice %arg9[%dma_start3A_1729] : memref<4x!tpu.dma_semaphore, #tpu.memory_space<semaphore_mem>> -> memref<1x!tpu.dma_semaphore, #tpu.memory_space<semaphore_mem>>
      %dma_start3A_1739 = tpu.memref_squeeze %dma_start3A_1738 : memref<1x!tpu.dma_semaphore, #tpu.memory_space<semaphore_mem>> -> memref<!tpu.dma_semaphore, #tpu.memory_space<semaphore_mem>>
      %dma_start3A_1740 = arith.constant 0 : i32
      %dma_start3A_1741 = arith.constant 0 : i32
      %dma_start3A_1742 = tpu.memref_slice %arg4[%select_n3A_1640, %dma_start3A_1728, %rem3A_1642, %dma_start3A_1740, %dma_start3A_1741] : memref<50x8x128x8x128xf32, #tpu.memory_space<hbm>> -> memref<1x1x1x8x128xf32, #tpu.memory_space<hbm>>
      %dma_start3A_1743 = tpu.memref_squeeze %dma_start3A_1742 : memref<1x1x1x8x128xf32, #tpu.memory_space<hbm>> -> memref<8x128xf32, #tpu.memory_space<hbm>>
      %dma_start3A_1744 = arith.constant 32 : i32
      %dma_start3A_1745 = arith.constant 0 : i32
      %dma_start3A_1746 = tpu.memref_slice %arg7[%dma_start3A_1727, %dma_start3A_1744, %dma_start3A_1745] : memref<4x64x129xf32, #tpu.memory_space<vmem>> -> memref<1x8x128xf32, #tpu.memory_space<vmem>>
      %dma_start3A_1747 = tpu.memref_squeeze %dma_start3A_1746 : memref<1x8x128xf32, #tpu.memory_space<vmem>> -> memref<8x128xf32, #tpu.memory_space<vmem>>
      tpu.enqueue_dma source(%dma_start3A_1747 : memref<8x128xf32, #tpu.memory_space<vmem>>) target(%dma_start3A_1743 : memref<8x128xf32, #tpu.memory_space<hbm>>) target_semaphore(%dma_start3A_1739 : memref<!tpu.dma_semaphore, #tpu.memory_space<semaphore_mem>>)
      %dma_start3A_1748 = arith.constant 3 : i32
      %dma_start3A_1749 = arith.constant 5 : i32
      %dma_start3A_1750 = arith.constant 3 : i32
      %dma_start3A_1751 = arith.constant 40 : i32
      %dma_start3A_1752 = arith.constant 0 : i32
      %dma_start3A_1753 = tpu.memref_slice %arg7[%dma_start3A_1748, %dma_start3A_1751, %dma_start3A_1752] : memref<4x64x129xf32, #tpu.memory_space<vmem>> -> memref<1x8x128xf32, #tpu.memory_space<vmem>>
      %dma_start3A_1754 = tpu.memref_squeeze %dma_start3A_1753 : memref<1x8x128xf32, #tpu.memory_space<vmem>> -> memref<8x128xf32, #tpu.memory_space<vmem>>
      %dma_start3A_1755 = arith.constant 0 : i32
      %dma_start3A_1756 = arith.constant 0 : i32
      %dma_start3A_1757 = tpu.memref_slice %arg4[%select_n3A_1640, %dma_start3A_1749, %rem3A_1642, %dma_start3A_1755, %dma_start3A_1756] : memref<50x8x128x8x128xf32, #tpu.memory_space<hbm>> -> memref<1x1x1x8x128xf32, #tpu.memory_space<hbm>>
      %dma_start3A_1758 = tpu.memref_squeeze %dma_start3A_1757 : memref<1x1x1x8x128xf32, #tpu.memory_space<hbm>> -> memref<8x128xf32, #tpu.memory_space<hbm>>
      %dma_start3A_1759 = tpu.memref_slice %arg9[%dma_start3A_1750] : memref<4x!tpu.dma_semaphore, #tpu.memory_space<semaphore_mem>> -> memref<1x!tpu.dma_semaphore, #tpu.memory_space<semaphore_mem>>
      %dma_start3A_1760 = tpu.memref_squeeze %dma_start3A_1759 : memref<1x!tpu.dma_semaphore, #tpu.memory_space<semaphore_mem>> -> memref<!tpu.dma_semaphore, #tpu.memory_space<semaphore_mem>>
      %dma_start3A_1761 = arith.constant 0 : i32
      %dma_start3A_1762 = arith.constant 0 : i32
      %dma_start3A_1763 = tpu.memref_slice %arg4[%select_n3A_1640, %dma_start3A_1749, %rem3A_1642, %dma_start3A_1761, %dma_start3A_1762] : memref<50x8x128x8x128xf32, #tpu.memory_space<hbm>> -> memref<1x1x1x8x128xf32, #tpu.memory_space<hbm>>
      %dma_start3A_1764 = tpu.memref_squeeze %dma_start3A_1763 : memref<1x1x1x8x128xf32, #tpu.memory_space<hbm>> -> memref<8x128xf32, #tpu.memory_space<hbm>>
      %dma_start3A_1765 = arith.constant 40 : i32
      %dma_start3A_1766 = arith.constant 0 : i32
      %dma_start3A_1767 = tpu.memref_slice %arg7[%dma_start3A_1748, %dma_start3A_1765, %dma_start3A_1766] : memref<4x64x129xf32, #tpu.memory_space<vmem>> -> memref<1x8x128xf32, #tpu.memory_space<vmem>>
      %dma_start3A_1768 = tpu.memref_squeeze %dma_start3A_1767 : memref<1x8x128xf32, #tpu.memory_space<vmem>> -> memref<8x128xf32, #tpu.memory_space<vmem>>
      tpu.enqueue_dma source(%dma_start3A_1768 : memref<8x128xf32, #tpu.memory_space<vmem>>) target(%dma_start3A_1764 : memref<8x128xf32, #tpu.memory_space<hbm>>) target_semaphore(%dma_start3A_1760 : memref<!tpu.dma_semaphore, #tpu.memory_space<semaphore_mem>>)
      %dma_start3A_1769 = arith.constant 3 : i32
      %dma_start3A_1770 = arith.constant 6 : i32
      %dma_start3A_1771 = arith.constant 3 : i32
      %dma_start3A_1772 = arith.constant 48 : i32
      %dma_start3A_1773 = arith.constant 0 : i32
      %dma_start3A_1774 = tpu.memref_slice %arg7[%dma_start3A_1769, %dma_start3A_1772, %dma_start3A_1773] : memref<4x64x129xf32, #tpu.memory_space<vmem>> -> memref<1x8x128xf32, #tpu.memory_space<vmem>>
      %dma_start3A_1775 = tpu.memref_squeeze %dma_start3A_1774 : memref<1x8x128xf32, #tpu.memory_space<vmem>> -> memref<8x128xf32, #tpu.memory_space<vmem>>
      %dma_start3A_1776 = arith.constant 0 : i32
      %dma_start3A_1777 = arith.constant 0 : i32
      %dma_start3A_1778 = tpu.memref_slice %arg4[%select_n3A_1640, %dma_start3A_1770, %rem3A_1642, %dma_start3A_1776, %dma_start3A_1777] : memref<50x8x128x8x128xf32, #tpu.memory_space<hbm>> -> memref<1x1x1x8x128xf32, #tpu.memory_space<hbm>>
      %dma_start3A_1779 = tpu.memref_squeeze %dma_start3A_1778 : memref<1x1x1x8x128xf32, #tpu.memory_space<hbm>> -> memref<8x128xf32, #tpu.memory_space<hbm>>
      %dma_start3A_1780 = tpu.memref_slice %arg9[%dma_start3A_1771] : memref<4x!tpu.dma_semaphore, #tpu.memory_space<semaphore_mem>> -> memref<1x!tpu.dma_semaphore, #tpu.memory_space<semaphore_mem>>
      %dma_start3A_1781 = tpu.memref_squeeze %dma_start3A_1780 : memref<1x!tpu.dma_semaphore, #tpu.memory_space<semaphore_mem>> -> memref<!tpu.dma_semaphore, #tpu.memory_space<semaphore_mem>>
      %dma_start3A_1782 = arith.constant 0 : i32
      %dma_start3A_1783 = arith.constant 0 : i32
      %dma_start3A_1784 = tpu.memref_slice %arg4[%select_n3A_1640, %dma_start3A_1770, %rem3A_1642, %dma_start3A_1782, %dma_start3A_1783] : memref<50x8x128x8x128xf32, #tpu.memory_space<hbm>> -> memref<1x1x1x8x128xf32, #tpu.memory_space<hbm>>
      %dma_start3A_1785 = tpu.memref_squeeze %dma_start3A_1784 : memref<1x1x1x8x128xf32, #tpu.memory_space<hbm>> -> memref<8x128xf32, #tpu.memory_space<hbm>>
      %dma_start3A_1786 = arith.constant 48 : i32
      %dma_start3A_1787 = arith.constant 0 : i32
      %dma_start3A_1788 = tpu.memref_slice %arg7[%dma_start3A_1769, %dma_start3A_1786, %dma_start3A_1787] : memref<4x64x129xf32, #tpu.memory_space<vmem>> -> memref<1x8x128xf32, #tpu.memory_space<vmem>>
      %dma_start3A_1789 = tpu.memref_squeeze %dma_start3A_1788 : memref<1x8x128xf32, #tpu.memory_space<vmem>> -> memref<8x128xf32, #tpu.memory_space<vmem>>
      tpu.enqueue_dma source(%dma_start3A_1789 : memref<8x128xf32, #tpu.memory_space<vmem>>) target(%dma_start3A_1785 : memref<8x128xf32, #tpu.memory_space<hbm>>) target_semaphore(%dma_start3A_1781 : memref<!tpu.dma_semaphore, #tpu.memory_space<semaphore_mem>>)
      %dma_start3A_1790 = arith.constant 3 : i32
      %dma_start3A_1791 = arith.constant 7 : i32
      %dma_start3A_1792 = arith.constant 3 : i32
      %dma_start3A_1793 = arith.constant 56 : i32
      %dma_start3A_1794 = arith.constant 0 : i32
      %dma_start3A_1795 = tpu.memref_slice %arg7[%dma_start3A_1790, %dma_start3A_1793, %dma_start3A_1794] : memref<4x64x129xf32, #tpu.memory_space<vmem>> -> memref<1x8x128xf32, #tpu.memory_space<vmem>>
      %dma_start3A_1796 = tpu.memref_squeeze %dma_start3A_1795 : memref<1x8x128xf32, #tpu.memory_space<vmem>> -> memref<8x128xf32, #tpu.memory_space<vmem>>
      %dma_start3A_1797 = arith.constant 0 : i32
      %dma_start3A_1798 = arith.constant 0 : i32
      %dma_start3A_1799 = tpu.memref_slice %arg4[%select_n3A_1640, %dma_start3A_1791, %rem3A_1642, %dma_start3A_1797, %dma_start3A_1798] : memref<50x8x128x8x128xf32, #tpu.memory_space<hbm>> -> memref<1x1x1x8x128xf32, #tpu.memory_space<hbm>>
      %dma_start3A_1800 = tpu.memref_squeeze %dma_start3A_1799 : memref<1x1x1x8x128xf32, #tpu.memory_space<hbm>> -> memref<8x128xf32, #tpu.memory_space<hbm>>
      %dma_start3A_1801 = tpu.memref_slice %arg9[%dma_start3A_1792] : memref<4x!tpu.dma_semaphore, #tpu.memory_space<semaphore_mem>> -> memref<1x!tpu.dma_semaphore, #tpu.memory_space<semaphore_mem>>
      %dma_start3A_1802 = tpu.memref_squeeze %dma_start3A_1801 : memref<1x!tpu.dma_semaphore, #tpu.memory_space<semaphore_mem>> -> memref<!tpu.dma_semaphore, #tpu.memory_space<semaphore_mem>>
      %dma_start3A_1803 = arith.constant 0 : i32
      %dma_start3A_1804 = arith.constant 0 : i32
      %dma_start3A_1805 = tpu.memref_slice %arg4[%select_n3A_1640, %dma_start3A_1791, %rem3A_1642, %dma_start3A_1803, %dma_start3A_1804] : memref<50x8x128x8x128xf32, #tpu.memory_space<hbm>> -> memref<1x1x1x8x128xf32, #tpu.memory_space<hbm>>
      %dma_start3A_1806 = tpu.memref_squeeze %dma_start3A_1805 : memref<1x1x1x8x128xf32, #tpu.memory_space<hbm>> -> memref<8x128xf32, #tpu.memory_space<hbm>>
      %dma_start3A_1807 = arith.constant 56 : i32
      %dma_start3A_1808 = arith.constant 0 : i32
      %dma_start3A_1809 = tpu.memref_slice %arg7[%dma_start3A_1790, %dma_start3A_1807, %dma_start3A_1808] : memref<4x64x129xf32, #tpu.memory_space<vmem>> -> memref<1x8x128xf32, #tpu.memory_space<vmem>>
      %dma_start3A_1810 = tpu.memref_squeeze %dma_start3A_1809 : memref<1x8x128xf32, #tpu.memory_space<vmem>> -> memref<8x128xf32, #tpu.memory_space<vmem>>
      tpu.enqueue_dma source(%dma_start3A_1810 : memref<8x128xf32, #tpu.memory_space<vmem>>) target(%dma_start3A_1806 : memref<8x128xf32, #tpu.memory_space<hbm>>) target_semaphore(%dma_start3A_1802 : memref<!tpu.dma_semaphore, #tpu.memory_space<semaphore_mem>>)
    }
    %scan3A_53 = arith.constant 50 : i32
    %mul3A_54 = arith.constant 200 : i32
    %mul3A_55 = arith.muli %add3A, %mul3A_54 : i32
    %add3A_56 = arith.constant 196 : i32
    %add3A_57 = arith.addi %mul3A_55, %add3A_56 : i32
    %jit3A = arith.constant 128 : i32
    %div3A = arith.divsi %add3A_57, %jit3A : i32
    %sign3A = arith.constant 0 : i32
    %sign3A_58 = arith.cmpi sgt, %add3A_57, %sign3A : i32
    %sign3A_59 = arith.extui %sign3A_58 : i1 to i32
    %sign3A_60 = arith.constant 0 : i32
    %sign3A_61 = arith.cmpi slt, %add3A_57, %sign3A_60 : i32
    %sign3A_62 = arith.extui %sign3A_61 : i1 to i32
    %sign3A_63 = arith.subi %sign3A_59, %sign3A_62 : i32
    %sign3A_64 = arith.constant 0 : i32
    %sign3A_65 = arith.cmpi sgt, %jit3A, %sign3A_64 : i32
    %sign3A_66 = arith.extui %sign3A_65 : i1 to i32
    %sign3A_67 = arith.constant 0 : i32
    %sign3A_68 = arith.cmpi slt, %jit3A, %sign3A_67 : i32
    %sign3A_69 = arith.extui %sign3A_68 : i1 to i32
    %sign3A_70 = arith.subi %sign3A_66, %sign3A_69 : i32
    %ne3A = arith.cmpi ne, %sign3A_63, %sign3A_70 : i32
    %rem3A = arith.remsi %add3A_57, %jit3A : i32
    %ne3A_71 = arith.constant 0 : i32
    %ne3A_72 = arith.cmpi ne, %rem3A, %ne3A_71 : i32
    %and3A = arith.andi %ne3A, %ne3A_72 : i1
    %sub3A = arith.constant 1 : i32
    %sub3A_73 = arith.subi %div3A, %sub3A : i32
    %select_n3A = arith.select %and3A, %sub3A_73, %div3A : i32
    %rem3A_74 = arith.constant 128 : i32
    %rem3A_75 = arith.remsi %add3A_57, %rem3A_74 : i32
    %dma_wait3A = arith.constant 0 : i32
    %dma_wait3A_76 = arith.constant 0 : i32
    %dma_wait3A_77 = arith.constant 0 : i32
    %dma_wait3A_78 = arith.constant 0 : i32
    %dma_wait3A_79 = arith.constant 0 : i32
    %dma_wait3A_80 = tpu.memref_slice %arg7[%dma_wait3A, %dma_wait3A_78, %dma_wait3A_79] : memref<4x64x129xf32, #tpu.memory_space<vmem>> -> memref<1x8x128xf32, #tpu.memory_space<vmem>>
    %dma_wait3A_81 = tpu.memref_squeeze %dma_wait3A_80 : memref<1x8x128xf32, #tpu.memory_space<vmem>> -> memref<8x128xf32, #tpu.memory_space<vmem>>
    %dma_wait3A_82 = arith.constant 0 : i32
    %dma_wait3A_83 = arith.constant 0 : i32
    %dma_wait3A_84 = tpu.memref_slice %arg4[%select_n3A, %dma_wait3A_76, %rem3A_75, %dma_wait3A_82, %dma_wait3A_83] : memref<50x8x128x8x128xf32, #tpu.memory_space<hbm>> -> memref<1x1x1x8x128xf32, #tpu.memory_space<hbm>>
    %dma_wait3A_85 = tpu.memref_squeeze %dma_wait3A_84 : memref<1x1x1x8x128xf32, #tpu.memory_space<hbm>> -> memref<8x128xf32, #tpu.memory_space<hbm>>
    %dma_wait3A_86 = tpu.memref_slice %arg9[%dma_wait3A_77] : memref<4x!tpu.dma_semaphore, #tpu.memory_space<semaphore_mem>> -> memref<1x!tpu.dma_semaphore, #tpu.memory_space<semaphore_mem>>
    %dma_wait3A_87 = tpu.memref_squeeze %dma_wait3A_86 : memref<1x!tpu.dma_semaphore, #tpu.memory_space<semaphore_mem>> -> memref<!tpu.dma_semaphore, #tpu.memory_space<semaphore_mem>>
    %dma_wait3A_88 = arith.constant 0 : i32
    %dma_wait3A_89 = arith.constant 0 : i32
    %dma_wait3A_90 = tpu.memref_slice %arg4[%select_n3A, %dma_wait3A_76, %rem3A_75, %dma_wait3A_88, %dma_wait3A_89] : memref<50x8x128x8x128xf32, #tpu.memory_space<hbm>> -> memref<1x1x1x8x128xf32, #tpu.memory_space<hbm>>
    %dma_wait3A_91 = tpu.memref_squeeze %dma_wait3A_90 : memref<1x1x1x8x128xf32, #tpu.memory_space<hbm>> -> memref<8x128xf32, #tpu.memory_space<hbm>>
    %dma_wait3A_92 = arith.constant 0 : i32
    %dma_wait3A_93 = arith.constant 0 : i32
    %dma_wait3A_94 = tpu.memref_slice %arg7[%dma_wait3A, %dma_wait3A_92, %dma_wait3A_93] : memref<4x64x129xf32, #tpu.memory_space<vmem>> -> memref<1x8x128xf32, #tpu.memory_space<vmem>>
    %dma_wait3A_95 = tpu.memref_squeeze %dma_wait3A_94 : memref<1x8x128xf32, #tpu.memory_space<vmem>> -> memref<8x128xf32, #tpu.memory_space<vmem>>
    tpu.wait_dma2 semaphore(%dma_wait3A_87 : memref<!tpu.dma_semaphore, #tpu.memory_space<semaphore_mem>>) src(%dma_wait3A_95 : memref<8x128xf32, #tpu.memory_space<vmem>>) dst(%dma_wait3A_91 : memref<8x128xf32, #tpu.memory_space<hbm>>)
    %dma_wait3A_96 = arith.constant 0 : i32
    %dma_wait3A_97 = arith.constant 1 : i32
    %dma_wait3A_98 = arith.constant 0 : i32
    %dma_wait3A_99 = arith.constant 8 : i32
    %dma_wait3A_100 = arith.constant 0 : i32
    %dma_wait3A_101 = tpu.memref_slice %arg7[%dma_wait3A_96, %dma_wait3A_99, %dma_wait3A_100] : memref<4x64x129xf32, #tpu.memory_space<vmem>> -> memref<1x8x128xf32, #tpu.memory_space<vmem>>
    %dma_wait3A_102 = tpu.memref_squeeze %dma_wait3A_101 : memref<1x8x128xf32, #tpu.memory_space<vmem>> -> memref<8x128xf32, #tpu.memory_space<vmem>>
    %dma_wait3A_103 = arith.constant 0 : i32
    %dma_wait3A_104 = arith.constant 0 : i32
    %dma_wait3A_105 = tpu.memref_slice %arg4[%select_n3A, %dma_wait3A_97, %rem3A_75, %dma_wait3A_103, %dma_wait3A_104] : memref<50x8x128x8x128xf32, #tpu.memory_space<hbm>> -> memref<1x1x1x8x128xf32, #tpu.memory_space<hbm>>
    %dma_wait3A_106 = tpu.memref_squeeze %dma_wait3A_105 : memref<1x1x1x8x128xf32, #tpu.memory_space<hbm>> -> memref<8x128xf32, #tpu.memory_space<hbm>>
    %dma_wait3A_107 = tpu.memref_slice %arg9[%dma_wait3A_98] : memref<4x!tpu.dma_semaphore, #tpu.memory_space<semaphore_mem>> -> memref<1x!tpu.dma_semaphore, #tpu.memory_space<semaphore_mem>>
    %dma_wait3A_108 = tpu.memref_squeeze %dma_wait3A_107 : memref<1x!tpu.dma_semaphore, #tpu.memory_space<semaphore_mem>> -> memref<!tpu.dma_semaphore, #tpu.memory_space<semaphore_mem>>
    %dma_wait3A_109 = arith.constant 0 : i32
    %dma_wait3A_110 = arith.constant 0 : i32
    %dma_wait3A_111 = tpu.memref_slice %arg4[%select_n3A, %dma_wait3A_97, %rem3A_75, %dma_wait3A_109, %dma_wait3A_110] : memref<50x8x128x8x128xf32, #tpu.memory_space<hbm>> -> memref<1x1x1x8x128xf32, #tpu.memory_space<hbm>>
    %dma_wait3A_112 = tpu.memref_squeeze %dma_wait3A_111 : memref<1x1x1x8x128xf32, #tpu.memory_space<hbm>> -> memref<8x128xf32, #tpu.memory_space<hbm>>
    %dma_wait3A_113 = arith.constant 8 : i32
    %dma_wait3A_114 = arith.constant 0 : i32
    %dma_wait3A_115 = tpu.memref_slice %arg7[%dma_wait3A_96, %dma_wait3A_113, %dma_wait3A_114] : memref<4x64x129xf32, #tpu.memory_space<vmem>> -> memref<1x8x128xf32, #tpu.memory_space<vmem>>
    %dma_wait3A_116 = tpu.memref_squeeze %dma_wait3A_115 : memref<1x8x128xf32, #tpu.memory_space<vmem>> -> memref<8x128xf32, #tpu.memory_space<vmem>>
    tpu.wait_dma2 semaphore(%dma_wait3A_108 : memref<!tpu.dma_semaphore, #tpu.memory_space<semaphore_mem>>) src(%dma_wait3A_116 : memref<8x128xf32, #tpu.memory_space<vmem>>) dst(%dma_wait3A_112 : memref<8x128xf32, #tpu.memory_space<hbm>>)
    %dma_wait3A_117 = arith.constant 0 : i32
    %dma_wait3A_118 = arith.constant 2 : i32
    %dma_wait3A_119 = arith.constant 0 : i32
    %dma_wait3A_120 = arith.constant 16 : i32
    %dma_wait3A_121 = arith.constant 0 : i32
    %dma_wait3A_122 = tpu.memref_slice %arg7[%dma_wait3A_117, %dma_wait3A_120, %dma_wait3A_121] : memref<4x64x129xf32, #tpu.memory_space<vmem>> -> memref<1x8x128xf32, #tpu.memory_space<vmem>>
    %dma_wait3A_123 = tpu.memref_squeeze %dma_wait3A_122 : memref<1x8x128xf32, #tpu.memory_space<vmem>> -> memref<8x128xf32, #tpu.memory_space<vmem>>
    %dma_wait3A_124 = arith.constant 0 : i32
    %dma_wait3A_125 = arith.constant 0 : i32
    %dma_wait3A_126 = tpu.memref_slice %arg4[%select_n3A, %dma_wait3A_118, %rem3A_75, %dma_wait3A_124, %dma_wait3A_125] : memref<50x8x128x8x128xf32, #tpu.memory_space<hbm>> -> memref<1x1x1x8x128xf32, #tpu.memory_space<hbm>>
    %dma_wait3A_127 = tpu.memref_squeeze %dma_wait3A_126 : memref<1x1x1x8x128xf32, #tpu.memory_space<hbm>> -> memref<8x128xf32, #tpu.memory_space<hbm>>
    %dma_wait3A_128 = tpu.memref_slice %arg9[%dma_wait3A_119] : memref<4x!tpu.dma_semaphore, #tpu.memory_space<semaphore_mem>> -> memref<1x!tpu.dma_semaphore, #tpu.memory_space<semaphore_mem>>
    %dma_wait3A_129 = tpu.memref_squeeze %dma_wait3A_128 : memref<1x!tpu.dma_semaphore, #tpu.memory_space<semaphore_mem>> -> memref<!tpu.dma_semaphore, #tpu.memory_space<semaphore_mem>>
    %dma_wait3A_130 = arith.constant 0 : i32
    %dma_wait3A_131 = arith.constant 0 : i32
    %dma_wait3A_132 = tpu.memref_slice %arg4[%select_n3A, %dma_wait3A_118, %rem3A_75, %dma_wait3A_130, %dma_wait3A_131] : memref<50x8x128x8x128xf32, #tpu.memory_space<hbm>> -> memref<1x1x1x8x128xf32, #tpu.memory_space<hbm>>
    %dma_wait3A_133 = tpu.memref_squeeze %dma_wait3A_132 : memref<1x1x1x8x128xf32, #tpu.memory_space<hbm>> -> memref<8x128xf32, #tpu.memory_space<hbm>>
    %dma_wait3A_134 = arith.constant 16 : i32
    %dma_wait3A_135 = arith.constant 0 : i32
    %dma_wait3A_136 = tpu.memref_slice %arg7[%dma_wait3A_117, %dma_wait3A_134, %dma_wait3A_135] : memref<4x64x129xf32, #tpu.memory_space<vmem>> -> memref<1x8x128xf32, #tpu.memory_space<vmem>>
    %dma_wait3A_137 = tpu.memref_squeeze %dma_wait3A_136 : memref<1x8x128xf32, #tpu.memory_space<vmem>> -> memref<8x128xf32, #tpu.memory_space<vmem>>
    tpu.wait_dma2 semaphore(%dma_wait3A_129 : memref<!tpu.dma_semaphore, #tpu.memory_space<semaphore_mem>>) src(%dma_wait3A_137 : memref<8x128xf32, #tpu.memory_space<vmem>>) dst(%dma_wait3A_133 : memref<8x128xf32, #tpu.memory_space<hbm>>)
    %dma_wait3A_138 = arith.constant 0 : i32
    %dma_wait3A_139 = arith.constant 3 : i32
    %dma_wait3A_140 = arith.constant 0 : i32
    %dma_wait3A_141 = arith.constant 24 : i32
    %dma_wait3A_142 = arith.constant 0 : i32
    %dma_wait3A_143 = tpu.memref_slice %arg7[%dma_wait3A_138, %dma_wait3A_141, %dma_wait3A_142] : memref<4x64x129xf32, #tpu.memory_space<vmem>> -> memref<1x8x128xf32, #tpu.memory_space<vmem>>
    %dma_wait3A_144 = tpu.memref_squeeze %dma_wait3A_143 : memref<1x8x128xf32, #tpu.memory_space<vmem>> -> memref<8x128xf32, #tpu.memory_space<vmem>>
    %dma_wait3A_145 = arith.constant 0 : i32
    %dma_wait3A_146 = arith.constant 0 : i32
    %dma_wait3A_147 = tpu.memref_slice %arg4[%select_n3A, %dma_wait3A_139, %rem3A_75, %dma_wait3A_145, %dma_wait3A_146] : memref<50x8x128x8x128xf32, #tpu.memory_space<hbm>> -> memref<1x1x1x8x128xf32, #tpu.memory_space<hbm>>
    %dma_wait3A_148 = tpu.memref_squeeze %dma_wait3A_147 : memref<1x1x1x8x128xf32, #tpu.memory_space<hbm>> -> memref<8x128xf32, #tpu.memory_space<hbm>>
    %dma_wait3A_149 = tpu.memref_slice %arg9[%dma_wait3A_140] : memref<4x!tpu.dma_semaphore, #tpu.memory_space<semaphore_mem>> -> memref<1x!tpu.dma_semaphore, #tpu.memory_space<semaphore_mem>>
    %dma_wait3A_150 = tpu.memref_squeeze %dma_wait3A_149 : memref<1x!tpu.dma_semaphore, #tpu.memory_space<semaphore_mem>> -> memref<!tpu.dma_semaphore, #tpu.memory_space<semaphore_mem>>
    %dma_wait3A_151 = arith.constant 0 : i32
    %dma_wait3A_152 = arith.constant 0 : i32
    %dma_wait3A_153 = tpu.memref_slice %arg4[%select_n3A, %dma_wait3A_139, %rem3A_75, %dma_wait3A_151, %dma_wait3A_152] : memref<50x8x128x8x128xf32, #tpu.memory_space<hbm>> -> memref<1x1x1x8x128xf32, #tpu.memory_space<hbm>>
    %dma_wait3A_154 = tpu.memref_squeeze %dma_wait3A_153 : memref<1x1x1x8x128xf32, #tpu.memory_space<hbm>> -> memref<8x128xf32, #tpu.memory_space<hbm>>
    %dma_wait3A_155 = arith.constant 24 : i32
    %dma_wait3A_156 = arith.constant 0 : i32
    %dma_wait3A_157 = tpu.memref_slice %arg7[%dma_wait3A_138, %dma_wait3A_155, %dma_wait3A_156] : memref<4x64x129xf32, #tpu.memory_space<vmem>> -> memref<1x8x128xf32, #tpu.memory_space<vmem>>
    %dma_wait3A_158 = tpu.memref_squeeze %dma_wait3A_157 : memref<1x8x128xf32, #tpu.memory_space<vmem>> -> memref<8x128xf32, #tpu.memory_space<vmem>>
    tpu.wait_dma2 semaphore(%dma_wait3A_150 : memref<!tpu.dma_semaphore, #tpu.memory_space<semaphore_mem>>) src(%dma_wait3A_158 : memref<8x128xf32, #tpu.memory_space<vmem>>) dst(%dma_wait3A_154 : memref<8x128xf32, #tpu.memory_space<hbm>>)
    %dma_wait3A_159 = arith.constant 0 : i32
    %dma_wait3A_160 = arith.constant 4 : i32
    %dma_wait3A_161 = arith.constant 0 : i32
    %dma_wait3A_162 = arith.constant 32 : i32
    %dma_wait3A_163 = arith.constant 0 : i32
    %dma_wait3A_164 = tpu.memref_slice %arg7[%dma_wait3A_159, %dma_wait3A_162, %dma_wait3A_163] : memref<4x64x129xf32, #tpu.memory_space<vmem>> -> memref<1x8x128xf32, #tpu.memory_space<vmem>>
    %dma_wait3A_165 = tpu.memref_squeeze %dma_wait3A_164 : memref<1x8x128xf32, #tpu.memory_space<vmem>> -> memref<8x128xf32, #tpu.memory_space<vmem>>
    %dma_wait3A_166 = arith.constant 0 : i32
    %dma_wait3A_167 = arith.constant 0 : i32
    %dma_wait3A_168 = tpu.memref_slice %arg4[%select_n3A, %dma_wait3A_160, %rem3A_75, %dma_wait3A_166, %dma_wait3A_167] : memref<50x8x128x8x128xf32, #tpu.memory_space<hbm>> -> memref<1x1x1x8x128xf32, #tpu.memory_space<hbm>>
    %dma_wait3A_169 = tpu.memref_squeeze %dma_wait3A_168 : memref<1x1x1x8x128xf32, #tpu.memory_space<hbm>> -> memref<8x128xf32, #tpu.memory_space<hbm>>
    %dma_wait3A_170 = tpu.memref_slice %arg9[%dma_wait3A_161] : memref<4x!tpu.dma_semaphore, #tpu.memory_space<semaphore_mem>> -> memref<1x!tpu.dma_semaphore, #tpu.memory_space<semaphore_mem>>
    %dma_wait3A_171 = tpu.memref_squeeze %dma_wait3A_170 : memref<1x!tpu.dma_semaphore, #tpu.memory_space<semaphore_mem>> -> memref<!tpu.dma_semaphore, #tpu.memory_space<semaphore_mem>>
    %dma_wait3A_172 = arith.constant 0 : i32
    %dma_wait3A_173 = arith.constant 0 : i32
    %dma_wait3A_174 = tpu.memref_slice %arg4[%select_n3A, %dma_wait3A_160, %rem3A_75, %dma_wait3A_172, %dma_wait3A_173] : memref<50x8x128x8x128xf32, #tpu.memory_space<hbm>> -> memref<1x1x1x8x128xf32, #tpu.memory_space<hbm>>
    %dma_wait3A_175 = tpu.memref_squeeze %dma_wait3A_174 : memref<1x1x1x8x128xf32, #tpu.memory_space<hbm>> -> memref<8x128xf32, #tpu.memory_space<hbm>>
    %dma_wait3A_176 = arith.constant 32 : i32
    %dma_wait3A_177 = arith.constant 0 : i32
    %dma_wait3A_178 = tpu.memref_slice %arg7[%dma_wait3A_159, %dma_wait3A_176, %dma_wait3A_177] : memref<4x64x129xf32, #tpu.memory_space<vmem>> -> memref<1x8x128xf32, #tpu.memory_space<vmem>>
    %dma_wait3A_179 = tpu.memref_squeeze %dma_wait3A_178 : memref<1x8x128xf32, #tpu.memory_space<vmem>> -> memref<8x128xf32, #tpu.memory_space<vmem>>
    tpu.wait_dma2 semaphore(%dma_wait3A_171 : memref<!tpu.dma_semaphore, #tpu.memory_space<semaphore_mem>>) src(%dma_wait3A_179 : memref<8x128xf32, #tpu.memory_space<vmem>>) dst(%dma_wait3A_175 : memref<8x128xf32, #tpu.memory_space<hbm>>)
    %dma_wait3A_180 = arith.constant 0 : i32
    %dma_wait3A_181 = arith.constant 5 : i32
    %dma_wait3A_182 = arith.constant 0 : i32
    %dma_wait3A_183 = arith.constant 40 : i32
    %dma_wait3A_184 = arith.constant 0 : i32
    %dma_wait3A_185 = tpu.memref_slice %arg7[%dma_wait3A_180, %dma_wait3A_183, %dma_wait3A_184] : memref<4x64x129xf32, #tpu.memory_space<vmem>> -> memref<1x8x128xf32, #tpu.memory_space<vmem>>
    %dma_wait3A_186 = tpu.memref_squeeze %dma_wait3A_185 : memref<1x8x128xf32, #tpu.memory_space<vmem>> -> memref<8x128xf32, #tpu.memory_space<vmem>>
    %dma_wait3A_187 = arith.constant 0 : i32
    %dma_wait3A_188 = arith.constant 0 : i32
    %dma_wait3A_189 = tpu.memref_slice %arg4[%select_n3A, %dma_wait3A_181, %rem3A_75, %dma_wait3A_187, %dma_wait3A_188] : memref<50x8x128x8x128xf32, #tpu.memory_space<hbm>> -> memref<1x1x1x8x128xf32, #tpu.memory_space<hbm>>
    %dma_wait3A_190 = tpu.memref_squeeze %dma_wait3A_189 : memref<1x1x1x8x128xf32, #tpu.memory_space<hbm>> -> memref<8x128xf32, #tpu.memory_space<hbm>>
    %dma_wait3A_191 = tpu.memref_slice %arg9[%dma_wait3A_182] : memref<4x!tpu.dma_semaphore, #tpu.memory_space<semaphore_mem>> -> memref<1x!tpu.dma_semaphore, #tpu.memory_space<semaphore_mem>>
    %dma_wait3A_192 = tpu.memref_squeeze %dma_wait3A_191 : memref<1x!tpu.dma_semaphore, #tpu.memory_space<semaphore_mem>> -> memref<!tpu.dma_semaphore, #tpu.memory_space<semaphore_mem>>
    %dma_wait3A_193 = arith.constant 0 : i32
    %dma_wait3A_194 = arith.constant 0 : i32
    %dma_wait3A_195 = tpu.memref_slice %arg4[%select_n3A, %dma_wait3A_181, %rem3A_75, %dma_wait3A_193, %dma_wait3A_194] : memref<50x8x128x8x128xf32, #tpu.memory_space<hbm>> -> memref<1x1x1x8x128xf32, #tpu.memory_space<hbm>>
    %dma_wait3A_196 = tpu.memref_squeeze %dma_wait3A_195 : memref<1x1x1x8x128xf32, #tpu.memory_space<hbm>> -> memref<8x128xf32, #tpu.memory_space<hbm>>
    %dma_wait3A_197 = arith.constant 40 : i32
    %dma_wait3A_198 = arith.constant 0 : i32
    %dma_wait3A_199 = tpu.memref_slice %arg7[%dma_wait3A_180, %dma_wait3A_197, %dma_wait3A_198] : memref<4x64x129xf32, #tpu.memory_space<vmem>> -> memref<1x8x128xf32, #tpu.memory_space<vmem>>
    %dma_wait3A_200 = tpu.memref_squeeze %dma_wait3A_199 : memref<1x8x128xf32, #tpu.memory_space<vmem>> -> memref<8x128xf32, #tpu.memory_space<vmem>>
    tpu.wait_dma2 semaphore(%dma_wait3A_192 : memref<!tpu.dma_semaphore, #tpu.memory_space<semaphore_mem>>) src(%dma_wait3A_200 : memref<8x128xf32, #tpu.memory_space<vmem>>) dst(%dma_wait3A_196 : memref<8x128xf32, #tpu.memory_space<hbm>>)
    %dma_wait3A_201 = arith.constant 0 : i32
    %dma_wait3A_202 = arith.constant 6 : i32
    %dma_wait3A_203 = arith.constant 0 : i32
    %dma_wait3A_204 = arith.constant 48 : i32
    %dma_wait3A_205 = arith.constant 0 : i32
    %dma_wait3A_206 = tpu.memref_slice %arg7[%dma_wait3A_201, %dma_wait3A_204, %dma_wait3A_205] : memref<4x64x129xf32, #tpu.memory_space<vmem>> -> memref<1x8x128xf32, #tpu.memory_space<vmem>>
    %dma_wait3A_207 = tpu.memref_squeeze %dma_wait3A_206 : memref<1x8x128xf32, #tpu.memory_space<vmem>> -> memref<8x128xf32, #tpu.memory_space<vmem>>
    %dma_wait3A_208 = arith.constant 0 : i32
    %dma_wait3A_209 = arith.constant 0 : i32
    %dma_wait3A_210 = tpu.memref_slice %arg4[%select_n3A, %dma_wait3A_202, %rem3A_75, %dma_wait3A_208, %dma_wait3A_209] : memref<50x8x128x8x128xf32, #tpu.memory_space<hbm>> -> memref<1x1x1x8x128xf32, #tpu.memory_space<hbm>>
    %dma_wait3A_211 = tpu.memref_squeeze %dma_wait3A_210 : memref<1x1x1x8x128xf32, #tpu.memory_space<hbm>> -> memref<8x128xf32, #tpu.memory_space<hbm>>
    %dma_wait3A_212 = tpu.memref_slice %arg9[%dma_wait3A_203] : memref<4x!tpu.dma_semaphore, #tpu.memory_space<semaphore_mem>> -> memref<1x!tpu.dma_semaphore, #tpu.memory_space<semaphore_mem>>
    %dma_wait3A_213 = tpu.memref_squeeze %dma_wait3A_212 : memref<1x!tpu.dma_semaphore, #tpu.memory_space<semaphore_mem>> -> memref<!tpu.dma_semaphore, #tpu.memory_space<semaphore_mem>>
    %dma_wait3A_214 = arith.constant 0 : i32
    %dma_wait3A_215 = arith.constant 0 : i32
    %dma_wait3A_216 = tpu.memref_slice %arg4[%select_n3A, %dma_wait3A_202, %rem3A_75, %dma_wait3A_214, %dma_wait3A_215] : memref<50x8x128x8x128xf32, #tpu.memory_space<hbm>> -> memref<1x1x1x8x128xf32, #tpu.memory_space<hbm>>
    %dma_wait3A_217 = tpu.memref_squeeze %dma_wait3A_216 : memref<1x1x1x8x128xf32, #tpu.memory_space<hbm>> -> memref<8x128xf32, #tpu.memory_space<hbm>>
    %dma_wait3A_218 = arith.constant 48 : i32
    %dma_wait3A_219 = arith.constant 0 : i32
    %dma_wait3A_220 = tpu.memref_slice %arg7[%dma_wait3A_201, %dma_wait3A_218, %dma_wait3A_219] : memref<4x64x129xf32, #tpu.memory_space<vmem>> -> memref<1x8x128xf32, #tpu.memory_space<vmem>>
    %dma_wait3A_221 = tpu.memref_squeeze %dma_wait3A_220 : memref<1x8x128xf32, #tpu.memory_space<vmem>> -> memref<8x128xf32, #tpu.memory_space<vmem>>
    tpu.wait_dma2 semaphore(%dma_wait3A_213 : memref<!tpu.dma_semaphore, #tpu.memory_space<semaphore_mem>>) src(%dma_wait3A_221 : memref<8x128xf32, #tpu.memory_space<vmem>>) dst(%dma_wait3A_217 : memref<8x128xf32, #tpu.memory_space<hbm>>)
    %dma_wait3A_222 = arith.constant 0 : i32
    %dma_wait3A_223 = arith.constant 7 : i32
    %dma_wait3A_224 = arith.constant 0 : i32
    %dma_wait3A_225 = arith.constant 56 : i32
    %dma_wait3A_226 = arith.constant 0 : i32
    %dma_wait3A_227 = tpu.memref_slice %arg7[%dma_wait3A_222, %dma_wait3A_225, %dma_wait3A_226] : memref<4x64x129xf32, #tpu.memory_space<vmem>> -> memref<1x8x128xf32, #tpu.memory_space<vmem>>
    %dma_wait3A_228 = tpu.memref_squeeze %dma_wait3A_227 : memref<1x8x128xf32, #tpu.memory_space<vmem>> -> memref<8x128xf32, #tpu.memory_space<vmem>>
    %dma_wait3A_229 = arith.constant 0 : i32
    %dma_wait3A_230 = arith.constant 0 : i32
    %dma_wait3A_231 = tpu.memref_slice %arg4[%select_n3A, %dma_wait3A_223, %rem3A_75, %dma_wait3A_229, %dma_wait3A_230] : memref<50x8x128x8x128xf32, #tpu.memory_space<hbm>> -> memref<1x1x1x8x128xf32, #tpu.memory_space<hbm>>
    %dma_wait3A_232 = tpu.memref_squeeze %dma_wait3A_231 : memref<1x1x1x8x128xf32, #tpu.memory_space<hbm>> -> memref<8x128xf32, #tpu.memory_space<hbm>>
    %dma_wait3A_233 = tpu.memref_slice %arg9[%dma_wait3A_224] : memref<4x!tpu.dma_semaphore, #tpu.memory_space<semaphore_mem>> -> memref<1x!tpu.dma_semaphore, #tpu.memory_space<semaphore_mem>>
    %dma_wait3A_234 = tpu.memref_squeeze %dma_wait3A_233 : memref<1x!tpu.dma_semaphore, #tpu.memory_space<semaphore_mem>> -> memref<!tpu.dma_semaphore, #tpu.memory_space<semaphore_mem>>
    %dma_wait3A_235 = arith.constant 0 : i32
    %dma_wait3A_236 = arith.constant 0 : i32
    %dma_wait3A_237 = tpu.memref_slice %arg4[%select_n3A, %dma_wait3A_223, %rem3A_75, %dma_wait3A_235, %dma_wait3A_236] : memref<50x8x128x8x128xf32, #tpu.memory_space<hbm>> -> memref<1x1x1x8x128xf32, #tpu.memory_space<hbm>>
    %dma_wait3A_238 = tpu.memref_squeeze %dma_wait3A_237 : memref<1x1x1x8x128xf32, #tpu.memory_space<hbm>> -> memref<8x128xf32, #tpu.memory_space<hbm>>
    %dma_wait3A_239 = arith.constant 56 : i32
    %dma_wait3A_240 = arith.constant 0 : i32
    %dma_wait3A_241 = tpu.memref_slice %arg7[%dma_wait3A_222, %dma_wait3A_239, %dma_wait3A_240] : memref<4x64x129xf32, #tpu.memory_space<vmem>> -> memref<1x8x128xf32, #tpu.memory_space<vmem>>
    %dma_wait3A_242 = tpu.memref_squeeze %dma_wait3A_241 : memref<1x8x128xf32, #tpu.memory_space<vmem>> -> memref<8x128xf32, #tpu.memory_space<vmem>>
    tpu.wait_dma2 semaphore(%dma_wait3A_234 : memref<!tpu.dma_semaphore, #tpu.memory_space<semaphore_mem>>) src(%dma_wait3A_242 : memref<8x128xf32, #tpu.memory_space<vmem>>) dst(%dma_wait3A_238 : memref<8x128xf32, #tpu.memory_space<hbm>>)
    %mul3A_243 = arith.constant 200 : i32
    %mul3A_244 = arith.muli %add3A, %mul3A_243 : i32
    %add3A_245 = arith.constant 197 : i32
    %add3A_246 = arith.addi %mul3A_244, %add3A_245 : i32
    %jit3A_247 = arith.constant 128 : i32
    %div3A_248 = arith.divsi %add3A_246, %jit3A_247 : i32
    %sign3A_249 = arith.constant 0 : i32
    %sign3A_250 = arith.cmpi sgt, %add3A_246, %sign3A_249 : i32
    %sign3A_251 = arith.extui %sign3A_250 : i1 to i32
    %sign3A_252 = arith.constant 0 : i32
    %sign3A_253 = arith.cmpi slt, %add3A_246, %sign3A_252 : i32
    %sign3A_254 = arith.extui %sign3A_253 : i1 to i32
    %sign3A_255 = arith.subi %sign3A_251, %sign3A_254 : i32
    %sign3A_256 = arith.constant 0 : i32
    %sign3A_257 = arith.cmpi sgt, %jit3A_247, %sign3A_256 : i32
    %sign3A_258 = arith.extui %sign3A_257 : i1 to i32
    %sign3A_259 = arith.constant 0 : i32
    %sign3A_260 = arith.cmpi slt, %jit3A_247, %sign3A_259 : i32
    %sign3A_261 = arith.extui %sign3A_260 : i1 to i32
    %sign3A_262 = arith.subi %sign3A_258, %sign3A_261 : i32
    %ne3A_263 = arith.cmpi ne, %sign3A_255, %sign3A_262 : i32
    %rem3A_264 = arith.remsi %add3A_246, %jit3A_247 : i32
    %ne3A_265 = arith.constant 0 : i32
    %ne3A_266 = arith.cmpi ne, %rem3A_264, %ne3A_265 : i32
    %and3A_267 = arith.andi %ne3A_263, %ne3A_266 : i1
    %sub3A_268 = arith.constant 1 : i32
    %sub3A_269 = arith.subi %div3A_248, %sub3A_268 : i32
    %select_n3A_270 = arith.select %and3A_267, %sub3A_269, %div3A_248 : i32
    %rem3A_271 = arith.constant 128 : i32
    %rem3A_272 = arith.remsi %add3A_246, %rem3A_271 : i32
    %dma_wait3A_273 = arith.constant 1 : i32
    %dma_wait3A_274 = arith.constant 0 : i32
    %dma_wait3A_275 = arith.constant 1 : i32
    %dma_wait3A_276 = arith.constant 0 : i32
    %dma_wait3A_277 = arith.constant 0 : i32
    %dma_wait3A_278 = tpu.memref_slice %arg7[%dma_wait3A_273, %dma_wait3A_276, %dma_wait3A_277] : memref<4x64x129xf32, #tpu.memory_space<vmem>> -> memref<1x8x128xf32, #tpu.memory_space<vmem>>
    %dma_wait3A_279 = tpu.memref_squeeze %dma_wait3A_278 : memref<1x8x128xf32, #tpu.memory_space<vmem>> -> memref<8x128xf32, #tpu.memory_space<vmem>>
    %dma_wait3A_280 = arith.constant 0 : i32
    %dma_wait3A_281 = arith.constant 0 : i32
    %dma_wait3A_282 = tpu.memref_slice %arg4[%select_n3A_270, %dma_wait3A_274, %rem3A_272, %dma_wait3A_280, %dma_wait3A_281] : memref<50x8x128x8x128xf32, #tpu.memory_space<hbm>> -> memref<1x1x1x8x128xf32, #tpu.memory_space<hbm>>
    %dma_wait3A_283 = tpu.memref_squeeze %dma_wait3A_282 : memref<1x1x1x8x128xf32, #tpu.memory_space<hbm>> -> memref<8x128xf32, #tpu.memory_space<hbm>>
    %dma_wait3A_284 = tpu.memref_slice %arg9[%dma_wait3A_275] : memref<4x!tpu.dma_semaphore, #tpu.memory_space<semaphore_mem>> -> memref<1x!tpu.dma_semaphore, #tpu.memory_space<semaphore_mem>>
    %dma_wait3A_285 = tpu.memref_squeeze %dma_wait3A_284 : memref<1x!tpu.dma_semaphore, #tpu.memory_space<semaphore_mem>> -> memref<!tpu.dma_semaphore, #tpu.memory_space<semaphore_mem>>
    %dma_wait3A_286 = arith.constant 0 : i32
    %dma_wait3A_287 = arith.constant 0 : i32
    %dma_wait3A_288 = tpu.memref_slice %arg4[%select_n3A_270, %dma_wait3A_274, %rem3A_272, %dma_wait3A_286, %dma_wait3A_287] : memref<50x8x128x8x128xf32, #tpu.memory_space<hbm>> -> memref<1x1x1x8x128xf32, #tpu.memory_space<hbm>>
    %dma_wait3A_289 = tpu.memref_squeeze %dma_wait3A_288 : memref<1x1x1x8x128xf32, #tpu.memory_space<hbm>> -> memref<8x128xf32, #tpu.memory_space<hbm>>
    %dma_wait3A_290 = arith.constant 0 : i32
    %dma_wait3A_291 = arith.constant 0 : i32
    %dma_wait3A_292 = tpu.memref_slice %arg7[%dma_wait3A_273, %dma_wait3A_290, %dma_wait3A_291] : memref<4x64x129xf32, #tpu.memory_space<vmem>> -> memref<1x8x128xf32, #tpu.memory_space<vmem>>
    %dma_wait3A_293 = tpu.memref_squeeze %dma_wait3A_292 : memref<1x8x128xf32, #tpu.memory_space<vmem>> -> memref<8x128xf32, #tpu.memory_space<vmem>>
    tpu.wait_dma2 semaphore(%dma_wait3A_285 : memref<!tpu.dma_semaphore, #tpu.memory_space<semaphore_mem>>) src(%dma_wait3A_293 : memref<8x128xf32, #tpu.memory_space<vmem>>) dst(%dma_wait3A_289 : memref<8x128xf32, #tpu.memory_space<hbm>>)
    %dma_wait3A_294 = arith.constant 1 : i32
    %dma_wait3A_295 = arith.constant 1 : i32
    %dma_wait3A_296 = arith.constant 1 : i32
    %dma_wait3A_297 = arith.constant 8 : i32
    %dma_wait3A_298 = arith.constant 0 : i32
    %dma_wait3A_299 = tpu.memref_slice %arg7[%dma_wait3A_294, %dma_wait3A_297, %dma_wait3A_298] : memref<4x64x129xf32, #tpu.memory_space<vmem>> -> memref<1x8x128xf32, #tpu.memory_space<vmem>>
    %dma_wait3A_300 = tpu.memref_squeeze %dma_wait3A_299 : memref<1x8x128xf32, #tpu.memory_space<vmem>> -> memref<8x128xf32, #tpu.memory_space<vmem>>
    %dma_wait3A_301 = arith.constant 0 : i32
    %dma_wait3A_302 = arith.constant 0 : i32
    %dma_wait3A_303 = tpu.memref_slice %arg4[%select_n3A_270, %dma_wait3A_295, %rem3A_272, %dma_wait3A_301, %dma_wait3A_302] : memref<50x8x128x8x128xf32, #tpu.memory_space<hbm>> -> memref<1x1x1x8x128xf32, #tpu.memory_space<hbm>>
    %dma_wait3A_304 = tpu.memref_squeeze %dma_wait3A_303 : memref<1x1x1x8x128xf32, #tpu.memory_space<hbm>> -> memref<8x128xf32, #tpu.memory_space<hbm>>
    %dma_wait3A_305 = tpu.memref_slice %arg9[%dma_wait3A_296] : memref<4x!tpu.dma_semaphore, #tpu.memory_space<semaphore_mem>> -> memref<1x!tpu.dma_semaphore, #tpu.memory_space<semaphore_mem>>
    %dma_wait3A_306 = tpu.memref_squeeze %dma_wait3A_305 : memref<1x!tpu.dma_semaphore, #tpu.memory_space<semaphore_mem>> -> memref<!tpu.dma_semaphore, #tpu.memory_space<semaphore_mem>>
    %dma_wait3A_307 = arith.constant 0 : i32
    %dma_wait3A_308 = arith.constant 0 : i32
    %dma_wait3A_309 = tpu.memref_slice %arg4[%select_n3A_270, %dma_wait3A_295, %rem3A_272, %dma_wait3A_307, %dma_wait3A_308] : memref<50x8x128x8x128xf32, #tpu.memory_space<hbm>> -> memref<1x1x1x8x128xf32, #tpu.memory_space<hbm>>
    %dma_wait3A_310 = tpu.memref_squeeze %dma_wait3A_309 : memref<1x1x1x8x128xf32, #tpu.memory_space<hbm>> -> memref<8x128xf32, #tpu.memory_space<hbm>>
    %dma_wait3A_311 = arith.constant 8 : i32
    %dma_wait3A_312 = arith.constant 0 : i32
    %dma_wait3A_313 = tpu.memref_slice %arg7[%dma_wait3A_294, %dma_wait3A_311, %dma_wait3A_312] : memref<4x64x129xf32, #tpu.memory_space<vmem>> -> memref<1x8x128xf32, #tpu.memory_space<vmem>>
    %dma_wait3A_314 = tpu.memref_squeeze %dma_wait3A_313 : memref<1x8x128xf32, #tpu.memory_space<vmem>> -> memref<8x128xf32, #tpu.memory_space<vmem>>
    tpu.wait_dma2 semaphore(%dma_wait3A_306 : memref<!tpu.dma_semaphore, #tpu.memory_space<semaphore_mem>>) src(%dma_wait3A_314 : memref<8x128xf32, #tpu.memory_space<vmem>>) dst(%dma_wait3A_310 : memref<8x128xf32, #tpu.memory_space<hbm>>)
    %dma_wait3A_315 = arith.constant 1 : i32
    %dma_wait3A_316 = arith.constant 2 : i32
    %dma_wait3A_317 = arith.constant 1 : i32
    %dma_wait3A_318 = arith.constant 16 : i32
    %dma_wait3A_319 = arith.constant 0 : i32
    %dma_wait3A_320 = tpu.memref_slice %arg7[%dma_wait3A_315, %dma_wait3A_318, %dma_wait3A_319] : memref<4x64x129xf32, #tpu.memory_space<vmem>> -> memref<1x8x128xf32, #tpu.memory_space<vmem>>
    %dma_wait3A_321 = tpu.memref_squeeze %dma_wait3A_320 : memref<1x8x128xf32, #tpu.memory_space<vmem>> -> memref<8x128xf32, #tpu.memory_space<vmem>>
    %dma_wait3A_322 = arith.constant 0 : i32
    %dma_wait3A_323 = arith.constant 0 : i32
    %dma_wait3A_324 = tpu.memref_slice %arg4[%select_n3A_270, %dma_wait3A_316, %rem3A_272, %dma_wait3A_322, %dma_wait3A_323] : memref<50x8x128x8x128xf32, #tpu.memory_space<hbm>> -> memref<1x1x1x8x128xf32, #tpu.memory_space<hbm>>
    %dma_wait3A_325 = tpu.memref_squeeze %dma_wait3A_324 : memref<1x1x1x8x128xf32, #tpu.memory_space<hbm>> -> memref<8x128xf32, #tpu.memory_space<hbm>>
    %dma_wait3A_326 = tpu.memref_slice %arg9[%dma_wait3A_317] : memref<4x!tpu.dma_semaphore, #tpu.memory_space<semaphore_mem>> -> memref<1x!tpu.dma_semaphore, #tpu.memory_space<semaphore_mem>>
    %dma_wait3A_327 = tpu.memref_squeeze %dma_wait3A_326 : memref<1x!tpu.dma_semaphore, #tpu.memory_space<semaphore_mem>> -> memref<!tpu.dma_semaphore, #tpu.memory_space<semaphore_mem>>
    %dma_wait3A_328 = arith.constant 0 : i32
    %dma_wait3A_329 = arith.constant 0 : i32
    %dma_wait3A_330 = tpu.memref_slice %arg4[%select_n3A_270, %dma_wait3A_316, %rem3A_272, %dma_wait3A_328, %dma_wait3A_329] : memref<50x8x128x8x128xf32, #tpu.memory_space<hbm>> -> memref<1x1x1x8x128xf32, #tpu.memory_space<hbm>>
    %dma_wait3A_331 = tpu.memref_squeeze %dma_wait3A_330 : memref<1x1x1x8x128xf32, #tpu.memory_space<hbm>> -> memref<8x128xf32, #tpu.memory_space<hbm>>
    %dma_wait3A_332 = arith.constant 16 : i32
    %dma_wait3A_333 = arith.constant 0 : i32
    %dma_wait3A_334 = tpu.memref_slice %arg7[%dma_wait3A_315, %dma_wait3A_332, %dma_wait3A_333] : memref<4x64x129xf32, #tpu.memory_space<vmem>> -> memref<1x8x128xf32, #tpu.memory_space<vmem>>
    %dma_wait3A_335 = tpu.memref_squeeze %dma_wait3A_334 : memref<1x8x128xf32, #tpu.memory_space<vmem>> -> memref<8x128xf32, #tpu.memory_space<vmem>>
    tpu.wait_dma2 semaphore(%dma_wait3A_327 : memref<!tpu.dma_semaphore, #tpu.memory_space<semaphore_mem>>) src(%dma_wait3A_335 : memref<8x128xf32, #tpu.memory_space<vmem>>) dst(%dma_wait3A_331 : memref<8x128xf32, #tpu.memory_space<hbm>>)
    %dma_wait3A_336 = arith.constant 1 : i32
    %dma_wait3A_337 = arith.constant 3 : i32
    %dma_wait3A_338 = arith.constant 1 : i32
    %dma_wait3A_339 = arith.constant 24 : i32
    %dma_wait3A_340 = arith.constant 0 : i32
    %dma_wait3A_341 = tpu.memref_slice %arg7[%dma_wait3A_336, %dma_wait3A_339, %dma_wait3A_340] : memref<4x64x129xf32, #tpu.memory_space<vmem>> -> memref<1x8x128xf32, #tpu.memory_space<vmem>>
    %dma_wait3A_342 = tpu.memref_squeeze %dma_wait3A_341 : memref<1x8x128xf32, #tpu.memory_space<vmem>> -> memref<8x128xf32, #tpu.memory_space<vmem>>
    %dma_wait3A_343 = arith.constant 0 : i32
    %dma_wait3A_344 = arith.constant 0 : i32
    %dma_wait3A_345 = tpu.memref_slice %arg4[%select_n3A_270, %dma_wait3A_337, %rem3A_272, %dma_wait3A_343, %dma_wait3A_344] : memref<50x8x128x8x128xf32, #tpu.memory_space<hbm>> -> memref<1x1x1x8x128xf32, #tpu.memory_space<hbm>>
    %dma_wait3A_346 = tpu.memref_squeeze %dma_wait3A_345 : memref<1x1x1x8x128xf32, #tpu.memory_space<hbm>> -> memref<8x128xf32, #tpu.memory_space<hbm>>
    %dma_wait3A_347 = tpu.memref_slice %arg9[%dma_wait3A_338] : memref<4x!tpu.dma_semaphore, #tpu.memory_space<semaphore_mem>> -> memref<1x!tpu.dma_semaphore, #tpu.memory_space<semaphore_mem>>
    %dma_wait3A_348 = tpu.memref_squeeze %dma_wait3A_347 : memref<1x!tpu.dma_semaphore, #tpu.memory_space<semaphore_mem>> -> memref<!tpu.dma_semaphore, #tpu.memory_space<semaphore_mem>>
    %dma_wait3A_349 = arith.constant 0 : i32
    %dma_wait3A_350 = arith.constant 0 : i32
    %dma_wait3A_351 = tpu.memref_slice %arg4[%select_n3A_270, %dma_wait3A_337, %rem3A_272, %dma_wait3A_349, %dma_wait3A_350] : memref<50x8x128x8x128xf32, #tpu.memory_space<hbm>> -> memref<1x1x1x8x128xf32, #tpu.memory_space<hbm>>
    %dma_wait3A_352 = tpu.memref_squeeze %dma_wait3A_351 : memref<1x1x1x8x128xf32, #tpu.memory_space<hbm>> -> memref<8x128xf32, #tpu.memory_space<hbm>>
    %dma_wait3A_353 = arith.constant 24 : i32
    %dma_wait3A_354 = arith.constant 0 : i32
    %dma_wait3A_355 = tpu.memref_slice %arg7[%dma_wait3A_336, %dma_wait3A_353, %dma_wait3A_354] : memref<4x64x129xf32, #tpu.memory_space<vmem>> -> memref<1x8x128xf32, #tpu.memory_space<vmem>>
    %dma_wait3A_356 = tpu.memref_squeeze %dma_wait3A_355 : memref<1x8x128xf32, #tpu.memory_space<vmem>> -> memref<8x128xf32, #tpu.memory_space<vmem>>
    tpu.wait_dma2 semaphore(%dma_wait3A_348 : memref<!tpu.dma_semaphore, #tpu.memory_space<semaphore_mem>>) src(%dma_wait3A_356 : memref<8x128xf32, #tpu.memory_space<vmem>>) dst(%dma_wait3A_352 : memref<8x128xf32, #tpu.memory_space<hbm>>)
    %dma_wait3A_357 = arith.constant 1 : i32
    %dma_wait3A_358 = arith.constant 4 : i32
    %dma_wait3A_359 = arith.constant 1 : i32
    %dma_wait3A_360 = arith.constant 32 : i32
    %dma_wait3A_361 = arith.constant 0 : i32
    %dma_wait3A_362 = tpu.memref_slice %arg7[%dma_wait3A_357, %dma_wait3A_360, %dma_wait3A_361] : memref<4x64x129xf32, #tpu.memory_space<vmem>> -> memref<1x8x128xf32, #tpu.memory_space<vmem>>
    %dma_wait3A_363 = tpu.memref_squeeze %dma_wait3A_362 : memref<1x8x128xf32, #tpu.memory_space<vmem>> -> memref<8x128xf32, #tpu.memory_space<vmem>>
    %dma_wait3A_364 = arith.constant 0 : i32
    %dma_wait3A_365 = arith.constant 0 : i32
    %dma_wait3A_366 = tpu.memref_slice %arg4[%select_n3A_270, %dma_wait3A_358, %rem3A_272, %dma_wait3A_364, %dma_wait3A_365] : memref<50x8x128x8x128xf32, #tpu.memory_space<hbm>> -> memref<1x1x1x8x128xf32, #tpu.memory_space<hbm>>
    %dma_wait3A_367 = tpu.memref_squeeze %dma_wait3A_366 : memref<1x1x1x8x128xf32, #tpu.memory_space<hbm>> -> memref<8x128xf32, #tpu.memory_space<hbm>>
    %dma_wait3A_368 = tpu.memref_slice %arg9[%dma_wait3A_359] : memref<4x!tpu.dma_semaphore, #tpu.memory_space<semaphore_mem>> -> memref<1x!tpu.dma_semaphore, #tpu.memory_space<semaphore_mem>>
    %dma_wait3A_369 = tpu.memref_squeeze %dma_wait3A_368 : memref<1x!tpu.dma_semaphore, #tpu.memory_space<semaphore_mem>> -> memref<!tpu.dma_semaphore, #tpu.memory_space<semaphore_mem>>
    %dma_wait3A_370 = arith.constant 0 : i32
    %dma_wait3A_371 = arith.constant 0 : i32
    %dma_wait3A_372 = tpu.memref_slice %arg4[%select_n3A_270, %dma_wait3A_358, %rem3A_272, %dma_wait3A_370, %dma_wait3A_371] : memref<50x8x128x8x128xf32, #tpu.memory_space<hbm>> -> memref<1x1x1x8x128xf32, #tpu.memory_space<hbm>>
    %dma_wait3A_373 = tpu.memref_squeeze %dma_wait3A_372 : memref<1x1x1x8x128xf32, #tpu.memory_space<hbm>> -> memref<8x128xf32, #tpu.memory_space<hbm>>
    %dma_wait3A_374 = arith.constant 32 : i32
    %dma_wait3A_375 = arith.constant 0 : i32
    %dma_wait3A_376 = tpu.memref_slice %arg7[%dma_wait3A_357, %dma_wait3A_374, %dma_wait3A_375] : memref<4x64x129xf32, #tpu.memory_space<vmem>> -> memref<1x8x128xf32, #tpu.memory_space<vmem>>
    %dma_wait3A_377 = tpu.memref_squeeze %dma_wait3A_376 : memref<1x8x128xf32, #tpu.memory_space<vmem>> -> memref<8x128xf32, #tpu.memory_space<vmem>>
    tpu.wait_dma2 semaphore(%dma_wait3A_369 : memref<!tpu.dma_semaphore, #tpu.memory_space<semaphore_mem>>) src(%dma_wait3A_377 : memref<8x128xf32, #tpu.memory_space<vmem>>) dst(%dma_wait3A_373 : memref<8x128xf32, #tpu.memory_space<hbm>>)
    %dma_wait3A_378 = arith.constant 1 : i32
    %dma_wait3A_379 = arith.constant 5 : i32
    %dma_wait3A_380 = arith.constant 1 : i32
    %dma_wait3A_381 = arith.constant 40 : i32
    %dma_wait3A_382 = arith.constant 0 : i32
    %dma_wait3A_383 = tpu.memref_slice %arg7[%dma_wait3A_378, %dma_wait3A_381, %dma_wait3A_382] : memref<4x64x129xf32, #tpu.memory_space<vmem>> -> memref<1x8x128xf32, #tpu.memory_space<vmem>>
    %dma_wait3A_384 = tpu.memref_squeeze %dma_wait3A_383 : memref<1x8x128xf32, #tpu.memory_space<vmem>> -> memref<8x128xf32, #tpu.memory_space<vmem>>
    %dma_wait3A_385 = arith.constant 0 : i32
    %dma_wait3A_386 = arith.constant 0 : i32
    %dma_wait3A_387 = tpu.memref_slice %arg4[%select_n3A_270, %dma_wait3A_379, %rem3A_272, %dma_wait3A_385, %dma_wait3A_386] : memref<50x8x128x8x128xf32, #tpu.memory_space<hbm>> -> memref<1x1x1x8x128xf32, #tpu.memory_space<hbm>>
    %dma_wait3A_388 = tpu.memref_squeeze %dma_wait3A_387 : memref<1x1x1x8x128xf32, #tpu.memory_space<hbm>> -> memref<8x128xf32, #tpu.memory_space<hbm>>
    %dma_wait3A_389 = tpu.memref_slice %arg9[%dma_wait3A_380] : memref<4x!tpu.dma_semaphore, #tpu.memory_space<semaphore_mem>> -> memref<1x!tpu.dma_semaphore, #tpu.memory_space<semaphore_mem>>
    %dma_wait3A_390 = tpu.memref_squeeze %dma_wait3A_389 : memref<1x!tpu.dma_semaphore, #tpu.memory_space<semaphore_mem>> -> memref<!tpu.dma_semaphore, #tpu.memory_space<semaphore_mem>>
    %dma_wait3A_391 = arith.constant 0 : i32
    %dma_wait3A_392 = arith.constant 0 : i32
    %dma_wait3A_393 = tpu.memref_slice %arg4[%select_n3A_270, %dma_wait3A_379, %rem3A_272, %dma_wait3A_391, %dma_wait3A_392] : memref<50x8x128x8x128xf32, #tpu.memory_space<hbm>> -> memref<1x1x1x8x128xf32, #tpu.memory_space<hbm>>
    %dma_wait3A_394 = tpu.memref_squeeze %dma_wait3A_393 : memref<1x1x1x8x128xf32, #tpu.memory_space<hbm>> -> memref<8x128xf32, #tpu.memory_space<hbm>>
    %dma_wait3A_395 = arith.constant 40 : i32
    %dma_wait3A_396 = arith.constant 0 : i32
    %dma_wait3A_397 = tpu.memref_slice %arg7[%dma_wait3A_378, %dma_wait3A_395, %dma_wait3A_396] : memref<4x64x129xf32, #tpu.memory_space<vmem>> -> memref<1x8x128xf32, #tpu.memory_space<vmem>>
    %dma_wait3A_398 = tpu.memref_squeeze %dma_wait3A_397 : memref<1x8x128xf32, #tpu.memory_space<vmem>> -> memref<8x128xf32, #tpu.memory_space<vmem>>
    tpu.wait_dma2 semaphore(%dma_wait3A_390 : memref<!tpu.dma_semaphore, #tpu.memory_space<semaphore_mem>>) src(%dma_wait3A_398 : memref<8x128xf32, #tpu.memory_space<vmem>>) dst(%dma_wait3A_394 : memref<8x128xf32, #tpu.memory_space<hbm>>)
    %dma_wait3A_399 = arith.constant 1 : i32
    %dma_wait3A_400 = arith.constant 6 : i32
    %dma_wait3A_401 = arith.constant 1 : i32
    %dma_wait3A_402 = arith.constant 48 : i32
    %dma_wait3A_403 = arith.constant 0 : i32
    %dma_wait3A_404 = tpu.memref_slice %arg7[%dma_wait3A_399, %dma_wait3A_402, %dma_wait3A_403] : memref<4x64x129xf32, #tpu.memory_space<vmem>> -> memref<1x8x128xf32, #tpu.memory_space<vmem>>
    %dma_wait3A_405 = tpu.memref_squeeze %dma_wait3A_404 : memref<1x8x128xf32, #tpu.memory_space<vmem>> -> memref<8x128xf32, #tpu.memory_space<vmem>>
    %dma_wait3A_406 = arith.constant 0 : i32
    %dma_wait3A_407 = arith.constant 0 : i32
    %dma_wait3A_408 = tpu.memref_slice %arg4[%select_n3A_270, %dma_wait3A_400, %rem3A_272, %dma_wait3A_406, %dma_wait3A_407] : memref<50x8x128x8x128xf32, #tpu.memory_space<hbm>> -> memref<1x1x1x8x128xf32, #tpu.memory_space<hbm>>
    %dma_wait3A_409 = tpu.memref_squeeze %dma_wait3A_408 : memref<1x1x1x8x128xf32, #tpu.memory_space<hbm>> -> memref<8x128xf32, #tpu.memory_space<hbm>>
    %dma_wait3A_410 = tpu.memref_slice %arg9[%dma_wait3A_401] : memref<4x!tpu.dma_semaphore, #tpu.memory_space<semaphore_mem>> -> memref<1x!tpu.dma_semaphore, #tpu.memory_space<semaphore_mem>>
    %dma_wait3A_411 = tpu.memref_squeeze %dma_wait3A_410 : memref<1x!tpu.dma_semaphore, #tpu.memory_space<semaphore_mem>> -> memref<!tpu.dma_semaphore, #tpu.memory_space<semaphore_mem>>
    %dma_wait3A_412 = arith.constant 0 : i32
    %dma_wait3A_413 = arith.constant 0 : i32
    %dma_wait3A_414 = tpu.memref_slice %arg4[%select_n3A_270, %dma_wait3A_400, %rem3A_272, %dma_wait3A_412, %dma_wait3A_413] : memref<50x8x128x8x128xf32, #tpu.memory_space<hbm>> -> memref<1x1x1x8x128xf32, #tpu.memory_space<hbm>>
    %dma_wait3A_415 = tpu.memref_squeeze %dma_wait3A_414 : memref<1x1x1x8x128xf32, #tpu.memory_space<hbm>> -> memref<8x128xf32, #tpu.memory_space<hbm>>
    %dma_wait3A_416 = arith.constant 48 : i32
    %dma_wait3A_417 = arith.constant 0 : i32
    %dma_wait3A_418 = tpu.memref_slice %arg7[%dma_wait3A_399, %dma_wait3A_416, %dma_wait3A_417] : memref<4x64x129xf32, #tpu.memory_space<vmem>> -> memref<1x8x128xf32, #tpu.memory_space<vmem>>
    %dma_wait3A_419 = tpu.memref_squeeze %dma_wait3A_418 : memref<1x8x128xf32, #tpu.memory_space<vmem>> -> memref<8x128xf32, #tpu.memory_space<vmem>>
    tpu.wait_dma2 semaphore(%dma_wait3A_411 : memref<!tpu.dma_semaphore, #tpu.memory_space<semaphore_mem>>) src(%dma_wait3A_419 : memref<8x128xf32, #tpu.memory_space<vmem>>) dst(%dma_wait3A_415 : memref<8x128xf32, #tpu.memory_space<hbm>>)
    %dma_wait3A_420 = arith.constant 1 : i32
    %dma_wait3A_421 = arith.constant 7 : i32
    %dma_wait3A_422 = arith.constant 1 : i32
    %dma_wait3A_423 = arith.constant 56 : i32
    %dma_wait3A_424 = arith.constant 0 : i32
    %dma_wait3A_425 = tpu.memref_slice %arg7[%dma_wait3A_420, %dma_wait3A_423, %dma_wait3A_424] : memref<4x64x129xf32, #tpu.memory_space<vmem>> -> memref<1x8x128xf32, #tpu.memory_space<vmem>>
    %dma_wait3A_426 = tpu.memref_squeeze %dma_wait3A_425 : memref<1x8x128xf32, #tpu.memory_space<vmem>> -> memref<8x128xf32, #tpu.memory_space<vmem>>
    %dma_wait3A_427 = arith.constant 0 : i32
    %dma_wait3A_428 = arith.constant 0 : i32
    %dma_wait3A_429 = tpu.memref_slice %arg4[%select_n3A_270, %dma_wait3A_421, %rem3A_272, %dma_wait3A_427, %dma_wait3A_428] : memref<50x8x128x8x128xf32, #tpu.memory_space<hbm>> -> memref<1x1x1x8x128xf32, #tpu.memory_space<hbm>>
    %dma_wait3A_430 = tpu.memref_squeeze %dma_wait3A_429 : memref<1x1x1x8x128xf32, #tpu.memory_space<hbm>> -> memref<8x128xf32, #tpu.memory_space<hbm>>
    %dma_wait3A_431 = tpu.memref_slice %arg9[%dma_wait3A_422] : memref<4x!tpu.dma_semaphore, #tpu.memory_space<semaphore_mem>> -> memref<1x!tpu.dma_semaphore, #tpu.memory_space<semaphore_mem>>
    %dma_wait3A_432 = tpu.memref_squeeze %dma_wait3A_431 : memref<1x!tpu.dma_semaphore, #tpu.memory_space<semaphore_mem>> -> memref<!tpu.dma_semaphore, #tpu.memory_space<semaphore_mem>>
    %dma_wait3A_433 = arith.constant 0 : i32
    %dma_wait3A_434 = arith.constant 0 : i32
    %dma_wait3A_435 = tpu.memref_slice %arg4[%select_n3A_270, %dma_wait3A_421, %rem3A_272, %dma_wait3A_433, %dma_wait3A_434] : memref<50x8x128x8x128xf32, #tpu.memory_space<hbm>> -> memref<1x1x1x8x128xf32, #tpu.memory_space<hbm>>
    %dma_wait3A_436 = tpu.memref_squeeze %dma_wait3A_435 : memref<1x1x1x8x128xf32, #tpu.memory_space<hbm>> -> memref<8x128xf32, #tpu.memory_space<hbm>>
    %dma_wait3A_437 = arith.constant 56 : i32
    %dma_wait3A_438 = arith.constant 0 : i32
    %dma_wait3A_439 = tpu.memref_slice %arg7[%dma_wait3A_420, %dma_wait3A_437, %dma_wait3A_438] : memref<4x64x129xf32, #tpu.memory_space<vmem>> -> memref<1x8x128xf32, #tpu.memory_space<vmem>>
    %dma_wait3A_440 = tpu.memref_squeeze %dma_wait3A_439 : memref<1x8x128xf32, #tpu.memory_space<vmem>> -> memref<8x128xf32, #tpu.memory_space<vmem>>
    tpu.wait_dma2 semaphore(%dma_wait3A_432 : memref<!tpu.dma_semaphore, #tpu.memory_space<semaphore_mem>>) src(%dma_wait3A_440 : memref<8x128xf32, #tpu.memory_space<vmem>>) dst(%dma_wait3A_436 : memref<8x128xf32, #tpu.memory_space<hbm>>)
    %mul3A_441 = arith.constant 200 : i32
    %mul3A_442 = arith.muli %add3A, %mul3A_441 : i32
    %add3A_443 = arith.constant 198 : i32
    %add3A_444 = arith.addi %mul3A_442, %add3A_443 : i32
    %jit3A_445 = arith.constant 128 : i32
    %div3A_446 = arith.divsi %add3A_444, %jit3A_445 : i32
    %sign3A_447 = arith.constant 0 : i32
    %sign3A_448 = arith.cmpi sgt, %add3A_444, %sign3A_447 : i32
    %sign3A_449 = arith.extui %sign3A_448 : i1 to i32
    %sign3A_450 = arith.constant 0 : i32
    %sign3A_451 = arith.cmpi slt, %add3A_444, %sign3A_450 : i32
    %sign3A_452 = arith.extui %sign3A_451 : i1 to i32
    %sign3A_453 = arith.subi %sign3A_449, %sign3A_452 : i32
    %sign3A_454 = arith.constant 0 : i32
    %sign3A_455 = arith.cmpi sgt, %jit3A_445, %sign3A_454 : i32
    %sign3A_456 = arith.extui %sign3A_455 : i1 to i32
    %sign3A_457 = arith.constant 0 : i32
    %sign3A_458 = arith.cmpi slt, %jit3A_445, %sign3A_457 : i32
    %sign3A_459 = arith.extui %sign3A_458 : i1 to i32
    %sign3A_460 = arith.subi %sign3A_456, %sign3A_459 : i32
    %ne3A_461 = arith.cmpi ne, %sign3A_453, %sign3A_460 : i32
    %rem3A_462 = arith.remsi %add3A_444, %jit3A_445 : i32
    %ne3A_463 = arith.constant 0 : i32
    %ne3A_464 = arith.cmpi ne, %rem3A_462, %ne3A_463 : i32
    %and3A_465 = arith.andi %ne3A_461, %ne3A_464 : i1
    %sub3A_466 = arith.constant 1 : i32
    %sub3A_467 = arith.subi %div3A_446, %sub3A_466 : i32
    %select_n3A_468 = arith.select %and3A_465, %sub3A_467, %div3A_446 : i32
    %rem3A_469 = arith.constant 128 : i32
    %rem3A_470 = arith.remsi %add3A_444, %rem3A_469 : i32
    %dma_wait3A_471 = arith.constant 2 : i32
    %dma_wait3A_472 = arith.constant 0 : i32
    %dma_wait3A_473 = arith.constant 2 : i32
    %dma_wait3A_474 = arith.constant 0 : i32
    %dma_wait3A_475 = arith.constant 0 : i32
    %dma_wait3A_476 = tpu.memref_slice %arg7[%dma_wait3A_471, %dma_wait3A_474, %dma_wait3A_475] : memref<4x64x129xf32, #tpu.memory_space<vmem>> -> memref<1x8x128xf32, #tpu.memory_space<vmem>>
    %dma_wait3A_477 = tpu.memref_squeeze %dma_wait3A_476 : memref<1x8x128xf32, #tpu.memory_space<vmem>> -> memref<8x128xf32, #tpu.memory_space<vmem>>
    %dma_wait3A_478 = arith.constant 0 : i32
    %dma_wait3A_479 = arith.constant 0 : i32
    %dma_wait3A_480 = tpu.memref_slice %arg4[%select_n3A_468, %dma_wait3A_472, %rem3A_470, %dma_wait3A_478, %dma_wait3A_479] : memref<50x8x128x8x128xf32, #tpu.memory_space<hbm>> -> memref<1x1x1x8x128xf32, #tpu.memory_space<hbm>>
    %dma_wait3A_481 = tpu.memref_squeeze %dma_wait3A_480 : memref<1x1x1x8x128xf32, #tpu.memory_space<hbm>> -> memref<8x128xf32, #tpu.memory_space<hbm>>
    %dma_wait3A_482 = tpu.memref_slice %arg9[%dma_wait3A_473] : memref<4x!tpu.dma_semaphore, #tpu.memory_space<semaphore_mem>> -> memref<1x!tpu.dma_semaphore, #tpu.memory_space<semaphore_mem>>
    %dma_wait3A_483 = tpu.memref_squeeze %dma_wait3A_482 : memref<1x!tpu.dma_semaphore, #tpu.memory_space<semaphore_mem>> -> memref<!tpu.dma_semaphore, #tpu.memory_space<semaphore_mem>>
    %dma_wait3A_484 = arith.constant 0 : i32
    %dma_wait3A_485 = arith.constant 0 : i32
    %dma_wait3A_486 = tpu.memref_slice %arg4[%select_n3A_468, %dma_wait3A_472, %rem3A_470, %dma_wait3A_484, %dma_wait3A_485] : memref<50x8x128x8x128xf32, #tpu.memory_space<hbm>> -> memref<1x1x1x8x128xf32, #tpu.memory_space<hbm>>
    %dma_wait3A_487 = tpu.memref_squeeze %dma_wait3A_486 : memref<1x1x1x8x128xf32, #tpu.memory_space<hbm>> -> memref<8x128xf32, #tpu.memory_space<hbm>>
    %dma_wait3A_488 = arith.constant 0 : i32
    %dma_wait3A_489 = arith.constant 0 : i32
    %dma_wait3A_490 = tpu.memref_slice %arg7[%dma_wait3A_471, %dma_wait3A_488, %dma_wait3A_489] : memref<4x64x129xf32, #tpu.memory_space<vmem>> -> memref<1x8x128xf32, #tpu.memory_space<vmem>>
    %dma_wait3A_491 = tpu.memref_squeeze %dma_wait3A_490 : memref<1x8x128xf32, #tpu.memory_space<vmem>> -> memref<8x128xf32, #tpu.memory_space<vmem>>
    tpu.wait_dma2 semaphore(%dma_wait3A_483 : memref<!tpu.dma_semaphore, #tpu.memory_space<semaphore_mem>>) src(%dma_wait3A_491 : memref<8x128xf32, #tpu.memory_space<vmem>>) dst(%dma_wait3A_487 : memref<8x128xf32, #tpu.memory_space<hbm>>)
    %dma_wait3A_492 = arith.constant 2 : i32
    %dma_wait3A_493 = arith.constant 1 : i32
    %dma_wait3A_494 = arith.constant 2 : i32
    %dma_wait3A_495 = arith.constant 8 : i32
    %dma_wait3A_496 = arith.constant 0 : i32
    %dma_wait3A_497 = tpu.memref_slice %arg7[%dma_wait3A_492, %dma_wait3A_495, %dma_wait3A_496] : memref<4x64x129xf32, #tpu.memory_space<vmem>> -> memref<1x8x128xf32, #tpu.memory_space<vmem>>
    %dma_wait3A_498 = tpu.memref_squeeze %dma_wait3A_497 : memref<1x8x128xf32, #tpu.memory_space<vmem>> -> memref<8x128xf32, #tpu.memory_space<vmem>>
    %dma_wait3A_499 = arith.constant 0 : i32
    %dma_wait3A_500 = arith.constant 0 : i32
    %dma_wait3A_501 = tpu.memref_slice %arg4[%select_n3A_468, %dma_wait3A_493, %rem3A_470, %dma_wait3A_499, %dma_wait3A_500] : memref<50x8x128x8x128xf32, #tpu.memory_space<hbm>> -> memref<1x1x1x8x128xf32, #tpu.memory_space<hbm>>
    %dma_wait3A_502 = tpu.memref_squeeze %dma_wait3A_501 : memref<1x1x1x8x128xf32, #tpu.memory_space<hbm>> -> memref<8x128xf32, #tpu.memory_space<hbm>>
    %dma_wait3A_503 = tpu.memref_slice %arg9[%dma_wait3A_494] : memref<4x!tpu.dma_semaphore, #tpu.memory_space<semaphore_mem>> -> memref<1x!tpu.dma_semaphore, #tpu.memory_space<semaphore_mem>>
    %dma_wait3A_504 = tpu.memref_squeeze %dma_wait3A_503 : memref<1x!tpu.dma_semaphore, #tpu.memory_space<semaphore_mem>> -> memref<!tpu.dma_semaphore, #tpu.memory_space<semaphore_mem>>
    %dma_wait3A_505 = arith.constant 0 : i32
    %dma_wait3A_506 = arith.constant 0 : i32
    %dma_wait3A_507 = tpu.memref_slice %arg4[%select_n3A_468, %dma_wait3A_493, %rem3A_470, %dma_wait3A_505, %dma_wait3A_506] : memref<50x8x128x8x128xf32, #tpu.memory_space<hbm>> -> memref<1x1x1x8x128xf32, #tpu.memory_space<hbm>>
    %dma_wait3A_508 = tpu.memref_squeeze %dma_wait3A_507 : memref<1x1x1x8x128xf32, #tpu.memory_space<hbm>> -> memref<8x128xf32, #tpu.memory_space<hbm>>
    %dma_wait3A_509 = arith.constant 8 : i32
    %dma_wait3A_510 = arith.constant 0 : i32
    %dma_wait3A_511 = tpu.memref_slice %arg7[%dma_wait3A_492, %dma_wait3A_509, %dma_wait3A_510] : memref<4x64x129xf32, #tpu.memory_space<vmem>> -> memref<1x8x128xf32, #tpu.memory_space<vmem>>
    %dma_wait3A_512 = tpu.memref_squeeze %dma_wait3A_511 : memref<1x8x128xf32, #tpu.memory_space<vmem>> -> memref<8x128xf32, #tpu.memory_space<vmem>>
    tpu.wait_dma2 semaphore(%dma_wait3A_504 : memref<!tpu.dma_semaphore, #tpu.memory_space<semaphore_mem>>) src(%dma_wait3A_512 : memref<8x128xf32, #tpu.memory_space<vmem>>) dst(%dma_wait3A_508 : memref<8x128xf32, #tpu.memory_space<hbm>>)
    %dma_wait3A_513 = arith.constant 2 : i32
    %dma_wait3A_514 = arith.constant 2 : i32
    %dma_wait3A_515 = arith.constant 2 : i32
    %dma_wait3A_516 = arith.constant 16 : i32
    %dma_wait3A_517 = arith.constant 0 : i32
    %dma_wait3A_518 = tpu.memref_slice %arg7[%dma_wait3A_513, %dma_wait3A_516, %dma_wait3A_517] : memref<4x64x129xf32, #tpu.memory_space<vmem>> -> memref<1x8x128xf32, #tpu.memory_space<vmem>>
    %dma_wait3A_519 = tpu.memref_squeeze %dma_wait3A_518 : memref<1x8x128xf32, #tpu.memory_space<vmem>> -> memref<8x128xf32, #tpu.memory_space<vmem>>
    %dma_wait3A_520 = arith.constant 0 : i32
    %dma_wait3A_521 = arith.constant 0 : i32
    %dma_wait3A_522 = tpu.memref_slice %arg4[%select_n3A_468, %dma_wait3A_514, %rem3A_470, %dma_wait3A_520, %dma_wait3A_521] : memref<50x8x128x8x128xf32, #tpu.memory_space<hbm>> -> memref<1x1x1x8x128xf32, #tpu.memory_space<hbm>>
    %dma_wait3A_523 = tpu.memref_squeeze %dma_wait3A_522 : memref<1x1x1x8x128xf32, #tpu.memory_space<hbm>> -> memref<8x128xf32, #tpu.memory_space<hbm>>
    %dma_wait3A_524 = tpu.memref_slice %arg9[%dma_wait3A_515] : memref<4x!tpu.dma_semaphore, #tpu.memory_space<semaphore_mem>> -> memref<1x!tpu.dma_semaphore, #tpu.memory_space<semaphore_mem>>
    %dma_wait3A_525 = tpu.memref_squeeze %dma_wait3A_524 : memref<1x!tpu.dma_semaphore, #tpu.memory_space<semaphore_mem>> -> memref<!tpu.dma_semaphore, #tpu.memory_space<semaphore_mem>>
    %dma_wait3A_526 = arith.constant 0 : i32
    %dma_wait3A_527 = arith.constant 0 : i32
    %dma_wait3A_528 = tpu.memref_slice %arg4[%select_n3A_468, %dma_wait3A_514, %rem3A_470, %dma_wait3A_526, %dma_wait3A_527] : memref<50x8x128x8x128xf32, #tpu.memory_space<hbm>> -> memref<1x1x1x8x128xf32, #tpu.memory_space<hbm>>
    %dma_wait3A_529 = tpu.memref_squeeze %dma_wait3A_528 : memref<1x1x1x8x128xf32, #tpu.memory_space<hbm>> -> memref<8x128xf32, #tpu.memory_space<hbm>>
    %dma_wait3A_530 = arith.constant 16 : i32
    %dma_wait3A_531 = arith.constant 0 : i32
    %dma_wait3A_532 = tpu.memref_slice %arg7[%dma_wait3A_513, %dma_wait3A_530, %dma_wait3A_531] : memref<4x64x129xf32, #tpu.memory_space<vmem>> -> memref<1x8x128xf32, #tpu.memory_space<vmem>>
    %dma_wait3A_533 = tpu.memref_squeeze %dma_wait3A_532 : memref<1x8x128xf32, #tpu.memory_space<vmem>> -> memref<8x128xf32, #tpu.memory_space<vmem>>
    tpu.wait_dma2 semaphore(%dma_wait3A_525 : memref<!tpu.dma_semaphore, #tpu.memory_space<semaphore_mem>>) src(%dma_wait3A_533 : memref<8x128xf32, #tpu.memory_space<vmem>>) dst(%dma_wait3A_529 : memref<8x128xf32, #tpu.memory_space<hbm>>)
    %dma_wait3A_534 = arith.constant 2 : i32
    %dma_wait3A_535 = arith.constant 3 : i32
    %dma_wait3A_536 = arith.constant 2 : i32
    %dma_wait3A_537 = arith.constant 24 : i32
    %dma_wait3A_538 = arith.constant 0 : i32
    %dma_wait3A_539 = tpu.memref_slice %arg7[%dma_wait3A_534, %dma_wait3A_537, %dma_wait3A_538] : memref<4x64x129xf32, #tpu.memory_space<vmem>> -> memref<1x8x128xf32, #tpu.memory_space<vmem>>
    %dma_wait3A_540 = tpu.memref_squeeze %dma_wait3A_539 : memref<1x8x128xf32, #tpu.memory_space<vmem>> -> memref<8x128xf32, #tpu.memory_space<vmem>>
    %dma_wait3A_541 = arith.constant 0 : i32
    %dma_wait3A_542 = arith.constant 0 : i32
    %dma_wait3A_543 = tpu.memref_slice %arg4[%select_n3A_468, %dma_wait3A_535, %rem3A_470, %dma_wait3A_541, %dma_wait3A_542] : memref<50x8x128x8x128xf32, #tpu.memory_space<hbm>> -> memref<1x1x1x8x128xf32, #tpu.memory_space<hbm>>
    %dma_wait3A_544 = tpu.memref_squeeze %dma_wait3A_543 : memref<1x1x1x8x128xf32, #tpu.memory_space<hbm>> -> memref<8x128xf32, #tpu.memory_space<hbm>>
    %dma_wait3A_545 = tpu.memref_slice %arg9[%dma_wait3A_536] : memref<4x!tpu.dma_semaphore, #tpu.memory_space<semaphore_mem>> -> memref<1x!tpu.dma_semaphore, #tpu.memory_space<semaphore_mem>>
    %dma_wait3A_546 = tpu.memref_squeeze %dma_wait3A_545 : memref<1x!tpu.dma_semaphore, #tpu.memory_space<semaphore_mem>> -> memref<!tpu.dma_semaphore, #tpu.memory_space<semaphore_mem>>
    %dma_wait3A_547 = arith.constant 0 : i32
    %dma_wait3A_548 = arith.constant 0 : i32
    %dma_wait3A_549 = tpu.memref_slice %arg4[%select_n3A_468, %dma_wait3A_535, %rem3A_470, %dma_wait3A_547, %dma_wait3A_548] : memref<50x8x128x8x128xf32, #tpu.memory_space<hbm>> -> memref<1x1x1x8x128xf32, #tpu.memory_space<hbm>>
    %dma_wait3A_550 = tpu.memref_squeeze %dma_wait3A_549 : memref<1x1x1x8x128xf32, #tpu.memory_space<hbm>> -> memref<8x128xf32, #tpu.memory_space<hbm>>
    %dma_wait3A_551 = arith.constant 24 : i32
    %dma_wait3A_552 = arith.constant 0 : i32
    %dma_wait3A_553 = tpu.memref_slice %arg7[%dma_wait3A_534, %dma_wait3A_551, %dma_wait3A_552] : memref<4x64x129xf32, #tpu.memory_space<vmem>> -> memref<1x8x128xf32, #tpu.memory_space<vmem>>
    %dma_wait3A_554 = tpu.memref_squeeze %dma_wait3A_553 : memref<1x8x128xf32, #tpu.memory_space<vmem>> -> memref<8x128xf32, #tpu.memory_space<vmem>>
    tpu.wait_dma2 semaphore(%dma_wait3A_546 : memref<!tpu.dma_semaphore, #tpu.memory_space<semaphore_mem>>) src(%dma_wait3A_554 : memref<8x128xf32, #tpu.memory_space<vmem>>) dst(%dma_wait3A_550 : memref<8x128xf32, #tpu.memory_space<hbm>>)
    %dma_wait3A_555 = arith.constant 2 : i32
    %dma_wait3A_556 = arith.constant 4 : i32
    %dma_wait3A_557 = arith.constant 2 : i32
    %dma_wait3A_558 = arith.constant 32 : i32
    %dma_wait3A_559 = arith.constant 0 : i32
    %dma_wait3A_560 = tpu.memref_slice %arg7[%dma_wait3A_555, %dma_wait3A_558, %dma_wait3A_559] : memref<4x64x129xf32, #tpu.memory_space<vmem>> -> memref<1x8x128xf32, #tpu.memory_space<vmem>>
    %dma_wait3A_561 = tpu.memref_squeeze %dma_wait3A_560 : memref<1x8x128xf32, #tpu.memory_space<vmem>> -> memref<8x128xf32, #tpu.memory_space<vmem>>
    %dma_wait3A_562 = arith.constant 0 : i32
    %dma_wait3A_563 = arith.constant 0 : i32
    %dma_wait3A_564 = tpu.memref_slice %arg4[%select_n3A_468, %dma_wait3A_556, %rem3A_470, %dma_wait3A_562, %dma_wait3A_563] : memref<50x8x128x8x128xf32, #tpu.memory_space<hbm>> -> memref<1x1x1x8x128xf32, #tpu.memory_space<hbm>>
    %dma_wait3A_565 = tpu.memref_squeeze %dma_wait3A_564 : memref<1x1x1x8x128xf32, #tpu.memory_space<hbm>> -> memref<8x128xf32, #tpu.memory_space<hbm>>
    %dma_wait3A_566 = tpu.memref_slice %arg9[%dma_wait3A_557] : memref<4x!tpu.dma_semaphore, #tpu.memory_space<semaphore_mem>> -> memref<1x!tpu.dma_semaphore, #tpu.memory_space<semaphore_mem>>
    %dma_wait3A_567 = tpu.memref_squeeze %dma_wait3A_566 : memref<1x!tpu.dma_semaphore, #tpu.memory_space<semaphore_mem>> -> memref<!tpu.dma_semaphore, #tpu.memory_space<semaphore_mem>>
    %dma_wait3A_568 = arith.constant 0 : i32
    %dma_wait3A_569 = arith.constant 0 : i32
    %dma_wait3A_570 = tpu.memref_slice %arg4[%select_n3A_468, %dma_wait3A_556, %rem3A_470, %dma_wait3A_568, %dma_wait3A_569] : memref<50x8x128x8x128xf32, #tpu.memory_space<hbm>> -> memref<1x1x1x8x128xf32, #tpu.memory_space<hbm>>
    %dma_wait3A_571 = tpu.memref_squeeze %dma_wait3A_570 : memref<1x1x1x8x128xf32, #tpu.memory_space<hbm>> -> memref<8x128xf32, #tpu.memory_space<hbm>>
    %dma_wait3A_572 = arith.constant 32 : i32
    %dma_wait3A_573 = arith.constant 0 : i32
    %dma_wait3A_574 = tpu.memref_slice %arg7[%dma_wait3A_555, %dma_wait3A_572, %dma_wait3A_573] : memref<4x64x129xf32, #tpu.memory_space<vmem>> -> memref<1x8x128xf32, #tpu.memory_space<vmem>>
    %dma_wait3A_575 = tpu.memref_squeeze %dma_wait3A_574 : memref<1x8x128xf32, #tpu.memory_space<vmem>> -> memref<8x128xf32, #tpu.memory_space<vmem>>
    tpu.wait_dma2 semaphore(%dma_wait3A_567 : memref<!tpu.dma_semaphore, #tpu.memory_space<semaphore_mem>>) src(%dma_wait3A_575 : memref<8x128xf32, #tpu.memory_space<vmem>>) dst(%dma_wait3A_571 : memref<8x128xf32, #tpu.memory_space<hbm>>)
    %dma_wait3A_576 = arith.constant 2 : i32
    %dma_wait3A_577 = arith.constant 5 : i32
    %dma_wait3A_578 = arith.constant 2 : i32
    %dma_wait3A_579 = arith.constant 40 : i32
    %dma_wait3A_580 = arith.constant 0 : i32
    %dma_wait3A_581 = tpu.memref_slice %arg7[%dma_wait3A_576, %dma_wait3A_579, %dma_wait3A_580] : memref<4x64x129xf32, #tpu.memory_space<vmem>> -> memref<1x8x128xf32, #tpu.memory_space<vmem>>
    %dma_wait3A_582 = tpu.memref_squeeze %dma_wait3A_581 : memref<1x8x128xf32, #tpu.memory_space<vmem>> -> memref<8x128xf32, #tpu.memory_space<vmem>>
    %dma_wait3A_583 = arith.constant 0 : i32
    %dma_wait3A_584 = arith.constant 0 : i32
    %dma_wait3A_585 = tpu.memref_slice %arg4[%select_n3A_468, %dma_wait3A_577, %rem3A_470, %dma_wait3A_583, %dma_wait3A_584] : memref<50x8x128x8x128xf32, #tpu.memory_space<hbm>> -> memref<1x1x1x8x128xf32, #tpu.memory_space<hbm>>
    %dma_wait3A_586 = tpu.memref_squeeze %dma_wait3A_585 : memref<1x1x1x8x128xf32, #tpu.memory_space<hbm>> -> memref<8x128xf32, #tpu.memory_space<hbm>>
    %dma_wait3A_587 = tpu.memref_slice %arg9[%dma_wait3A_578] : memref<4x!tpu.dma_semaphore, #tpu.memory_space<semaphore_mem>> -> memref<1x!tpu.dma_semaphore, #tpu.memory_space<semaphore_mem>>
    %dma_wait3A_588 = tpu.memref_squeeze %dma_wait3A_587 : memref<1x!tpu.dma_semaphore, #tpu.memory_space<semaphore_mem>> -> memref<!tpu.dma_semaphore, #tpu.memory_space<semaphore_mem>>
    %dma_wait3A_589 = arith.constant 0 : i32
    %dma_wait3A_590 = arith.constant 0 : i32
    %dma_wait3A_591 = tpu.memref_slice %arg4[%select_n3A_468, %dma_wait3A_577, %rem3A_470, %dma_wait3A_589, %dma_wait3A_590] : memref<50x8x128x8x128xf32, #tpu.memory_space<hbm>> -> memref<1x1x1x8x128xf32, #tpu.memory_space<hbm>>
    %dma_wait3A_592 = tpu.memref_squeeze %dma_wait3A_591 : memref<1x1x1x8x128xf32, #tpu.memory_space<hbm>> -> memref<8x128xf32, #tpu.memory_space<hbm>>
    %dma_wait3A_593 = arith.constant 40 : i32
    %dma_wait3A_594 = arith.constant 0 : i32
    %dma_wait3A_595 = tpu.memref_slice %arg7[%dma_wait3A_576, %dma_wait3A_593, %dma_wait3A_594] : memref<4x64x129xf32, #tpu.memory_space<vmem>> -> memref<1x8x128xf32, #tpu.memory_space<vmem>>
    %dma_wait3A_596 = tpu.memref_squeeze %dma_wait3A_595 : memref<1x8x128xf32, #tpu.memory_space<vmem>> -> memref<8x128xf32, #tpu.memory_space<vmem>>
    tpu.wait_dma2 semaphore(%dma_wait3A_588 : memref<!tpu.dma_semaphore, #tpu.memory_space<semaphore_mem>>) src(%dma_wait3A_596 : memref<8x128xf32, #tpu.memory_space<vmem>>) dst(%dma_wait3A_592 : memref<8x128xf32, #tpu.memory_space<hbm>>)
    %dma_wait3A_597 = arith.constant 2 : i32
    %dma_wait3A_598 = arith.constant 6 : i32
    %dma_wait3A_599 = arith.constant 2 : i32
    %dma_wait3A_600 = arith.constant 48 : i32
    %dma_wait3A_601 = arith.constant 0 : i32
    %dma_wait3A_602 = tpu.memref_slice %arg7[%dma_wait3A_597, %dma_wait3A_600, %dma_wait3A_601] : memref<4x64x129xf32, #tpu.memory_space<vmem>> -> memref<1x8x128xf32, #tpu.memory_space<vmem>>
    %dma_wait3A_603 = tpu.memref_squeeze %dma_wait3A_602 : memref<1x8x128xf32, #tpu.memory_space<vmem>> -> memref<8x128xf32, #tpu.memory_space<vmem>>
    %dma_wait3A_604 = arith.constant 0 : i32
    %dma_wait3A_605 = arith.constant 0 : i32
    %dma_wait3A_606 = tpu.memref_slice %arg4[%select_n3A_468, %dma_wait3A_598, %rem3A_470, %dma_wait3A_604, %dma_wait3A_605] : memref<50x8x128x8x128xf32, #tpu.memory_space<hbm>> -> memref<1x1x1x8x128xf32, #tpu.memory_space<hbm>>
    %dma_wait3A_607 = tpu.memref_squeeze %dma_wait3A_606 : memref<1x1x1x8x128xf32, #tpu.memory_space<hbm>> -> memref<8x128xf32, #tpu.memory_space<hbm>>
    %dma_wait3A_608 = tpu.memref_slice %arg9[%dma_wait3A_599] : memref<4x!tpu.dma_semaphore, #tpu.memory_space<semaphore_mem>> -> memref<1x!tpu.dma_semaphore, #tpu.memory_space<semaphore_mem>>
    %dma_wait3A_609 = tpu.memref_squeeze %dma_wait3A_608 : memref<1x!tpu.dma_semaphore, #tpu.memory_space<semaphore_mem>> -> memref<!tpu.dma_semaphore, #tpu.memory_space<semaphore_mem>>
    %dma_wait3A_610 = arith.constant 0 : i32
    %dma_wait3A_611 = arith.constant 0 : i32
    %dma_wait3A_612 = tpu.memref_slice %arg4[%select_n3A_468, %dma_wait3A_598, %rem3A_470, %dma_wait3A_610, %dma_wait3A_611] : memref<50x8x128x8x128xf32, #tpu.memory_space<hbm>> -> memref<1x1x1x8x128xf32, #tpu.memory_space<hbm>>
    %dma_wait3A_613 = tpu.memref_squeeze %dma_wait3A_612 : memref<1x1x1x8x128xf32, #tpu.memory_space<hbm>> -> memref<8x128xf32, #tpu.memory_space<hbm>>
    %dma_wait3A_614 = arith.constant 48 : i32
    %dma_wait3A_615 = arith.constant 0 : i32
    %dma_wait3A_616 = tpu.memref_slice %arg7[%dma_wait3A_597, %dma_wait3A_614, %dma_wait3A_615] : memref<4x64x129xf32, #tpu.memory_space<vmem>> -> memref<1x8x128xf32, #tpu.memory_space<vmem>>
    %dma_wait3A_617 = tpu.memref_squeeze %dma_wait3A_616 : memref<1x8x128xf32, #tpu.memory_space<vmem>> -> memref<8x128xf32, #tpu.memory_space<vmem>>
    tpu.wait_dma2 semaphore(%dma_wait3A_609 : memref<!tpu.dma_semaphore, #tpu.memory_space<semaphore_mem>>) src(%dma_wait3A_617 : memref<8x128xf32, #tpu.memory_space<vmem>>) dst(%dma_wait3A_613 : memref<8x128xf32, #tpu.memory_space<hbm>>)
    %dma_wait3A_618 = arith.constant 2 : i32
    %dma_wait3A_619 = arith.constant 7 : i32
    %dma_wait3A_620 = arith.constant 2 : i32
    %dma_wait3A_621 = arith.constant 56 : i32
    %dma_wait3A_622 = arith.constant 0 : i32
    %dma_wait3A_623 = tpu.memref_slice %arg7[%dma_wait3A_618, %dma_wait3A_621, %dma_wait3A_622] : memref<4x64x129xf32, #tpu.memory_space<vmem>> -> memref<1x8x128xf32, #tpu.memory_space<vmem>>
    %dma_wait3A_624 = tpu.memref_squeeze %dma_wait3A_623 : memref<1x8x128xf32, #tpu.memory_space<vmem>> -> memref<8x128xf32, #tpu.memory_space<vmem>>
    %dma_wait3A_625 = arith.constant 0 : i32
    %dma_wait3A_626 = arith.constant 0 : i32
    %dma_wait3A_627 = tpu.memref_slice %arg4[%select_n3A_468, %dma_wait3A_619, %rem3A_470, %dma_wait3A_625, %dma_wait3A_626] : memref<50x8x128x8x128xf32, #tpu.memory_space<hbm>> -> memref<1x1x1x8x128xf32, #tpu.memory_space<hbm>>
    %dma_wait3A_628 = tpu.memref_squeeze %dma_wait3A_627 : memref<1x1x1x8x128xf32, #tpu.memory_space<hbm>> -> memref<8x128xf32, #tpu.memory_space<hbm>>
    %dma_wait3A_629 = tpu.memref_slice %arg9[%dma_wait3A_620] : memref<4x!tpu.dma_semaphore, #tpu.memory_space<semaphore_mem>> -> memref<1x!tpu.dma_semaphore, #tpu.memory_space<semaphore_mem>>
    %dma_wait3A_630 = tpu.memref_squeeze %dma_wait3A_629 : memref<1x!tpu.dma_semaphore, #tpu.memory_space<semaphore_mem>> -> memref<!tpu.dma_semaphore, #tpu.memory_space<semaphore_mem>>
    %dma_wait3A_631 = arith.constant 0 : i32
    %dma_wait3A_632 = arith.constant 0 : i32
    %dma_wait3A_633 = tpu.memref_slice %arg4[%select_n3A_468, %dma_wait3A_619, %rem3A_470, %dma_wait3A_631, %dma_wait3A_632] : memref<50x8x128x8x128xf32, #tpu.memory_space<hbm>> -> memref<1x1x1x8x128xf32, #tpu.memory_space<hbm>>
    %dma_wait3A_634 = tpu.memref_squeeze %dma_wait3A_633 : memref<1x1x1x8x128xf32, #tpu.memory_space<hbm>> -> memref<8x128xf32, #tpu.memory_space<hbm>>
    %dma_wait3A_635 = arith.constant 56 : i32
    %dma_wait3A_636 = arith.constant 0 : i32
    %dma_wait3A_637 = tpu.memref_slice %arg7[%dma_wait3A_618, %dma_wait3A_635, %dma_wait3A_636] : memref<4x64x129xf32, #tpu.memory_space<vmem>> -> memref<1x8x128xf32, #tpu.memory_space<vmem>>
    %dma_wait3A_638 = tpu.memref_squeeze %dma_wait3A_637 : memref<1x8x128xf32, #tpu.memory_space<vmem>> -> memref<8x128xf32, #tpu.memory_space<vmem>>
    tpu.wait_dma2 semaphore(%dma_wait3A_630 : memref<!tpu.dma_semaphore, #tpu.memory_space<semaphore_mem>>) src(%dma_wait3A_638 : memref<8x128xf32, #tpu.memory_space<vmem>>) dst(%dma_wait3A_634 : memref<8x128xf32, #tpu.memory_space<hbm>>)
    %mul3A_639 = arith.constant 200 : i32
    %mul3A_640 = arith.muli %add3A, %mul3A_639 : i32
    %add3A_641 = arith.constant 199 : i32
    %add3A_642 = arith.addi %mul3A_640, %add3A_641 : i32
    %jit3A_643 = arith.constant 128 : i32
    %div3A_644 = arith.divsi %add3A_642, %jit3A_643 : i32
    %sign3A_645 = arith.constant 0 : i32
    %sign3A_646 = arith.cmpi sgt, %add3A_642, %sign3A_645 : i32
    %sign3A_647 = arith.extui %sign3A_646 : i1 to i32
    %sign3A_648 = arith.constant 0 : i32
    %sign3A_649 = arith.cmpi slt, %add3A_642, %sign3A_648 : i32
    %sign3A_650 = arith.extui %sign3A_649 : i1 to i32
    %sign3A_651 = arith.subi %sign3A_647, %sign3A_650 : i32
    %sign3A_652 = arith.constant 0 : i32
    %sign3A_653 = arith.cmpi sgt, %jit3A_643, %sign3A_652 : i32
    %sign3A_654 = arith.extui %sign3A_653 : i1 to i32
    %sign3A_655 = arith.constant 0 : i32
    %sign3A_656 = arith.cmpi slt, %jit3A_643, %sign3A_655 : i32
    %sign3A_657 = arith.extui %sign3A_656 : i1 to i32
    %sign3A_658 = arith.subi %sign3A_654, %sign3A_657 : i32
    %ne3A_659 = arith.cmpi ne, %sign3A_651, %sign3A_658 : i32
    %rem3A_660 = arith.remsi %add3A_642, %jit3A_643 : i32
    %ne3A_661 = arith.constant 0 : i32
    %ne3A_662 = arith.cmpi ne, %rem3A_660, %ne3A_661 : i32
    %and3A_663 = arith.andi %ne3A_659, %ne3A_662 : i1
    %sub3A_664 = arith.constant 1 : i32
    %sub3A_665 = arith.subi %div3A_644, %sub3A_664 : i32
    %select_n3A_666 = arith.select %and3A_663, %sub3A_665, %div3A_644 : i32
    %rem3A_667 = arith.constant 128 : i32
    %rem3A_668 = arith.remsi %add3A_642, %rem3A_667 : i32
    %dma_wait3A_669 = arith.constant 3 : i32
    %dma_wait3A_670 = arith.constant 0 : i32
    %dma_wait3A_671 = arith.constant 3 : i32
    %dma_wait3A_672 = arith.constant 0 : i32
    %dma_wait3A_673 = arith.constant 0 : i32
    %dma_wait3A_674 = tpu.memref_slice %arg7[%dma_wait3A_669, %dma_wait3A_672, %dma_wait3A_673] : memref<4x64x129xf32, #tpu.memory_space<vmem>> -> memref<1x8x128xf32, #tpu.memory_space<vmem>>
    %dma_wait3A_675 = tpu.memref_squeeze %dma_wait3A_674 : memref<1x8x128xf32, #tpu.memory_space<vmem>> -> memref<8x128xf32, #tpu.memory_space<vmem>>
    %dma_wait3A_676 = arith.constant 0 : i32
    %dma_wait3A_677 = arith.constant 0 : i32
    %dma_wait3A_678 = tpu.memref_slice %arg4[%select_n3A_666, %dma_wait3A_670, %rem3A_668, %dma_wait3A_676, %dma_wait3A_677] : memref<50x8x128x8x128xf32, #tpu.memory_space<hbm>> -> memref<1x1x1x8x128xf32, #tpu.memory_space<hbm>>
    %dma_wait3A_679 = tpu.memref_squeeze %dma_wait3A_678 : memref<1x1x1x8x128xf32, #tpu.memory_space<hbm>> -> memref<8x128xf32, #tpu.memory_space<hbm>>
    %dma_wait3A_680 = tpu.memref_slice %arg9[%dma_wait3A_671] : memref<4x!tpu.dma_semaphore, #tpu.memory_space<semaphore_mem>> -> memref<1x!tpu.dma_semaphore, #tpu.memory_space<semaphore_mem>>
    %dma_wait3A_681 = tpu.memref_squeeze %dma_wait3A_680 : memref<1x!tpu.dma_semaphore, #tpu.memory_space<semaphore_mem>> -> memref<!tpu.dma_semaphore, #tpu.memory_space<semaphore_mem>>
    %dma_wait3A_682 = arith.constant 0 : i32
    %dma_wait3A_683 = arith.constant 0 : i32
    %dma_wait3A_684 = tpu.memref_slice %arg4[%select_n3A_666, %dma_wait3A_670, %rem3A_668, %dma_wait3A_682, %dma_wait3A_683] : memref<50x8x128x8x128xf32, #tpu.memory_space<hbm>> -> memref<1x1x1x8x128xf32, #tpu.memory_space<hbm>>
    %dma_wait3A_685 = tpu.memref_squeeze %dma_wait3A_684 : memref<1x1x1x8x128xf32, #tpu.memory_space<hbm>> -> memref<8x128xf32, #tpu.memory_space<hbm>>
    %dma_wait3A_686 = arith.constant 0 : i32
    %dma_wait3A_687 = arith.constant 0 : i32
    %dma_wait3A_688 = tpu.memref_slice %arg7[%dma_wait3A_669, %dma_wait3A_686, %dma_wait3A_687] : memref<4x64x129xf32, #tpu.memory_space<vmem>> -> memref<1x8x128xf32, #tpu.memory_space<vmem>>
    %dma_wait3A_689 = tpu.memref_squeeze %dma_wait3A_688 : memref<1x8x128xf32, #tpu.memory_space<vmem>> -> memref<8x128xf32, #tpu.memory_space<vmem>>
    tpu.wait_dma2 semaphore(%dma_wait3A_681 : memref<!tpu.dma_semaphore, #tpu.memory_space<semaphore_mem>>) src(%dma_wait3A_689 : memref<8x128xf32, #tpu.memory_space<vmem>>) dst(%dma_wait3A_685 : memref<8x128xf32, #tpu.memory_space<hbm>>)
    %dma_wait3A_690 = arith.constant 3 : i32
    %dma_wait3A_691 = arith.constant 1 : i32
    %dma_wait3A_692 = arith.constant 3 : i32
    %dma_wait3A_693 = arith.constant 8 : i32
    %dma_wait3A_694 = arith.constant 0 : i32
    %dma_wait3A_695 = tpu.memref_slice %arg7[%dma_wait3A_690, %dma_wait3A_693, %dma_wait3A_694] : memref<4x64x129xf32, #tpu.memory_space<vmem>> -> memref<1x8x128xf32, #tpu.memory_space<vmem>>
    %dma_wait3A_696 = tpu.memref_squeeze %dma_wait3A_695 : memref<1x8x128xf32, #tpu.memory_space<vmem>> -> memref<8x128xf32, #tpu.memory_space<vmem>>
    %dma_wait3A_697 = arith.constant 0 : i32
    %dma_wait3A_698 = arith.constant 0 : i32
    %dma_wait3A_699 = tpu.memref_slice %arg4[%select_n3A_666, %dma_wait3A_691, %rem3A_668, %dma_wait3A_697, %dma_wait3A_698] : memref<50x8x128x8x128xf32, #tpu.memory_space<hbm>> -> memref<1x1x1x8x128xf32, #tpu.memory_space<hbm>>
    %dma_wait3A_700 = tpu.memref_squeeze %dma_wait3A_699 : memref<1x1x1x8x128xf32, #tpu.memory_space<hbm>> -> memref<8x128xf32, #tpu.memory_space<hbm>>
    %dma_wait3A_701 = tpu.memref_slice %arg9[%dma_wait3A_692] : memref<4x!tpu.dma_semaphore, #tpu.memory_space<semaphore_mem>> -> memref<1x!tpu.dma_semaphore, #tpu.memory_space<semaphore_mem>>
    %dma_wait3A_702 = tpu.memref_squeeze %dma_wait3A_701 : memref<1x!tpu.dma_semaphore, #tpu.memory_space<semaphore_mem>> -> memref<!tpu.dma_semaphore, #tpu.memory_space<semaphore_mem>>
    %dma_wait3A_703 = arith.constant 0 : i32
    %dma_wait3A_704 = arith.constant 0 : i32
    %dma_wait3A_705 = tpu.memref_slice %arg4[%select_n3A_666, %dma_wait3A_691, %rem3A_668, %dma_wait3A_703, %dma_wait3A_704] : memref<50x8x128x8x128xf32, #tpu.memory_space<hbm>> -> memref<1x1x1x8x128xf32, #tpu.memory_space<hbm>>
    %dma_wait3A_706 = tpu.memref_squeeze %dma_wait3A_705 : memref<1x1x1x8x128xf32, #tpu.memory_space<hbm>> -> memref<8x128xf32, #tpu.memory_space<hbm>>
    %dma_wait3A_707 = arith.constant 8 : i32
    %dma_wait3A_708 = arith.constant 0 : i32
    %dma_wait3A_709 = tpu.memref_slice %arg7[%dma_wait3A_690, %dma_wait3A_707, %dma_wait3A_708] : memref<4x64x129xf32, #tpu.memory_space<vmem>> -> memref<1x8x128xf32, #tpu.memory_space<vmem>>
    %dma_wait3A_710 = tpu.memref_squeeze %dma_wait3A_709 : memref<1x8x128xf32, #tpu.memory_space<vmem>> -> memref<8x128xf32, #tpu.memory_space<vmem>>
    tpu.wait_dma2 semaphore(%dma_wait3A_702 : memref<!tpu.dma_semaphore, #tpu.memory_space<semaphore_mem>>) src(%dma_wait3A_710 : memref<8x128xf32, #tpu.memory_space<vmem>>) dst(%dma_wait3A_706 : memref<8x128xf32, #tpu.memory_space<hbm>>)
    %dma_wait3A_711 = arith.constant 3 : i32
    %dma_wait3A_712 = arith.constant 2 : i32
    %dma_wait3A_713 = arith.constant 3 : i32
    %dma_wait3A_714 = arith.constant 16 : i32
    %dma_wait3A_715 = arith.constant 0 : i32
    %dma_wait3A_716 = tpu.memref_slice %arg7[%dma_wait3A_711, %dma_wait3A_714, %dma_wait3A_715] : memref<4x64x129xf32, #tpu.memory_space<vmem>> -> memref<1x8x128xf32, #tpu.memory_space<vmem>>
    %dma_wait3A_717 = tpu.memref_squeeze %dma_wait3A_716 : memref<1x8x128xf32, #tpu.memory_space<vmem>> -> memref<8x128xf32, #tpu.memory_space<vmem>>
    %dma_wait3A_718 = arith.constant 0 : i32
    %dma_wait3A_719 = arith.constant 0 : i32
    %dma_wait3A_720 = tpu.memref_slice %arg4[%select_n3A_666, %dma_wait3A_712, %rem3A_668, %dma_wait3A_718, %dma_wait3A_719] : memref<50x8x128x8x128xf32, #tpu.memory_space<hbm>> -> memref<1x1x1x8x128xf32, #tpu.memory_space<hbm>>
    %dma_wait3A_721 = tpu.memref_squeeze %dma_wait3A_720 : memref<1x1x1x8x128xf32, #tpu.memory_space<hbm>> -> memref<8x128xf32, #tpu.memory_space<hbm>>
    %dma_wait3A_722 = tpu.memref_slice %arg9[%dma_wait3A_713] : memref<4x!tpu.dma_semaphore, #tpu.memory_space<semaphore_mem>> -> memref<1x!tpu.dma_semaphore, #tpu.memory_space<semaphore_mem>>
    %dma_wait3A_723 = tpu.memref_squeeze %dma_wait3A_722 : memref<1x!tpu.dma_semaphore, #tpu.memory_space<semaphore_mem>> -> memref<!tpu.dma_semaphore, #tpu.memory_space<semaphore_mem>>
    %dma_wait3A_724 = arith.constant 0 : i32
    %dma_wait3A_725 = arith.constant 0 : i32
    %dma_wait3A_726 = tpu.memref_slice %arg4[%select_n3A_666, %dma_wait3A_712, %rem3A_668, %dma_wait3A_724, %dma_wait3A_725] : memref<50x8x128x8x128xf32, #tpu.memory_space<hbm>> -> memref<1x1x1x8x128xf32, #tpu.memory_space<hbm>>
    %dma_wait3A_727 = tpu.memref_squeeze %dma_wait3A_726 : memref<1x1x1x8x128xf32, #tpu.memory_space<hbm>> -> memref<8x128xf32, #tpu.memory_space<hbm>>
    %dma_wait3A_728 = arith.constant 16 : i32
    %dma_wait3A_729 = arith.constant 0 : i32
    %dma_wait3A_730 = tpu.memref_slice %arg7[%dma_wait3A_711, %dma_wait3A_728, %dma_wait3A_729] : memref<4x64x129xf32, #tpu.memory_space<vmem>> -> memref<1x8x128xf32, #tpu.memory_space<vmem>>
    %dma_wait3A_731 = tpu.memref_squeeze %dma_wait3A_730 : memref<1x8x128xf32, #tpu.memory_space<vmem>> -> memref<8x128xf32, #tpu.memory_space<vmem>>
    tpu.wait_dma2 semaphore(%dma_wait3A_723 : memref<!tpu.dma_semaphore, #tpu.memory_space<semaphore_mem>>) src(%dma_wait3A_731 : memref<8x128xf32, #tpu.memory_space<vmem>>) dst(%dma_wait3A_727 : memref<8x128xf32, #tpu.memory_space<hbm>>)
    %dma_wait3A_732 = arith.constant 3 : i32
    %dma_wait3A_733 = arith.constant 3 : i32
    %dma_wait3A_734 = arith.constant 3 : i32
    %dma_wait3A_735 = arith.constant 24 : i32
    %dma_wait3A_736 = arith.constant 0 : i32
    %dma_wait3A_737 = tpu.memref_slice %arg7[%dma_wait3A_732, %dma_wait3A_735, %dma_wait3A_736] : memref<4x64x129xf32, #tpu.memory_space<vmem>> -> memref<1x8x128xf32, #tpu.memory_space<vmem>>
    %dma_wait3A_738 = tpu.memref_squeeze %dma_wait3A_737 : memref<1x8x128xf32, #tpu.memory_space<vmem>> -> memref<8x128xf32, #tpu.memory_space<vmem>>
    %dma_wait3A_739 = arith.constant 0 : i32
    %dma_wait3A_740 = arith.constant 0 : i32
    %dma_wait3A_741 = tpu.memref_slice %arg4[%select_n3A_666, %dma_wait3A_733, %rem3A_668, %dma_wait3A_739, %dma_wait3A_740] : memref<50x8x128x8x128xf32, #tpu.memory_space<hbm>> -> memref<1x1x1x8x128xf32, #tpu.memory_space<hbm>>
    %dma_wait3A_742 = tpu.memref_squeeze %dma_wait3A_741 : memref<1x1x1x8x128xf32, #tpu.memory_space<hbm>> -> memref<8x128xf32, #tpu.memory_space<hbm>>
    %dma_wait3A_743 = tpu.memref_slice %arg9[%dma_wait3A_734] : memref<4x!tpu.dma_semaphore, #tpu.memory_space<semaphore_mem>> -> memref<1x!tpu.dma_semaphore, #tpu.memory_space<semaphore_mem>>
    %dma_wait3A_744 = tpu.memref_squeeze %dma_wait3A_743 : memref<1x!tpu.dma_semaphore, #tpu.memory_space<semaphore_mem>> -> memref<!tpu.dma_semaphore, #tpu.memory_space<semaphore_mem>>
    %dma_wait3A_745 = arith.constant 0 : i32
    %dma_wait3A_746 = arith.constant 0 : i32
    %dma_wait3A_747 = tpu.memref_slice %arg4[%select_n3A_666, %dma_wait3A_733, %rem3A_668, %dma_wait3A_745, %dma_wait3A_746] : memref<50x8x128x8x128xf32, #tpu.memory_space<hbm>> -> memref<1x1x1x8x128xf32, #tpu.memory_space<hbm>>
    %dma_wait3A_748 = tpu.memref_squeeze %dma_wait3A_747 : memref<1x1x1x8x128xf32, #tpu.memory_space<hbm>> -> memref<8x128xf32, #tpu.memory_space<hbm>>
    %dma_wait3A_749 = arith.constant 24 : i32
    %dma_wait3A_750 = arith.constant 0 : i32
    %dma_wait3A_751 = tpu.memref_slice %arg7[%dma_wait3A_732, %dma_wait3A_749, %dma_wait3A_750] : memref<4x64x129xf32, #tpu.memory_space<vmem>> -> memref<1x8x128xf32, #tpu.memory_space<vmem>>
    %dma_wait3A_752 = tpu.memref_squeeze %dma_wait3A_751 : memref<1x8x128xf32, #tpu.memory_space<vmem>> -> memref<8x128xf32, #tpu.memory_space<vmem>>
    tpu.wait_dma2 semaphore(%dma_wait3A_744 : memref<!tpu.dma_semaphore, #tpu.memory_space<semaphore_mem>>) src(%dma_wait3A_752 : memref<8x128xf32, #tpu.memory_space<vmem>>) dst(%dma_wait3A_748 : memref<8x128xf32, #tpu.memory_space<hbm>>)
    %dma_wait3A_753 = arith.constant 3 : i32
    %dma_wait3A_754 = arith.constant 4 : i32
    %dma_wait3A_755 = arith.constant 3 : i32
    %dma_wait3A_756 = arith.constant 32 : i32
    %dma_wait3A_757 = arith.constant 0 : i32
    %dma_wait3A_758 = tpu.memref_slice %arg7[%dma_wait3A_753, %dma_wait3A_756, %dma_wait3A_757] : memref<4x64x129xf32, #tpu.memory_space<vmem>> -> memref<1x8x128xf32, #tpu.memory_space<vmem>>
    %dma_wait3A_759 = tpu.memref_squeeze %dma_wait3A_758 : memref<1x8x128xf32, #tpu.memory_space<vmem>> -> memref<8x128xf32, #tpu.memory_space<vmem>>
    %dma_wait3A_760 = arith.constant 0 : i32
    %dma_wait3A_761 = arith.constant 0 : i32
    %dma_wait3A_762 = tpu.memref_slice %arg4[%select_n3A_666, %dma_wait3A_754, %rem3A_668, %dma_wait3A_760, %dma_wait3A_761] : memref<50x8x128x8x128xf32, #tpu.memory_space<hbm>> -> memref<1x1x1x8x128xf32, #tpu.memory_space<hbm>>
    %dma_wait3A_763 = tpu.memref_squeeze %dma_wait3A_762 : memref<1x1x1x8x128xf32, #tpu.memory_space<hbm>> -> memref<8x128xf32, #tpu.memory_space<hbm>>
    %dma_wait3A_764 = tpu.memref_slice %arg9[%dma_wait3A_755] : memref<4x!tpu.dma_semaphore, #tpu.memory_space<semaphore_mem>> -> memref<1x!tpu.dma_semaphore, #tpu.memory_space<semaphore_mem>>
    %dma_wait3A_765 = tpu.memref_squeeze %dma_wait3A_764 : memref<1x!tpu.dma_semaphore, #tpu.memory_space<semaphore_mem>> -> memref<!tpu.dma_semaphore, #tpu.memory_space<semaphore_mem>>
    %dma_wait3A_766 = arith.constant 0 : i32
    %dma_wait3A_767 = arith.constant 0 : i32
    %dma_wait3A_768 = tpu.memref_slice %arg4[%select_n3A_666, %dma_wait3A_754, %rem3A_668, %dma_wait3A_766, %dma_wait3A_767] : memref<50x8x128x8x128xf32, #tpu.memory_space<hbm>> -> memref<1x1x1x8x128xf32, #tpu.memory_space<hbm>>
    %dma_wait3A_769 = tpu.memref_squeeze %dma_wait3A_768 : memref<1x1x1x8x128xf32, #tpu.memory_space<hbm>> -> memref<8x128xf32, #tpu.memory_space<hbm>>
    %dma_wait3A_770 = arith.constant 32 : i32
    %dma_wait3A_771 = arith.constant 0 : i32
    %dma_wait3A_772 = tpu.memref_slice %arg7[%dma_wait3A_753, %dma_wait3A_770, %dma_wait3A_771] : memref<4x64x129xf32, #tpu.memory_space<vmem>> -> memref<1x8x128xf32, #tpu.memory_space<vmem>>
    %dma_wait3A_773 = tpu.memref_squeeze %dma_wait3A_772 : memref<1x8x128xf32, #tpu.memory_space<vmem>> -> memref<8x128xf32, #tpu.memory_space<vmem>>
    tpu.wait_dma2 semaphore(%dma_wait3A_765 : memref<!tpu.dma_semaphore, #tpu.memory_space<semaphore_mem>>) src(%dma_wait3A_773 : memref<8x128xf32, #tpu.memory_space<vmem>>) dst(%dma_wait3A_769 : memref<8x128xf32, #tpu.memory_space<hbm>>)
    %dma_wait3A_774 = arith.constant 3 : i32
    %dma_wait3A_775 = arith.constant 5 : i32
    %dma_wait3A_776 = arith.constant 3 : i32
    %dma_wait3A_777 = arith.constant 40 : i32
    %dma_wait3A_778 = arith.constant 0 : i32
    %dma_wait3A_779 = tpu.memref_slice %arg7[%dma_wait3A_774, %dma_wait3A_777, %dma_wait3A_778] : memref<4x64x129xf32, #tpu.memory_space<vmem>> -> memref<1x8x128xf32, #tpu.memory_space<vmem>>
    %dma_wait3A_780 = tpu.memref_squeeze %dma_wait3A_779 : memref<1x8x128xf32, #tpu.memory_space<vmem>> -> memref<8x128xf32, #tpu.memory_space<vmem>>
    %dma_wait3A_781 = arith.constant 0 : i32
    %dma_wait3A_782 = arith.constant 0 : i32
    %dma_wait3A_783 = tpu.memref_slice %arg4[%select_n3A_666, %dma_wait3A_775, %rem3A_668, %dma_wait3A_781, %dma_wait3A_782] : memref<50x8x128x8x128xf32, #tpu.memory_space<hbm>> -> memref<1x1x1x8x128xf32, #tpu.memory_space<hbm>>
    %dma_wait3A_784 = tpu.memref_squeeze %dma_wait3A_783 : memref<1x1x1x8x128xf32, #tpu.memory_space<hbm>> -> memref<8x128xf32, #tpu.memory_space<hbm>>
    %dma_wait3A_785 = tpu.memref_slice %arg9[%dma_wait3A_776] : memref<4x!tpu.dma_semaphore, #tpu.memory_space<semaphore_mem>> -> memref<1x!tpu.dma_semaphore, #tpu.memory_space<semaphore_mem>>
    %dma_wait3A_786 = tpu.memref_squeeze %dma_wait3A_785 : memref<1x!tpu.dma_semaphore, #tpu.memory_space<semaphore_mem>> -> memref<!tpu.dma_semaphore, #tpu.memory_space<semaphore_mem>>
    %dma_wait3A_787 = arith.constant 0 : i32
    %dma_wait3A_788 = arith.constant 0 : i32
    %dma_wait3A_789 = tpu.memref_slice %arg4[%select_n3A_666, %dma_wait3A_775, %rem3A_668, %dma_wait3A_787, %dma_wait3A_788] : memref<50x8x128x8x128xf32, #tpu.memory_space<hbm>> -> memref<1x1x1x8x128xf32, #tpu.memory_space<hbm>>
    %dma_wait3A_790 = tpu.memref_squeeze %dma_wait3A_789 : memref<1x1x1x8x128xf32, #tpu.memory_space<hbm>> -> memref<8x128xf32, #tpu.memory_space<hbm>>
    %dma_wait3A_791 = arith.constant 40 : i32
    %dma_wait3A_792 = arith.constant 0 : i32
    %dma_wait3A_793 = tpu.memref_slice %arg7[%dma_wait3A_774, %dma_wait3A_791, %dma_wait3A_792] : memref<4x64x129xf32, #tpu.memory_space<vmem>> -> memref<1x8x128xf32, #tpu.memory_space<vmem>>
    %dma_wait3A_794 = tpu.memref_squeeze %dma_wait3A_793 : memref<1x8x128xf32, #tpu.memory_space<vmem>> -> memref<8x128xf32, #tpu.memory_space<vmem>>
    tpu.wait_dma2 semaphore(%dma_wait3A_786 : memref<!tpu.dma_semaphore, #tpu.memory_space<semaphore_mem>>) src(%dma_wait3A_794 : memref<8x128xf32, #tpu.memory_space<vmem>>) dst(%dma_wait3A_790 : memref<8x128xf32, #tpu.memory_space<hbm>>)
    %dma_wait3A_795 = arith.constant 3 : i32
    %dma_wait3A_796 = arith.constant 6 : i32
    %dma_wait3A_797 = arith.constant 3 : i32
    %dma_wait3A_798 = arith.constant 48 : i32
    %dma_wait3A_799 = arith.constant 0 : i32
    %dma_wait3A_800 = tpu.memref_slice %arg7[%dma_wait3A_795, %dma_wait3A_798, %dma_wait3A_799] : memref<4x64x129xf32, #tpu.memory_space<vmem>> -> memref<1x8x128xf32, #tpu.memory_space<vmem>>
    %dma_wait3A_801 = tpu.memref_squeeze %dma_wait3A_800 : memref<1x8x128xf32, #tpu.memory_space<vmem>> -> memref<8x128xf32, #tpu.memory_space<vmem>>
    %dma_wait3A_802 = arith.constant 0 : i32
    %dma_wait3A_803 = arith.constant 0 : i32
    %dma_wait3A_804 = tpu.memref_slice %arg4[%select_n3A_666, %dma_wait3A_796, %rem3A_668, %dma_wait3A_802, %dma_wait3A_803] : memref<50x8x128x8x128xf32, #tpu.memory_space<hbm>> -> memref<1x1x1x8x128xf32, #tpu.memory_space<hbm>>
    %dma_wait3A_805 = tpu.memref_squeeze %dma_wait3A_804 : memref<1x1x1x8x128xf32, #tpu.memory_space<hbm>> -> memref<8x128xf32, #tpu.memory_space<hbm>>
    %dma_wait3A_806 = tpu.memref_slice %arg9[%dma_wait3A_797] : memref<4x!tpu.dma_semaphore, #tpu.memory_space<semaphore_mem>> -> memref<1x!tpu.dma_semaphore, #tpu.memory_space<semaphore_mem>>
    %dma_wait3A_807 = tpu.memref_squeeze %dma_wait3A_806 : memref<1x!tpu.dma_semaphore, #tpu.memory_space<semaphore_mem>> -> memref<!tpu.dma_semaphore, #tpu.memory_space<semaphore_mem>>
    %dma_wait3A_808 = arith.constant 0 : i32
    %dma_wait3A_809 = arith.constant 0 : i32
    %dma_wait3A_810 = tpu.memref_slice %arg4[%select_n3A_666, %dma_wait3A_796, %rem3A_668, %dma_wait3A_808, %dma_wait3A_809] : memref<50x8x128x8x128xf32, #tpu.memory_space<hbm>> -> memref<1x1x1x8x128xf32, #tpu.memory_space<hbm>>
    %dma_wait3A_811 = tpu.memref_squeeze %dma_wait3A_810 : memref<1x1x1x8x128xf32, #tpu.memory_space<hbm>> -> memref<8x128xf32, #tpu.memory_space<hbm>>
    %dma_wait3A_812 = arith.constant 48 : i32
    %dma_wait3A_813 = arith.constant 0 : i32
    %dma_wait3A_814 = tpu.memref_slice %arg7[%dma_wait3A_795, %dma_wait3A_812, %dma_wait3A_813] : memref<4x64x129xf32, #tpu.memory_space<vmem>> -> memref<1x8x128xf32, #tpu.memory_space<vmem>>
    %dma_wait3A_815 = tpu.memref_squeeze %dma_wait3A_814 : memref<1x8x128xf32, #tpu.memory_space<vmem>> -> memref<8x128xf32, #tpu.memory_space<vmem>>
    tpu.wait_dma2 semaphore(%dma_wait3A_807 : memref<!tpu.dma_semaphore, #tpu.memory_space<semaphore_mem>>) src(%dma_wait3A_815 : memref<8x128xf32, #tpu.memory_space<vmem>>) dst(%dma_wait3A_811 : memref<8x128xf32, #tpu.memory_space<hbm>>)
    %dma_wait3A_816 = arith.constant 3 : i32
    %dma_wait3A_817 = arith.constant 7 : i32
    %dma_wait3A_818 = arith.constant 3 : i32
    %dma_wait3A_819 = arith.constant 56 : i32
    %dma_wait3A_820 = arith.constant 0 : i32
    %dma_wait3A_821 = tpu.memref_slice %arg7[%dma_wait3A_816, %dma_wait3A_819, %dma_wait3A_820] : memref<4x64x129xf32, #tpu.memory_space<vmem>> -> memref<1x8x128xf32, #tpu.memory_space<vmem>>
    %dma_wait3A_822 = tpu.memref_squeeze %dma_wait3A_821 : memref<1x8x128xf32, #tpu.memory_space<vmem>> -> memref<8x128xf32, #tpu.memory_space<vmem>>
    %dma_wait3A_823 = arith.constant 0 : i32
    %dma_wait3A_824 = arith.constant 0 : i32
    %dma_wait3A_825 = tpu.memref_slice %arg4[%select_n3A_666, %dma_wait3A_817, %rem3A_668, %dma_wait3A_823, %dma_wait3A_824] : memref<50x8x128x8x128xf32, #tpu.memory_space<hbm>> -> memref<1x1x1x8x128xf32, #tpu.memory_space<hbm>>
    %dma_wait3A_826 = tpu.memref_squeeze %dma_wait3A_825 : memref<1x1x1x8x128xf32, #tpu.memory_space<hbm>> -> memref<8x128xf32, #tpu.memory_space<hbm>>
    %dma_wait3A_827 = tpu.memref_slice %arg9[%dma_wait3A_818] : memref<4x!tpu.dma_semaphore, #tpu.memory_space<semaphore_mem>> -> memref<1x!tpu.dma_semaphore, #tpu.memory_space<semaphore_mem>>
    %dma_wait3A_828 = tpu.memref_squeeze %dma_wait3A_827 : memref<1x!tpu.dma_semaphore, #tpu.memory_space<semaphore_mem>> -> memref<!tpu.dma_semaphore, #tpu.memory_space<semaphore_mem>>
    %dma_wait3A_829 = arith.constant 0 : i32
    %dma_wait3A_830 = arith.constant 0 : i32
    %dma_wait3A_831 = tpu.memref_slice %arg4[%select_n3A_666, %dma_wait3A_817, %rem3A_668, %dma_wait3A_829, %dma_wait3A_830] : memref<50x8x128x8x128xf32, #tpu.memory_space<hbm>> -> memref<1x1x1x8x128xf32, #tpu.memory_space<hbm>>
    %dma_wait3A_832 = tpu.memref_squeeze %dma_wait3A_831 : memref<1x1x1x8x128xf32, #tpu.memory_space<hbm>> -> memref<8x128xf32, #tpu.memory_space<hbm>>
    %dma_wait3A_833 = arith.constant 56 : i32
    %dma_wait3A_834 = arith.constant 0 : i32
    %dma_wait3A_835 = tpu.memref_slice %arg7[%dma_wait3A_816, %dma_wait3A_833, %dma_wait3A_834] : memref<4x64x129xf32, #tpu.memory_space<vmem>> -> memref<1x8x128xf32, #tpu.memory_space<vmem>>
    %dma_wait3A_836 = tpu.memref_squeeze %dma_wait3A_835 : memref<1x8x128xf32, #tpu.memory_space<vmem>> -> memref<8x128xf32, #tpu.memory_space<vmem>>
    tpu.wait_dma2 semaphore(%dma_wait3A_828 : memref<!tpu.dma_semaphore, #tpu.memory_space<semaphore_mem>>) src(%dma_wait3A_836 : memref<8x128xf32, #tpu.memory_space<vmem>>) dst(%dma_wait3A_832 : memref<8x128xf32, #tpu.memory_space<hbm>>)
    return
  }
}

</mosaic_0001>

<sc_bundles>
// kernel: kernel.3.cloned.1.call-start
scs
__scs_entry_jumppad:
0x0: {  	(pc) =	sbr.rel $0x88, $3  }
0x1: {  	(tag) =	ssettag $0x0;
	lr =	simm.s32 $0x1  }
0x2: {  	[smem:$0x3F9F] =	sst lr;
	_ =	strace $0xD0000000  }
0x3: {  	_ = 	snop  }
0x4: {  	_ = 	snop  }
0x5: {  	_ = 	snop  }
0x6: {  	_ = 	snop  }
0x7: {  	_ = 	snop  }
__scs_overlays_trampoline_lowered:
0x8: {  	[smem:$0x3FAE] =	sst s0  }
0x9: {  	[smem:$0x3FAF] =	sst s1  }
0xa: {  	[smem:$0x3FB0] =	sst s2  }
0xb: {  	[smem:$0x3FB1] =	sst s3  }
0xc: {  	[smem:$0x3FB2] =	sst s4  }
0xd: {  	[smem:$0x3FB3] =	sst s5  }
0xe: {  	[smem:$0x3FB4] =	sst s6  }
0xf: {  	[smem:$0x3FB5] =	sst s7  }
0x10: {  	[smem:$0x3FB6] =	sst s8  }
0x11: {  	[smem:$0x3FB7] =	sst s9;
	s0 =	simm.s32 @!p0 $0x0  }
0x12: {  	s1 =	sld [smem:$0x3F9D];
	s0 =	simm.s32 @p0 $0x1  }
0x13: {  	[smem:$0x3FB8] =	sst s0;
	s0 =	simm.s32 @!p1 $0x0  }
0x14: {  	s2 =	sld [smem:$0x3F9C];
	s0 =	simm.s32 @p1 $0x1  }
0x15: {  	[smem:$0x3FB9] =	sst s0;
	s0 =	simm.s32 @!p2 $0x0  }
0x16: {  	s3 =	sld [smem:$0x3FDB];
	s0 =	simm.s32 @p2 $0x1  }
0x17: {  	s4 =	simm.s32 $0x1BF5;
	[smem:$0x3FBB] =	sst s0  }
0x18: {  	s0 =	sld [smem:$0x3F9E];
	_ =	swait.ge [sflag:s4], $0x0  }
0x19: {  	s7 =	sld [smem:$0x3F9F]  }
0x1a: {  	s8 =	sadd.s32 $0xFFFFE003, lr  }
0x1b: {  	s9 =	sadd.s32 $0xFFFFFEF7, lr;
	s5 =	simm.s32 $0xFFFFFFFF;
	p2 =	slt.u32 s8, $0xFFFFF086  }
0x1c: {  	p1 =	slt.u32 s9, $0xF7A;
	s5 =	simm.s32 @!p2 $0x0  }
0x1d: {  	s5 =	simm.s32 @p1 $0x1;
	p0 =	seq.s32 s7, s2  }
0x1e: {  	s7 =	smul.u32 @!p0 $0xF7A, s2;
	p2 =	seq.s32 @!p0 s5, $0x0  }
0x1f: {  	s9 =	smul.u32 $0xF7A, s1;
	s8 =	simm.s32 @!p0 $0x1BF5;
	p2 =	por !p2, p0  }
0x20: {  	[sflag:s8] =	ssyncset.s32 @!p0 $0xFFFFF086;
	s6 =	sadd.s32 @!p0 s3, s7;
	s7 =	simm.s32 @!p0 $0x108  }
0x21: {  	s3 =	sadd.s32 s3, s9;
	s6 =	sadd.s32 @!p0 $0x88, s6;
	s7 =	simm.s32 @p2 $0x1082  }
0x22: {  	[simem:s7], [sflag:s8] =	dma.local @!p0 [hbm:s6], $0xF7A  }
0x23: {  	s9 =	sor.u32 $0xD0000000, s2;
	s6 =	simm.s32 $0x108;
	_ =	swait.ge @!p0 [sflag:s8], $0x0  }
0x24: {  	s3 =	sadd.s32 $0x88, s3;
	s6 =	simm.s32 @!p1 $0x1082;
	[sflag:s4] =	ssyncset.s32 $0xFFFFF086  }
0x25: {  	[simem:s6], [sflag:s4] =	dma.local [hbm:s3], $0xF7A  }
0x26: {  	[smem:$0x3F9F] =	sst s1;
	(tag) =	ssettag s2;
	_ =	strace s9  }
0x27: {  	s1 =	sld [smem:$0x3FAF]  }
0x28: {  	s2 =	sld [smem:$0x3FB0]  }
0x29: {  	s4 =	sld [smem:$0x3FB2]  }
0x2a: {  	p0 =	seq.s32 s5, $0x0;
	s5 =	sld [smem:$0x3FB3]  }
0x2b: {  	s6 =	sld [smem:$0x3FB4]  }
0x2c: {  	s7 =	sld [smem:$0x3FB5]  }
0x2d: {  	s3 =	simm.s32 $0x108;
	s8 =	sld [smem:$0x3FB6]  }
0x2e: {  	s3 =	simm.s32 @!p0 $0x1082;
	s9 =	sld [smem:$0x3FB7]  }
0x2f: {  	lr =	sadd.s32 s0, s3;
	s0 =	sld [smem:$0x3FAE]  }
0x30: {  	s3 =	sld [smem:$0x3FB1]  }
0x31: {  	[smem:$0x3FBA] =	sst s10  }
0x32: {  	s10 =	sld [smem:$0x3FB8];
	_ =	sdelay $0x3  }
0x33: {  	p0 =	seq.s32 s10, $0x1;
	s10 =	sld [smem:$0x3FBA];
	_ =	sdelay $0x3  }
0x34: {  	[smem:$0x3FBA] =	sst s10  }
0x35: {  	s10 =	sld [smem:$0x3FB9];
	_ =	sdelay $0x3  }
0x36: {  	p1 =	seq.s32 s10, $0x1;
	s10 =	sld [smem:$0x3FBA];
	_ =	sdelay $0x3  }
0x37: {  	[smem:$0x3FBA] =	sst s10  }
0x38: {  	s10 =	sld [smem:$0x3FBB]  }
0x39: {  	_ = 	snop;
	(pc) =	sbr.ind lr, $3  }
0x3a: {  	_ = 	snop  }
0x3b: {  	_ = 	snop  }
0x3c: {  	p2 =	seq.s32 s10, $0x1;
	s10 =	sld [smem:$0x3FBA]  }
0x3d: {  	_ =	shalt  }
0x3e: {  	_ =	shalt  }
0x3f: {  	_ =	shalt  }
0x40: {  	_ =	shalt  }
0x41: {  	_ =	shalt  }
0x42: {  	_ =	shalt  }
0x43: {  	_ =	shalt  }
0x44: {  	_ =	shalt  }
0x45: {  	_ =	shalt  }
0x46: {  	_ =	shalt  }
0x47: {  	_ =	shalt  }
0x48: {  	_ =	shalt  }
0x49: {  	_ =	shalt  }
0x4a: {  	_ =	shalt  }
0x4b: {  	_ =	shalt  }
0x4c: {  	_ =	shalt  }
0x4d: {  	_ =	shalt  }
0x4e: {  	_ =	shalt  }
0x4f: {  	_ =	shalt  }
0x50: {  	_ =	shalt  }
0x51: {  	_ =	shalt  }
0x52: {  	_ =	shalt  }
0x53: {  	_ =	shalt  }
0x54: {  	_ =	shalt  }
0x55: {  	_ =	shalt  }
0x56: {  	_ =	shalt  }
0x57: {  	_ =	shalt  }
0x58: {  	_ =	shalt  }
0x59: {  	_ =	shalt  }
0x5a: {  	_ =	shalt  }
0x5b: {  	_ =	shalt  }
0x5c: {  	_ =	shalt  }
0x5d: {  	_ =	shalt  }
0x5e: {  	_ =	shalt  }
0x5f: {  	_ =	shalt  }
0x60: {  	_ =	shalt  }
0x61: {  	_ =	shalt  }
0x62: {  	_ =	shalt  }
0x63: {  	_ =	shalt  }
0x64: {  	_ =	shalt  }
0x65: {  	_ =	shalt  }
0x66: {  	_ =	shalt  }
0x67: {  	_ =	shalt  }
0x68: {  	_ =	shalt  }
0x69: {  	_ =	shalt  }
0x6a: {  	_ =	shalt  }
0x6b: {  	_ =	shalt  }
0x6c: {  	_ =	shalt  }
0x6d: {  	_ =	shalt  }
0x6e: {  	_ =	shalt  }
0x6f: {  	_ =	shalt  }
0x70: {  	_ =	shalt  }
0x71: {  	_ =	shalt  }
0x72: {  	_ =	shalt  }
0x73: {  	_ =	shalt  }
0x74: {  	_ =	shalt  }
0x75: {  	_ =	shalt  }
0x76: {  	_ =	shalt  }
0x77: {  	_ =	shalt  }
0x78: {  	_ =	shalt  }
0x79: {  	_ =	shalt  }
0x7a: {  	_ =	shalt  }
0x7b: {  	_ =	shalt  }
0x7c: {  	_ =	shalt  }
0x7d: {  	_ =	shalt  }
0x7e: {  	_ =	shalt  }
0x7f: {  	_ =	shalt  }
0x80: {  	_ =	shalt  }
0x81: {  	_ =	shalt  }
0x82: {  	_ =	shalt  }
0x83: {  	_ =	shalt  }
0x84: {  	_ =	shalt  }
0x85: {  	_ =	shalt  }
0x86: {  	_ =	shalt  }
0x87: {  	_ =	shalt  }
.Lfunc_end0:
.L_simem_size_0:
called_computation_lowered:
.L_overlay_start_0:
0x88: {  	s2 =	sld [smem:$0x3FD9]  }
0x89: {  	s3 =	sld [smem:$0x3FFE];
	_ =	sdelay $0x1  }
0x8a: {  	s1 =	srdreg.scid  }
0x8b: {  	s0 =	sand.u32 $0x1, s1  }
0x8c: {  	s17 =	sshll.u32 s0, $0xA;
	s2 =	sadd.s32 s3, s2  }
0x8d: {  	s2 =	sadd.s32 s2, s17  }
0x8e: {  	[smem:$0x3FC6] =	sst s2  }
0x8f: {  	_ = 	snop  }
0x90: {  	s2 =	sld [smem:$0x3FD0];
	(tm) =	ssettm $0x1  }
0x91: {  	s18 =	sld [smem:$0x3FFB];
	_ =	sdelay $0x3  }
0x92: {  	_ =	strace s18  }
0x93: {  	s3 =	sld [smem:$0x3FFC];
	_ =	sdelay $0x3  }
0x94: {  	_ =	strace s3  }
0x95: {  	s3 =	sld [smem:$0x3FFD];
	_ =	sdelay $0x3  }
0x96: {  	_ =	strace s3  }
0x97: {  	_ =	strace $0x8FFFFFFF  }
0x98: {  	s19 =	sld [smem:$0x3FDB];
	_ =	sdelay $0x1  }
0x99: {  	s4 =	simm.s32 $_scs_section_size  }
0x9a: {  	s5 =	simm.s32 $_size__tile_overlayer_lowered;
	s6 =	simm.s32 $_tile_overlayer_lowered  }
0x9b: {  	s22 =	simm.s32 $0x1BFF;
	s21 =	sshll.u32 s6, $0x1;
	s3 =	sadd.s32 s4, s19  }
0x9c: {  	s7 =	simm.s32 $0x0;
	s20 =	sshll.u32 s5, $0x1;
	s5 =	sadd.s32 s21, s3  }
0x9d: {  	[timem:s7], [sflag:s22] =	dma.local [hbm:s5], s20  }
0x9e: {  	_ =	swait.ge [sflag:s22], s20  }
0x9f: {  	s4 =	ssub.s32 $0x0, s20;
	[sflag:s22] =	ssyncset.done $0x0  }
0xa0: {  	[sflag:s22] =	ssyncadd.s32 s4;
	_ =	sdelay $0x1  }
0xa1: {  	s23 =	simm.s32 $0x1B8B  }
0xa2: {  	_ =	swait.ge [sflag:s23], $0x1  }
0xa3: {  	[sflag:s23] =	ssyncset.done $0x0  }
0xa4: {  	s25 =	simm.s32 $0x1B8E;
	s24 =	sld [smem:$0x3FFE];
	[sflag:s23] =	ssyncadd.s32 $0xFFFFFFFF  }
0xa5: {  	s26 =	simm.s32 $execute0_lowered;
	[smem:$0x3FD2] =	sst s25  }
0xa6: {  	s5 =	sshll.u32 s26, $0x1;
	_ =	strace $0x80000046;
	[dreg:$0x1] =	wrdreg $0xFFFFFFFF  }
0xa7: {  	s28 =	simm.s32 $_size_execute0_lowered;
	s3 =	sadd.s32 s3, s5;
	[dreg:$0x0] =	wrdreg $0x0  }
0xa8: {  	s5 =	sshll.u32 s28, $0x1;
	[dreg:$0x2] =	wrdreg s3  }
0xa9: {  	[dreg:$0x3] =	wrdreg s5  }
0xaa: {  	[dreg:$0x4] =	wrdreg $0xC0  }
0xab: {  	_ =	task [dreg:s7], $0x5FFFF  }
0xac: {  	[dreg:$0x1] =	wrdreg $0xFFFFFFFF  }
0xad: {  	[dreg:$0x0] =	wrdreg $0x60  }
0xae: {  	[dreg:$0x2] =	wrdreg s24  }
0xaf: {  	[dreg:$0x3] =	wrdreg s2  }
0xb0: {  	[dreg:$0x4] =	wrdreg $0x9  }
0xb1: {  	_ =	task.clear_ibuf [dreg:s7], $0x5FFFF;
	_ =	strace $0x90000046  }
0xb2: {  	s29 =	simm.s32 $0x9;
	_ =	strace $0x80000048  }
0xb3: {  	_ =	swait.ge [sflag:s29], $0x1  }
0xb4: {  	[sflag:s29] =	ssyncadd.s32 $0xFFFFFFFF  }
0xb5: {  	_ =	strace $0x90000048  }
0xb6: {  	_ =	sfence  }
0xb7: {  	s30 =	sld [smem:$0x0];
	_ =	sdelay $0x2  }
0xb8: {  	s31 =	sshll.u32 s1, $0xD;
	s1 =	sshrl.u32 s1, $0x2  }
0xb9: {  	s3 =	sand.u32 $0x4000, s31;
	s1 =	sadd.s32 s1, s30  }
0xba: {  	s0 =	sor.u32 s3, s0;
	s1 =	sshll.u32 s1, $0x11  }
0xbb: {  	s0 =	sor.u32 s1, s0  }
0xbc: {  	s0 =	sadd.s32 $0x8F2B, s0  }
0xbd: {  	[sflag:s0] =	ssyncadd.remote.s32 $0x1  }
0xbe: {  	_ =	sfence.sel $0xFFFF  }
0xbf: {  	[dreg:$0x0] =	wrdreg $0xFFFFFFFF;
	(pc) =	sbr.abs _section_cstart, $3  }
0xc0: {  	[dreg:$0x1] =	wrdreg $0xFFFFFFFF  }
0xc1: {  	_ =	task.clear_ibuf [dreg:s7], $0x2FFFF;
	_ =	strace $0x9FFFFFFF  }
0xc2: {  	(tm) =	ssettm $0x7FFFFFFF  }
0xc3: {  	_ =	shalt  }
tec
execute0_lowered:
.L_overlay_start_1:
0x0: {  	(tag) =	ssettag $0x1  }
0x1: {  	s0 =	rddreg [dreg:$0x0];
	s1 =	srdreg.scid  }
0x2: {  	s3 =	stileid.u32;
	s2 =	rddreg [dreg:$0x1]  }
0x3: {  	s23 =	simm.s32 $0xE400;
	s15 =	simm.s32 $0x2;
	s17 =	simm.s32 $0x6  }
0x4: {  	s18 =	simm.s32 $0x10600;
	s30 =	simm.s32 $0x3;
	s31 =	simm.s32 $0x7  }
0x5: {  	s28 =	simm.s32 $0x8;
	s29 =	simm.s32 $0x14A00;
	s22 =	simm.s32 $0x80  }
0x6: {  	s1 =	sand.u32 $0x1, s1;
	s4 =	sshll.u32 s3, $0x1;
	s3 =	simm.s32 $0x0  }
0x7: {  	s8 =	sadd.s32 $0x8000, s2;
	s9 =	sadd.s32 $0xC000, s2;
	s10 =	sadd.s32 $0x10000, s2  }
0x8: {  	s11 =	sadd.s32 $0x14000, s2;
	s12 =	sadd.s32 $0x18000, s2;
	s13 =	sadd.s32 $0x1C000, s2  }
0x9: {  	s5 =	sor.u32 s1, s4;
	[smem:$0x7FF] =	sst s3;
	s1 =	ssub.s32 $0x2, s1  }
0xa: {  	s4 =	smul.u32 $0xC80, s5;
	_ =	strace $0x80000047;
	s6 =	sshrl.u32 s1, $0x1  }
0xb: {  	v0 =	vlaneseq.u32;
	s25 =	ssub.s32 s1, s6;
	s6 =	smul.u32 $0xC8, s5;
	s1 =	simm.s32 $0x12800  }
0xc: {  	v0 =	vmul.u32 $0x88, v0;
	s7 =	sadd.s32 s4, s0;
	s4 =	sadd.s32 $0xF42A00, s0;
	s0 =	smax.u32 s25, $0x1  }
0xd: {  	s5 =	simm.s32 $0x0;
	s26 =	sadd.s32 $0x600, s7;
	[dreg:$0x4] =	wrdreg s0  }
0xe: {  	v1 =	vadd.s32 $0x880, v0;
	v2 =	vadd.s32 $0x1100, v0;
	v3 =	vadd.s32 $0x1980, v0;
	s7 =	sadd.s32 $0x4000, s2;
	[dreg:$0x3] =	wrdreg s26;
	s26 =	simm.s32 $0x4  }
.LBB2_1:
0xf: {  	[dreg:$0x5] =	wrdreg s5  }
0x10: {  	s0 =	rddreg [dreg:$0x3];
	s19 =	simm.s32 $0x9  }
0x11: {  	[tilespmem:s3], [sflag:$0x9] =	stream.linear.gather [hbm4b:s0+s3], $0x6400, $0x38;
	[tilespmem:$0x16C00] =	vst v63  }
0x12: {  	_ =	swait.ge [sflag:s19], $0x6400  }
0x13: {  	[sflag:s19] =	ssyncset.done $0x0  }
0x14: {  	s20 =	simm.s32 $0x80;
	s21 =	simm.s32 $0x6400;
	[sflag:s19] =	ssyncadd.s32 $0xFFFF9C00  }
0x15: {  	[tilespmem:s21], [sflag:$0x1] =	stream.indirect.gather [hbm4b:s4+s20], $0x40, s3, s20, $0xb8;
	[tilespmem:$0x16C00] =	vst v63  }
0x16: {  	s24 =	simm.s32 $0x8400  }
0x17: {  	[tilespmem:s24], [sflag:$0x2] =	stream.indirect.gather [hbm4b:s4+s20], $0x40, s20, s20, $0xb8;
	[tilespmem:$0x16C00] =	vst v63  }
0x18: {  	s25 =	simm.s32 $0x100;
	s14 =	simm.s32 $0xA400  }
0x19: {  	[tilespmem:s14], [sflag:$0x3] =	stream.indirect.gather [hbm4b:s4+s20], $0x40, s25, s20, $0xb8;
	[tilespmem:$0x16C00] =	vst v63  }
0x1a: {  	s25 =	simm.s32 $0x0  }
.LBB2_2:
0x1b: {  	s0 =	sshllo.u32 s25, $0x2  }
0x1c: {  	s5 =	sshll.u32 s0, $0x7  }
0x1d: {  	s14 =	simm.s32 $0xC400;
	s19 =	simm.s32 $0x1;
	s5 =	sand.u32 $0x3FFFFF80, s5  }
0x1e: {  	[tilespmem:s14], [sflag:$0x4] =	stream.indirect.gather [hbm4b:s4+s22], $0x40, s5, s22, $0xb8;
	[tilespmem:$0x16C00] =	vst v63  }
0x1f: {  	_ =	swait.ge [sflag:s19], $0x2000  }
0x20: {  	p0 =	seq.s32 s25, $0x0;
	[sflag:s19] =	ssyncset.done $0x0  }
0x21: {  	s5 =	simm.s32 @!p0 $0x5;
	[sflag:s19] =	ssyncadd.s32 $0xFFFFE000  }
0x22: {  	_ =	swait.ge @!p0 [sflag:s5], $0x400  }
0x23: {  	[sflag:s5] =	ssyncset.done @!p0 $0x0  }
0x24: {  	[sflag:s5] =	ssyncadd.s32 @!p0 $0xFFFFFC00  }
0x25: {  	_ =	swait.ge @!p0 [sflag:s5], $0x400  }
0x26: {  	[sflag:s5] =	ssyncset.done @!p0 $0x0  }
0x27: {  	[sflag:s5] =	ssyncadd.s32 @!p0 $0xFFFFFC00  }
0x28: {  	_ =	swait.ge @!p0 [sflag:s5], $0x400  }
0x29: {  	[sflag:s5] =	ssyncset.done @!p0 $0x0  }
0x2a: {  	[sflag:s5] =	ssyncadd.s32 @!p0 $0xFFFFFC00  }
0x2b: {  	_ =	swait.ge @!p0 [sflag:s5], $0x400  }
0x2c: {  	[sflag:s5] =	ssyncset.done @!p0 $0x0  }
0x2d: {  	[sflag:s5] =	ssyncadd.s32 @!p0 $0xFFFFFC00  }
0x2e: {  	_ =	swait.ge @!p0 [sflag:s5], $0x400  }
0x2f: {  	[sflag:s5] =	ssyncset.done @!p0 $0x0  }
0x30: {  	[sflag:s5] =	ssyncadd.s32 @!p0 $0xFFFFFC00  }
0x31: {  	_ =	swait.ge @!p0 [sflag:s5], $0x400  }
0x32: {  	[sflag:s5] =	ssyncset.done @!p0 $0x0  }
0x33: {  	[sflag:s5] =	ssyncadd.s32 @!p0 $0xFFFFFC00  }
0x34: {  	_ =	swait.ge @!p0 [sflag:s5], $0x400  }
0x35: {  	[sflag:s5] =	ssyncset.done @!p0 $0x0  }
0x36: {  	[sflag:s5] =	ssyncadd.s32 @!p0 $0xFFFFFC00  }
0x37: {  	s20 =	simm.s32 $0x0;
	_ =	swait.ge @!p0 [sflag:s5], $0x400  }
0x38: {  	v4 =	vmov s20;
	[sflag:s5] =	ssyncset.done @!p0 $0x0  }
0x39: {  	s16 =	simm.s32 $0x6420;
	v8 =	vand.u32 $0x7F, v4;
	[sflag:s5] =	ssyncadd.s32 @!p0 $0xFFFFFC00  }
0x3a: {  	v6 =	vadd.s32 v0, v8;
	v5 =	vld [tilespmem:s16+$0xFFFFFFE0];
	_ =	sdelay $0x1  }
0x3b: {  	s21 =	simm.s32 $0x1  }
0x3c: {  	v4 =	vmov s21  }
0x3d: {  	v4 =	vand.u32 $0x7F, v4;
	s5 =	simm.s32 $0x6460  }
0x3e: {  	v7 =	vadd.s32 v0, v4;
	[tilespmem:v6+s23+$0x0] =	vst.idx.msk $0xffff, v5;
	v6 =	vld [tilespmem:s5+$0xFFFFFFE0]  }
0x3f: {  	v10 =	vadd.s32 v1, v8;
	v9 =	vld [tilespmem:s16+$0xFFFFFFF0]  }
0x40: {  	s24 =	simm.s32 $0x2  }
0x41: {  	v5 =	vmov s24  }
0x42: {  	s14 =	simm.s32 $0x64A0;
	v5 =	vand.u32 $0x7F, v5  }
0x43: {  	[tilespmem:v7+s23+$0x0] =	vst.idx.msk $0xffff, v6;
	v6 =	vld [tilespmem:s14+$0xFFFFFFE0];
	v7 =	vadd.s32 v0, v5  }
0x44: {  	v11 =	vadd.s32 v1, v4;
	[tilespmem:v10+s23+$0x0] =	vst.idx.msk $0xffff, v9;
	v9 =	vld [tilespmem:s5+$0xFFFFFFF0]  }
0x45: {  	v14 =	vadd.s32 v2, v8;
	v12 =	vld [tilespmem:s16+$0x0]  }
0x46: {  	s19 =	simm.s32 $0x3  }
0x47: {  	v13 =	vmov s19  }
0x48: {  	s21 =	simm.s32 $0x64E0;
	[tilespmem:v7+s23+$0x0] =	vst.idx.msk $0xffff, v6;
	v6 =	vand.u32 $0x7F, v13  }
0x49: {  	v10 =	vld [tilespmem:s21+$0xFFFFFFE0];
	[tilespmem:v11+s23+$0x0] =	vst.idx.msk $0xffff, v9;
	v13 =	vadd.s32 v0, v6  }
0x4a: {  	v11 =	vld [tilespmem:s14+$0xFFFFFFF0];
	[tilespmem:v14+s23+$0x0] =	vst.idx.msk $0xffff, v12;
	v14 =	vadd.s32 v1, v5  }
0x4b: {  	v9 =	vld [tilespmem:s5+$0x0];
	v12 =	vadd.s32 v2, v4  }
0x4c: {  	s20 =	simm.s32 $0x64E0;
	v8 =	vadd.s32 v3, v8;
	s19 =	sshll.u32 s25, $0x2;
	s24 =	simm.s32 $0x4;
	v7 =	vld [tilespmem:s16+$0x10]  }
.LBB2_3:
0x4d: {  	v15 =	vmov s24;
	p1 =	sne.s32 s24, $0x7F  }
.Ltmp0:
0x4e: {  	s21 =	sadd.s32 $0x40, s21;
	v15 =	vand.u32 $0x7F, v15;
	[tilespmem:v13+s23+$0x0] =	vst.idx.msk $0xffff, v10;
	(pc) =	sbr.rel @p1 .LBB2_3-.Ltmp0, $4  }
0x4f: {  	v10 =	vld [tilespmem:s21+$0xFFFFFFE0];
	v13 =	vadd.s32 v0, v15;
	[tilespmem:v14+s23+$0x0] =	vst.idx.msk $0xffff, v11  }
0x50: {  	s24 =	sadd.s32 $0x1, s24;
	v14 =	vadd.s32 v1, v6;
	v11 =	vld [tilespmem:s20+$0xFFFFFFF0];
	[tilespmem:v12+s23+$0x0] =	vst.idx.msk $0xffff, v9  }
0x51: {  	v12 =	vadd.s32 v2, v5;
	v9 =	vld [tilespmem:s14+$0x0];
	[tilespmem:v8+s23+$0x0] =	vst.idx.msk $0xffff, v7  }
0x52: {  	v8 =	vadd.s32 v3, v4;
	v4 =	vmovc v5;
	v5 =	vmov v6;
	v6 =	vmov v15;
	v7 =	vld [tilespmem:s5+$0x10];
	s5 =	smov.u32 s14;
	s14 =	smov.u32 s20;
	s20 =	smov.u32 s21  }
0x53: {  	_ =	sdelay $0x3  }
0x54: {  	[tilespmem:v13+s23+$0x0] =	vst.idx.msk $0xffff, v10  }
0x55: {  	v60 =	vadd.s32 v1, v6;
	v10 =	vld [tilespmem:s20+$0xFFFFFFF0];
	_ =	sdelay $0x3  }
0x56: {  	[tilespmem:v14+s23+$0x0] =	vst.idx.msk $0xffff, v11  }
0x57: {  	v61 =	vadd.s32 v2, v5;
	v11 =	vld [tilespmem:s14+$0x0];
	[tilespmem:v60+s23+$0x0] =	vst.idx.msk $0xffff, v10  }
0x58: {  	v62 =	vadd.s32 v2, v6;
	v10 =	vld [tilespmem:s20+$0x0];
	_ =	sdelay $0x2  }
0x59: {  	[tilespmem:v12+s23+$0x0] =	vst.idx.msk $0xffff, v9  }
0x5a: {  	v4 =	vadd.s32 v3, v4;
	v9 =	vld [tilespmem:s5+$0x10];
	[tilespmem:v61+s23+$0x0] =	vst.idx.msk $0xffff, v11  }
0x5b: {  	v5 =	vadd.s32 v3, v5;
	v11 =	vld [tilespmem:s14+$0x10];
	[tilespmem:v62+s23+$0x0] =	vst.idx.msk $0xffff, v10  }
0x5c: {  	v63 =	vadd.s32 v3, v6;
	v10 =	vld [tilespmem:s20+$0x10]  }
0x5d: {  	s20 =	sadd.s32 s6, s19  }
0x5e: {  	[tilespmem:v8+s23+$0x0] =	vst.idx.msk $0xffff, v7;
	s21 =	sshll.u32 s20, $0xA;
	s5 =	sshll.u32 s20, $0x7  }
0x5f: {  	[tilespmem:v4+s23+$0x0] =	vst.idx.msk $0xffff, v9;
	s14 =	sand.u32 $0xFFE0000, s21;
	s5 =	sand.u32 $0x3E00, s5  }
0x60: {  	[tilespmem:v5+s23+$0x0] =	vst.idx.msk $0xffff, v11;
	s5 =	sor.u32 s5, s14  }
0x61: {  	s14 =	sadd.s32 s2, s5;
	[tilespmem:v63+s23+$0x0] =	vst.idx.msk $0xffff, v10  }
0x62: {  	[hbm4b:s14+s3] =	stream.linear.scatter [tilespmem:s23], [sflag:$0x5], $0x80, $0x38;
	[tilespmem:$0x16C00] =	vst v63  }
0x63: {  	s24 =	simm.s32 $0xE488;
	s16 =	sadd.s32 $0x10, s14  }
0x64: {  	[hbm4b:s16+s3] =	stream.linear.scatter [tilespmem:s24], [sflag:$0x5], $0x80, $0x38;
	[tilespmem:$0x16C00] =	vst v63  }
0x65: {  	s21 =	sadd.s32 $0x20, s14;
	s24 =	simm.s32 $0xE510  }
0x66: {  	[hbm4b:s21+s3] =	stream.linear.scatter [tilespmem:s24], [sflag:$0x5], $0x80, $0x38;
	[tilespmem:$0x16C00] =	vst v63  }
0x67: {  	s21 =	sadd.s32 $0x30, s14;
	s24 =	simm.s32 $0xE598  }
0x68: {  	[hbm4b:s21+s3] =	stream.linear.scatter [tilespmem:s24], [sflag:$0x5], $0x80, $0x38;
	[tilespmem:$0x16C00] =	vst v63  }
0x69: {  	s21 =	sadd.s32 $0x40, s14;
	s24 =	simm.s32 $0xE620  }
0x6a: {  	[hbm4b:s21+s3] =	stream.linear.scatter [tilespmem:s24], [sflag:$0x5], $0x80, $0x38;
	[tilespmem:$0x16C00] =	vst v63  }
0x6b: {  	s21 =	sadd.s32 $0x50, s14;
	s24 =	simm.s32 $0xE6A8  }
0x6c: {  	[hbm4b:s21+s3] =	stream.linear.scatter [tilespmem:s24], [sflag:$0x5], $0x80, $0x38;
	[tilespmem:$0x16C00] =	vst v63  }
0x6d: {  	s20 =	sadd.s32 $0x60, s14;
	s21 =	simm.s32 $0xE730  }
0x6e: {  	[hbm4b:s20+s3] =	stream.linear.scatter [tilespmem:s21], [sflag:$0x5], $0x80, $0x38;
	[tilespmem:$0x16C00] =	vst v63  }
0x6f: {  	s14 =	sadd.s32 $0x70, s14;
	s24 =	simm.s32 $0xE7B8  }
0x70: {  	[hbm4b:s14+s3] =	stream.linear.scatter [tilespmem:s24], [sflag:$0x5], $0x80, $0x38;
	[tilespmem:$0x16C00] =	vst v63  }
0x71: {  	s20 =	simm.s32 $0xE840;
	s14 =	sadd.s32 s5, s7  }
0x72: {  	[hbm4b:s14+s3] =	stream.linear.scatter [tilespmem:s20], [sflag:$0x5], $0x80, $0x38;
	[tilespmem:$0x16C00] =	vst v63  }
0x73: {  	s24 =	simm.s32 $0xE8C8;
	s21 =	sadd.s32 $0x10, s14  }
0x74: {  	[hbm4b:s21+s3] =	stream.linear.scatter [tilespmem:s24], [sflag:$0x5], $0x80, $0x38;
	[tilespmem:$0x16C00] =	vst v63  }
0x75: {  	s21 =	sadd.s32 $0x20, s14;
	s24 =	simm.s32 $0xE950  }
0x76: {  	[hbm4b:s21+s3] =	stream.linear.scatter [tilespmem:s24], [sflag:$0x5], $0x80, $0x38;
	[tilespmem:$0x16C00] =	vst v63  }
0x77: {  	s21 =	sadd.s32 $0x30, s14;
	s24 =	simm.s32 $0xE9D8  }
0x78: {  	[hbm4b:s21+s3] =	stream.linear.scatter [tilespmem:s24], [sflag:$0x5], $0x80, $0x38;
	[tilespmem:$0x16C00] =	vst v63  }
0x79: {  	s21 =	sadd.s32 $0x40, s14;
	s24 =	simm.s32 $0xEA60  }
0x7a: {  	[hbm4b:s21+s3] =	stream.linear.scatter [tilespmem:s24], [sflag:$0x5], $0x80, $0x38;
	[tilespmem:$0x16C00] =	vst v63  }
0x7b: {  	s21 =	sadd.s32 $0x50, s14;
	s24 =	simm.s32 $0xEAE8  }
0x7c: {  	[hbm4b:s21+s3] =	stream.linear.scatter [tilespmem:s24], [sflag:$0x5], $0x80, $0x38;
	[tilespmem:$0x16C00] =	vst v63  }
0x7d: {  	s20 =	sadd.s32 $0x60, s14;
	s21 =	simm.s32 $0xEB70  }
0x7e: {  	[hbm4b:s20+s3] =	stream.linear.scatter [tilespmem:s21], [sflag:$0x5], $0x80, $0x38;
	[tilespmem:$0x16C00] =	vst v63  }
0x7f: {  	s14 =	sadd.s32 $0x70, s14;
	s24 =	simm.s32 $0xEBF8  }
0x80: {  	[hbm4b:s14+s3] =	stream.linear.scatter [tilespmem:s24], [sflag:$0x5], $0x80, $0x38;
	[tilespmem:$0x16C00] =	vst v63  }
0x81: {  	s20 =	simm.s32 $0xEC80;
	s14 =	sadd.s32 s5, s8  }
0x82: {  	[hbm4b:s14+s3] =	stream.linear.scatter [tilespmem:s20], [sflag:$0x5], $0x80, $0x38;
	[tilespmem:$0x16C00] =	vst v63  }
0x83: {  	s24 =	simm.s32 $0xED08;
	s21 =	sadd.s32 $0x10, s14  }
0x84: {  	[hbm4b:s21+s3] =	stream.linear.scatter [tilespmem:s24], [sflag:$0x5], $0x80, $0x38;
	[tilespmem:$0x16C00] =	vst v63  }
0x85: {  	s21 =	sadd.s32 $0x20, s14;
	s24 =	simm.s32 $0xED90  }
0x86: {  	[hbm4b:s21+s3] =	stream.linear.scatter [tilespmem:s24], [sflag:$0x5], $0x80, $0x38;
	[tilespmem:$0x16C00] =	vst v63  }
0x87: {  	s21 =	sadd.s32 $0x30, s14;
	s24 =	simm.s32 $0xEE18  }
0x88: {  	[hbm4b:s21+s3] =	stream.linear.scatter [tilespmem:s24], [sflag:$0x5], $0x80, $0x38;
	[tilespmem:$0x16C00] =	vst v63  }
0x89: {  	s21 =	sadd.s32 $0x40, s14;
	s24 =	simm.s32 $0xEEA0  }
0x8a: {  	[hbm4b:s21+s3] =	stream.linear.scatter [tilespmem:s24], [sflag:$0x5], $0x80, $0x38;
	[tilespmem:$0x16C00] =	vst v63  }
0x8b: {  	s21 =	sadd.s32 $0x50, s14;
	s24 =	simm.s32 $0xEF28  }
0x8c: {  	[hbm4b:s21+s3] =	stream.linear.scatter [tilespmem:s24], [sflag:$0x5], $0x80, $0x38;
	[tilespmem:$0x16C00] =	vst v63  }
0x8d: {  	s20 =	sadd.s32 $0x60, s14;
	s21 =	simm.s32 $0xEFB0  }
0x8e: {  	[hbm4b:s20+s3] =	stream.linear.scatter [tilespmem:s21], [sflag:$0x5], $0x80, $0x38;
	[tilespmem:$0x16C00] =	vst v63  }
0x8f: {  	s14 =	sadd.s32 $0x70, s14;
	s24 =	simm.s32 $0xF038  }
0x90: {  	[hbm4b:s14+s3] =	stream.linear.scatter [tilespmem:s24], [sflag:$0x5], $0x80, $0x38;
	[tilespmem:$0x16C00] =	vst v63  }
0x91: {  	s20 =	simm.s32 $0xF0C0;
	s14 =	sadd.s32 s5, s9  }
0x92: {  	[hbm4b:s14+s3] =	stream.linear.scatter [tilespmem:s20], [sflag:$0x5], $0x80, $0x38;
	[tilespmem:$0x16C00] =	vst v63  }
0x93: {  	s24 =	simm.s32 $0xF148;
	s21 =	sadd.s32 $0x10, s14  }
0x94: {  	[hbm4b:s21+s3] =	stream.linear.scatter [tilespmem:s24], [sflag:$0x5], $0x80, $0x38;
	[tilespmem:$0x16C00] =	vst v63  }
0x95: {  	s21 =	sadd.s32 $0x20, s14;
	s24 =	simm.s32 $0xF1D0  }
0x96: {  	[hbm4b:s21+s3] =	stream.linear.scatter [tilespmem:s24], [sflag:$0x5], $0x80, $0x38;
	[tilespmem:$0x16C00] =	vst v63  }
0x97: {  	s21 =	sadd.s32 $0x30, s14;
	s24 =	simm.s32 $0xF258  }
0x98: {  	[hbm4b:s21+s3] =	stream.linear.scatter [tilespmem:s24], [sflag:$0x5], $0x80, $0x38;
	[tilespmem:$0x16C00] =	vst v63  }
0x99: {  	s21 =	sadd.s32 $0x40, s14;
	s24 =	simm.s32 $0xF2E0  }
0x9a: {  	[hbm4b:s21+s3] =	stream.linear.scatter [tilespmem:s24], [sflag:$0x5], $0x80, $0x38;
	[tilespmem:$0x16C00] =	vst v63  }
0x9b: {  	s21 =	sadd.s32 $0x50, s14;
	s24 =	simm.s32 $0xF368  }
0x9c: {  	[hbm4b:s21+s3] =	stream.linear.scatter [tilespmem:s24], [sflag:$0x5], $0x80, $0x38;
	[tilespmem:$0x16C00] =	vst v63  }
0x9d: {  	s20 =	sadd.s32 $0x60, s14;
	s21 =	simm.s32 $0xF3F0  }
0x9e: {  	[hbm4b:s20+s3] =	stream.linear.scatter [tilespmem:s21], [sflag:$0x5], $0x80, $0x38;
	[tilespmem:$0x16C00] =	vst v63  }
0x9f: {  	s14 =	sadd.s32 $0x70, s14;
	s24 =	simm.s32 $0xF478  }
0xa0: {  	[hbm4b:s14+s3] =	stream.linear.scatter [tilespmem:s24], [sflag:$0x5], $0x80, $0x38;
	[tilespmem:$0x16C00] =	vst v63  }
0xa1: {  	s20 =	simm.s32 $0xF500;
	s14 =	sadd.s32 s5, s10  }
0xa2: {  	[hbm4b:s14+s3] =	stream.linear.scatter [tilespmem:s20], [sflag:$0x5], $0x80, $0x38;
	[tilespmem:$0x16C00] =	vst v63  }
0xa3: {  	s24 =	simm.s32 $0xF588;
	s21 =	sadd.s32 $0x10, s14  }
0xa4: {  	[hbm4b:s21+s3] =	stream.linear.scatter [tilespmem:s24], [sflag:$0x5], $0x80, $0x38;
	[tilespmem:$0x16C00] =	vst v63  }
0xa5: {  	s21 =	sadd.s32 $0x20, s14;
	s24 =	simm.s32 $0xF610  }
0xa6: {  	[hbm4b:s21+s3] =	stream.linear.scatter [tilespmem:s24], [sflag:$0x5], $0x80, $0x38;
	[tilespmem:$0x16C00] =	vst v63  }
0xa7: {  	s21 =	sadd.s32 $0x30, s14;
	s24 =	simm.s32 $0xF698  }
0xa8: {  	[hbm4b:s21+s3] =	stream.linear.scatter [tilespmem:s24], [sflag:$0x5], $0x80, $0x38;
	[tilespmem:$0x16C00] =	vst v63  }
0xa9: {  	s21 =	sadd.s32 $0x40, s14;
	s24 =	simm.s32 $0xF720  }
0xaa: {  	[hbm4b:s21+s3] =	stream.linear.scatter [tilespmem:s24], [sflag:$0x5], $0x80, $0x38;
	[tilespmem:$0x16C00] =	vst v63  }
0xab: {  	s21 =	sadd.s32 $0x50, s14;
	s24 =	simm.s32 $0xF7A8  }
0xac: {  	[hbm4b:s21+s3] =	stream.linear.scatter [tilespmem:s24], [sflag:$0x5], $0x80, $0x38;
	[tilespmem:$0x16C00] =	vst v63  }
0xad: {  	s20 =	sadd.s32 $0x60, s14;
	s21 =	simm.s32 $0xF830  }
0xae: {  	[hbm4b:s20+s3] =	stream.linear.scatter [tilespmem:s21], [sflag:$0x5], $0x80, $0x38;
	[tilespmem:$0x16C00] =	vst v63  }
0xaf: {  	s14 =	sadd.s32 $0x70, s14;
	s24 =	simm.s32 $0xF8B8  }
0xb0: {  	[hbm4b:s14+s3] =	stream.linear.scatter [tilespmem:s24], [sflag:$0x5], $0x80, $0x38;
	[tilespmem:$0x16C00] =	vst v63  }
0xb1: {  	s20 =	simm.s32 $0xF940;
	s14 =	sadd.s32 s5, s11  }
0xb2: {  	[hbm4b:s14+s3] =	stream.linear.scatter [tilespmem:s20], [sflag:$0x5], $0x80, $0x38;
	[tilespmem:$0x16C00] =	vst v63  }
0xb3: {  	s24 =	simm.s32 $0xF9C8;
	s21 =	sadd.s32 $0x10, s14  }
0xb4: {  	[hbm4b:s21+s3] =	stream.linear.scatter [tilespmem:s24], [sflag:$0x5], $0x80, $0x38;
	[tilespmem:$0x16C00] =	vst v63  }
0xb5: {  	s21 =	sadd.s32 $0x20, s14;
	s24 =	simm.s32 $0xFA50  }
0xb6: {  	[hbm4b:s21+s3] =	stream.linear.scatter [tilespmem:s24], [sflag:$0x5], $0x80, $0x38;
	[tilespmem:$0x16C00] =	vst v63  }
0xb7: {  	s21 =	sadd.s32 $0x30, s14;
	s24 =	simm.s32 $0xFAD8  }
0xb8: {  	[hbm4b:s21+s3] =	stream.linear.scatter [tilespmem:s24], [sflag:$0x5], $0x80, $0x38;
	[tilespmem:$0x16C00] =	vst v63  }
0xb9: {  	s21 =	sadd.s32 $0x40, s14;
	s24 =	simm.s32 $0xFB60  }
0xba: {  	[hbm4b:s21+s3] =	stream.linear.scatter [tilespmem:s24], [sflag:$0x5], $0x80, $0x38;
	[tilespmem:$0x16C00] =	vst v63  }
0xbb: {  	s21 =	sadd.s32 $0x50, s14;
	s24 =	simm.s32 $0xFBE8  }
0xbc: {  	[hbm4b:s21+s3] =	stream.linear.scatter [tilespmem:s24], [sflag:$0x5], $0x80, $0x38;
	[tilespmem:$0x16C00] =	vst v63  }
0xbd: {  	s20 =	sadd.s32 $0x60, s14;
	s21 =	simm.s32 $0xFC70  }
0xbe: {  	[hbm4b:s20+s3] =	stream.linear.scatter [tilespmem:s21], [sflag:$0x5], $0x80, $0x38;
	[tilespmem:$0x16C00] =	vst v63  }
0xbf: {  	s14 =	sadd.s32 $0x70, s14;
	s24 =	simm.s32 $0xFCF8  }
0xc0: {  	[hbm4b:s14+s3] =	stream.linear.scatter [tilespmem:s24], [sflag:$0x5], $0x80, $0x38;
	[tilespmem:$0x16C00] =	vst v63  }
0xc1: {  	s20 =	simm.s32 $0xFD80;
	s14 =	sadd.s32 s5, s12  }
0xc2: {  	[hbm4b:s14+s3] =	stream.linear.scatter [tilespmem:s20], [sflag:$0x5], $0x80, $0x38;
	[tilespmem:$0x16C00] =	vst v63  }
0xc3: {  	s24 =	simm.s32 $0xFE08;
	s21 =	sadd.s32 $0x10, s14  }
0xc4: {  	[hbm4b:s21+s3] =	stream.linear.scatter [tilespmem:s24], [sflag:$0x5], $0x80, $0x38;
	[tilespmem:$0x16C00] =	vst v63  }
0xc5: {  	s21 =	sadd.s32 $0x20, s14;
	s24 =	simm.s32 $0xFE90  }
0xc6: {  	[hbm4b:s21+s3] =	stream.linear.scatter [tilespmem:s24], [sflag:$0x5], $0x80, $0x38;
	[tilespmem:$0x16C00] =	vst v63  }
0xc7: {  	s21 =	sadd.s32 $0x30, s14;
	s24 =	simm.s32 $0xFF18  }
0xc8: {  	[hbm4b:s21+s3] =	stream.linear.scatter [tilespmem:s24], [sflag:$0x5], $0x80, $0x38;
	[tilespmem:$0x16C00] =	vst v63  }
0xc9: {  	s21 =	sadd.s32 $0x40, s14;
	s24 =	simm.s32 $0xFFA0  }
0xca: {  	[hbm4b:s21+s3] =	stream.linear.scatter [tilespmem:s24], [sflag:$0x5], $0x80, $0x38;
	[tilespmem:$0x16C00] =	vst v63  }
0xcb: {  	s21 =	sadd.s32 $0x50, s14;
	s24 =	simm.s32 $0x10028  }
0xcc: {  	[hbm4b:s21+s3] =	stream.linear.scatter [tilespmem:s24], [sflag:$0x5], $0x80, $0x38;
	[tilespmem:$0x16C00] =	vst v63  }
0xcd: {  	s20 =	sadd.s32 $0x60, s14;
	s21 =	simm.s32 $0x100B0  }
0xce: {  	[hbm4b:s20+s3] =	stream.linear.scatter [tilespmem:s21], [sflag:$0x5], $0x80, $0x38;
	[tilespmem:$0x16C00] =	vst v63  }
0xcf: {  	s14 =	sadd.s32 $0x70, s14;
	s24 =	simm.s32 $0x10138  }
0xd0: {  	[hbm4b:s14+s3] =	stream.linear.scatter [tilespmem:s24], [sflag:$0x5], $0x80, $0x38;
	[tilespmem:$0x16C00] =	vst v63  }
0xd1: {  	s5 =	sadd.s32 s5, s13;
	s20 =	simm.s32 $0x101C0  }
0xd2: {  	[hbm4b:s5+s3] =	stream.linear.scatter [tilespmem:s20], [sflag:$0x5], $0x80, $0x38;
	[tilespmem:$0x16C00] =	vst v63  }
0xd3: {  	s21 =	sadd.s32 $0x10, s5;
	s24 =	simm.s32 $0x10248  }
0xd4: {  	[hbm4b:s21+s3] =	stream.linear.scatter [tilespmem:s24], [sflag:$0x5], $0x80, $0x38;
	[tilespmem:$0x16C00] =	vst v63  }
0xd5: {  	s16 =	sadd.s32 $0x20, s5;
	s20 =	simm.s32 $0x102D0  }
0xd6: {  	[hbm4b:s16+s3] =	stream.linear.scatter [tilespmem:s20], [sflag:$0x5], $0x80, $0x38;
	[tilespmem:$0x16C00] =	vst v63  }
0xd7: {  	s21 =	sadd.s32 $0x30, s5;
	s24 =	simm.s32 $0x10358  }
0xd8: {  	[hbm4b:s21+s3] =	stream.linear.scatter [tilespmem:s24], [sflag:$0x5], $0x80, $0x38;
	[tilespmem:$0x16C00] =	vst v63  }
0xd9: {  	s16 =	sadd.s32 $0x40, s5;
	s20 =	simm.s32 $0x103E0  }
0xda: {  	[hbm4b:s16+s3] =	stream.linear.scatter [tilespmem:s20], [sflag:$0x5], $0x80, $0x38;
	[tilespmem:$0x16C00] =	vst v63  }
0xdb: {  	p1 =	sne.s32 s25, $0x31;
	s21 =	sadd.s32 $0x50, s5;
	s24 =	simm.s32 $0x10468  }
0xdc: {  	[hbm4b:s21+s3] =	stream.linear.scatter [tilespmem:s24], [sflag:$0x5], $0x80, $0x38;
	[tilespmem:$0x16C00] =	vst v63  }
.Ltmp1:
0xdd: {  	_ = 	snop;
	(pc) =	sbr.rel @p1 .LBB2_6-.Ltmp1, $4  }
0xde: {  	s20 =	sadd.s32 $0x60, s5;
	s21 =	simm.s32 $0x104F0  }
0xdf: {  	[hbm4b:s20+s3] =	stream.linear.scatter [tilespmem:s21], [sflag:$0x5], $0x80, $0x38;
	[tilespmem:$0x16C00] =	vst v63  }
0xe0: {  	s5 =	sadd.s32 $0x70, s5;
	s24 =	simm.s32 $0x10578  }
0xe1: {  	[hbm4b:s5+s3] =	stream.linear.scatter [tilespmem:s24], [sflag:$0x5], $0x80, $0x38;
	[tilespmem:$0x16C00] =	vst v63  }
.Ltmp2:
0xe2: {  	(pc) =	sbr.rel .LBB2_7-.Ltmp2, $4  }
0xe3: {  	_ = 	snop  }
0xe4: {  	_ =	swait.ge [sflag:s15], $0x2000  }
0xe5: {  	[sflag:s15] =	ssyncset.done $0x0  }
0xe6: {  	[sflag:s15] =	ssyncadd.s32 $0xFFFFE000  }
.LBB2_6:
0xe7: {  	s5 =	sshll.u32 s25, $0x9  }
0xe8: {  	s5 =	sand.u32 $0x3FFFFE00, s5  }
.Ltmp3:
0xe9: {  	s14 =	simm.s32 $0x6400;
	s5 =	sadd.s32 $0x200, s5;
	(pc) =	sbr.rel @p0 .LBB2_8-.Ltmp3, $4  }
0xea: {  	[tilespmem:s14], [sflag:$0x1] =	stream.indirect.gather [hbm4b:s4+s22], $0x40, s5, s22, $0xb8;
	[tilespmem:$0x16C00] =	vst v63  }
0xeb: {  	_ =	swait.ge [sflag:s15], $0x2000  }
0xec: {  	[sflag:s15] =	ssyncset.done $0x0  }
0xed: {  	[sflag:s15] =	ssyncadd.s32 $0xFFFFE000  }
.LBB2_7:
0xee: {  	_ =	swait.ge [sflag:s17], $0x400  }
0xef: {  	[sflag:s17] =	ssyncset.done $0x0  }
0xf0: {  	[sflag:s17] =	ssyncadd.s32 $0xFFFFFC00  }
0xf1: {  	_ =	swait.ge [sflag:s17], $0x400  }
0xf2: {  	[sflag:s17] =	ssyncset.done $0x0  }
0xf3: {  	[sflag:s17] =	ssyncadd.s32 $0xFFFFFC00  }
0xf4: {  	_ =	swait.ge [sflag:s17], $0x400  }
0xf5: {  	[sflag:s17] =	ssyncset.done $0x0  }
0xf6: {  	[sflag:s17] =	ssyncadd.s32 $0xFFFFFC00  }
0xf7: {  	_ =	swait.ge [sflag:s17], $0x400  }
0xf8: {  	[sflag:s17] =	ssyncset.done $0x0  }
0xf9: {  	[sflag:s17] =	ssyncadd.s32 $0xFFFFFC00  }
0xfa: {  	_ =	swait.ge [sflag:s17], $0x400  }
0xfb: {  	[sflag:s17] =	ssyncset.done $0x0  }
0xfc: {  	[sflag:s17] =	ssyncadd.s32 $0xFFFFFC00  }
0xfd: {  	_ =	swait.ge [sflag:s17], $0x400  }
0xfe: {  	[sflag:s17] =	ssyncset.done $0x0  }
0xff: {  	[sflag:s17] =	ssyncadd.s32 $0xFFFFFC00  }
0x100: {  	_ =	swait.ge [sflag:s17], $0x400  }
0x101: {  	[sflag:s17] =	ssyncset.done $0x0  }
0x102: {  	[sflag:s17] =	ssyncadd.s32 $0xFFFFFC00  }
0x103: {  	_ =	swait.ge [sflag:s17], $0x400  }
0x104: {  	[sflag:s17] =	ssyncset.done $0x0  }
0x105: {  	[sflag:s17] =	ssyncadd.s32 $0xFFFFFC00  }
.LBB2_8:
0x106: {  	s5 =	simm.s32 $0x0  }
0x107: {  	v4 =	vmov s5  }
0x108: {  	s21 =	simm.s32 $0x8430;
	v8 =	vand.u32 $0x7F, v4  }
0x109: {  	v5 =	vld [tilespmem:s21+$0xFFFFFFD0];
	v6 =	vadd.s32 v0, v8;
	_ =	sdelay $0x1  }
0x10a: {  	s24 =	simm.s32 $0x1  }
0x10b: {  	v4 =	vmov s24  }
0x10c: {  	s5 =	simm.s32 $0x8470;
	v4 =	vand.u32 $0x7F, v4  }
0x10d: {  	v7 =	vadd.s32 v0, v4;
	[tilespmem:v6+s18+$0x0] =	vst.idx.msk $0xffff, v5;
	v6 =	vld [tilespmem:s5+$0xFFFFFFD0]  }
0x10e: {  	v10 =	vadd.s32 v1, v8;
	v9 =	vld [tilespmem:s21+$0xFFFFFFE0]  }
0x10f: {  	s14 =	simm.s32 $0x2  }
0x110: {  	v5 =	vmov s14  }
0x111: {  	s14 =	simm.s32 $0x84B0;
	v5 =	vand.u32 $0x7F, v5  }
0x112: {  	[tilespmem:v7+s18+$0x0] =	vst.idx.msk $0xffff, v6;
	v6 =	vld [tilespmem:s14+$0xFFFFFFD0];
	v7 =	vadd.s32 v0, v5  }
0x113: {  	v11 =	vadd.s32 v1, v4;
	[tilespmem:v10+s18+$0x0] =	vst.idx.msk $0xffff, v9;
	v9 =	vld [tilespmem:s5+$0xFFFFFFE0]  }
0x114: {  	v14 =	vadd.s32 v2, v8;
	v12 =	vld [tilespmem:s21+$0xFFFFFFF0]  }
0x115: {  	s16 =	simm.s32 $0x3  }
0x116: {  	v13 =	vmov s16  }
0x117: {  	s24 =	simm.s32 $0x84F0;
	[tilespmem:v7+s18+$0x0] =	vst.idx.msk $0xffff, v6;
	v6 =	vand.u32 $0x7F, v13  }
0x118: {  	v10 =	vld [tilespmem:s24+$0xFFFFFFD0];
	[tilespmem:v11+s18+$0x0] =	vst.idx.msk $0xffff, v9;
	v13 =	vadd.s32 v0, v6  }
0x119: {  	v11 =	vld [tilespmem:s14+$0xFFFFFFE0];
	[tilespmem:v14+s18+$0x0] =	vst.idx.msk $0xffff, v12;
	v14 =	vadd.s32 v1, v5  }
0x11a: {  	v9 =	vld [tilespmem:s5+$0xFFFFFFF0];
	v12 =	vadd.s32 v2, v4  }
0x11b: {  	s20 =	sor.u32 $0x1, s19;
	s16 =	simm.s32 $0x4;
	v8 =	vadd.s32 v3, v8;
	v7 =	vld [tilespmem:s21+$0x0];
	s21 =	simm.s32 $0x84F0  }
.LBB2_9:
0x11c: {  	v15 =	vmov s16;
	p2 =	sne.s32 s16, $0x7F  }
.Ltmp4:
0x11d: {  	s24 =	sadd.s32 $0x40, s24;
	v15 =	vand.u32 $0x7F, v15;
	[tilespmem:v13+s18+$0x0] =	vst.idx.msk $0xffff, v10;
	(pc) =	sbr.rel @p2 .LBB2_9-.Ltmp4, $4  }
0x11e: {  	v10 =	vld [tilespmem:s24+$0xFFFFFFD0];
	v13 =	vadd.s32 v0, v15;
	[tilespmem:v14+s18+$0x0] =	vst.idx.msk $0xffff, v11  }
0x11f: {  	s16 =	sadd.s32 $0x1, s16;
	v14 =	vadd.s32 v1, v6;
	v11 =	vld [tilespmem:s21+$0xFFFFFFE0];
	[tilespmem:v12+s18+$0x0] =	vst.idx.msk $0xffff, v9  }
0x120: {  	v12 =	vadd.s32 v2, v5;
	v9 =	vld [tilespmem:s14+$0xFFFFFFF0];
	[tilespmem:v8+s18+$0x0] =	vst.idx.msk $0xffff, v7  }
0x121: {  	v8 =	vadd.s32 v3, v4;
	v4 =	vmovc v5;
	v5 =	vmov v6;
	v6 =	vmov v15;
	v7 =	vld [tilespmem:s5+$0x0];
	s5 =	smov.u32 s14;
	s14 =	smov.u32 s21;
	s21 =	smov.u32 s24  }
0x122: {  	_ =	sdelay $0x3  }
0x123: {  	[tilespmem:v13+s18+$0x0] =	vst.idx.msk $0xffff, v10  }
0x124: {  	v60 =	vadd.s32 v1, v6;
	v10 =	vld [tilespmem:s21+$0xFFFFFFE0];
	_ =	sdelay $0x3  }
0x125: {  	[tilespmem:v14+s18+$0x0] =	vst.idx.msk $0xffff, v11  }
0x126: {  	v61 =	vadd.s32 v2, v5;
	v11 =	vld [tilespmem:s14+$0xFFFFFFF0];
	[tilespmem:v60+s18+$0x0] =	vst.idx.msk $0xffff, v10  }
0x127: {  	v62 =	vadd.s32 v2, v6;
	v10 =	vld [tilespmem:s21+$0xFFFFFFF0];
	_ =	sdelay $0x2  }
0x128: {  	[tilespmem:v12+s18+$0x0] =	vst.idx.msk $0xffff, v9  }
0x129: {  	v4 =	vadd.s32 v3, v4;
	v9 =	vld [tilespmem:s5+$0x0];
	[tilespmem:v61+s18+$0x0] =	vst.idx.msk $0xffff, v11  }
0x12a: {  	v5 =	vadd.s32 v3, v5;
	v11 =	vld [tilespmem:s14+$0x0];
	[tilespmem:v62+s18+$0x0] =	vst.idx.msk $0xffff, v10  }
0x12b: {  	v63 =	vadd.s32 v3, v6;
	v10 =	vld [tilespmem:s21+$0x0]  }
0x12c: {  	s20 =	sadd.s32 s6, s20  }
0x12d: {  	[tilespmem:v8+s18+$0x0] =	vst.idx.msk $0xffff, v7;
	s5 =	sshll.u32 s20, $0x7;
	s21 =	sshll.u32 s20, $0xA  }
0x12e: {  	s5 =	sand.u32 $0x3E80, s5;
	[tilespmem:v4+s18+$0x0] =	vst.idx.msk $0xffff, v9;
	s14 =	sand.u32 $0xFFE0000, s21  }
0x12f: {  	[tilespmem:v5+s18+$0x0] =	vst.idx.msk $0xffff, v11;
	s5 =	sor.u32 s5, s14  }
0x130: {  	s14 =	sadd.s32 s2, s5;
	[tilespmem:v63+s18+$0x0] =	vst.idx.msk $0xffff, v10  }
0x131: {  	[hbm4b:s14+s3] =	stream.linear.scatter [tilespmem:s18], [sflag:$0x6], $0x80, $0x38;
	[tilespmem:$0x16C00] =	vst v63  }
0x132: {  	s24 =	simm.s32 $0x10688;
	s16 =	sadd.s32 $0x10, s14  }
0x133: {  	[hbm4b:s16+s3] =	stream.linear.scatter [tilespmem:s24], [sflag:$0x6], $0x80, $0x38;
	[tilespmem:$0x16C00] =	vst v63  }
0x134: {  	s21 =	sadd.s32 $0x20, s14;
	s24 =	simm.s32 $0x10710  }
0x135: {  	[hbm4b:s21+s3] =	stream.linear.scatter [tilespmem:s24], [sflag:$0x6], $0x80, $0x38;
	[tilespmem:$0x16C00] =	vst v63  }
0x136: {  	s21 =	sadd.s32 $0x30, s14;
	s24 =	simm.s32 $0x10798  }
0x137: {  	[hbm4b:s21+s3] =	stream.linear.scatter [tilespmem:s24], [sflag:$0x6], $0x80, $0x38;
	[tilespmem:$0x16C00] =	vst v63  }
0x138: {  	s21 =	sadd.s32 $0x40, s14;
	s24 =	simm.s32 $0x10820  }
0x139: {  	[hbm4b:s21+s3] =	stream.linear.scatter [tilespmem:s24], [sflag:$0x6], $0x80, $0x38;
	[tilespmem:$0x16C00] =	vst v63  }
0x13a: {  	s21 =	sadd.s32 $0x50, s14;
	s24 =	simm.s32 $0x108A8  }
0x13b: {  	[hbm4b:s21+s3] =	stream.linear.scatter [tilespmem:s24], [sflag:$0x6], $0x80, $0x38;
	[tilespmem:$0x16C00] =	vst v63  }
0x13c: {  	s20 =	sadd.s32 $0x60, s14;
	s21 =	simm.s32 $0x10930  }
0x13d: {  	[hbm4b:s20+s3] =	stream.linear.scatter [tilespmem:s21], [sflag:$0x6], $0x80, $0x38;
	[tilespmem:$0x16C00] =	vst v63  }
0x13e: {  	s14 =	sadd.s32 $0x70, s14;
	s24 =	simm.s32 $0x109B8  }
0x13f: {  	[hbm4b:s14+s3] =	stream.linear.scatter [tilespmem:s24], [sflag:$0x6], $0x80, $0x38;
	[tilespmem:$0x16C00] =	vst v63  }
0x140: {  	s20 =	simm.s32 $0x10A40;
	s14 =	sadd.s32 s5, s7  }
0x141: {  	[hbm4b:s14+s3] =	stream.linear.scatter [tilespmem:s20], [sflag:$0x6], $0x80, $0x38;
	[tilespmem:$0x16C00] =	vst v63  }
0x142: {  	s24 =	simm.s32 $0x10AC8;
	s21 =	sadd.s32 $0x10, s14  }
0x143: {  	[hbm4b:s21+s3] =	stream.linear.scatter [tilespmem:s24], [sflag:$0x6], $0x80, $0x38;
	[tilespmem:$0x16C00] =	vst v63  }
0x144: {  	s21 =	sadd.s32 $0x20, s14;
	s24 =	simm.s32 $0x10B50  }
0x145: {  	[hbm4b:s21+s3] =	stream.linear.scatter [tilespmem:s24], [sflag:$0x6], $0x80, $0x38;
	[tilespmem:$0x16C00] =	vst v63  }
0x146: {  	s21 =	sadd.s32 $0x30, s14;
	s24 =	simm.s32 $0x10BD8  }
0x147: {  	[hbm4b:s21+s3] =	stream.linear.scatter [tilespmem:s24], [sflag:$0x6], $0x80, $0x38;
	[tilespmem:$0x16C00] =	vst v63  }
0x148: {  	s21 =	sadd.s32 $0x40, s14;
	s24 =	simm.s32 $0x10C60  }
0x149: {  	[hbm4b:s21+s3] =	stream.linear.scatter [tilespmem:s24], [sflag:$0x6], $0x80, $0x38;
	[tilespmem:$0x16C00] =	vst v63  }
0x14a: {  	s21 =	sadd.s32 $0x50, s14;
	s24 =	simm.s32 $0x10CE8  }
0x14b: {  	[hbm4b:s21+s3] =	stream.linear.scatter [tilespmem:s24], [sflag:$0x6], $0x80, $0x38;
	[tilespmem:$0x16C00] =	vst v63  }
0x14c: {  	s20 =	sadd.s32 $0x60, s14;
	s21 =	simm.s32 $0x10D70  }
0x14d: {  	[hbm4b:s20+s3] =	stream.linear.scatter [tilespmem:s21], [sflag:$0x6], $0x80, $0x38;
	[tilespmem:$0x16C00] =	vst v63  }
0x14e: {  	s14 =	sadd.s32 $0x70, s14;
	s24 =	simm.s32 $0x10DF8  }
0x14f: {  	[hbm4b:s14+s3] =	stream.linear.scatter [tilespmem:s24], [sflag:$0x6], $0x80, $0x38;
	[tilespmem:$0x16C00] =	vst v63  }
0x150: {  	s20 =	simm.s32 $0x10E80;
	s14 =	sadd.s32 s5, s8  }
0x151: {  	[hbm4b:s14+s3] =	stream.linear.scatter [tilespmem:s20], [sflag:$0x6], $0x80, $0x38;
	[tilespmem:$0x16C00] =	vst v63  }
0x152: {  	s24 =	simm.s32 $0x10F08;
	s21 =	sadd.s32 $0x10, s14  }
0x153: {  	[hbm4b:s21+s3] =	stream.linear.scatter [tilespmem:s24], [sflag:$0x6], $0x80, $0x38;
	[tilespmem:$0x16C00] =	vst v63  }
0x154: {  	s21 =	sadd.s32 $0x20, s14;
	s24 =	simm.s32 $0x10F90  }
0x155: {  	[hbm4b:s21+s3] =	stream.linear.scatter [tilespmem:s24], [sflag:$0x6], $0x80, $0x38;
	[tilespmem:$0x16C00] =	vst v63  }
0x156: {  	s21 =	sadd.s32 $0x30, s14;
	s24 =	simm.s32 $0x11018  }
0x157: {  	[hbm4b:s21+s3] =	stream.linear.scatter [tilespmem:s24], [sflag:$0x6], $0x80, $0x38;
	[tilespmem:$0x16C00] =	vst v63  }
0x158: {  	s21 =	sadd.s32 $0x40, s14;
	s24 =	simm.s32 $0x110A0  }
0x159: {  	[hbm4b:s21+s3] =	stream.linear.scatter [tilespmem:s24], [sflag:$0x6], $0x80, $0x38;
	[tilespmem:$0x16C00] =	vst v63  }
0x15a: {  	s21 =	sadd.s32 $0x50, s14;
	s24 =	simm.s32 $0x11128  }
0x15b: {  	[hbm4b:s21+s3] =	stream.linear.scatter [tilespmem:s24], [sflag:$0x6], $0x80, $0x38;
	[tilespmem:$0x16C00] =	vst v63  }
0x15c: {  	s20 =	sadd.s32 $0x60, s14;
	s21 =	simm.s32 $0x111B0  }
0x15d: {  	[hbm4b:s20+s3] =	stream.linear.scatter [tilespmem:s21], [sflag:$0x6], $0x80, $0x38;
	[tilespmem:$0x16C00] =	vst v63  }
0x15e: {  	s14 =	sadd.s32 $0x70, s14;
	s24 =	simm.s32 $0x11238  }
0x15f: {  	[hbm4b:s14+s3] =	stream.linear.scatter [tilespmem:s24], [sflag:$0x6], $0x80, $0x38;
	[tilespmem:$0x16C00] =	vst v63  }
0x160: {  	s20 =	simm.s32 $0x112C0;
	s14 =	sadd.s32 s5, s9  }
0x161: {  	[hbm4b:s14+s3] =	stream.linear.scatter [tilespmem:s20], [sflag:$0x6], $0x80, $0x38;
	[tilespmem:$0x16C00] =	vst v63  }
0x162: {  	s24 =	simm.s32 $0x11348;
	s21 =	sadd.s32 $0x10, s14  }
0x163: {  	[hbm4b:s21+s3] =	stream.linear.scatter [tilespmem:s24], [sflag:$0x6], $0x80, $0x38;
	[tilespmem:$0x16C00] =	vst v63  }
0x164: {  	s21 =	sadd.s32 $0x20, s14;
	s24 =	simm.s32 $0x113D0  }
0x165: {  	[hbm4b:s21+s3] =	stream.linear.scatter [tilespmem:s24], [sflag:$0x6], $0x80, $0x38;
	[tilespmem:$0x16C00] =	vst v63  }
0x166: {  	s21 =	sadd.s32 $0x30, s14;
	s24 =	simm.s32 $0x11458  }
0x167: {  	[hbm4b:s21+s3] =	stream.linear.scatter [tilespmem:s24], [sflag:$0x6], $0x80, $0x38;
	[tilespmem:$0x16C00] =	vst v63  }
0x168: {  	s21 =	sadd.s32 $0x40, s14;
	s24 =	simm.s32 $0x114E0  }
0x169: {  	[hbm4b:s21+s3] =	stream.linear.scatter [tilespmem:s24], [sflag:$0x6], $0x80, $0x38;
	[tilespmem:$0x16C00] =	vst v63  }
0x16a: {  	s21 =	sadd.s32 $0x50, s14;
	s24 =	simm.s32 $0x11568  }
0x16b: {  	[hbm4b:s21+s3] =	stream.linear.scatter [tilespmem:s24], [sflag:$0x6], $0x80, $0x38;
	[tilespmem:$0x16C00] =	vst v63  }
0x16c: {  	s20 =	sadd.s32 $0x60, s14;
	s21 =	simm.s32 $0x115F0  }
0x16d: {  	[hbm4b:s20+s3] =	stream.linear.scatter [tilespmem:s21], [sflag:$0x6], $0x80, $0x38;
	[tilespmem:$0x16C00] =	vst v63  }
0x16e: {  	s14 =	sadd.s32 $0x70, s14;
	s24 =	simm.s32 $0x11678  }
0x16f: {  	[hbm4b:s14+s3] =	stream.linear.scatter [tilespmem:s24], [sflag:$0x6], $0x80, $0x38;
	[tilespmem:$0x16C00] =	vst v63  }
0x170: {  	s20 =	simm.s32 $0x11700;
	s14 =	sadd.s32 s5, s10  }
0x171: {  	[hbm4b:s14+s3] =	stream.linear.scatter [tilespmem:s20], [sflag:$0x6], $0x80, $0x38;
	[tilespmem:$0x16C00] =	vst v63  }
0x172: {  	s24 =	simm.s32 $0x11788;
	s21 =	sadd.s32 $0x10, s14  }
0x173: {  	[hbm4b:s21+s3] =	stream.linear.scatter [tilespmem:s24], [sflag:$0x6], $0x80, $0x38;
	[tilespmem:$0x16C00] =	vst v63  }
0x174: {  	s21 =	sadd.s32 $0x20, s14;
	s24 =	simm.s32 $0x11810  }
0x175: {  	[hbm4b:s21+s3] =	stream.linear.scatter [tilespmem:s24], [sflag:$0x6], $0x80, $0x38;
	[tilespmem:$0x16C00] =	vst v63  }
0x176: {  	s21 =	sadd.s32 $0x30, s14;
	s24 =	simm.s32 $0x11898  }
0x177: {  	[hbm4b:s21+s3] =	stream.linear.scatter [tilespmem:s24], [sflag:$0x6], $0x80, $0x38;
	[tilespmem:$0x16C00] =	vst v63  }
0x178: {  	s21 =	sadd.s32 $0x40, s14;
	s24 =	simm.s32 $0x11920  }
0x179: {  	[hbm4b:s21+s3] =	stream.linear.scatter [tilespmem:s24], [sflag:$0x6], $0x80, $0x38;
	[tilespmem:$0x16C00] =	vst v63  }
0x17a: {  	s21 =	sadd.s32 $0x50, s14;
	s24 =	simm.s32 $0x119A8  }
0x17b: {  	[hbm4b:s21+s3] =	stream.linear.scatter [tilespmem:s24], [sflag:$0x6], $0x80, $0x38;
	[tilespmem:$0x16C00] =	vst v63  }
0x17c: {  	s20 =	sadd.s32 $0x60, s14;
	s21 =	simm.s32 $0x11A30  }
0x17d: {  	[hbm4b:s20+s3] =	stream.linear.scatter [tilespmem:s21], [sflag:$0x6], $0x80, $0x38;
	[tilespmem:$0x16C00] =	vst v63  }
0x17e: {  	s14 =	sadd.s32 $0x70, s14;
	s24 =	simm.s32 $0x11AB8  }
0x17f: {  	[hbm4b:s14+s3] =	stream.linear.scatter [tilespmem:s24], [sflag:$0x6], $0x80, $0x38;
	[tilespmem:$0x16C00] =	vst v63  }
0x180: {  	s20 =	simm.s32 $0x11B40;
	s14 =	sadd.s32 s5, s11  }
0x181: {  	[hbm4b:s14+s3] =	stream.linear.scatter [tilespmem:s20], [sflag:$0x6], $0x80, $0x38;
	[tilespmem:$0x16C00] =	vst v63  }
0x182: {  	s24 =	simm.s32 $0x11BC8;
	s21 =	sadd.s32 $0x10, s14  }
0x183: {  	[hbm4b:s21+s3] =	stream.linear.scatter [tilespmem:s24], [sflag:$0x6], $0x80, $0x38;
	[tilespmem:$0x16C00] =	vst v63  }
0x184: {  	s21 =	sadd.s32 $0x20, s14;
	s24 =	simm.s32 $0x11C50  }
0x185: {  	[hbm4b:s21+s3] =	stream.linear.scatter [tilespmem:s24], [sflag:$0x6], $0x80, $0x38;
	[tilespmem:$0x16C00] =	vst v63  }
0x186: {  	s21 =	sadd.s32 $0x30, s14;
	s24 =	simm.s32 $0x11CD8  }
0x187: {  	[hbm4b:s21+s3] =	stream.linear.scatter [tilespmem:s24], [sflag:$0x6], $0x80, $0x38;
	[tilespmem:$0x16C00] =	vst v63  }
0x188: {  	s21 =	sadd.s32 $0x40, s14;
	s24 =	simm.s32 $0x11D60  }
0x189: {  	[hbm4b:s21+s3] =	stream.linear.scatter [tilespmem:s24], [sflag:$0x6], $0x80, $0x38;
	[tilespmem:$0x16C00] =	vst v63  }
0x18a: {  	s21 =	sadd.s32 $0x50, s14;
	s24 =	simm.s32 $0x11DE8  }
0x18b: {  	[hbm4b:s21+s3] =	stream.linear.scatter [tilespmem:s24], [sflag:$0x6], $0x80, $0x38;
	[tilespmem:$0x16C00] =	vst v63  }
0x18c: {  	s20 =	sadd.s32 $0x60, s14;
	s21 =	simm.s32 $0x11E70  }
0x18d: {  	[hbm4b:s20+s3] =	stream.linear.scatter [tilespmem:s21], [sflag:$0x6], $0x80, $0x38;
	[tilespmem:$0x16C00] =	vst v63  }
0x18e: {  	s14 =	sadd.s32 $0x70, s14;
	s24 =	simm.s32 $0x11EF8  }
0x18f: {  	[hbm4b:s14+s3] =	stream.linear.scatter [tilespmem:s24], [sflag:$0x6], $0x80, $0x38;
	[tilespmem:$0x16C00] =	vst v63  }
0x190: {  	s20 =	simm.s32 $0x11F80;
	s14 =	sadd.s32 s5, s12  }
0x191: {  	[hbm4b:s14+s3] =	stream.linear.scatter [tilespmem:s20], [sflag:$0x6], $0x80, $0x38;
	[tilespmem:$0x16C00] =	vst v63  }
0x192: {  	s24 =	simm.s32 $0x12008;
	s21 =	sadd.s32 $0x10, s14  }
0x193: {  	[hbm4b:s21+s3] =	stream.linear.scatter [tilespmem:s24], [sflag:$0x6], $0x80, $0x38;
	[tilespmem:$0x16C00] =	vst v63  }
0x194: {  	s21 =	sadd.s32 $0x20, s14;
	s24 =	simm.s32 $0x12090  }
0x195: {  	[hbm4b:s21+s3] =	stream.linear.scatter [tilespmem:s24], [sflag:$0x6], $0x80, $0x38;
	[tilespmem:$0x16C00] =	vst v63  }
0x196: {  	s21 =	sadd.s32 $0x30, s14;
	s24 =	simm.s32 $0x12118  }
0x197: {  	[hbm4b:s21+s3] =	stream.linear.scatter [tilespmem:s24], [sflag:$0x6], $0x80, $0x38;
	[tilespmem:$0x16C00] =	vst v63  }
0x198: {  	s21 =	sadd.s32 $0x40, s14;
	s24 =	simm.s32 $0x121A0  }
0x199: {  	[hbm4b:s21+s3] =	stream.linear.scatter [tilespmem:s24], [sflag:$0x6], $0x80, $0x38;
	[tilespmem:$0x16C00] =	vst v63  }
0x19a: {  	s21 =	sadd.s32 $0x50, s14;
	s24 =	simm.s32 $0x12228  }
0x19b: {  	[hbm4b:s21+s3] =	stream.linear.scatter [tilespmem:s24], [sflag:$0x6], $0x80, $0x38;
	[tilespmem:$0x16C00] =	vst v63  }
0x19c: {  	s20 =	sadd.s32 $0x60, s14;
	s21 =	simm.s32 $0x122B0  }
0x19d: {  	[hbm4b:s20+s3] =	stream.linear.scatter [tilespmem:s21], [sflag:$0x6], $0x80, $0x38;
	[tilespmem:$0x16C00] =	vst v63  }
0x19e: {  	s14 =	sadd.s32 $0x70, s14;
	s24 =	simm.s32 $0x12338  }
0x19f: {  	[hbm4b:s14+s3] =	stream.linear.scatter [tilespmem:s24], [sflag:$0x6], $0x80, $0x38;
	[tilespmem:$0x16C00] =	vst v63  }
0x1a0: {  	s5 =	sadd.s32 s5, s13;
	s20 =	simm.s32 $0x123C0  }
0x1a1: {  	[hbm4b:s5+s3] =	stream.linear.scatter [tilespmem:s20], [sflag:$0x6], $0x80, $0x38;
	[tilespmem:$0x16C00] =	vst v63  }
0x1a2: {  	s21 =	sadd.s32 $0x10, s5;
	s24 =	simm.s32 $0x12448  }
0x1a3: {  	[hbm4b:s21+s3] =	stream.linear.scatter [tilespmem:s24], [sflag:$0x6], $0x80, $0x38;
	[tilespmem:$0x16C00] =	vst v63  }
0x1a4: {  	s16 =	sadd.s32 $0x20, s5;
	s20 =	simm.s32 $0x124D0  }
0x1a5: {  	[hbm4b:s16+s3] =	stream.linear.scatter [tilespmem:s20], [sflag:$0x6], $0x80, $0x38;
	[tilespmem:$0x16C00] =	vst v63  }
0x1a6: {  	s21 =	sadd.s32 $0x30, s5;
	s24 =	simm.s32 $0x12558  }
0x1a7: {  	[hbm4b:s21+s3] =	stream.linear.scatter [tilespmem:s24], [sflag:$0x6], $0x80, $0x38;
	[tilespmem:$0x16C00] =	vst v63  }
0x1a8: {  	s16 =	sadd.s32 $0x40, s5;
	s20 =	simm.s32 $0x125E0  }
0x1a9: {  	[hbm4b:s16+s3] =	stream.linear.scatter [tilespmem:s20], [sflag:$0x6], $0x80, $0x38;
	[tilespmem:$0x16C00] =	vst v63  }
0x1aa: {  	s21 =	sadd.s32 $0x50, s5;
	s24 =	simm.s32 $0x12668  }
0x1ab: {  	[hbm4b:s21+s3] =	stream.linear.scatter [tilespmem:s24], [sflag:$0x6], $0x80, $0x38;
	[tilespmem:$0x16C00] =	vst v63  }
.Ltmp5:
0x1ac: {  	_ = 	snop;
	(pc) =	sbr.rel @p1 .LBB2_12-.Ltmp5, $4  }
0x1ad: {  	s20 =	sadd.s32 $0x60, s5;
	s21 =	simm.s32 $0x126F0  }
0x1ae: {  	[hbm4b:s20+s3] =	stream.linear.scatter [tilespmem:s21], [sflag:$0x6], $0x80, $0x38;
	[tilespmem:$0x16C00] =	vst v63  }
0x1af: {  	s5 =	sadd.s32 $0x70, s5;
	s24 =	simm.s32 $0x12778  }
0x1b0: {  	[hbm4b:s5+s3] =	stream.linear.scatter [tilespmem:s24], [sflag:$0x6], $0x80, $0x38;
	[tilespmem:$0x16C00] =	vst v63  }
.Ltmp6:
0x1b1: {  	(pc) =	sbr.rel .LBB2_13-.Ltmp6, $4  }
0x1b2: {  	_ = 	snop  }
0x1b3: {  	_ =	swait.ge [sflag:s30], $0x2000  }
0x1b4: {  	[sflag:s30] =	ssyncset.done $0x0  }
0x1b5: {  	[sflag:s30] =	ssyncadd.s32 $0xFFFFE000  }
.LBB2_12:
0x1b6: {  	s5 =	sshll.u32 s25, $0x9  }
0x1b7: {  	s5 =	sand.u32 $0x3FFFFE00, s5  }
.Ltmp7:
0x1b8: {  	s14 =	simm.s32 $0x8400;
	s5 =	sadd.s32 $0x280, s5;
	(pc) =	sbr.rel @p0 .LBB2_14-.Ltmp7, $4  }
0x1b9: {  	[tilespmem:s14], [sflag:$0x2] =	stream.indirect.gather [hbm4b:s4+s22], $0x40, s5, s22, $0xb8;
	[tilespmem:$0x16C00] =	vst v63  }
0x1ba: {  	_ =	swait.ge [sflag:s30], $0x2000  }
0x1bb: {  	[sflag:s30] =	ssyncset.done $0x0  }
0x1bc: {  	[sflag:s30] =	ssyncadd.s32 $0xFFFFE000  }
.LBB2_13:
0x1bd: {  	_ =	swait.ge [sflag:s31], $0x400  }
0x1be: {  	[sflag:s31] =	ssyncset.done $0x0  }
0x1bf: {  	[sflag:s31] =	ssyncadd.s32 $0xFFFFFC00  }
0x1c0: {  	_ =	swait.ge [sflag:s31], $0x400  }
0x1c1: {  	[sflag:s31] =	ssyncset.done $0x0  }
0x1c2: {  	[sflag:s31] =	ssyncadd.s32 $0xFFFFFC00  }
0x1c3: {  	_ =	swait.ge [sflag:s31], $0x400  }
0x1c4: {  	[sflag:s31] =	ssyncset.done $0x0  }
0x1c5: {  	[sflag:s31] =	ssyncadd.s32 $0xFFFFFC00  }
0x1c6: {  	_ =	swait.ge [sflag:s31], $0x400  }
0x1c7: {  	[sflag:s31] =	ssyncset.done $0x0  }
0x1c8: {  	[sflag:s31] =	ssyncadd.s32 $0xFFFFFC00  }
0x1c9: {  	_ =	swait.ge [sflag:s31], $0x400  }
0x1ca: {  	[sflag:s31] =	ssyncset.done $0x0  }
0x1cb: {  	[sflag:s31] =	ssyncadd.s32 $0xFFFFFC00  }
0x1cc: {  	_ =	swait.ge [sflag:s31], $0x400  }
0x1cd: {  	[sflag:s31] =	ssyncset.done $0x0  }
0x1ce: {  	[sflag:s31] =	ssyncadd.s32 $0xFFFFFC00  }
0x1cf: {  	_ =	swait.ge [sflag:s31], $0x400  }
0x1d0: {  	[sflag:s31] =	ssyncset.done $0x0  }
0x1d1: {  	[sflag:s31] =	ssyncadd.s32 $0xFFFFFC00  }
0x1d2: {  	_ =	swait.ge [sflag:s31], $0x400  }
0x1d3: {  	[sflag:s31] =	ssyncset.done $0x0  }
0x1d4: {  	[sflag:s31] =	ssyncadd.s32 $0xFFFFFC00  }
.LBB2_14:
0x1d5: {  	s5 =	simm.s32 $0x0  }
0x1d6: {  	v4 =	vmov s5  }
0x1d7: {  	s20 =	simm.s32 $0xA400;
	v8 =	vand.u32 $0x7F, v4  }
0x1d8: {  	v5 =	vld [tilespmem:s20+$0x0];
	v6 =	vadd.s32 v0, v8;
	_ =	sdelay $0x1  }
0x1d9: {  	s24 =	simm.s32 $0x1  }
0x1da: {  	v4 =	vmov s24  }
0x1db: {  	s5 =	simm.s32 $0xA440;
	v4 =	vand.u32 $0x7F, v4  }
0x1dc: {  	v7 =	vadd.s32 v0, v4;
	[tilespmem:v6+s1+$0x0] =	vst.idx.msk $0xffff, v5;
	v6 =	vld [tilespmem:s5+$0x0]  }
0x1dd: {  	v10 =	vadd.s32 v1, v8;
	v9 =	vld [tilespmem:s20+$0x10]  }
0x1de: {  	s14 =	simm.s32 $0x2  }
0x1df: {  	v5 =	vmov s14  }
0x1e0: {  	s14 =	simm.s32 $0xA480;
	v5 =	vand.u32 $0x7F, v5  }
0x1e1: {  	[tilespmem:v7+s1+$0x0] =	vst.idx.msk $0xffff, v6;
	v6 =	vld [tilespmem:s14+$0x0];
	v7 =	vadd.s32 v0, v5  }
0x1e2: {  	v11 =	vadd.s32 v1, v4;
	[tilespmem:v10+s1+$0x0] =	vst.idx.msk $0xffff, v9;
	v9 =	vld [tilespmem:s5+$0x10]  }
0x1e3: {  	v14 =	vadd.s32 v2, v8;
	v12 =	vld [tilespmem:s20+$0x20]  }
0x1e4: {  	s16 =	simm.s32 $0x3  }
0x1e5: {  	v13 =	vmov s16  }
0x1e6: {  	s21 =	simm.s32 $0xA4C0;
	[tilespmem:v7+s1+$0x0] =	vst.idx.msk $0xffff, v6;
	v6 =	vand.u32 $0x7F, v13  }
0x1e7: {  	v10 =	vld [tilespmem:s21+$0x0];
	[tilespmem:v11+s1+$0x0] =	vst.idx.msk $0xffff, v9;
	v13 =	vadd.s32 v0, v6  }
0x1e8: {  	v11 =	vld [tilespmem:s14+$0x10];
	[tilespmem:v14+s1+$0x0] =	vst.idx.msk $0xffff, v12;
	v14 =	vadd.s32 v1, v5  }
0x1e9: {  	v9 =	vld [tilespmem:s5+$0x20];
	v12 =	vadd.s32 v2, v4  }
0x1ea: {  	s19 =	sor.u32 $0x2, s19;
	s16 =	simm.s32 $0x4;
	v8 =	vadd.s32 v3, v8;
	v7 =	vld [tilespmem:s20+$0x30];
	s20 =	simm.s32 $0xA4C0  }
.LBB2_15:
0x1eb: {  	v15 =	vmov s16;
	p2 =	sne.s32 s16, $0x7F  }
.Ltmp8:
0x1ec: {  	s21 =	sadd.s32 $0x40, s21;
	v15 =	vand.u32 $0x7F, v15;
	[tilespmem:v13+s1+$0x0] =	vst.idx.msk $0xffff, v10;
	(pc) =	sbr.rel @p2 .LBB2_15-.Ltmp8, $4  }
0x1ed: {  	v10 =	vld [tilespmem:s21+$0x0];
	v13 =	vadd.s32 v0, v15;
	[tilespmem:v14+s1+$0x0] =	vst.idx.msk $0xffff, v11  }
0x1ee: {  	s16 =	sadd.s32 $0x1, s16;
	v14 =	vadd.s32 v1, v6;
	v11 =	vld [tilespmem:s20+$0x10];
	[tilespmem:v12+s1+$0x0] =	vst.idx.msk $0xffff, v9  }
0x1ef: {  	v12 =	vadd.s32 v2, v5;
	v9 =	vld [tilespmem:s14+$0x20];
	[tilespmem:v8+s1+$0x0] =	vst.idx.msk $0xffff, v7  }
0x1f0: {  	v8 =	vadd.s32 v3, v4;
	v4 =	vmovc v5;
	v5 =	vmov v6;
	v6 =	vmov v15;
	v7 =	vld [tilespmem:s5+$0x30];
	s5 =	smov.u32 s14;
	s14 =	smov.u32 s20;
	s20 =	smov.u32 s21  }
0x1f1: {  	_ =	sdelay $0x3  }
0x1f2: {  	[tilespmem:v13+s1+$0x0] =	vst.idx.msk $0xffff, v10  }
0x1f3: {  	v60 =	vadd.s32 v1, v6;
	v10 =	vld [tilespmem:s20+$0x10];
	_ =	sdelay $0x3  }
0x1f4: {  	[tilespmem:v14+s1+$0x0] =	vst.idx.msk $0xffff, v11  }
0x1f5: {  	v61 =	vadd.s32 v2, v5;
	v11 =	vld [tilespmem:s14+$0x20];
	[tilespmem:v60+s1+$0x0] =	vst.idx.msk $0xffff, v10  }
0x1f6: {  	v62 =	vadd.s32 v2, v6;
	v10 =	vld [tilespmem:s20+$0x20];
	_ =	sdelay $0x2  }
0x1f7: {  	[tilespmem:v12+s1+$0x0] =	vst.idx.msk $0xffff, v9  }
0x1f8: {  	v4 =	vadd.s32 v3, v4;
	v9 =	vld [tilespmem:s5+$0x30];
	[tilespmem:v61+s1+$0x0] =	vst.idx.msk $0xffff, v11  }
0x1f9: {  	v5 =	vadd.s32 v3, v5;
	v11 =	vld [tilespmem:s14+$0x30];
	[tilespmem:v62+s1+$0x0] =	vst.idx.msk $0xffff, v10  }
0x1fa: {  	v63 =	vadd.s32 v3, v6;
	v10 =	vld [tilespmem:s20+$0x30]  }
0x1fb: {  	s20 =	sadd.s32 s6, s19  }
0x1fc: {  	[tilespmem:v8+s1+$0x0] =	vst.idx.msk $0xffff, v7;
	s21 =	sshll.u32 s20, $0xA;
	s5 =	sshll.u32 s20, $0x7  }
0x1fd: {  	[tilespmem:v4+s1+$0x0] =	vst.idx.msk $0xffff, v9;
	s14 =	sand.u32 $0xFFE0000, s21;
	s5 =	sand.u32 $0x3F00, s5  }
0x1fe: {  	[tilespmem:v5+s1+$0x0] =	vst.idx.msk $0xffff, v11;
	s5 =	sor.u32 s5, s14  }
0x1ff: {  	s14 =	sadd.s32 s2, s5;
	[tilespmem:v63+s1+$0x0] =	vst.idx.msk $0xffff, v10  }
0x200: {  	[hbm4b:s14+s3] =	stream.linear.scatter [tilespmem:s1], [sflag:$0x7], $0x80, $0x38;
	[tilespmem:$0x16C00] =	vst v63  }
0x201: {  	s24 =	simm.s32 $0x12888;
	s16 =	sadd.s32 $0x10, s14  }
0x202: {  	[hbm4b:s16+s3] =	stream.linear.scatter [tilespmem:s24], [sflag:$0x7], $0x80, $0x38;
	[tilespmem:$0x16C00] =	vst v63  }
0x203: {  	s20 =	simm.s32 $0x12910;
	s19 =	sadd.s32 $0x20, s14  }
0x204: {  	[hbm4b:s19+s3] =	stream.linear.scatter [tilespmem:s20], [sflag:$0x7], $0x80, $0x38;
	[tilespmem:$0x16C00] =	vst v63  }
0x205: {  	s21 =	sadd.s32 $0x30, s14;
	s24 =	simm.s32 $0x12998  }
0x206: {  	[hbm4b:s21+s3] =	stream.linear.scatter [tilespmem:s24], [sflag:$0x7], $0x80, $0x38;
	[tilespmem:$0x16C00] =	vst v63  }
0x207: {  	s19 =	sadd.s32 $0x40, s14;
	s20 =	simm.s32 $0x12A20  }
0x208: {  	[hbm4b:s19+s3] =	stream.linear.scatter [tilespmem:s20], [sflag:$0x7], $0x80, $0x38;
	[tilespmem:$0x16C00] =	vst v63  }
0x209: {  	s21 =	sadd.s32 $0x50, s14;
	s24 =	simm.s32 $0x12AA8  }
0x20a: {  	[hbm4b:s21+s3] =	stream.linear.scatter [tilespmem:s24], [sflag:$0x7], $0x80, $0x38;
	[tilespmem:$0x16C00] =	vst v63  }
0x20b: {  	s19 =	sadd.s32 $0x60, s14;
	s20 =	simm.s32 $0x12B30  }
0x20c: {  	[hbm4b:s19+s3] =	stream.linear.scatter [tilespmem:s20], [sflag:$0x7], $0x80, $0x38;
	[tilespmem:$0x16C00] =	vst v63  }
0x20d: {  	s14 =	sadd.s32 $0x70, s14;
	s21 =	simm.s32 $0x12BB8  }
0x20e: {  	[hbm4b:s14+s3] =	stream.linear.scatter [tilespmem:s21], [sflag:$0x7], $0x80, $0x38;
	[tilespmem:$0x16C00] =	vst v63  }
0x20f: {  	s24 =	simm.s32 $0x12C40;
	s14 =	sadd.s32 s5, s7  }
0x210: {  	[hbm4b:s14+s3] =	stream.linear.scatter [tilespmem:s24], [sflag:$0x7], $0x80, $0x38;
	[tilespmem:$0x16C00] =	vst v63  }
0x211: {  	s20 =	simm.s32 $0x12CC8;
	s19 =	sadd.s32 $0x10, s14  }
0x212: {  	[hbm4b:s19+s3] =	stream.linear.scatter [tilespmem:s20], [sflag:$0x7], $0x80, $0x38;
	[tilespmem:$0x16C00] =	vst v63  }
0x213: {  	s21 =	sadd.s32 $0x20, s14;
	s24 =	simm.s32 $0x12D50  }
0x214: {  	[hbm4b:s21+s3] =	stream.linear.scatter [tilespmem:s24], [sflag:$0x7], $0x80, $0x38;
	[tilespmem:$0x16C00] =	vst v63  }
0x215: {  	s19 =	sadd.s32 $0x30, s14;
	s20 =	simm.s32 $0x12DD8  }
0x216: {  	[hbm4b:s19+s3] =	stream.linear.scatter [tilespmem:s20], [sflag:$0x7], $0x80, $0x38;
	[tilespmem:$0x16C00] =	vst v63  }
0x217: {  	s21 =	sadd.s32 $0x40, s14;
	s24 =	simm.s32 $0x12E60  }
0x218: {  	[hbm4b:s21+s3] =	stream.linear.scatter [tilespmem:s24], [sflag:$0x7], $0x80, $0x38;
	[tilespmem:$0x16C00] =	vst v63  }
0x219: {  	s19 =	sadd.s32 $0x50, s14;
	s20 =	simm.s32 $0x12EE8  }
0x21a: {  	[hbm4b:s19+s3] =	stream.linear.scatter [tilespmem:s20], [sflag:$0x7], $0x80, $0x38;
	[tilespmem:$0x16C00] =	vst v63  }
0x21b: {  	s21 =	sadd.s32 $0x60, s14;
	s24 =	simm.s32 $0x12F70  }
0x21c: {  	[hbm4b:s21+s3] =	stream.linear.scatter [tilespmem:s24], [sflag:$0x7], $0x80, $0x38;
	[tilespmem:$0x16C00] =	vst v63  }
0x21d: {  	s14 =	sadd.s32 $0x70, s14;
	s19 =	simm.s32 $0x12FF8  }
0x21e: {  	[hbm4b:s14+s3] =	stream.linear.scatter [tilespmem:s19], [sflag:$0x7], $0x80, $0x38;
	[tilespmem:$0x16C00] =	vst v63  }
0x21f: {  	s20 =	simm.s32 $0x13080;
	s14 =	sadd.s32 s5, s8  }
0x220: {  	[hbm4b:s14+s3] =	stream.linear.scatter [tilespmem:s20], [sflag:$0x7], $0x80, $0x38;
	[tilespmem:$0x16C00] =	vst v63  }
0x221: {  	s24 =	simm.s32 $0x13108;
	s21 =	sadd.s32 $0x10, s14  }
0x222: {  	[hbm4b:s21+s3] =	stream.linear.scatter [tilespmem:s24], [sflag:$0x7], $0x80, $0x38;
	[tilespmem:$0x16C00] =	vst v63  }
0x223: {  	s19 =	sadd.s32 $0x20, s14;
	s20 =	simm.s32 $0x13190  }
0x224: {  	[hbm4b:s19+s3] =	stream.linear.scatter [tilespmem:s20], [sflag:$0x7], $0x80, $0x38;
	[tilespmem:$0x16C00] =	vst v63  }
0x225: {  	s21 =	sadd.s32 $0x30, s14;
	s24 =	simm.s32 $0x13218  }
0x226: {  	[hbm4b:s21+s3] =	stream.linear.scatter [tilespmem:s24], [sflag:$0x7], $0x80, $0x38;
	[tilespmem:$0x16C00] =	vst v63  }
0x227: {  	s19 =	sadd.s32 $0x40, s14;
	s20 =	simm.s32 $0x132A0  }
0x228: {  	[hbm4b:s19+s3] =	stream.linear.scatter [tilespmem:s20], [sflag:$0x7], $0x80, $0x38;
	[tilespmem:$0x16C00] =	vst v63  }
0x229: {  	s21 =	sadd.s32 $0x50, s14;
	s24 =	simm.s32 $0x13328  }
0x22a: {  	[hbm4b:s21+s3] =	stream.linear.scatter [tilespmem:s24], [sflag:$0x7], $0x80, $0x38;
	[tilespmem:$0x16C00] =	vst v63  }
0x22b: {  	s19 =	sadd.s32 $0x60, s14;
	s20 =	simm.s32 $0x133B0  }
0x22c: {  	[hbm4b:s19+s3] =	stream.linear.scatter [tilespmem:s20], [sflag:$0x7], $0x80, $0x38;
	[tilespmem:$0x16C00] =	vst v63  }
0x22d: {  	s14 =	sadd.s32 $0x70, s14;
	s21 =	simm.s32 $0x13438  }
0x22e: {  	[hbm4b:s14+s3] =	stream.linear.scatter [tilespmem:s21], [sflag:$0x7], $0x80, $0x38;
	[tilespmem:$0x16C00] =	vst v63  }
0x22f: {  	s24 =	simm.s32 $0x134C0;
	s14 =	sadd.s32 s5, s9  }
0x230: {  	[hbm4b:s14+s3] =	stream.linear.scatter [tilespmem:s24], [sflag:$0x7], $0x80, $0x38;
	[tilespmem:$0x16C00] =	vst v63  }
0x231: {  	s20 =	simm.s32 $0x13548;
	s19 =	sadd.s32 $0x10, s14  }
0x232: {  	[hbm4b:s19+s3] =	stream.linear.scatter [tilespmem:s20], [sflag:$0x7], $0x80, $0x38;
	[tilespmem:$0x16C00] =	vst v63  }
0x233: {  	s21 =	sadd.s32 $0x20, s14;
	s24 =	simm.s32 $0x135D0  }
0x234: {  	[hbm4b:s21+s3] =	stream.linear.scatter [tilespmem:s24], [sflag:$0x7], $0x80, $0x38;
	[tilespmem:$0x16C00] =	vst v63  }
0x235: {  	s19 =	sadd.s32 $0x30, s14;
	s20 =	simm.s32 $0x13658  }
0x236: {  	[hbm4b:s19+s3] =	stream.linear.scatter [tilespmem:s20], [sflag:$0x7], $0x80, $0x38;
	[tilespmem:$0x16C00] =	vst v63  }
0x237: {  	s21 =	sadd.s32 $0x40, s14;
	s24 =	simm.s32 $0x136E0  }
0x238: {  	[hbm4b:s21+s3] =	stream.linear.scatter [tilespmem:s24], [sflag:$0x7], $0x80, $0x38;
	[tilespmem:$0x16C00] =	vst v63  }
0x239: {  	s19 =	sadd.s32 $0x50, s14;
	s20 =	simm.s32 $0x13768  }
0x23a: {  	[hbm4b:s19+s3] =	stream.linear.scatter [tilespmem:s20], [sflag:$0x7], $0x80, $0x38;
	[tilespmem:$0x16C00] =	vst v63  }
0x23b: {  	s21 =	sadd.s32 $0x60, s14;
	s24 =	simm.s32 $0x137F0  }
0x23c: {  	[hbm4b:s21+s3] =	stream.linear.scatter [tilespmem:s24], [sflag:$0x7], $0x80, $0x38;
	[tilespmem:$0x16C00] =	vst v63  }
0x23d: {  	s14 =	sadd.s32 $0x70, s14;
	s19 =	simm.s32 $0x13878  }
0x23e: {  	[hbm4b:s14+s3] =	stream.linear.scatter [tilespmem:s19], [sflag:$0x7], $0x80, $0x38;
	[tilespmem:$0x16C00] =	vst v63  }
0x23f: {  	s20 =	simm.s32 $0x13900;
	s14 =	sadd.s32 s5, s10  }
0x240: {  	[hbm4b:s14+s3] =	stream.linear.scatter [tilespmem:s20], [sflag:$0x7], $0x80, $0x38;
	[tilespmem:$0x16C00] =	vst v63  }
0x241: {  	s24 =	simm.s32 $0x13988;
	s21 =	sadd.s32 $0x10, s14  }
0x242: {  	[hbm4b:s21+s3] =	stream.linear.scatter [tilespmem:s24], [sflag:$0x7], $0x80, $0x38;
	[tilespmem:$0x16C00] =	vst v63  }
0x243: {  	s19 =	sadd.s32 $0x20, s14;
	s20 =	simm.s32 $0x13A10  }
0x244: {  	[hbm4b:s19+s3] =	stream.linear.scatter [tilespmem:s20], [sflag:$0x7], $0x80, $0x38;
	[tilespmem:$0x16C00] =	vst v63  }
0x245: {  	s21 =	sadd.s32 $0x30, s14;
	s24 =	simm.s32 $0x13A98  }
0x246: {  	[hbm4b:s21+s3] =	stream.linear.scatter [tilespmem:s24], [sflag:$0x7], $0x80, $0x38;
	[tilespmem:$0x16C00] =	vst v63  }
0x247: {  	s19 =	sadd.s32 $0x40, s14;
	s20 =	simm.s32 $0x13B20  }
0x248: {  	[hbm4b:s19+s3] =	stream.linear.scatter [tilespmem:s20], [sflag:$0x7], $0x80, $0x38;
	[tilespmem:$0x16C00] =	vst v63  }
0x249: {  	s21 =	sadd.s32 $0x50, s14;
	s24 =	simm.s32 $0x13BA8  }
0x24a: {  	[hbm4b:s21+s3] =	stream.linear.scatter [tilespmem:s24], [sflag:$0x7], $0x80, $0x38;
	[tilespmem:$0x16C00] =	vst v63  }
0x24b: {  	s19 =	sadd.s32 $0x60, s14;
	s20 =	simm.s32 $0x13C30  }
0x24c: {  	[hbm4b:s19+s3] =	stream.linear.scatter [tilespmem:s20], [sflag:$0x7], $0x80, $0x38;
	[tilespmem:$0x16C00] =	vst v63  }
0x24d: {  	s14 =	sadd.s32 $0x70, s14;
	s21 =	simm.s32 $0x13CB8  }
0x24e: {  	[hbm4b:s14+s3] =	stream.linear.scatter [tilespmem:s21], [sflag:$0x7], $0x80, $0x38;
	[tilespmem:$0x16C00] =	vst v63  }
0x24f: {  	s24 =	simm.s32 $0x13D40;
	s14 =	sadd.s32 s5, s11  }
0x250: {  	[hbm4b:s14+s3] =	stream.linear.scatter [tilespmem:s24], [sflag:$0x7], $0x80, $0x38;
	[tilespmem:$0x16C00] =	vst v63  }
0x251: {  	s20 =	simm.s32 $0x13DC8;
	s19 =	sadd.s32 $0x10, s14  }
0x252: {  	[hbm4b:s19+s3] =	stream.linear.scatter [tilespmem:s20], [sflag:$0x7], $0x80, $0x38;
	[tilespmem:$0x16C00] =	vst v63  }
0x253: {  	s21 =	sadd.s32 $0x20, s14;
	s24 =	simm.s32 $0x13E50  }
0x254: {  	[hbm4b:s21+s3] =	stream.linear.scatter [tilespmem:s24], [sflag:$0x7], $0x80, $0x38;
	[tilespmem:$0x16C00] =	vst v63  }
0x255: {  	s19 =	sadd.s32 $0x30, s14;
	s20 =	simm.s32 $0x13ED8  }
0x256: {  	[hbm4b:s19+s3] =	stream.linear.scatter [tilespmem:s20], [sflag:$0x7], $0x80, $0x38;
	[tilespmem:$0x16C00] =	vst v63  }
0x257: {  	s21 =	sadd.s32 $0x40, s14;
	s24 =	simm.s32 $0x13F60  }
0x258: {  	[hbm4b:s21+s3] =	stream.linear.scatter [tilespmem:s24], [sflag:$0x7], $0x80, $0x38;
	[tilespmem:$0x16C00] =	vst v63  }
0x259: {  	s19 =	sadd.s32 $0x50, s14;
	s20 =	simm.s32 $0x13FE8  }
0x25a: {  	[hbm4b:s19+s3] =	stream.linear.scatter [tilespmem:s20], [sflag:$0x7], $0x80, $0x38;
	[tilespmem:$0x16C00] =	vst v63  }
0x25b: {  	s21 =	sadd.s32 $0x60, s14;
	s24 =	simm.s32 $0x14070  }
0x25c: {  	[hbm4b:s21+s3] =	stream.linear.scatter [tilespmem:s24], [sflag:$0x7], $0x80, $0x38;
	[tilespmem:$0x16C00] =	vst v63  }
0x25d: {  	s14 =	sadd.s32 $0x70, s14;
	s19 =	simm.s32 $0x140F8  }
0x25e: {  	[hbm4b:s14+s3] =	stream.linear.scatter [tilespmem:s19], [sflag:$0x7], $0x80, $0x38;
	[tilespmem:$0x16C00] =	vst v63  }
0x25f: {  	s20 =	simm.s32 $0x14180;
	s14 =	sadd.s32 s5, s12  }
0x260: {  	[hbm4b:s14+s3] =	stream.linear.scatter [tilespmem:s20], [sflag:$0x7], $0x80, $0x38;
	[tilespmem:$0x16C00] =	vst v63  }
0x261: {  	s24 =	simm.s32 $0x14208;
	s21 =	sadd.s32 $0x10, s14  }
0x262: {  	[hbm4b:s21+s3] =	stream.linear.scatter [tilespmem:s24], [sflag:$0x7], $0x80, $0x38;
	[tilespmem:$0x16C00] =	vst v63  }
0x263: {  	s19 =	sadd.s32 $0x20, s14;
	s20 =	simm.s32 $0x14290  }
0x264: {  	[hbm4b:s19+s3] =	stream.linear.scatter [tilespmem:s20], [sflag:$0x7], $0x80, $0x38;
	[tilespmem:$0x16C00] =	vst v63  }
0x265: {  	s21 =	sadd.s32 $0x30, s14;
	s24 =	simm.s32 $0x14318  }
0x266: {  	[hbm4b:s21+s3] =	stream.linear.scatter [tilespmem:s24], [sflag:$0x7], $0x80, $0x38;
	[tilespmem:$0x16C00] =	vst v63  }
0x267: {  	s19 =	sadd.s32 $0x40, s14;
	s20 =	simm.s32 $0x143A0  }
0x268: {  	[hbm4b:s19+s3] =	stream.linear.scatter [tilespmem:s20], [sflag:$0x7], $0x80, $0x38;
	[tilespmem:$0x16C00] =	vst v63  }
0x269: {  	s21 =	sadd.s32 $0x50, s14;
	s24 =	simm.s32 $0x14428  }
0x26a: {  	[hbm4b:s21+s3] =	stream.linear.scatter [tilespmem:s24], [sflag:$0x7], $0x80, $0x38;
	[tilespmem:$0x16C00] =	vst v63  }
0x26b: {  	s20 =	sadd.s32 $0x60, s14;
	s21 =	simm.s32 $0x144B0  }
0x26c: {  	[hbm4b:s20+s3] =	stream.linear.scatter [tilespmem:s21], [sflag:$0x7], $0x80, $0x38;
	[tilespmem:$0x16C00] =	vst v63  }
0x26d: {  	s14 =	sadd.s32 $0x70, s14;
	s24 =	simm.s32 $0x14538  }
0x26e: {  	[hbm4b:s14+s3] =	stream.linear.scatter [tilespmem:s24], [sflag:$0x7], $0x80, $0x38;
	[tilespmem:$0x16C00] =	vst v63  }
0x26f: {  	s16 =	simm.s32 $0x145C0;
	s5 =	sadd.s32 s5, s13  }
0x270: {  	[hbm4b:s5+s3] =	stream.linear.scatter [tilespmem:s16], [sflag:$0x7], $0x80, $0x38;
	[tilespmem:$0x16C00] =	vst v63  }
0x271: {  	s19 =	sadd.s32 $0x10, s5;
	s20 =	simm.s32 $0x14648  }
0x272: {  	[hbm4b:s19+s3] =	stream.linear.scatter [tilespmem:s20], [sflag:$0x7], $0x80, $0x38;
	[tilespmem:$0x16C00] =	vst v63  }
0x273: {  	s21 =	sadd.s32 $0x20, s5;
	s24 =	simm.s32 $0x146D0  }
0x274: {  	[hbm4b:s21+s3] =	stream.linear.scatter [tilespmem:s24], [sflag:$0x7], $0x80, $0x38;
	[tilespmem:$0x16C00] =	vst v63  }
0x275: {  	s19 =	sadd.s32 $0x30, s5;
	s20 =	simm.s32 $0x14758  }
0x276: {  	[hbm4b:s19+s3] =	stream.linear.scatter [tilespmem:s20], [sflag:$0x7], $0x80, $0x38;
	[tilespmem:$0x16C00] =	vst v63  }
0x277: {  	s21 =	sadd.s32 $0x40, s5;
	s24 =	simm.s32 $0x147E0  }
0x278: {  	[hbm4b:s21+s3] =	stream.linear.scatter [tilespmem:s24], [sflag:$0x7], $0x80, $0x38;
	[tilespmem:$0x16C00] =	vst v63  }
0x279: {  	s16 =	sadd.s32 $0x50, s5;
	s19 =	simm.s32 $0x14868  }
0x27a: {  	[hbm4b:s16+s3] =	stream.linear.scatter [tilespmem:s19], [sflag:$0x7], $0x80, $0x38;
	[tilespmem:$0x16C00] =	vst v63  }
.Ltmp9:
0x27b: {  	_ = 	snop;
	(pc) =	sbr.rel @p1 .LBB2_18-.Ltmp9, $4  }
0x27c: {  	s20 =	sadd.s32 $0x60, s5;
	s21 =	simm.s32 $0x148F0  }
0x27d: {  	[hbm4b:s20+s3] =	stream.linear.scatter [tilespmem:s21], [sflag:$0x7], $0x80, $0x38;
	[tilespmem:$0x16C00] =	vst v63  }
0x27e: {  	s5 =	sadd.s32 $0x70, s5;
	s24 =	simm.s32 $0x14978  }
0x27f: {  	[hbm4b:s5+s3] =	stream.linear.scatter [tilespmem:s24], [sflag:$0x7], $0x80, $0x38;
	[tilespmem:$0x16C00] =	vst v63  }
.Ltmp10:
0x280: {  	(pc) =	sbr.rel .LBB2_19-.Ltmp10, $4  }
0x281: {  	_ = 	snop  }
0x282: {  	_ =	swait.ge [sflag:s26], $0x2000  }
0x283: {  	[sflag:s26] =	ssyncset.done $0x0  }
0x284: {  	[sflag:s26] =	ssyncadd.s32 $0xFFFFE000  }
.LBB2_18:
0x285: {  	s5 =	sshll.u32 s25, $0x9  }
0x286: {  	s5 =	sand.u32 $0x3FFFFE00, s5  }
.Ltmp11:
0x287: {  	s14 =	simm.s32 $0xA400;
	s5 =	sadd.s32 $0x300, s5;
	(pc) =	sbr.rel @p0 .LBB2_20-.Ltmp11, $4  }
0x288: {  	[tilespmem:s14], [sflag:$0x3] =	stream.indirect.gather [hbm4b:s4+s22], $0x40, s5, s22, $0xb8;
	[tilespmem:$0x16C00] =	vst v63  }
0x289: {  	_ =	swait.ge [sflag:s26], $0x2000  }
0x28a: {  	[sflag:s26] =	ssyncset.done $0x0  }
0x28b: {  	[sflag:s26] =	ssyncadd.s32 $0xFFFFE000  }
.LBB2_19:
0x28c: {  	_ =	swait.ge [sflag:s28], $0x400  }
0x28d: {  	[sflag:s28] =	ssyncset.done $0x0  }
0x28e: {  	[sflag:s28] =	ssyncadd.s32 $0xFFFFFC00  }
0x28f: {  	_ =	swait.ge [sflag:s28], $0x400  }
0x290: {  	[sflag:s28] =	ssyncset.done $0x0  }
0x291: {  	[sflag:s28] =	ssyncadd.s32 $0xFFFFFC00  }
0x292: {  	_ =	swait.ge [sflag:s28], $0x400  }
0x293: {  	[sflag:s28] =	ssyncset.done $0x0  }
0x294: {  	[sflag:s28] =	ssyncadd.s32 $0xFFFFFC00  }
0x295: {  	_ =	swait.ge [sflag:s28], $0x400  }
0x296: {  	[sflag:s28] =	ssyncset.done $0x0  }
0x297: {  	[sflag:s28] =	ssyncadd.s32 $0xFFFFFC00  }
0x298: {  	_ =	swait.ge [sflag:s28], $0x400  }
0x299: {  	[sflag:s28] =	ssyncset.done $0x0  }
0x29a: {  	[sflag:s28] =	ssyncadd.s32 $0xFFFFFC00  }
0x29b: {  	_ =	swait.ge [sflag:s28], $0x400  }
0x29c: {  	[sflag:s28] =	ssyncset.done $0x0  }
0x29d: {  	[sflag:s28] =	ssyncadd.s32 $0xFFFFFC00  }
0x29e: {  	_ =	swait.ge [sflag:s28], $0x400  }
0x29f: {  	[sflag:s28] =	ssyncset.done $0x0  }
0x2a0: {  	[sflag:s28] =	ssyncadd.s32 $0xFFFFFC00  }
0x2a1: {  	_ =	swait.ge [sflag:s28], $0x400  }
0x2a2: {  	[sflag:s28] =	ssyncset.done $0x0  }
0x2a3: {  	[sflag:s28] =	ssyncadd.s32 $0xFFFFFC00  }
.LBB2_20:
0x2a4: {  	s5 =	simm.s32 $0x0  }
0x2a5: {  	v4 =	vmov s5  }
0x2a6: {  	s19 =	simm.s32 $0xC400;
	v8 =	vand.u32 $0x7F, v4  }
0x2a7: {  	v5 =	vld [tilespmem:s19+$0x0];
	v6 =	vadd.s32 v0, v8;
	_ =	sdelay $0x1  }
0x2a8: {  	s24 =	simm.s32 $0x1  }
0x2a9: {  	v4 =	vmov s24  }
0x2aa: {  	s5 =	simm.s32 $0xC440;
	v4 =	vand.u32 $0x7F, v4  }
0x2ab: {  	v7 =	vadd.s32 v0, v4;
	[tilespmem:v6+s29+$0x0] =	vst.idx.msk $0xffff, v5;
	v6 =	vld [tilespmem:s5+$0x0]  }
0x2ac: {  	v10 =	vadd.s32 v1, v8;
	v9 =	vld [tilespmem:s19+$0x10]  }
0x2ad: {  	s14 =	simm.s32 $0x2  }
0x2ae: {  	v5 =	vmov s14  }
0x2af: {  	s14 =	simm.s32 $0xC480;
	v5 =	vand.u32 $0x7F, v5  }
0x2b0: {  	[tilespmem:v7+s29+$0x0] =	vst.idx.msk $0xffff, v6;
	v6 =	vld [tilespmem:s14+$0x0];
	v7 =	vadd.s32 v0, v5  }
0x2b1: {  	v11 =	vadd.s32 v1, v4;
	[tilespmem:v10+s29+$0x0] =	vst.idx.msk $0xffff, v9;
	v9 =	vld [tilespmem:s5+$0x10]  }
0x2b2: {  	v15 =	vadd.s32 v2, v8;
	v14 =	vld [tilespmem:s19+$0x20]  }
0x2b3: {  	s16 =	simm.s32 $0x3  }
0x2b4: {  	v12 =	vmov s16  }
0x2b5: {  	s20 =	simm.s32 $0xC4C0;
	[tilespmem:v7+s29+$0x0] =	vst.idx.msk $0xffff, v6;
	v6 =	vand.u32 $0x7F, v12  }
0x2b6: {  	v10 =	vld [tilespmem:s20+$0x0];
	[tilespmem:v11+s29+$0x0] =	vst.idx.msk $0xffff, v9;
	v13 =	vadd.s32 v0, v6  }
0x2b7: {  	v12 =	vld [tilespmem:s14+$0x10];
	[tilespmem:v15+s29+$0x0] =	vst.idx.msk $0xffff, v14;
	v14 =	vadd.s32 v1, v5  }
0x2b8: {  	v11 =	vadd.s32 v2, v4;
	v9 =	vld [tilespmem:s5+$0x20]  }
0x2b9: {  	s16 =	simm.s32 $0x4;
	v8 =	vadd.s32 v3, v8;
	v7 =	vld [tilespmem:s19+$0x30];
	s19 =	simm.s32 $0xC4C0  }
.LBB2_21:
0x2ba: {  	v15 =	vmov s16;
	p0 =	sne.s32 s16, $0x7F  }
.Ltmp12:
0x2bb: {  	s20 =	sadd.s32 $0x40, s20;
	v15 =	vand.u32 $0x7F, v15;
	[tilespmem:v13+s29+$0x0] =	vst.idx.msk $0xffff, v10;
	(pc) =	sbr.rel @p0 .LBB2_21-.Ltmp12, $4  }
0x2bc: {  	v10 =	vld [tilespmem:s20+$0x0];
	v13 =	vadd.s32 v0, v15;
	[tilespmem:v14+s29+$0x0] =	vst.idx.msk $0xffff, v12  }
0x2bd: {  	s16 =	sadd.s32 $0x1, s16;
	v14 =	vadd.s32 v1, v6;
	v12 =	vld [tilespmem:s19+$0x10];
	[tilespmem:v11+s29+$0x0] =	vst.idx.msk $0xffff, v9  }
0x2be: {  	v11 =	vadd.s32 v2, v5;
	v9 =	vld [tilespmem:s14+$0x20];
	[tilespmem:v8+s29+$0x0] =	vst.idx.msk $0xffff, v7  }
0x2bf: {  	v8 =	vadd.s32 v3, v4;
	v4 =	vmovc v5;
	v5 =	vmov v6;
	v6 =	vmov v15;
	v7 =	vld [tilespmem:s5+$0x30];
	s5 =	smov.u32 s14;
	s14 =	smov.u32 s19;
	s19 =	smov.u32 s20  }
0x2c0: {  	_ =	sdelay $0x3  }
0x2c1: {  	[tilespmem:v13+s29+$0x0] =	vst.idx.msk $0xffff, v10  }
0x2c2: {  	v59 =	vadd.s32 v1, v6;
	v10 =	vld [tilespmem:s19+$0x10];
	_ =	sdelay $0x3  }
0x2c3: {  	[tilespmem:v14+s29+$0x0] =	vst.idx.msk $0xffff, v12  }
0x2c4: {  	v60 =	vadd.s32 v2, v5;
	v12 =	vld [tilespmem:s14+$0x20];
	[tilespmem:v59+s29+$0x0] =	vst.idx.msk $0xffff, v10  }
0x2c5: {  	v61 =	vadd.s32 v2, v6;
	v10 =	vld [tilespmem:s19+$0x20];
	_ =	sdelay $0x2  }
0x2c6: {  	[tilespmem:v11+s29+$0x0] =	vst.idx.msk $0xffff, v9  }
0x2c7: {  	v4 =	vadd.s32 v3, v4;
	v9 =	vld [tilespmem:s5+$0x30];
	[tilespmem:v60+s29+$0x0] =	vst.idx.msk $0xffff, v12  }
0x2c8: {  	v5 =	vadd.s32 v3, v5;
	v62 =	vld [tilespmem:s14+$0x30];
	[tilespmem:v61+s29+$0x0] =	vst.idx.msk $0xffff, v10  }
0x2c9: {  	v63 =	vadd.s32 v3, v6;
	v10 =	vld [tilespmem:s19+$0x30]  }
0x2ca: {  	s0 =	sadd.s32 s6, s0  }
0x2cb: {  	[tilespmem:v8+s29+$0x0] =	vst.idx.msk $0xffff, v7;
	s19 =	sshll.u32 s0, $0xA;
	s0 =	sshll.u32 s0, $0x7  }
0x2cc: {  	[tilespmem:v4+s29+$0x0] =	vst.idx.msk $0xffff, v9;
	s5 =	sand.u32 $0xFFE0000, s19;
	s0 =	sand.u32 $0x3F80, s0  }
0x2cd: {  	[tilespmem:v5+s29+$0x0] =	vst.idx.msk $0xffff, v62;
	s0 =	sor.u32 s0, s5  }
0x2ce: {  	s5 =	sadd.s32 s2, s0;
	[tilespmem:v63+s29+$0x0] =	vst.idx.msk $0xffff, v10  }
0x2cf: {  	[hbm4b:s5+s3] =	stream.linear.scatter [tilespmem:s29], [sflag:$0x8], $0x80, $0x38;
	[tilespmem:$0x16C00] =	vst v63  }
0x2d0: {  	s16 =	simm.s32 $0x14A88;
	s20 =	sadd.s32 $0x10, s5  }
0x2d1: {  	[hbm4b:s20+s3] =	stream.linear.scatter [tilespmem:s16], [sflag:$0x8], $0x80, $0x38;
	[tilespmem:$0x16C00] =	vst v63  }
0x2d2: {  	s24 =	simm.s32 $0x14B10;
	s21 =	sadd.s32 $0x20, s5  }
0x2d3: {  	[hbm4b:s21+s3] =	stream.linear.scatter [tilespmem:s24], [sflag:$0x8], $0x80, $0x38;
	[tilespmem:$0x16C00] =	vst v63  }
0x2d4: {  	s19 =	sadd.s32 $0x30, s5;
	s20 =	simm.s32 $0x14B98  }
0x2d5: {  	[hbm4b:s19+s3] =	stream.linear.scatter [tilespmem:s20], [sflag:$0x8], $0x80, $0x38;
	[tilespmem:$0x16C00] =	vst v63  }
0x2d6: {  	s21 =	sadd.s32 $0x40, s5;
	s24 =	simm.s32 $0x14C20  }
0x2d7: {  	[hbm4b:s21+s3] =	stream.linear.scatter [tilespmem:s24], [sflag:$0x8], $0x80, $0x38;
	[tilespmem:$0x16C00] =	vst v63  }
0x2d8: {  	s16 =	sadd.s32 $0x50, s5;
	s19 =	simm.s32 $0x14CA8  }
0x2d9: {  	[hbm4b:s16+s3] =	stream.linear.scatter [tilespmem:s19], [sflag:$0x8], $0x80, $0x38;
	[tilespmem:$0x16C00] =	vst v63  }
0x2da: {  	s20 =	sadd.s32 $0x60, s5;
	s21 =	simm.s32 $0x14D30  }
0x2db: {  	[hbm4b:s20+s3] =	stream.linear.scatter [tilespmem:s21], [sflag:$0x8], $0x80, $0x38;
	[tilespmem:$0x16C00] =	vst v63  }
0x2dc: {  	s5 =	sadd.s32 $0x70, s5;
	s24 =	simm.s32 $0x14DB8  }
0x2dd: {  	[hbm4b:s5+s3] =	stream.linear.scatter [tilespmem:s24], [sflag:$0x8], $0x80, $0x38;
	[tilespmem:$0x16C00] =	vst v63  }
0x2de: {  	s16 =	simm.s32 $0x14E40;
	s5 =	sadd.s32 s0, s7  }
0x2df: {  	[hbm4b:s5+s3] =	stream.linear.scatter [tilespmem:s16], [sflag:$0x8], $0x80, $0x38;
	[tilespmem:$0x16C00] =	vst v63  }
0x2e0: {  	s20 =	simm.s32 $0x14EC8;
	s19 =	sadd.s32 $0x10, s5  }
0x2e1: {  	[hbm4b:s19+s3] =	stream.linear.scatter [tilespmem:s20], [sflag:$0x8], $0x80, $0x38;
	[tilespmem:$0x16C00] =	vst v63  }
0x2e2: {  	s24 =	simm.s32 $0x14F50;
	s21 =	sadd.s32 $0x20, s5  }
0x2e3: {  	[hbm4b:s21+s3] =	stream.linear.scatter [tilespmem:s24], [sflag:$0x8], $0x80, $0x38;
	[tilespmem:$0x16C00] =	vst v63  }
0x2e4: {  	s19 =	sadd.s32 $0x30, s5;
	s20 =	simm.s32 $0x14FD8  }
0x2e5: {  	[hbm4b:s19+s3] =	stream.linear.scatter [tilespmem:s20], [sflag:$0x8], $0x80, $0x38;
	[tilespmem:$0x16C00] =	vst v63  }
0x2e6: {  	s21 =	sadd.s32 $0x40, s5;
	s24 =	simm.s32 $0x15060  }
0x2e7: {  	[hbm4b:s21+s3] =	stream.linear.scatter [tilespmem:s24], [sflag:$0x8], $0x80, $0x38;
	[tilespmem:$0x16C00] =	vst v63  }
0x2e8: {  	s16 =	sadd.s32 $0x50, s5;
	s19 =	simm.s32 $0x150E8  }
0x2e9: {  	[hbm4b:s16+s3] =	stream.linear.scatter [tilespmem:s19], [sflag:$0x8], $0x80, $0x38;
	[tilespmem:$0x16C00] =	vst v63  }
0x2ea: {  	s20 =	sadd.s32 $0x60, s5;
	s21 =	simm.s32 $0x15170  }
0x2eb: {  	[hbm4b:s20+s3] =	stream.linear.scatter [tilespmem:s21], [sflag:$0x8], $0x80, $0x38;
	[tilespmem:$0x16C00] =	vst v63  }
0x2ec: {  	s5 =	sadd.s32 $0x70, s5;
	s24 =	simm.s32 $0x151F8  }
0x2ed: {  	[hbm4b:s5+s3] =	stream.linear.scatter [tilespmem:s24], [sflag:$0x8], $0x80, $0x38;
	[tilespmem:$0x16C00] =	vst v63  }
0x2ee: {  	s16 =	simm.s32 $0x15280;
	s5 =	sadd.s32 s0, s8  }
0x2ef: {  	[hbm4b:s5+s3] =	stream.linear.scatter [tilespmem:s16], [sflag:$0x8], $0x80, $0x38;
	[tilespmem:$0x16C00] =	vst v63  }
0x2f0: {  	s20 =	simm.s32 $0x15308;
	s19 =	sadd.s32 $0x10, s5  }
0x2f1: {  	[hbm4b:s19+s3] =	stream.linear.scatter [tilespmem:s20], [sflag:$0x8], $0x80, $0x38;
	[tilespmem:$0x16C00] =	vst v63  }
0x2f2: {  	s24 =	simm.s32 $0x15390;
	s21 =	sadd.s32 $0x20, s5  }
0x2f3: {  	[hbm4b:s21+s3] =	stream.linear.scatter [tilespmem:s24], [sflag:$0x8], $0x80, $0x38;
	[tilespmem:$0x16C00] =	vst v63  }
0x2f4: {  	s19 =	sadd.s32 $0x30, s5;
	s20 =	simm.s32 $0x15418  }
0x2f5: {  	[hbm4b:s19+s3] =	stream.linear.scatter [tilespmem:s20], [sflag:$0x8], $0x80, $0x38;
	[tilespmem:$0x16C00] =	vst v63  }
0x2f6: {  	s21 =	sadd.s32 $0x40, s5;
	s24 =	simm.s32 $0x154A0  }
0x2f7: {  	[hbm4b:s21+s3] =	stream.linear.scatter [tilespmem:s24], [sflag:$0x8], $0x80, $0x38;
	[tilespmem:$0x16C00] =	vst v63  }
0x2f8: {  	s16 =	sadd.s32 $0x50, s5;
	s19 =	simm.s32 $0x15528  }
0x2f9: {  	[hbm4b:s16+s3] =	stream.linear.scatter [tilespmem:s19], [sflag:$0x8], $0x80, $0x38;
	[tilespmem:$0x16C00] =	vst v63  }
0x2fa: {  	s20 =	sadd.s32 $0x60, s5;
	s21 =	simm.s32 $0x155B0  }
0x2fb: {  	[hbm4b:s20+s3] =	stream.linear.scatter [tilespmem:s21], [sflag:$0x8], $0x80, $0x38;
	[tilespmem:$0x16C00] =	vst v63  }
0x2fc: {  	s5 =	sadd.s32 $0x70, s5;
	s24 =	simm.s32 $0x15638  }
0x2fd: {  	[hbm4b:s5+s3] =	stream.linear.scatter [tilespmem:s24], [sflag:$0x8], $0x80, $0x38;
	[tilespmem:$0x16C00] =	vst v63  }
0x2fe: {  	s16 =	simm.s32 $0x156C0;
	s5 =	sadd.s32 s0, s9  }
0x2ff: {  	[hbm4b:s5+s3] =	stream.linear.scatter [tilespmem:s16], [sflag:$0x8], $0x80, $0x38;
	[tilespmem:$0x16C00] =	vst v63  }
0x300: {  	s20 =	simm.s32 $0x15748;
	s19 =	sadd.s32 $0x10, s5  }
0x301: {  	[hbm4b:s19+s3] =	stream.linear.scatter [tilespmem:s20], [sflag:$0x8], $0x80, $0x38;
	[tilespmem:$0x16C00] =	vst v63  }
0x302: {  	s24 =	simm.s32 $0x157D0;
	s21 =	sadd.s32 $0x20, s5  }
0x303: {  	[hbm4b:s21+s3] =	stream.linear.scatter [tilespmem:s24], [sflag:$0x8], $0x80, $0x38;
	[tilespmem:$0x16C00] =	vst v63  }
0x304: {  	s19 =	sadd.s32 $0x30, s5;
	s20 =	simm.s32 $0x15858  }
0x305: {  	[hbm4b:s19+s3] =	stream.linear.scatter [tilespmem:s20], [sflag:$0x8], $0x80, $0x38;
	[tilespmem:$0x16C00] =	vst v63  }
0x306: {  	s21 =	sadd.s32 $0x40, s5;
	s24 =	simm.s32 $0x158E0  }
0x307: {  	[hbm4b:s21+s3] =	stream.linear.scatter [tilespmem:s24], [sflag:$0x8], $0x80, $0x38;
	[tilespmem:$0x16C00] =	vst v63  }
0x308: {  	s16 =	sadd.s32 $0x50, s5;
	s19 =	simm.s32 $0x15968  }
0x309: {  	[hbm4b:s16+s3] =	stream.linear.scatter [tilespmem:s19], [sflag:$0x8], $0x80, $0x38;
	[tilespmem:$0x16C00] =	vst v63  }
0x30a: {  	s20 =	sadd.s32 $0x60, s5;
	s21 =	simm.s32 $0x159F0  }
0x30b: {  	[hbm4b:s20+s3] =	stream.linear.scatter [tilespmem:s21], [sflag:$0x8], $0x80, $0x38;
	[tilespmem:$0x16C00] =	vst v63  }
0x30c: {  	s5 =	sadd.s32 $0x70, s5;
	s24 =	simm.s32 $0x15A78  }
0x30d: {  	[hbm4b:s5+s3] =	stream.linear.scatter [tilespmem:s24], [sflag:$0x8], $0x80, $0x38;
	[tilespmem:$0x16C00] =	vst v63  }
0x30e: {  	s16 =	simm.s32 $0x15B00;
	s5 =	sadd.s32 s0, s10  }
0x30f: {  	[hbm4b:s5+s3] =	stream.linear.scatter [tilespmem:s16], [sflag:$0x8], $0x80, $0x38;
	[tilespmem:$0x16C00] =	vst v63  }
0x310: {  	s20 =	simm.s32 $0x15B88;
	s19 =	sadd.s32 $0x10, s5  }
0x311: {  	[hbm4b:s19+s3] =	stream.linear.scatter [tilespmem:s20], [sflag:$0x8], $0x80, $0x38;
	[tilespmem:$0x16C00] =	vst v63  }
0x312: {  	s24 =	simm.s32 $0x15C10;
	s21 =	sadd.s32 $0x20, s5  }
0x313: {  	[hbm4b:s21+s3] =	stream.linear.scatter [tilespmem:s24], [sflag:$0x8], $0x80, $0x38;
	[tilespmem:$0x16C00] =	vst v63  }
0x314: {  	s19 =	sadd.s32 $0x30, s5;
	s20 =	simm.s32 $0x15C98  }
0x315: {  	[hbm4b:s19+s3] =	stream.linear.scatter [tilespmem:s20], [sflag:$0x8], $0x80, $0x38;
	[tilespmem:$0x16C00] =	vst v63  }
0x316: {  	s21 =	sadd.s32 $0x40, s5;
	s24 =	simm.s32 $0x15D20  }
0x317: {  	[hbm4b:s21+s3] =	stream.linear.scatter [tilespmem:s24], [sflag:$0x8], $0x80, $0x38;
	[tilespmem:$0x16C00] =	vst v63  }
0x318: {  	s16 =	sadd.s32 $0x50, s5;
	s19 =	simm.s32 $0x15DA8  }
0x319: {  	[hbm4b:s16+s3] =	stream.linear.scatter [tilespmem:s19], [sflag:$0x8], $0x80, $0x38;
	[tilespmem:$0x16C00] =	vst v63  }
0x31a: {  	s20 =	sadd.s32 $0x60, s5;
	s21 =	simm.s32 $0x15E30  }
0x31b: {  	[hbm4b:s20+s3] =	stream.linear.scatter [tilespmem:s21], [sflag:$0x8], $0x80, $0x38;
	[tilespmem:$0x16C00] =	vst v63  }
0x31c: {  	s5 =	sadd.s32 $0x70, s5;
	s24 =	simm.s32 $0x15EB8  }
0x31d: {  	[hbm4b:s5+s3] =	stream.linear.scatter [tilespmem:s24], [sflag:$0x8], $0x80, $0x38;
	[tilespmem:$0x16C00] =	vst v63  }
0x31e: {  	s16 =	simm.s32 $0x15F40;
	s5 =	sadd.s32 s0, s11  }
0x31f: {  	[hbm4b:s5+s3] =	stream.linear.scatter [tilespmem:s16], [sflag:$0x8], $0x80, $0x38;
	[tilespmem:$0x16C00] =	vst v63  }
0x320: {  	s20 =	simm.s32 $0x15FC8;
	s19 =	sadd.s32 $0x10, s5  }
0x321: {  	[hbm4b:s19+s3] =	stream.linear.scatter [tilespmem:s20], [sflag:$0x8], $0x80, $0x38;
	[tilespmem:$0x16C00] =	vst v63  }
0x322: {  	s24 =	simm.s32 $0x16050;
	s21 =	sadd.s32 $0x20, s5  }
0x323: {  	[hbm4b:s21+s3] =	stream.linear.scatter [tilespmem:s24], [sflag:$0x8], $0x80, $0x38;
	[tilespmem:$0x16C00] =	vst v63  }
0x324: {  	s19 =	sadd.s32 $0x30, s5;
	s20 =	simm.s32 $0x160D8  }
0x325: {  	[hbm4b:s19+s3] =	stream.linear.scatter [tilespmem:s20], [sflag:$0x8], $0x80, $0x38;
	[tilespmem:$0x16C00] =	vst v63  }
0x326: {  	s21 =	sadd.s32 $0x40, s5;
	s24 =	simm.s32 $0x16160  }
0x327: {  	[hbm4b:s21+s3] =	stream.linear.scatter [tilespmem:s24], [sflag:$0x8], $0x80, $0x38;
	[tilespmem:$0x16C00] =	vst v63  }
0x328: {  	s16 =	sadd.s32 $0x50, s5;
	s19 =	simm.s32 $0x161E8  }
0x329: {  	[hbm4b:s16+s3] =	stream.linear.scatter [tilespmem:s19], [sflag:$0x8], $0x80, $0x38;
	[tilespmem:$0x16C00] =	vst v63  }
0x32a: {  	s20 =	sadd.s32 $0x60, s5;
	s21 =	simm.s32 $0x16270  }
0x32b: {  	[hbm4b:s20+s3] =	stream.linear.scatter [tilespmem:s21], [sflag:$0x8], $0x80, $0x38;
	[tilespmem:$0x16C00] =	vst v63  }
0x32c: {  	s5 =	sadd.s32 $0x70, s5;
	s24 =	simm.s32 $0x162F8  }
0x32d: {  	[hbm4b:s5+s3] =	stream.linear.scatter [tilespmem:s24], [sflag:$0x8], $0x80, $0x38;
	[tilespmem:$0x16C00] =	vst v63  }
0x32e: {  	s16 =	simm.s32 $0x16380;
	s5 =	sadd.s32 s0, s12  }
0x32f: {  	[hbm4b:s5+s3] =	stream.linear.scatter [tilespmem:s16], [sflag:$0x8], $0x80, $0x38;
	[tilespmem:$0x16C00] =	vst v63  }
0x330: {  	s20 =	simm.s32 $0x16408;
	s19 =	sadd.s32 $0x10, s5  }
0x331: {  	[hbm4b:s19+s3] =	stream.linear.scatter [tilespmem:s20], [sflag:$0x8], $0x80, $0x38;
	[tilespmem:$0x16C00] =	vst v63  }
0x332: {  	s24 =	simm.s32 $0x16490;
	s21 =	sadd.s32 $0x20, s5  }
0x333: {  	[hbm4b:s21+s3] =	stream.linear.scatter [tilespmem:s24], [sflag:$0x8], $0x80, $0x38;
	[tilespmem:$0x16C00] =	vst v63  }
0x334: {  	s19 =	sadd.s32 $0x30, s5;
	s20 =	simm.s32 $0x16518  }
0x335: {  	[hbm4b:s19+s3] =	stream.linear.scatter [tilespmem:s20], [sflag:$0x8], $0x80, $0x38;
	[tilespmem:$0x16C00] =	vst v63  }
0x336: {  	s21 =	sadd.s32 $0x40, s5;
	s24 =	simm.s32 $0x165A0  }
0x337: {  	[hbm4b:s21+s3] =	stream.linear.scatter [tilespmem:s24], [sflag:$0x8], $0x80, $0x38;
	[tilespmem:$0x16C00] =	vst v63  }
0x338: {  	s19 =	sadd.s32 $0x50, s5;
	s20 =	simm.s32 $0x16628  }
0x339: {  	[hbm4b:s19+s3] =	stream.linear.scatter [tilespmem:s20], [sflag:$0x8], $0x80, $0x38;
	[tilespmem:$0x16C00] =	vst v63  }
0x33a: {  	s21 =	sadd.s32 $0x60, s5;
	s24 =	simm.s32 $0x166B0  }
0x33b: {  	[hbm4b:s21+s3] =	stream.linear.scatter [tilespmem:s24], [sflag:$0x8], $0x80, $0x38;
	[tilespmem:$0x16C00] =	vst v63  }
0x33c: {  	s5 =	sadd.s32 $0x70, s5;
	s19 =	simm.s32 $0x16738  }
0x33d: {  	[hbm4b:s5+s3] =	stream.linear.scatter [tilespmem:s19], [sflag:$0x8], $0x80, $0x38;
	[tilespmem:$0x16C00] =	vst v63  }
0x33e: {  	s0 =	sadd.s32 s0, s13;
	s20 =	simm.s32 $0x167C0  }
0x33f: {  	[hbm4b:s0+s3] =	stream.linear.scatter [tilespmem:s20], [sflag:$0x8], $0x80, $0x38;
	[tilespmem:$0x16C00] =	vst v63  }
0x340: {  	s21 =	sadd.s32 $0x10, s0;
	s24 =	simm.s32 $0x16848  }
0x341: {  	[hbm4b:s21+s3] =	stream.linear.scatter [tilespmem:s24], [sflag:$0x8], $0x80, $0x38;
	[tilespmem:$0x16C00] =	vst v63  }
0x342: {  	s14 =	sadd.s32 $0x20, s0;
	s16 =	simm.s32 $0x168D0  }
0x343: {  	[hbm4b:s14+s3] =	stream.linear.scatter [tilespmem:s16], [sflag:$0x8], $0x80, $0x38;
	[tilespmem:$0x16C00] =	vst v63  }
0x344: {  	s19 =	sadd.s32 $0x30, s0;
	s20 =	simm.s32 $0x16958  }
0x345: {  	[hbm4b:s19+s3] =	stream.linear.scatter [tilespmem:s20], [sflag:$0x8], $0x80, $0x38;
	[tilespmem:$0x16C00] =	vst v63  }
0x346: {  	s25 =	sadd.s32 $0x1, s25;
	s21 =	sadd.s32 $0x40, s0;
	s24 =	simm.s32 $0x169E0  }
0x347: {  	[hbm4b:s21+s3] =	stream.linear.scatter [tilespmem:s24], [sflag:$0x8], $0x80, $0x38;
	[tilespmem:$0x16C00] =	vst v63  }
0x348: {  	p0 =	sne.s32 s25, $0x32;
	s16 =	sadd.s32 $0x50, s0;
	s19 =	simm.s32 $0x16A68  }
0x349: {  	[hbm4b:s16+s3] =	stream.linear.scatter [tilespmem:s19], [sflag:$0x8], $0x80, $0x38;
	[tilespmem:$0x16C00] =	vst v63  }
.Ltmp13:
0x34a: {  	_ = 	snop;
	(pc) =	sbr.rel @p0 .LBB2_2-.Ltmp13, $4  }
0x34b: {  	s20 =	sadd.s32 $0x60, s0;
	s21 =	simm.s32 $0x16AF0  }
0x34c: {  	[hbm4b:s20+s3] =	stream.linear.scatter [tilespmem:s21], [sflag:$0x8], $0x80, $0x38;
	[tilespmem:$0x16C00] =	vst v63  }
0x34d: {  	s0 =	sadd.s32 $0x70, s0;
	s24 =	simm.s32 $0x16B78  }
0x34e: {  	[hbm4b:s0+s3] =	stream.linear.scatter [tilespmem:s24], [sflag:$0x8], $0x80, $0x38;
	[tilespmem:$0x16C00] =	vst v63  }
0x34f: {  	s0 =	simm.s32 $0x5  }
0x350: {  	_ =	swait.ge [sflag:s0], $0x400  }
0x351: {  	[sflag:s0] =	ssyncset.done $0x0  }
0x352: {  	[sflag:s0] =	ssyncadd.s32 $0xFFFFFC00  }
0x353: {  	_ =	swait.ge [sflag:s0], $0x400  }
0x354: {  	[sflag:s0] =	ssyncset.done $0x0  }
0x355: {  	[sflag:s0] =	ssyncadd.s32 $0xFFFFFC00  }
0x356: {  	_ =	swait.ge [sflag:s0], $0x400  }
0x357: {  	[sflag:s0] =	ssyncset.done $0x0  }
0x358: {  	[sflag:s0] =	ssyncadd.s32 $0xFFFFFC00  }
0x359: {  	_ =	swait.ge [sflag:s0], $0x400  }
0x35a: {  	[sflag:s0] =	ssyncset.done $0x0  }
0x35b: {  	[sflag:s0] =	ssyncadd.s32 $0xFFFFFC00  }
0x35c: {  	_ =	swait.ge [sflag:s0], $0x400  }
0x35d: {  	[sflag:s0] =	ssyncset.done $0x0  }
0x35e: {  	[sflag:s0] =	ssyncadd.s32 $0xFFFFFC00  }
0x35f: {  	_ =	swait.ge [sflag:s0], $0x400  }
0x360: {  	[sflag:s0] =	ssyncset.done $0x0  }
0x361: {  	[sflag:s0] =	ssyncadd.s32 $0xFFFFFC00  }
0x362: {  	_ =	swait.ge [sflag:s0], $0x400  }
0x363: {  	[sflag:s0] =	ssyncset.done $0x0  }
0x364: {  	[sflag:s0] =	ssyncadd.s32 $0xFFFFFC00  }
0x365: {  	_ =	swait.ge [sflag:s0], $0x400  }
0x366: {  	[sflag:s0] =	ssyncset.done $0x0  }
0x367: {  	[sflag:s0] =	ssyncadd.s32 $0xFFFFFC00  }
0x368: {  	_ =	swait.ge [sflag:s17], $0x400  }
0x369: {  	[sflag:s17] =	ssyncset.done $0x0  }
0x36a: {  	[sflag:s17] =	ssyncadd.s32 $0xFFFFFC00  }
0x36b: {  	_ =	swait.ge [sflag:s17], $0x400  }
0x36c: {  	[sflag:s17] =	ssyncset.done $0x0  }
0x36d: {  	[sflag:s17] =	ssyncadd.s32 $0xFFFFFC00  }
0x36e: {  	_ =	swait.ge [sflag:s17], $0x400  }
0x36f: {  	[sflag:s17] =	ssyncset.done $0x0  }
0x370: {  	[sflag:s17] =	ssyncadd.s32 $0xFFFFFC00  }
0x371: {  	_ =	swait.ge [sflag:s17], $0x400  }
0x372: {  	[sflag:s17] =	ssyncset.done $0x0  }
0x373: {  	[sflag:s17] =	ssyncadd.s32 $0xFFFFFC00  }
0x374: {  	_ =	swait.ge [sflag:s17], $0x400  }
0x375: {  	[sflag:s17] =	ssyncset.done $0x0  }
0x376: {  	[sflag:s17] =	ssyncadd.s32 $0xFFFFFC00  }
0x377: {  	_ =	swait.ge [sflag:s17], $0x400  }
0x378: {  	[sflag:s17] =	ssyncset.done $0x0  }
0x379: {  	[sflag:s17] =	ssyncadd.s32 $0xFFFFFC00  }
0x37a: {  	_ =	swait.ge [sflag:s17], $0x400  }
0x37b: {  	[sflag:s17] =	ssyncset.done $0x0  }
0x37c: {  	[sflag:s17] =	ssyncadd.s32 $0xFFFFFC00  }
0x37d: {  	_ =	swait.ge [sflag:s17], $0x400  }
0x37e: {  	[sflag:s17] =	ssyncset.done $0x0  }
0x37f: {  	[sflag:s17] =	ssyncadd.s32 $0xFFFFFC00  }
0x380: {  	_ =	swait.ge [sflag:s31], $0x400  }
0x381: {  	[sflag:s31] =	ssyncset.done $0x0  }
0x382: {  	[sflag:s31] =	ssyncadd.s32 $0xFFFFFC00  }
0x383: {  	_ =	swait.ge [sflag:s31], $0x400  }
0x384: {  	[sflag:s31] =	ssyncset.done $0x0  }
0x385: {  	[sflag:s31] =	ssyncadd.s32 $0xFFFFFC00  }
0x386: {  	_ =	swait.ge [sflag:s31], $0x400  }
0x387: {  	[sflag:s31] =	ssyncset.done $0x0  }
0x388: {  	[sflag:s31] =	ssyncadd.s32 $0xFFFFFC00  }
0x389: {  	_ =	swait.ge [sflag:s31], $0x400  }
0x38a: {  	[sflag:s31] =	ssyncset.done $0x0  }
0x38b: {  	[sflag:s31] =	ssyncadd.s32 $0xFFFFFC00  }
0x38c: {  	_ =	swait.ge [sflag:s31], $0x400  }
0x38d: {  	[sflag:s31] =	ssyncset.done $0x0  }
0x38e: {  	[sflag:s31] =	ssyncadd.s32 $0xFFFFFC00  }
0x38f: {  	_ =	swait.ge [sflag:s31], $0x400  }
0x390: {  	[sflag:s31] =	ssyncset.done $0x0  }
0x391: {  	[sflag:s31] =	ssyncadd.s32 $0xFFFFFC00  }
0x392: {  	_ =	swait.ge [sflag:s31], $0x400  }
0x393: {  	[sflag:s31] =	ssyncset.done $0x0  }
0x394: {  	[sflag:s31] =	ssyncadd.s32 $0xFFFFFC00  }
0x395: {  	_ =	swait.ge [sflag:s31], $0x400  }
0x396: {  	[sflag:s31] =	ssyncset.done $0x0  }
0x397: {  	[sflag:s31] =	ssyncadd.s32 $0xFFFFFC00  }
0x398: {  	_ =	swait.ge [sflag:s28], $0x400  }
0x399: {  	[sflag:s28] =	ssyncset.done $0x0  }
0x39a: {  	[sflag:s28] =	ssyncadd.s32 $0xFFFFFC00  }
0x39b: {  	_ =	swait.ge [sflag:s28], $0x400  }
0x39c: {  	[sflag:s28] =	ssyncset.done $0x0  }
0x39d: {  	[sflag:s28] =	ssyncadd.s32 $0xFFFFFC00  }
0x39e: {  	_ =	swait.ge [sflag:s28], $0x400  }
0x39f: {  	[sflag:s28] =	ssyncset.done $0x0  }
0x3a0: {  	[sflag:s28] =	ssyncadd.s32 $0xFFFFFC00  }
0x3a1: {  	_ =	swait.ge [sflag:s28], $0x400  }
0x3a2: {  	[sflag:s28] =	ssyncset.done $0x0  }
0x3a3: {  	[sflag:s28] =	ssyncadd.s32 $0xFFFFFC00  }
0x3a4: {  	_ =	swait.ge [sflag:s28], $0x400  }
0x3a5: {  	[sflag:s28] =	ssyncset.done $0x0  }
0x3a6: {  	[sflag:s28] =	ssyncadd.s32 $0xFFFFFC00  }
0x3a7: {  	_ =	swait.ge [sflag:s28], $0x400  }
0x3a8: {  	[sflag:s28] =	ssyncset.done $0x0  }
0x3a9: {  	[sflag:s28] =	ssyncadd.s32 $0xFFFFFC00  }
0x3aa: {  	_ =	swait.ge [sflag:s28], $0x400  }
0x3ab: {  	[sflag:s28] =	ssyncset.done $0x0  }
0x3ac: {  	[sflag:s28] =	ssyncadd.s32 $0xFFFFFC00  }
0x3ad: {  	_ =	swait.ge [sflag:s28], $0x400  }
0x3ae: {  	s5 =	rddreg [dreg:$0x5]  }
0x3af: {  	s25 =	rddreg [dreg:$0x4];
	s5 =	sadd.s32 $0x1, s5  }
0x3b0: {  	p0 =	sne.s32 s5, s25  }
.Ltmp14:
0x3b1: {  	_ = 	snop;
	(pc) =	sbr.rel @p0 .LBB2_1-.Ltmp14, $3  }
0x3b2: {  	_ =	sdelay $0x1  }
0x3b3: {  	[sflag:s28] =	ssyncset.done $0x0  }
0x3b4: {  	[sflag:s28] =	ssyncadd.s32 $0xFFFFFC00  }
0x3b5: {  	_ =	sfence.sel $0x180000  }
0x3b6: {  	[bflag:$0x0] =	sbarrier.arrive $0xFFFF  }
0x3b7: {  	_ =	strace $0x90000047  }
0x3b8: {  	s0 =	stileid.u32;
	[bflag:$0x2] =	sbarrier.arrive $0xFFFF  }
0x3b9: {  	p0 =	sne.s32 s0, $0x0;
	s0 =	rddreg [dreg:$0x2]  }
0x3ba: {  	s0 =	sadd.s32 @!p0 $0x100000, s0  }
0x3bb: {  	[sflag:s0] =	ssyncadd.tile.s32 @!p0 $0x1;
	_ =	shalt  }
.Lfunc_end2:
_tile_overlayer_lowered:
.L_overlay_start_2:
0x3bc: {  	(tag) =	ssettag $0x2  }
0x3bd: {  	s0 =	rddreg [dreg:$0x0];
	s2 =	stileid.u32  }
0x3be: {  	s1 =	rddreg [dreg:$0x1];
	p0 =	sne.s32 s2, $0x0  }
0x3bf: {  	s3 =	rddreg [dreg:$0x2];
	[bflag:$0x3] =	sbarrier.arrive $0xFFFF;
	s2 =	simm.s32 @!p0 $0x1C09  }
0x3c0: {  	[timem:s3], [sflag:s2] =	dma.local @!p0 [hbm:s0], s1  }
0x3c1: {  	s0 =	simm.s32 @!p0 $0x9  }
0x3c2: {  	_ =	swait.ge @!p0 [sflag:s0], s1  }
0x3c3: {  	s1 =	ssub.s32 @!p0 $0x0, s1;
	[sflag:s0] =	ssyncset.done @!p0 $0x0  }
0x3c4: {  	[sflag:s0] =	ssyncadd.s32 @!p0 s1  }
0x3c5: {  	[bflag:$0x3] =	sbarrier.arrive $0xFFFF  }
0x3c6: {  	_ =	shalt  }

</sc_bundles>
